<compile_context>
chip_gen: v7x
topology: tpu7x:2x2x1
jax: 0.10.2.dev20260603
libtpu: 0.0.44.dev20260713+nightly
codegen_flags: <defaults>
</compile_context>

<pallas_src>
import functools

import jax
import jax.numpy as jnp
from jax import lax
from jax.experimental import pallas as pl
from jax.experimental.pallas import tpu as pltpu
from jax.experimental.pallas import tpu_sc as plsc

_D = 32
_KROWS = 32


def kernel(fg, emb_weight):
    batch, hist = fg.shape
    fg = fg.astype(jnp.int32)

    num_workers = 32
    rows_per_w = batch // num_workers
    chunks = rows_per_w // _KROWS

    mesh = plsc.VectorSubcoreMesh(core_axis_name="c", subcore_axis_name="s")

    @functools.partial(
        pl.kernel,
        mesh=mesh,
        out_type=jax.ShapeDtypeStruct((batch, hist, _D), jnp.float32),
        scratch_types=[
            pltpu.VMEM((rows_per_w, hist), jnp.int32),
            pltpu.VMEM((2, _KROWS, hist, _D), jnp.float32),
            pltpu.SemaphoreType.DMA,
            pltpu.SemaphoreType.DMA,
            pltpu.SemaphoreType.DMA,
        ],
        compiler_params=pltpu.CompilerParams(use_tc_tiling_on_sc=False),
    )
    def _gather_kernel(table_hbm, idx_hbm, out_hbm, idx_v, rows_v, gsem,
                       osem0, osem1):
        wid = lax.axis_index("s") * 2 + lax.axis_index("c")
        base = wid * rows_per_w
        osems = (osem0, osem1)

        pltpu.sync_copy(idx_hbm.at[pl.ds(base, rows_per_w)], idx_v)

        def out_copy(b, row0):
            return pltpu.make_async_copy(
                rows_v.at[b], out_hbm.at[pl.ds(row0, _KROWS)], osems[b])

        def do_chunk(b, g):
            local = g * _KROWS
            copies = []
            for j in range(_KROWS):
                copies.append(
                    pltpu.async_copy(
                        table_hbm.at[idx_v.at[local + j]],
                        rows_v.at[b, j],
                        gsem,
                    )
                )
            for c in copies:
                c.wait()
            out_copy(b, base + local).start()

        def body(t, carry):
            for b in (0, 1):
                g = 2 * t + b

                @pl.when(t > 0)
                def _():
                    out_copy(b, base + (g - 2) * _KROWS).wait()

                do_chunk(b, g)
            return carry

        lax.fori_loop(0, chunks // 2, body, 0)
        out_copy(0, base + (chunks - 2) * _KROWS).wait()
        out_copy(1, base + (chunks - 1) * _KROWS).wait()

    return _gather_kernel(emb_weight, fg)

# --- scband reference (transcript-rebuilt; emitter-appended) ---
"""Pipeline reference for scband-fgencoder-42949672961895 (READ-ONLY COPY).

The authoritative reference and input builder live on the scoring server;
editing this copy changes nothing except your own understanding.
"""

import jax, jax.numpy as jnp
import numpy as np

VOCAB = 1000000
EMB_DIM = 32
BATCH = 16384
HIST = 50


def setup_inputs(seed: int = 0) -> dict:
    key = jax.random.key(seed)
    k_idx, k_w = jax.random.split(key)
    fg = jax.random.randint(k_idx, (BATCH, HIST), 0, VOCAB, dtype=jnp.int64 if jax.config.jax_enable_x64 else jnp.int32)
    # xavier_uniform init for embedding weight: bound = sqrt(6 / (fan_in + fan_out))
    bound = float(np.sqrt(6.0 / (VOCAB + EMB_DIM)))
    emb_weight = jax.random.uniform(k_w, (VOCAB, EMB_DIM), dtype=jnp.float32, minval=-bound, maxval=bound)
    return {"fg": fg, "emb_weight": emb_weight}


def reference(fg, emb_weight):
    # torch.nn.Embedding lookup: gather rows of the table
    fg_embedding = jnp.take(emb_weight, fg, axis=0)
    return fg_embedding

if __name__ == "__main__":
    import jax
    _d = setup_inputs()
    print(jax.jit(kernel)(*tuple(_d.values())))

</pallas_src>

<mosaic_0001>
#map = affine_map<(d0, d1) -> (0, 0)>
#map1 = affine_map<(d0, d1) -> (0, 0, 0)>
module attributes {stable_mosaic.version = 14 : i64} {
  func.func @_gather_kernel(%arg0: i32, %arg1: i32, %arg2: memref<1000000x32xf32, #tpu.memory_space<hbm>>, %arg3: memref<16384x50xi32, #tpu.memory_space<hbm>>, %arg4: memref<16384x50x32xf32, #tpu.memory_space<hbm>>, %arg5: memref<512x50xi32, #tpu.memory_space<vmem>>, %arg6: memref<2x32x50x32xf32, #tpu.memory_space<vmem>>, %arg7: memref<!tpu.dma_semaphore, #tpu.memory_space<semaphore_mem>>, %arg8: memref<!tpu.dma_semaphore, #tpu.memory_space<semaphore_mem>>, %arg9: memref<!tpu.dma_semaphore, #tpu.memory_space<semaphore_mem>>) attributes {dimension_semantics = [#tpu.dimension_semantics<core_parallel>, #tpu.dimension_semantics<subcore_parallel>], iteration_bounds = array<i64: 2, 16>, scalar_prefetch = 0 : i64, scratch_operands = 5 : i64, tpu.core_type = #tpu.core_type<sc_vector_subcore>, window_params = [{transform_indices = #map}, {transform_indices = #map}, {transform_indices = #map1}]} {
    %mul3A = arith.constant 2 : i32
    %mul3A_0 = arith.muli %arg1, %mul3A : i32
    %add3A = arith.addi %mul3A_0, %arg0 : i32
    %mul3A_1 = arith.constant 512 : i32
    %mul3A_2 = arith.muli %add3A, %mul3A_1 : i32
    "tpu.region"() ({
      %run_scoped3A = tpu.sem_alloc : memref<!tpu.dma_semaphore, #tpu.memory_space<semaphore_mem>>
      %dma_start3A = arith.constant 0 : i32
      %dma_start3A_45 = tpu.memref_slice %arg3[%mul3A_2, %dma_start3A] : memref<16384x50xi32, #tpu.memory_space<hbm>> -> memref<512x50xi32, #tpu.memory_space<hbm>>
      %dma_start3A_46 = arith.constant 0 : i32
      %dma_start3A_47 = tpu.memref_slice %arg3[%mul3A_2, %dma_start3A_46] : memref<16384x50xi32, #tpu.memory_space<hbm>> -> memref<512x50xi32, #tpu.memory_space<hbm>>
      tpu.enqueue_dma source(%dma_start3A_47 : memref<512x50xi32, #tpu.memory_space<hbm>>) target(%arg5 : memref<512x50xi32, #tpu.memory_space<vmem>>) target_semaphore(%run_scoped3A : memref<!tpu.dma_semaphore, #tpu.memory_space<semaphore_mem>>)
      %dma_wait3A_48 = arith.constant 0 : i32
      %dma_wait3A_49 = tpu.memref_slice %arg3[%mul3A_2, %dma_wait3A_48] : memref<16384x50xi32, #tpu.memory_space<hbm>> -> memref<512x50xi32, #tpu.memory_space<hbm>>
      %dma_wait3A_50 = arith.constant 0 : i32
      %dma_wait3A_51 = tpu.memref_slice %arg3[%mul3A_2, %dma_wait3A_50] : memref<16384x50xi32, #tpu.memory_space<hbm>> -> memref<512x50xi32, #tpu.memory_space<hbm>>
      tpu.wait_dma2 semaphore(%run_scoped3A : memref<!tpu.dma_semaphore, #tpu.memory_space<semaphore_mem>>) src(%dma_wait3A_51 : memref<512x50xi32, #tpu.memory_space<hbm>>) dst(%arg5 : memref<512x50xi32, #tpu.memory_space<vmem>>)
      tpu.yield
    }) : () -> ()
    %scan3A = arith.constant 0 : i32
    %scan3A_3 = arith.constant 0 : i32
    %scan3A_4 = arith.constant 8 : i32
    %scan3A_5 = arith.addi %scan3A_3, %scan3A_4 : i32
    %scan3A_6 = arith.constant 1 : i32
    scf.for %scan3A_45 = %scan3A_3 to %scan3A_5 step %scan3A_6  : i32 {
      %mul3A_46 = arith.constant 2 : i32
      %mul3A_47 = arith.muli %mul3A_46, %scan3A_45 : i32
      %add3A_48 = arith.constant 0 : i32
      %add3A_49 = arith.addi %mul3A_47, %add3A_48 : i32
      %gt3A = arith.constant 0 : i32
      %gt3A_50 = arith.cmpi sgt, %scan3A_45, %gt3A : i32
      %convert_element_type3A = arith.extui %gt3A_50 : i1 to i32
      %cond3A = arith.constant 0 : i32
      %cond3A_51 = arith.cmpi ne, %convert_element_type3A, %cond3A : i32
      scf.if %cond3A_51 {
        %sub3A = arith.constant 2 : i32
        %sub3A_1764 = arith.subi %add3A_49, %sub3A : i32
        %mul3A_1765 = arith.constant 32 : i32
        %mul3A_1766 = arith.muli %sub3A_1764, %mul3A_1765 : i32
        %add3A_1767 = arith.addi %mul3A_2, %mul3A_1766 : i32
        %dma_wait3A_1768 = arith.constant 0 : i32
        %dma_wait3A_1769 = arith.constant 0 : i32
        %dma_wait3A_1770 = arith.constant 0 : i32
        %dma_wait3A_1771 = arith.constant 0 : i32
        %dma_wait3A_1772 = tpu.memref_slice %arg6[%dma_wait3A_1768, %dma_wait3A_1769, %dma_wait3A_1770, %dma_wait3A_1771] : memref<2x32x50x32xf32, #tpu.memory_space<vmem>> -> memref<1x32x50x32xf32, #tpu.memory_space<vmem>>
        %dma_wait3A_1773 = tpu.memref_squeeze %dma_wait3A_1772 : memref<1x32x50x32xf32, #tpu.memory_space<vmem>> -> memref<32x50x32xf32, #tpu.memory_space<vmem>>
        %dma_wait3A_1774 = arith.constant 0 : i32
        %dma_wait3A_1775 = arith.constant 0 : i32
        %dma_wait3A_1776 = tpu.memref_slice %arg4[%add3A_1767, %dma_wait3A_1774, %dma_wait3A_1775] : memref<16384x50x32xf32, #tpu.memory_space<hbm>> -> memref<32x50x32xf32, #tpu.memory_space<hbm>>
        %dma_wait3A_1777 = arith.constant 0 : i32
        %dma_wait3A_1778 = arith.constant 0 : i32
        %dma_wait3A_1779 = tpu.memref_slice %arg4[%add3A_1767, %dma_wait3A_1777, %dma_wait3A_1778] : memref<16384x50x32xf32, #tpu.memory_space<hbm>> -> memref<32x50x32xf32, #tpu.memory_space<hbm>>
        %dma_wait3A_1780 = arith.constant 0 : i32
        %dma_wait3A_1781 = arith.constant 0 : i32
        %dma_wait3A_1782 = arith.constant 0 : i32
        %dma_wait3A_1783 = tpu.memref_slice %arg6[%dma_wait3A_1768, %dma_wait3A_1780, %dma_wait3A_1781, %dma_wait3A_1782] : memref<2x32x50x32xf32, #tpu.memory_space<vmem>> -> memref<1x32x50x32xf32, #tpu.memory_space<vmem>>
        %dma_wait3A_1784 = tpu.memref_squeeze %dma_wait3A_1783 : memref<1x32x50x32xf32, #tpu.memory_space<vmem>> -> memref<32x50x32xf32, #tpu.memory_space<vmem>>
        tpu.wait_dma2 semaphore(%arg8 : memref<!tpu.dma_semaphore, #tpu.memory_space<semaphore_mem>>) src(%dma_wait3A_1784 : memref<32x50x32xf32, #tpu.memory_space<vmem>>) dst(%dma_wait3A_1779 : memref<32x50x32xf32, #tpu.memory_space<hbm>>)
      } else {
      }
      %mul3A_52 = arith.constant 32 : i32
      %mul3A_53 = arith.muli %add3A_49, %mul3A_52 : i32
      %add3A_54 = arith.constant 0 : i32
      %add3A_55 = arith.addi %mul3A_53, %add3A_54 : i32
      %dma_start3A = arith.constant 0 : i32
      %dma_start3A_56 = arith.constant 0 : i32
      %dma_start3A_57 = arith.constant 0 : i32
      %dma_start3A_58 = arith.constant 0 : i32
      %dma_start3A_59 = tpu.memref_slice %arg6[%dma_start3A, %dma_start3A_56, %dma_start3A_57, %dma_start3A_58] : memref<2x32x50x32xf32, #tpu.memory_space<vmem>> -> memref<1x1x50x32xf32, #tpu.memory_space<vmem>>
      %dma_start3A_60 = tpu.memref_squeeze %dma_start3A_59 : memref<1x1x50x32xf32, #tpu.memory_space<vmem>> -> memref<50x32xf32, #tpu.memory_space<vmem>>
      %dma_start3A_61 = arith.constant 0 : i32
      %dma_start3A_62 = tpu.memref_slice %arg5[%add3A_55, %dma_start3A_61] : memref<512x50xi32, #tpu.memory_space<vmem>> -> memref<1x50xi32, #tpu.memory_space<vmem>>
      %dma_start3A_63 = tpu.memref_squeeze %dma_start3A_62 : memref<1x50xi32, #tpu.memory_space<vmem>> -> memref<50xi32, #tpu.memory_space<vmem>>
      %dma_start3A_64 = arith.constant 0 : i32
      %dma_start3A_65 = arith.constant 0 : i32
      %dma_start3A_66 = tpu.memref_slice %arg2[%dma_start3A_64, %dma_start3A_65] : memref<1000000x32xf32, #tpu.memory_space<hbm>> -> memref<1000000x32xf32, #tpu.memory_space<hbm>>
      tpu.enqueue_indirect_dma source(%dma_start3A_66 : memref<1000000x32xf32, #tpu.memory_space<hbm>>) target(%dma_start3A_60 : memref<50x32xf32, #tpu.memory_space<vmem>>) offsets(%dma_start3A_63 : memref<50xi32, #tpu.memory_space<vmem>>) semaphore(%arg7 : memref<!tpu.dma_semaphore, #tpu.memory_space<semaphore_mem>>)
      %add3A_67 = arith.constant 1 : i32
      %add3A_68 = arith.addi %mul3A_53, %add3A_67 : i32
      %dma_start3A_69 = arith.constant 0 : i32
      %dma_start3A_70 = arith.constant 1 : i32
      %dma_start3A_71 = arith.constant 0 : i32
      %dma_start3A_72 = arith.constant 0 : i32
      %dma_start3A_73 = tpu.memref_slice %arg6[%dma_start3A_69, %dma_start3A_70, %dma_start3A_71, %dma_start3A_72] : memref<2x32x50x32xf32, #tpu.memory_space<vmem>> -> memref<1x1x50x32xf32, #tpu.memory_space<vmem>>
      %dma_start3A_74 = tpu.memref_squeeze %dma_start3A_73 : memref<1x1x50x32xf32, #tpu.memory_space<vmem>> -> memref<50x32xf32, #tpu.memory_space<vmem>>
      %dma_start3A_75 = arith.constant 0 : i32
      %dma_start3A_76 = tpu.memref_slice %arg5[%add3A_68, %dma_start3A_75] : memref<512x50xi32, #tpu.memory_space<vmem>> -> memref<1x50xi32, #tpu.memory_space<vmem>>
      %dma_start3A_77 = tpu.memref_squeeze %dma_start3A_76 : memref<1x50xi32, #tpu.memory_space<vmem>> -> memref<50xi32, #tpu.memory_space<vmem>>
      %dma_start3A_78 = arith.constant 0 : i32
      %dma_start3A_79 = arith.constant 0 : i32
      %dma_start3A_80 = tpu.memref_slice %arg2[%dma_start3A_78, %dma_start3A_79] : memref<1000000x32xf32, #tpu.memory_space<hbm>> -> memref<1000000x32xf32, #tpu.memory_space<hbm>>
      tpu.enqueue_indirect_dma source(%dma_start3A_80 : memref<1000000x32xf32, #tpu.memory_space<hbm>>) target(%dma_start3A_74 : memref<50x32xf32, #tpu.memory_space<vmem>>) offsets(%dma_start3A_77 : memref<50xi32, #tpu.memory_space<vmem>>) semaphore(%arg7 : memref<!tpu.dma_semaphore, #tpu.memory_space<semaphore_mem>>)
      %add3A_81 = arith.constant 2 : i32
      %add3A_82 = arith.addi %mul3A_53, %add3A_81 : i32
      %dma_start3A_83 = arith.constant 0 : i32
      %dma_start3A_84 = arith.constant 2 : i32
      %dma_start3A_85 = arith.constant 0 : i32
      %dma_start3A_86 = arith.constant 0 : i32
      %dma_start3A_87 = tpu.memref_slice %arg6[%dma_start3A_83, %dma_start3A_84, %dma_start3A_85, %dma_start3A_86] : memref<2x32x50x32xf32, #tpu.memory_space<vmem>> -> memref<1x1x50x32xf32, #tpu.memory_space<vmem>>
      %dma_start3A_88 = tpu.memref_squeeze %dma_start3A_87 : memref<1x1x50x32xf32, #tpu.memory_space<vmem>> -> memref<50x32xf32, #tpu.memory_space<vmem>>
      %dma_start3A_89 = arith.constant 0 : i32
      %dma_start3A_90 = tpu.memref_slice %arg5[%add3A_82, %dma_start3A_89] : memref<512x50xi32, #tpu.memory_space<vmem>> -> memref<1x50xi32, #tpu.memory_space<vmem>>
      %dma_start3A_91 = tpu.memref_squeeze %dma_start3A_90 : memref<1x50xi32, #tpu.memory_space<vmem>> -> memref<50xi32, #tpu.memory_space<vmem>>
      %dma_start3A_92 = arith.constant 0 : i32
      %dma_start3A_93 = arith.constant 0 : i32
      %dma_start3A_94 = tpu.memref_slice %arg2[%dma_start3A_92, %dma_start3A_93] : memref<1000000x32xf32, #tpu.memory_space<hbm>> -> memref<1000000x32xf32, #tpu.memory_space<hbm>>
      tpu.enqueue_indirect_dma source(%dma_start3A_94 : memref<1000000x32xf32, #tpu.memory_space<hbm>>) target(%dma_start3A_88 : memref<50x32xf32, #tpu.memory_space<vmem>>) offsets(%dma_start3A_91 : memref<50xi32, #tpu.memory_space<vmem>>) semaphore(%arg7 : memref<!tpu.dma_semaphore, #tpu.memory_space<semaphore_mem>>)
      %add3A_95 = arith.constant 3 : i32
      %add3A_96 = arith.addi %mul3A_53, %add3A_95 : i32
      %dma_start3A_97 = arith.constant 0 : i32
      %dma_start3A_98 = arith.constant 3 : i32
      %dma_start3A_99 = arith.constant 0 : i32
      %dma_start3A_100 = arith.constant 0 : i32
      %dma_start3A_101 = tpu.memref_slice %arg6[%dma_start3A_97, %dma_start3A_98, %dma_start3A_99, %dma_start3A_100] : memref<2x32x50x32xf32, #tpu.memory_space<vmem>> -> memref<1x1x50x32xf32, #tpu.memory_space<vmem>>
      %dma_start3A_102 = tpu.memref_squeeze %dma_start3A_101 : memref<1x1x50x32xf32, #tpu.memory_space<vmem>> -> memref<50x32xf32, #tpu.memory_space<vmem>>
      %dma_start3A_103 = arith.constant 0 : i32
      %dma_start3A_104 = tpu.memref_slice %arg5[%add3A_96, %dma_start3A_103] : memref<512x50xi32, #tpu.memory_space<vmem>> -> memref<1x50xi32, #tpu.memory_space<vmem>>
      %dma_start3A_105 = tpu.memref_squeeze %dma_start3A_104 : memref<1x50xi32, #tpu.memory_space<vmem>> -> memref<50xi32, #tpu.memory_space<vmem>>
      %dma_start3A_106 = arith.constant 0 : i32
      %dma_start3A_107 = arith.constant 0 : i32
      %dma_start3A_108 = tpu.memref_slice %arg2[%dma_start3A_106, %dma_start3A_107] : memref<1000000x32xf32, #tpu.memory_space<hbm>> -> memref<1000000x32xf32, #tpu.memory_space<hbm>>
      tpu.enqueue_indirect_dma source(%dma_start3A_108 : memref<1000000x32xf32, #tpu.memory_space<hbm>>) target(%dma_start3A_102 : memref<50x32xf32, #tpu.memory_space<vmem>>) offsets(%dma_start3A_105 : memref<50xi32, #tpu.memory_space<vmem>>) semaphore(%arg7 : memref<!tpu.dma_semaphore, #tpu.memory_space<semaphore_mem>>)
      %add3A_109 = arith.constant 4 : i32
      %add3A_110 = arith.addi %mul3A_53, %add3A_109 : i32
      %dma_start3A_111 = arith.constant 0 : i32
      %dma_start3A_112 = arith.constant 4 : i32
      %dma_start3A_113 = arith.constant 0 : i32
      %dma_start3A_114 = arith.constant 0 : i32
      %dma_start3A_115 = tpu.memref_slice %arg6[%dma_start3A_111, %dma_start3A_112, %dma_start3A_113, %dma_start3A_114] : memref<2x32x50x32xf32, #tpu.memory_space<vmem>> -> memref<1x1x50x32xf32, #tpu.memory_space<vmem>>
      %dma_start3A_116 = tpu.memref_squeeze %dma_start3A_115 : memref<1x1x50x32xf32, #tpu.memory_space<vmem>> -> memref<50x32xf32, #tpu.memory_space<vmem>>
      %dma_start3A_117 = arith.constant 0 : i32
      %dma_start3A_118 = tpu.memref_slice %arg5[%add3A_110, %dma_start3A_117] : memref<512x50xi32, #tpu.memory_space<vmem>> -> memref<1x50xi32, #tpu.memory_space<vmem>>
      %dma_start3A_119 = tpu.memref_squeeze %dma_start3A_118 : memref<1x50xi32, #tpu.memory_space<vmem>> -> memref<50xi32, #tpu.memory_space<vmem>>
      %dma_start3A_120 = arith.constant 0 : i32
      %dma_start3A_121 = arith.constant 0 : i32
      %dma_start3A_122 = tpu.memref_slice %arg2[%dma_start3A_120, %dma_start3A_121] : memref<1000000x32xf32, #tpu.memory_space<hbm>> -> memref<1000000x32xf32, #tpu.memory_space<hbm>>
      tpu.enqueue_indirect_dma source(%dma_start3A_122 : memref<1000000x32xf32, #tpu.memory_space<hbm>>) target(%dma_start3A_116 : memref<50x32xf32, #tpu.memory_space<vmem>>) offsets(%dma_start3A_119 : memref<50xi32, #tpu.memory_space<vmem>>) semaphore(%arg7 : memref<!tpu.dma_semaphore, #tpu.memory_space<semaphore_mem>>)
      %add3A_123 = arith.constant 5 : i32
      %add3A_124 = arith.addi %mul3A_53, %add3A_123 : i32
      %dma_start3A_125 = arith.constant 0 : i32
      %dma_start3A_126 = arith.constant 5 : i32
      %dma_start3A_127 = arith.constant 0 : i32
      %dma_start3A_128 = arith.constant 0 : i32
      %dma_start3A_129 = tpu.memref_slice %arg6[%dma_start3A_125, %dma_start3A_126, %dma_start3A_127, %dma_start3A_128] : memref<2x32x50x32xf32, #tpu.memory_space<vmem>> -> memref<1x1x50x32xf32, #tpu.memory_space<vmem>>
      %dma_start3A_130 = tpu.memref_squeeze %dma_start3A_129 : memref<1x1x50x32xf32, #tpu.memory_space<vmem>> -> memref<50x32xf32, #tpu.memory_space<vmem>>
      %dma_start3A_131 = arith.constant 0 : i32
      %dma_start3A_132 = tpu.memref_slice %arg5[%add3A_124, %dma_start3A_131] : memref<512x50xi32, #tpu.memory_space<vmem>> -> memref<1x50xi32, #tpu.memory_space<vmem>>
      %dma_start3A_133 = tpu.memref_squeeze %dma_start3A_132 : memref<1x50xi32, #tpu.memory_space<vmem>> -> memref<50xi32, #tpu.memory_space<vmem>>
      %dma_start3A_134 = arith.constant 0 : i32
      %dma_start3A_135 = arith.constant 0 : i32
      %dma_start3A_136 = tpu.memref_slice %arg2[%dma_start3A_134, %dma_start3A_135] : memref<1000000x32xf32, #tpu.memory_space<hbm>> -> memref<1000000x32xf32, #tpu.memory_space<hbm>>
      tpu.enqueue_indirect_dma source(%dma_start3A_136 : memref<1000000x32xf32, #tpu.memory_space<hbm>>) target(%dma_start3A_130 : memref<50x32xf32, #tpu.memory_space<vmem>>) offsets(%dma_start3A_133 : memref<50xi32, #tpu.memory_space<vmem>>) semaphore(%arg7 : memref<!tpu.dma_semaphore, #tpu.memory_space<semaphore_mem>>)
      %add3A_137 = arith.constant 6 : i32
      %add3A_138 = arith.addi %mul3A_53, %add3A_137 : i32
      %dma_start3A_139 = arith.constant 0 : i32
      %dma_start3A_140 = arith.constant 6 : i32
      %dma_start3A_141 = arith.constant 0 : i32
      %dma_start3A_142 = arith.constant 0 : i32
      %dma_start3A_143 = tpu.memref_slice %arg6[%dma_start3A_139, %dma_start3A_140, %dma_start3A_141, %dma_start3A_142] : memref<2x32x50x32xf32, #tpu.memory_space<vmem>> -> memref<1x1x50x32xf32, #tpu.memory_space<vmem>>
      %dma_start3A_144 = tpu.memref_squeeze %dma_start3A_143 : memref<1x1x50x32xf32, #tpu.memory_space<vmem>> -> memref<50x32xf32, #tpu.memory_space<vmem>>
      %dma_start3A_145 = arith.constant 0 : i32
      %dma_start3A_146 = tpu.memref_slice %arg5[%add3A_138, %dma_start3A_145] : memref<512x50xi32, #tpu.memory_space<vmem>> -> memref<1x50xi32, #tpu.memory_space<vmem>>
      %dma_start3A_147 = tpu.memref_squeeze %dma_start3A_146 : memref<1x50xi32, #tpu.memory_space<vmem>> -> memref<50xi32, #tpu.memory_space<vmem>>
      %dma_start3A_148 = arith.constant 0 : i32
      %dma_start3A_149 = arith.constant 0 : i32
      %dma_start3A_150 = tpu.memref_slice %arg2[%dma_start3A_148, %dma_start3A_149] : memref<1000000x32xf32, #tpu.memory_space<hbm>> -> memref<1000000x32xf32, #tpu.memory_space<hbm>>
      tpu.enqueue_indirect_dma source(%dma_start3A_150 : memref<1000000x32xf32, #tpu.memory_space<hbm>>) target(%dma_start3A_144 : memref<50x32xf32, #tpu.memory_space<vmem>>) offsets(%dma_start3A_147 : memref<50xi32, #tpu.memory_space<vmem>>) semaphore(%arg7 : memref<!tpu.dma_semaphore, #tpu.memory_space<semaphore_mem>>)
      %add3A_151 = arith.constant 7 : i32
      %add3A_152 = arith.addi %mul3A_53, %add3A_151 : i32
      %dma_start3A_153 = arith.constant 0 : i32
      %dma_start3A_154 = arith.constant 7 : i32
      %dma_start3A_155 = arith.constant 0 : i32
      %dma_start3A_156 = arith.constant 0 : i32
      %dma_start3A_157 = tpu.memref_slice %arg6[%dma_start3A_153, %dma_start3A_154, %dma_start3A_155, %dma_start3A_156] : memref<2x32x50x32xf32, #tpu.memory_space<vmem>> -> memref<1x1x50x32xf32, #tpu.memory_space<vmem>>
      %dma_start3A_158 = tpu.memref_squeeze %dma_start3A_157 : memref<1x1x50x32xf32, #tpu.memory_space<vmem>> -> memref<50x32xf32, #tpu.memory_space<vmem>>
      %dma_start3A_159 = arith.constant 0 : i32
      %dma_start3A_160 = tpu.memref_slice %arg5[%add3A_152, %dma_start3A_159] : memref<512x50xi32, #tpu.memory_space<vmem>> -> memref<1x50xi32, #tpu.memory_space<vmem>>
      %dma_start3A_161 = tpu.memref_squeeze %dma_start3A_160 : memref<1x50xi32, #tpu.memory_space<vmem>> -> memref<50xi32, #tpu.memory_space<vmem>>
      %dma_start3A_162 = arith.constant 0 : i32
      %dma_start3A_163 = arith.constant 0 : i32
      %dma_start3A_164 = tpu.memref_slice %arg2[%dma_start3A_162, %dma_start3A_163] : memref<1000000x32xf32, #tpu.memory_space<hbm>> -> memref<1000000x32xf32, #tpu.memory_space<hbm>>
      tpu.enqueue_indirect_dma source(%dma_start3A_164 : memref<1000000x32xf32, #tpu.memory_space<hbm>>) target(%dma_start3A_158 : memref<50x32xf32, #tpu.memory_space<vmem>>) offsets(%dma_start3A_161 : memref<50xi32, #tpu.memory_space<vmem>>) semaphore(%arg7 : memref<!tpu.dma_semaphore, #tpu.memory_space<semaphore_mem>>)
      %add3A_165 = arith.constant 8 : i32
      %add3A_166 = arith.addi %mul3A_53, %add3A_165 : i32
      %dma_start3A_167 = arith.constant 0 : i32
      %dma_start3A_168 = arith.constant 8 : i32
      %dma_start3A_169 = arith.constant 0 : i32
      %dma_start3A_170 = arith.constant 0 : i32
      %dma_start3A_171 = tpu.memref_slice %arg6[%dma_start3A_167, %dma_start3A_168, %dma_start3A_169, %dma_start3A_170] : memref<2x32x50x32xf32, #tpu.memory_space<vmem>> -> memref<1x1x50x32xf32, #tpu.memory_space<vmem>>
      %dma_start3A_172 = tpu.memref_squeeze %dma_start3A_171 : memref<1x1x50x32xf32, #tpu.memory_space<vmem>> -> memref<50x32xf32, #tpu.memory_space<vmem>>
      %dma_start3A_173 = arith.constant 0 : i32
      %dma_start3A_174 = tpu.memref_slice %arg5[%add3A_166, %dma_start3A_173] : memref<512x50xi32, #tpu.memory_space<vmem>> -> memref<1x50xi32, #tpu.memory_space<vmem>>
      %dma_start3A_175 = tpu.memref_squeeze %dma_start3A_174 : memref<1x50xi32, #tpu.memory_space<vmem>> -> memref<50xi32, #tpu.memory_space<vmem>>
      %dma_start3A_176 = arith.constant 0 : i32
      %dma_start3A_177 = arith.constant 0 : i32
      %dma_start3A_178 = tpu.memref_slice %arg2[%dma_start3A_176, %dma_start3A_177] : memref<1000000x32xf32, #tpu.memory_space<hbm>> -> memref<1000000x32xf32, #tpu.memory_space<hbm>>
      tpu.enqueue_indirect_dma source(%dma_start3A_178 : memref<1000000x32xf32, #tpu.memory_space<hbm>>) target(%dma_start3A_172 : memref<50x32xf32, #tpu.memory_space<vmem>>) offsets(%dma_start3A_175 : memref<50xi32, #tpu.memory_space<vmem>>) semaphore(%arg7 : memref<!tpu.dma_semaphore, #tpu.memory_space<semaphore_mem>>)
      %add3A_179 = arith.constant 9 : i32
      %add3A_180 = arith.addi %mul3A_53, %add3A_179 : i32
      %dma_start3A_181 = arith.constant 0 : i32
      %dma_start3A_182 = arith.constant 9 : i32
      %dma_start3A_183 = arith.constant 0 : i32
      %dma_start3A_184 = arith.constant 0 : i32
      %dma_start3A_185 = tpu.memref_slice %arg6[%dma_start3A_181, %dma_start3A_182, %dma_start3A_183, %dma_start3A_184] : memref<2x32x50x32xf32, #tpu.memory_space<vmem>> -> memref<1x1x50x32xf32, #tpu.memory_space<vmem>>
      %dma_start3A_186 = tpu.memref_squeeze %dma_start3A_185 : memref<1x1x50x32xf32, #tpu.memory_space<vmem>> -> memref<50x32xf32, #tpu.memory_space<vmem>>
      %dma_start3A_187 = arith.constant 0 : i32
      %dma_start3A_188 = tpu.memref_slice %arg5[%add3A_180, %dma_start3A_187] : memref<512x50xi32, #tpu.memory_space<vmem>> -> memref<1x50xi32, #tpu.memory_space<vmem>>
      %dma_start3A_189 = tpu.memref_squeeze %dma_start3A_188 : memref<1x50xi32, #tpu.memory_space<vmem>> -> memref<50xi32, #tpu.memory_space<vmem>>
      %dma_start3A_190 = arith.constant 0 : i32
      %dma_start3A_191 = arith.constant 0 : i32
      %dma_start3A_192 = tpu.memref_slice %arg2[%dma_start3A_190, %dma_start3A_191] : memref<1000000x32xf32, #tpu.memory_space<hbm>> -> memref<1000000x32xf32, #tpu.memory_space<hbm>>
      tpu.enqueue_indirect_dma source(%dma_start3A_192 : memref<1000000x32xf32, #tpu.memory_space<hbm>>) target(%dma_start3A_186 : memref<50x32xf32, #tpu.memory_space<vmem>>) offsets(%dma_start3A_189 : memref<50xi32, #tpu.memory_space<vmem>>) semaphore(%arg7 : memref<!tpu.dma_semaphore, #tpu.memory_space<semaphore_mem>>)
      %add3A_193 = arith.constant 10 : i32
      %add3A_194 = arith.addi %mul3A_53, %add3A_193 : i32
      %dma_start3A_195 = arith.constant 0 : i32
      %dma_start3A_196 = arith.constant 10 : i32
      %dma_start3A_197 = arith.constant 0 : i32
      %dma_start3A_198 = arith.constant 0 : i32
      %dma_start3A_199 = tpu.memref_slice %arg6[%dma_start3A_195, %dma_start3A_196, %dma_start3A_197, %dma_start3A_198] : memref<2x32x50x32xf32, #tpu.memory_space<vmem>> -> memref<1x1x50x32xf32, #tpu.memory_space<vmem>>
      %dma_start3A_200 = tpu.memref_squeeze %dma_start3A_199 : memref<1x1x50x32xf32, #tpu.memory_space<vmem>> -> memref<50x32xf32, #tpu.memory_space<vmem>>
      %dma_start3A_201 = arith.constant 0 : i32
      %dma_start3A_202 = tpu.memref_slice %arg5[%add3A_194, %dma_start3A_201] : memref<512x50xi32, #tpu.memory_space<vmem>> -> memref<1x50xi32, #tpu.memory_space<vmem>>
      %dma_start3A_203 = tpu.memref_squeeze %dma_start3A_202 : memref<1x50xi32, #tpu.memory_space<vmem>> -> memref<50xi32, #tpu.memory_space<vmem>>
      %dma_start3A_204 = arith.constant 0 : i32
      %dma_start3A_205 = arith.constant 0 : i32
      %dma_start3A_206 = tpu.memref_slice %arg2[%dma_start3A_204, %dma_start3A_205] : memref<1000000x32xf32, #tpu.memory_space<hbm>> -> memref<1000000x32xf32, #tpu.memory_space<hbm>>
      tpu.enqueue_indirect_dma source(%dma_start3A_206 : memref<1000000x32xf32, #tpu.memory_space<hbm>>) target(%dma_start3A_200 : memref<50x32xf32, #tpu.memory_space<vmem>>) offsets(%dma_start3A_203 : memref<50xi32, #tpu.memory_space<vmem>>) semaphore(%arg7 : memref<!tpu.dma_semaphore, #tpu.memory_space<semaphore_mem>>)
      %add3A_207 = arith.constant 11 : i32
      %add3A_208 = arith.addi %mul3A_53, %add3A_207 : i32
      %dma_start3A_209 = arith.constant 0 : i32
      %dma_start3A_210 = arith.constant 11 : i32
      %dma_start3A_211 = arith.constant 0 : i32
      %dma_start3A_212 = arith.constant 0 : i32
      %dma_start3A_213 = tpu.memref_slice %arg6[%dma_start3A_209, %dma_start3A_210, %dma_start3A_211, %dma_start3A_212] : memref<2x32x50x32xf32, #tpu.memory_space<vmem>> -> memref<1x1x50x32xf32, #tpu.memory_space<vmem>>
      %dma_start3A_214 = tpu.memref_squeeze %dma_start3A_213 : memref<1x1x50x32xf32, #tpu.memory_space<vmem>> -> memref<50x32xf32, #tpu.memory_space<vmem>>
      %dma_start3A_215 = arith.constant 0 : i32
      %dma_start3A_216 = tpu.memref_slice %arg5[%add3A_208, %dma_start3A_215] : memref<512x50xi32, #tpu.memory_space<vmem>> -> memref<1x50xi32, #tpu.memory_space<vmem>>
      %dma_start3A_217 = tpu.memref_squeeze %dma_start3A_216 : memref<1x50xi32, #tpu.memory_space<vmem>> -> memref<50xi32, #tpu.memory_space<vmem>>
      %dma_start3A_218 = arith.constant 0 : i32
      %dma_start3A_219 = arith.constant 0 : i32
      %dma_start3A_220 = tpu.memref_slice %arg2[%dma_start3A_218, %dma_start3A_219] : memref<1000000x32xf32, #tpu.memory_space<hbm>> -> memref<1000000x32xf32, #tpu.memory_space<hbm>>
      tpu.enqueue_indirect_dma source(%dma_start3A_220 : memref<1000000x32xf32, #tpu.memory_space<hbm>>) target(%dma_start3A_214 : memref<50x32xf32, #tpu.memory_space<vmem>>) offsets(%dma_start3A_217 : memref<50xi32, #tpu.memory_space<vmem>>) semaphore(%arg7 : memref<!tpu.dma_semaphore, #tpu.memory_space<semaphore_mem>>)
      %add3A_221 = arith.constant 12 : i32
      %add3A_222 = arith.addi %mul3A_53, %add3A_221 : i32
      %dma_start3A_223 = arith.constant 0 : i32
      %dma_start3A_224 = arith.constant 12 : i32
      %dma_start3A_225 = arith.constant 0 : i32
      %dma_start3A_226 = arith.constant 0 : i32
      %dma_start3A_227 = tpu.memref_slice %arg6[%dma_start3A_223, %dma_start3A_224, %dma_start3A_225, %dma_start3A_226] : memref<2x32x50x32xf32, #tpu.memory_space<vmem>> -> memref<1x1x50x32xf32, #tpu.memory_space<vmem>>
      %dma_start3A_228 = tpu.memref_squeeze %dma_start3A_227 : memref<1x1x50x32xf32, #tpu.memory_space<vmem>> -> memref<50x32xf32, #tpu.memory_space<vmem>>
      %dma_start3A_229 = arith.constant 0 : i32
      %dma_start3A_230 = tpu.memref_slice %arg5[%add3A_222, %dma_start3A_229] : memref<512x50xi32, #tpu.memory_space<vmem>> -> memref<1x50xi32, #tpu.memory_space<vmem>>
      %dma_start3A_231 = tpu.memref_squeeze %dma_start3A_230 : memref<1x50xi32, #tpu.memory_space<vmem>> -> memref<50xi32, #tpu.memory_space<vmem>>
      %dma_start3A_232 = arith.constant 0 : i32
      %dma_start3A_233 = arith.constant 0 : i32
      %dma_start3A_234 = tpu.memref_slice %arg2[%dma_start3A_232, %dma_start3A_233] : memref<1000000x32xf32, #tpu.memory_space<hbm>> -> memref<1000000x32xf32, #tpu.memory_space<hbm>>
      tpu.enqueue_indirect_dma source(%dma_start3A_234 : memref<1000000x32xf32, #tpu.memory_space<hbm>>) target(%dma_start3A_228 : memref<50x32xf32, #tpu.memory_space<vmem>>) offsets(%dma_start3A_231 : memref<50xi32, #tpu.memory_space<vmem>>) semaphore(%arg7 : memref<!tpu.dma_semaphore, #tpu.memory_space<semaphore_mem>>)
      %add3A_235 = arith.constant 13 : i32
      %add3A_236 = arith.addi %mul3A_53, %add3A_235 : i32
      %dma_start3A_237 = arith.constant 0 : i32
      %dma_start3A_238 = arith.constant 13 : i32
      %dma_start3A_239 = arith.constant 0 : i32
      %dma_start3A_240 = arith.constant 0 : i32
      %dma_start3A_241 = tpu.memref_slice %arg6[%dma_start3A_237, %dma_start3A_238, %dma_start3A_239, %dma_start3A_240] : memref<2x32x50x32xf32, #tpu.memory_space<vmem>> -> memref<1x1x50x32xf32, #tpu.memory_space<vmem>>
      %dma_start3A_242 = tpu.memref_squeeze %dma_start3A_241 : memref<1x1x50x32xf32, #tpu.memory_space<vmem>> -> memref<50x32xf32, #tpu.memory_space<vmem>>
      %dma_start3A_243 = arith.constant 0 : i32
      %dma_start3A_244 = tpu.memref_slice %arg5[%add3A_236, %dma_start3A_243] : memref<512x50xi32, #tpu.memory_space<vmem>> -> memref<1x50xi32, #tpu.memory_space<vmem>>
      %dma_start3A_245 = tpu.memref_squeeze %dma_start3A_244 : memref<1x50xi32, #tpu.memory_space<vmem>> -> memref<50xi32, #tpu.memory_space<vmem>>
      %dma_start3A_246 = arith.constant 0 : i32
      %dma_start3A_247 = arith.constant 0 : i32
      %dma_start3A_248 = tpu.memref_slice %arg2[%dma_start3A_246, %dma_start3A_247] : memref<1000000x32xf32, #tpu.memory_space<hbm>> -> memref<1000000x32xf32, #tpu.memory_space<hbm>>
      tpu.enqueue_indirect_dma source(%dma_start3A_248 : memref<1000000x32xf32, #tpu.memory_space<hbm>>) target(%dma_start3A_242 : memref<50x32xf32, #tpu.memory_space<vmem>>) offsets(%dma_start3A_245 : memref<50xi32, #tpu.memory_space<vmem>>) semaphore(%arg7 : memref<!tpu.dma_semaphore, #tpu.memory_space<semaphore_mem>>)
      %add3A_249 = arith.constant 14 : i32
      %add3A_250 = arith.addi %mul3A_53, %add3A_249 : i32
      %dma_start3A_251 = arith.constant 0 : i32
      %dma_start3A_252 = arith.constant 14 : i32
      %dma_start3A_253 = arith.constant 0 : i32
      %dma_start3A_254 = arith.constant 0 : i32
      %dma_start3A_255 = tpu.memref_slice %arg6[%dma_start3A_251, %dma_start3A_252, %dma_start3A_253, %dma_start3A_254] : memref<2x32x50x32xf32, #tpu.memory_space<vmem>> -> memref<1x1x50x32xf32, #tpu.memory_space<vmem>>
      %dma_start3A_256 = tpu.memref_squeeze %dma_start3A_255 : memref<1x1x50x32xf32, #tpu.memory_space<vmem>> -> memref<50x32xf32, #tpu.memory_space<vmem>>
      %dma_start3A_257 = arith.constant 0 : i32
      %dma_start3A_258 = tpu.memref_slice %arg5[%add3A_250, %dma_start3A_257] : memref<512x50xi32, #tpu.memory_space<vmem>> -> memref<1x50xi32, #tpu.memory_space<vmem>>
      %dma_start3A_259 = tpu.memref_squeeze %dma_start3A_258 : memref<1x50xi32, #tpu.memory_space<vmem>> -> memref<50xi32, #tpu.memory_space<vmem>>
      %dma_start3A_260 = arith.constant 0 : i32
      %dma_start3A_261 = arith.constant 0 : i32
      %dma_start3A_262 = tpu.memref_slice %arg2[%dma_start3A_260, %dma_start3A_261] : memref<1000000x32xf32, #tpu.memory_space<hbm>> -> memref<1000000x32xf32, #tpu.memory_space<hbm>>
      tpu.enqueue_indirect_dma source(%dma_start3A_262 : memref<1000000x32xf32, #tpu.memory_space<hbm>>) target(%dma_start3A_256 : memref<50x32xf32, #tpu.memory_space<vmem>>) offsets(%dma_start3A_259 : memref<50xi32, #tpu.memory_space<vmem>>) semaphore(%arg7 : memref<!tpu.dma_semaphore, #tpu.memory_space<semaphore_mem>>)
      %add3A_263 = arith.constant 15 : i32
      %add3A_264 = arith.addi %mul3A_53, %add3A_263 : i32
      %dma_start3A_265 = arith.constant 0 : i32
      %dma_start3A_266 = arith.constant 15 : i32
      %dma_start3A_267 = arith.constant 0 : i32
      %dma_start3A_268 = arith.constant 0 : i32
      %dma_start3A_269 = tpu.memref_slice %arg6[%dma_start3A_265, %dma_start3A_266, %dma_start3A_267, %dma_start3A_268] : memref<2x32x50x32xf32, #tpu.memory_space<vmem>> -> memref<1x1x50x32xf32, #tpu.memory_space<vmem>>
      %dma_start3A_270 = tpu.memref_squeeze %dma_start3A_269 : memref<1x1x50x32xf32, #tpu.memory_space<vmem>> -> memref<50x32xf32, #tpu.memory_space<vmem>>
      %dma_start3A_271 = arith.constant 0 : i32
      %dma_start3A_272 = tpu.memref_slice %arg5[%add3A_264, %dma_start3A_271] : memref<512x50xi32, #tpu.memory_space<vmem>> -> memref<1x50xi32, #tpu.memory_space<vmem>>
      %dma_start3A_273 = tpu.memref_squeeze %dma_start3A_272 : memref<1x50xi32, #tpu.memory_space<vmem>> -> memref<50xi32, #tpu.memory_space<vmem>>
      %dma_start3A_274 = arith.constant 0 : i32
      %dma_start3A_275 = arith.constant 0 : i32
      %dma_start3A_276 = tpu.memref_slice %arg2[%dma_start3A_274, %dma_start3A_275] : memref<1000000x32xf32, #tpu.memory_space<hbm>> -> memref<1000000x32xf32, #tpu.memory_space<hbm>>
      tpu.enqueue_indirect_dma source(%dma_start3A_276 : memref<1000000x32xf32, #tpu.memory_space<hbm>>) target(%dma_start3A_270 : memref<50x32xf32, #tpu.memory_space<vmem>>) offsets(%dma_start3A_273 : memref<50xi32, #tpu.memory_space<vmem>>) semaphore(%arg7 : memref<!tpu.dma_semaphore, #tpu.memory_space<semaphore_mem>>)
      %add3A_277 = arith.constant 16 : i32
      %add3A_278 = arith.addi %mul3A_53, %add3A_277 : i32
      %dma_start3A_279 = arith.constant 0 : i32
      %dma_start3A_280 = arith.constant 16 : i32
      %dma_start3A_281 = arith.constant 0 : i32
      %dma_start3A_282 = arith.constant 0 : i32
      %dma_start3A_283 = tpu.memref_slice %arg6[%dma_start3A_279, %dma_start3A_280, %dma_start3A_281, %dma_start3A_282] : memref<2x32x50x32xf32, #tpu.memory_space<vmem>> -> memref<1x1x50x32xf32, #tpu.memory_space<vmem>>
      %dma_start3A_284 = tpu.memref_squeeze %dma_start3A_283 : memref<1x1x50x32xf32, #tpu.memory_space<vmem>> -> memref<50x32xf32, #tpu.memory_space<vmem>>
      %dma_start3A_285 = arith.constant 0 : i32
      %dma_start3A_286 = tpu.memref_slice %arg5[%add3A_278, %dma_start3A_285] : memref<512x50xi32, #tpu.memory_space<vmem>> -> memref<1x50xi32, #tpu.memory_space<vmem>>
      %dma_start3A_287 = tpu.memref_squeeze %dma_start3A_286 : memref<1x50xi32, #tpu.memory_space<vmem>> -> memref<50xi32, #tpu.memory_space<vmem>>
      %dma_start3A_288 = arith.constant 0 : i32
      %dma_start3A_289 = arith.constant 0 : i32
      %dma_start3A_290 = tpu.memref_slice %arg2[%dma_start3A_288, %dma_start3A_289] : memref<1000000x32xf32, #tpu.memory_space<hbm>> -> memref<1000000x32xf32, #tpu.memory_space<hbm>>
      tpu.enqueue_indirect_dma source(%dma_start3A_290 : memref<1000000x32xf32, #tpu.memory_space<hbm>>) target(%dma_start3A_284 : memref<50x32xf32, #tpu.memory_space<vmem>>) offsets(%dma_start3A_287 : memref<50xi32, #tpu.memory_space<vmem>>) semaphore(%arg7 : memref<!tpu.dma_semaphore, #tpu.memory_space<semaphore_mem>>)
      %add3A_291 = arith.constant 17 : i32
      %add3A_292 = arith.addi %mul3A_53, %add3A_291 : i32
      %dma_start3A_293 = arith.constant 0 : i32
      %dma_start3A_294 = arith.constant 17 : i32
      %dma_start3A_295 = arith.constant 0 : i32
      %dma_start3A_296 = arith.constant 0 : i32
      %dma_start3A_297 = tpu.memref_slice %arg6[%dma_start3A_293, %dma_start3A_294, %dma_start3A_295, %dma_start3A_296] : memref<2x32x50x32xf32, #tpu.memory_space<vmem>> -> memref<1x1x50x32xf32, #tpu.memory_space<vmem>>
      %dma_start3A_298 = tpu.memref_squeeze %dma_start3A_297 : memref<1x1x50x32xf32, #tpu.memory_space<vmem>> -> memref<50x32xf32, #tpu.memory_space<vmem>>
      %dma_start3A_299 = arith.constant 0 : i32
      %dma_start3A_300 = tpu.memref_slice %arg5[%add3A_292, %dma_start3A_299] : memref<512x50xi32, #tpu.memory_space<vmem>> -> memref<1x50xi32, #tpu.memory_space<vmem>>
      %dma_start3A_301 = tpu.memref_squeeze %dma_start3A_300 : memref<1x50xi32, #tpu.memory_space<vmem>> -> memref<50xi32, #tpu.memory_space<vmem>>
      %dma_start3A_302 = arith.constant 0 : i32
      %dma_start3A_303 = arith.constant 0 : i32
      %dma_start3A_304 = tpu.memref_slice %arg2[%dma_start3A_302, %dma_start3A_303] : memref<1000000x32xf32, #tpu.memory_space<hbm>> -> memref<1000000x32xf32, #tpu.memory_space<hbm>>
      tpu.enqueue_indirect_dma source(%dma_start3A_304 : memref<1000000x32xf32, #tpu.memory_space<hbm>>) target(%dma_start3A_298 : memref<50x32xf32, #tpu.memory_space<vmem>>) offsets(%dma_start3A_301 : memref<50xi32, #tpu.memory_space<vmem>>) semaphore(%arg7 : memref<!tpu.dma_semaphore, #tpu.memory_space<semaphore_mem>>)
      %add3A_305 = arith.constant 18 : i32
      %add3A_306 = arith.addi %mul3A_53, %add3A_305 : i32
      %dma_start3A_307 = arith.constant 0 : i32
      %dma_start3A_308 = arith.constant 18 : i32
      %dma_start3A_309 = arith.constant 0 : i32
      %dma_start3A_310 = arith.constant 0 : i32
      %dma_start3A_311 = tpu.memref_slice %arg6[%dma_start3A_307, %dma_start3A_308, %dma_start3A_309, %dma_start3A_310] : memref<2x32x50x32xf32, #tpu.memory_space<vmem>> -> memref<1x1x50x32xf32, #tpu.memory_space<vmem>>
      %dma_start3A_312 = tpu.memref_squeeze %dma_start3A_311 : memref<1x1x50x32xf32, #tpu.memory_space<vmem>> -> memref<50x32xf32, #tpu.memory_space<vmem>>
      %dma_start3A_313 = arith.constant 0 : i32
      %dma_start3A_314 = tpu.memref_slice %arg5[%add3A_306, %dma_start3A_313] : memref<512x50xi32, #tpu.memory_space<vmem>> -> memref<1x50xi32, #tpu.memory_space<vmem>>
      %dma_start3A_315 = tpu.memref_squeeze %dma_start3A_314 : memref<1x50xi32, #tpu.memory_space<vmem>> -> memref<50xi32, #tpu.memory_space<vmem>>
      %dma_start3A_316 = arith.constant 0 : i32
      %dma_start3A_317 = arith.constant 0 : i32
      %dma_start3A_318 = tpu.memref_slice %arg2[%dma_start3A_316, %dma_start3A_317] : memref<1000000x32xf32, #tpu.memory_space<hbm>> -> memref<1000000x32xf32, #tpu.memory_space<hbm>>
      tpu.enqueue_indirect_dma source(%dma_start3A_318 : memref<1000000x32xf32, #tpu.memory_space<hbm>>) target(%dma_start3A_312 : memref<50x32xf32, #tpu.memory_space<vmem>>) offsets(%dma_start3A_315 : memref<50xi32, #tpu.memory_space<vmem>>) semaphore(%arg7 : memref<!tpu.dma_semaphore, #tpu.memory_space<semaphore_mem>>)
      %add3A_319 = arith.constant 19 : i32
      %add3A_320 = arith.addi %mul3A_53, %add3A_319 : i32
      %dma_start3A_321 = arith.constant 0 : i32
      %dma_start3A_322 = arith.constant 19 : i32
      %dma_start3A_323 = arith.constant 0 : i32
      %dma_start3A_324 = arith.constant 0 : i32
      %dma_start3A_325 = tpu.memref_slice %arg6[%dma_start3A_321, %dma_start3A_322, %dma_start3A_323, %dma_start3A_324] : memref<2x32x50x32xf32, #tpu.memory_space<vmem>> -> memref<1x1x50x32xf32, #tpu.memory_space<vmem>>
      %dma_start3A_326 = tpu.memref_squeeze %dma_start3A_325 : memref<1x1x50x32xf32, #tpu.memory_space<vmem>> -> memref<50x32xf32, #tpu.memory_space<vmem>>
      %dma_start3A_327 = arith.constant 0 : i32
      %dma_start3A_328 = tpu.memref_slice %arg5[%add3A_320, %dma_start3A_327] : memref<512x50xi32, #tpu.memory_space<vmem>> -> memref<1x50xi32, #tpu.memory_space<vmem>>
      %dma_start3A_329 = tpu.memref_squeeze %dma_start3A_328 : memref<1x50xi32, #tpu.memory_space<vmem>> -> memref<50xi32, #tpu.memory_space<vmem>>
      %dma_start3A_330 = arith.constant 0 : i32
      %dma_start3A_331 = arith.constant 0 : i32
      %dma_start3A_332 = tpu.memref_slice %arg2[%dma_start3A_330, %dma_start3A_331] : memref<1000000x32xf32, #tpu.memory_space<hbm>> -> memref<1000000x32xf32, #tpu.memory_space<hbm>>
      tpu.enqueue_indirect_dma source(%dma_start3A_332 : memref<1000000x32xf32, #tpu.memory_space<hbm>>) target(%dma_start3A_326 : memref<50x32xf32, #tpu.memory_space<vmem>>) offsets(%dma_start3A_329 : memref<50xi32, #tpu.memory_space<vmem>>) semaphore(%arg7 : memref<!tpu.dma_semaphore, #tpu.memory_space<semaphore_mem>>)
      %add3A_333 = arith.constant 20 : i32
      %add3A_334 = arith.addi %mul3A_53, %add3A_333 : i32
      %dma_start3A_335 = arith.constant 0 : i32
      %dma_start3A_336 = arith.constant 20 : i32
      %dma_start3A_337 = arith.constant 0 : i32
      %dma_start3A_338 = arith.constant 0 : i32
      %dma_start3A_339 = tpu.memref_slice %arg6[%dma_start3A_335, %dma_start3A_336, %dma_start3A_337, %dma_start3A_338] : memref<2x32x50x32xf32, #tpu.memory_space<vmem>> -> memref<1x1x50x32xf32, #tpu.memory_space<vmem>>
      %dma_start3A_340 = tpu.memref_squeeze %dma_start3A_339 : memref<1x1x50x32xf32, #tpu.memory_space<vmem>> -> memref<50x32xf32, #tpu.memory_space<vmem>>
      %dma_start3A_341 = arith.constant 0 : i32
      %dma_start3A_342 = tpu.memref_slice %arg5[%add3A_334, %dma_start3A_341] : memref<512x50xi32, #tpu.memory_space<vmem>> -> memref<1x50xi32, #tpu.memory_space<vmem>>
      %dma_start3A_343 = tpu.memref_squeeze %dma_start3A_342 : memref<1x50xi32, #tpu.memory_space<vmem>> -> memref<50xi32, #tpu.memory_space<vmem>>
      %dma_start3A_344 = arith.constant 0 : i32
      %dma_start3A_345 = arith.constant 0 : i32
      %dma_start3A_346 = tpu.memref_slice %arg2[%dma_start3A_344, %dma_start3A_345] : memref<1000000x32xf32, #tpu.memory_space<hbm>> -> memref<1000000x32xf32, #tpu.memory_space<hbm>>
      tpu.enqueue_indirect_dma source(%dma_start3A_346 : memref<1000000x32xf32, #tpu.memory_space<hbm>>) target(%dma_start3A_340 : memref<50x32xf32, #tpu.memory_space<vmem>>) offsets(%dma_start3A_343 : memref<50xi32, #tpu.memory_space<vmem>>) semaphore(%arg7 : memref<!tpu.dma_semaphore, #tpu.memory_space<semaphore_mem>>)
      %add3A_347 = arith.constant 21 : i32
      %add3A_348 = arith.addi %mul3A_53, %add3A_347 : i32
      %dma_start3A_349 = arith.constant 0 : i32
      %dma_start3A_350 = arith.constant 21 : i32
      %dma_start3A_351 = arith.constant 0 : i32
      %dma_start3A_352 = arith.constant 0 : i32
      %dma_start3A_353 = tpu.memref_slice %arg6[%dma_start3A_349, %dma_start3A_350, %dma_start3A_351, %dma_start3A_352] : memref<2x32x50x32xf32, #tpu.memory_space<vmem>> -> memref<1x1x50x32xf32, #tpu.memory_space<vmem>>
      %dma_start3A_354 = tpu.memref_squeeze %dma_start3A_353 : memref<1x1x50x32xf32, #tpu.memory_space<vmem>> -> memref<50x32xf32, #tpu.memory_space<vmem>>
      %dma_start3A_355 = arith.constant 0 : i32
      %dma_start3A_356 = tpu.memref_slice %arg5[%add3A_348, %dma_start3A_355] : memref<512x50xi32, #tpu.memory_space<vmem>> -> memref<1x50xi32, #tpu.memory_space<vmem>>
      %dma_start3A_357 = tpu.memref_squeeze %dma_start3A_356 : memref<1x50xi32, #tpu.memory_space<vmem>> -> memref<50xi32, #tpu.memory_space<vmem>>
      %dma_start3A_358 = arith.constant 0 : i32
      %dma_start3A_359 = arith.constant 0 : i32
      %dma_start3A_360 = tpu.memref_slice %arg2[%dma_start3A_358, %dma_start3A_359] : memref<1000000x32xf32, #tpu.memory_space<hbm>> -> memref<1000000x32xf32, #tpu.memory_space<hbm>>
      tpu.enqueue_indirect_dma source(%dma_start3A_360 : memref<1000000x32xf32, #tpu.memory_space<hbm>>) target(%dma_start3A_354 : memref<50x32xf32, #tpu.memory_space<vmem>>) offsets(%dma_start3A_357 : memref<50xi32, #tpu.memory_space<vmem>>) semaphore(%arg7 : memref<!tpu.dma_semaphore, #tpu.memory_space<semaphore_mem>>)
      %add3A_361 = arith.constant 22 : i32
      %add3A_362 = arith.addi %mul3A_53, %add3A_361 : i32
      %dma_start3A_363 = arith.constant 0 : i32
      %dma_start3A_364 = arith.constant 22 : i32
      %dma_start3A_365 = arith.constant 0 : i32
      %dma_start3A_366 = arith.constant 0 : i32
      %dma_start3A_367 = tpu.memref_slice %arg6[%dma_start3A_363, %dma_start3A_364, %dma_start3A_365, %dma_start3A_366] : memref<2x32x50x32xf32, #tpu.memory_space<vmem>> -> memref<1x1x50x32xf32, #tpu.memory_space<vmem>>
      %dma_start3A_368 = tpu.memref_squeeze %dma_start3A_367 : memref<1x1x50x32xf32, #tpu.memory_space<vmem>> -> memref<50x32xf32, #tpu.memory_space<vmem>>
      %dma_start3A_369 = arith.constant 0 : i32
      %dma_start3A_370 = tpu.memref_slice %arg5[%add3A_362, %dma_start3A_369] : memref<512x50xi32, #tpu.memory_space<vmem>> -> memref<1x50xi32, #tpu.memory_space<vmem>>
      %dma_start3A_371 = tpu.memref_squeeze %dma_start3A_370 : memref<1x50xi32, #tpu.memory_space<vmem>> -> memref<50xi32, #tpu.memory_space<vmem>>
      %dma_start3A_372 = arith.constant 0 : i32
      %dma_start3A_373 = arith.constant 0 : i32
      %dma_start3A_374 = tpu.memref_slice %arg2[%dma_start3A_372, %dma_start3A_373] : memref<1000000x32xf32, #tpu.memory_space<hbm>> -> memref<1000000x32xf32, #tpu.memory_space<hbm>>
      tpu.enqueue_indirect_dma source(%dma_start3A_374 : memref<1000000x32xf32, #tpu.memory_space<hbm>>) target(%dma_start3A_368 : memref<50x32xf32, #tpu.memory_space<vmem>>) offsets(%dma_start3A_371 : memref<50xi32, #tpu.memory_space<vmem>>) semaphore(%arg7 : memref<!tpu.dma_semaphore, #tpu.memory_space<semaphore_mem>>)
      %add3A_375 = arith.constant 23 : i32
      %add3A_376 = arith.addi %mul3A_53, %add3A_375 : i32
      %dma_start3A_377 = arith.constant 0 : i32
      %dma_start3A_378 = arith.constant 23 : i32
      %dma_start3A_379 = arith.constant 0 : i32
      %dma_start3A_380 = arith.constant 0 : i32
      %dma_start3A_381 = tpu.memref_slice %arg6[%dma_start3A_377, %dma_start3A_378, %dma_start3A_379, %dma_start3A_380] : memref<2x32x50x32xf32, #tpu.memory_space<vmem>> -> memref<1x1x50x32xf32, #tpu.memory_space<vmem>>
      %dma_start3A_382 = tpu.memref_squeeze %dma_start3A_381 : memref<1x1x50x32xf32, #tpu.memory_space<vmem>> -> memref<50x32xf32, #tpu.memory_space<vmem>>
      %dma_start3A_383 = arith.constant 0 : i32
      %dma_start3A_384 = tpu.memref_slice %arg5[%add3A_376, %dma_start3A_383] : memref<512x50xi32, #tpu.memory_space<vmem>> -> memref<1x50xi32, #tpu.memory_space<vmem>>
      %dma_start3A_385 = tpu.memref_squeeze %dma_start3A_384 : memref<1x50xi32, #tpu.memory_space<vmem>> -> memref<50xi32, #tpu.memory_space<vmem>>
      %dma_start3A_386 = arith.constant 0 : i32
      %dma_start3A_387 = arith.constant 0 : i32
      %dma_start3A_388 = tpu.memref_slice %arg2[%dma_start3A_386, %dma_start3A_387] : memref<1000000x32xf32, #tpu.memory_space<hbm>> -> memref<1000000x32xf32, #tpu.memory_space<hbm>>
      tpu.enqueue_indirect_dma source(%dma_start3A_388 : memref<1000000x32xf32, #tpu.memory_space<hbm>>) target(%dma_start3A_382 : memref<50x32xf32, #tpu.memory_space<vmem>>) offsets(%dma_start3A_385 : memref<50xi32, #tpu.memory_space<vmem>>) semaphore(%arg7 : memref<!tpu.dma_semaphore, #tpu.memory_space<semaphore_mem>>)
      %add3A_389 = arith.constant 24 : i32
      %add3A_390 = arith.addi %mul3A_53, %add3A_389 : i32
      %dma_start3A_391 = arith.constant 0 : i32
      %dma_start3A_392 = arith.constant 24 : i32
      %dma_start3A_393 = arith.constant 0 : i32
      %dma_start3A_394 = arith.constant 0 : i32
      %dma_start3A_395 = tpu.memref_slice %arg6[%dma_start3A_391, %dma_start3A_392, %dma_start3A_393, %dma_start3A_394] : memref<2x32x50x32xf32, #tpu.memory_space<vmem>> -> memref<1x1x50x32xf32, #tpu.memory_space<vmem>>
      %dma_start3A_396 = tpu.memref_squeeze %dma_start3A_395 : memref<1x1x50x32xf32, #tpu.memory_space<vmem>> -> memref<50x32xf32, #tpu.memory_space<vmem>>
      %dma_start3A_397 = arith.constant 0 : i32
      %dma_start3A_398 = tpu.memref_slice %arg5[%add3A_390, %dma_start3A_397] : memref<512x50xi32, #tpu.memory_space<vmem>> -> memref<1x50xi32, #tpu.memory_space<vmem>>
      %dma_start3A_399 = tpu.memref_squeeze %dma_start3A_398 : memref<1x50xi32, #tpu.memory_space<vmem>> -> memref<50xi32, #tpu.memory_space<vmem>>
      %dma_start3A_400 = arith.constant 0 : i32
      %dma_start3A_401 = arith.constant 0 : i32
      %dma_start3A_402 = tpu.memref_slice %arg2[%dma_start3A_400, %dma_start3A_401] : memref<1000000x32xf32, #tpu.memory_space<hbm>> -> memref<1000000x32xf32, #tpu.memory_space<hbm>>
      tpu.enqueue_indirect_dma source(%dma_start3A_402 : memref<1000000x32xf32, #tpu.memory_space<hbm>>) target(%dma_start3A_396 : memref<50x32xf32, #tpu.memory_space<vmem>>) offsets(%dma_start3A_399 : memref<50xi32, #tpu.memory_space<vmem>>) semaphore(%arg7 : memref<!tpu.dma_semaphore, #tpu.memory_space<semaphore_mem>>)
      %add3A_403 = arith.constant 25 : i32
      %add3A_404 = arith.addi %mul3A_53, %add3A_403 : i32
      %dma_start3A_405 = arith.constant 0 : i32
      %dma_start3A_406 = arith.constant 25 : i32
      %dma_start3A_407 = arith.constant 0 : i32
      %dma_start3A_408 = arith.constant 0 : i32
      %dma_start3A_409 = tpu.memref_slice %arg6[%dma_start3A_405, %dma_start3A_406, %dma_start3A_407, %dma_start3A_408] : memref<2x32x50x32xf32, #tpu.memory_space<vmem>> -> memref<1x1x50x32xf32, #tpu.memory_space<vmem>>
      %dma_start3A_410 = tpu.memref_squeeze %dma_start3A_409 : memref<1x1x50x32xf32, #tpu.memory_space<vmem>> -> memref<50x32xf32, #tpu.memory_space<vmem>>
      %dma_start3A_411 = arith.constant 0 : i32
      %dma_start3A_412 = tpu.memref_slice %arg5[%add3A_404, %dma_start3A_411] : memref<512x50xi32, #tpu.memory_space<vmem>> -> memref<1x50xi32, #tpu.memory_space<vmem>>
      %dma_start3A_413 = tpu.memref_squeeze %dma_start3A_412 : memref<1x50xi32, #tpu.memory_space<vmem>> -> memref<50xi32, #tpu.memory_space<vmem>>
      %dma_start3A_414 = arith.constant 0 : i32
      %dma_start3A_415 = arith.constant 0 : i32
      %dma_start3A_416 = tpu.memref_slice %arg2[%dma_start3A_414, %dma_start3A_415] : memref<1000000x32xf32, #tpu.memory_space<hbm>> -> memref<1000000x32xf32, #tpu.memory_space<hbm>>
      tpu.enqueue_indirect_dma source(%dma_start3A_416 : memref<1000000x32xf32, #tpu.memory_space<hbm>>) target(%dma_start3A_410 : memref<50x32xf32, #tpu.memory_space<vmem>>) offsets(%dma_start3A_413 : memref<50xi32, #tpu.memory_space<vmem>>) semaphore(%arg7 : memref<!tpu.dma_semaphore, #tpu.memory_space<semaphore_mem>>)
      %add3A_417 = arith.constant 26 : i32
      %add3A_418 = arith.addi %mul3A_53, %add3A_417 : i32
      %dma_start3A_419 = arith.constant 0 : i32
      %dma_start3A_420 = arith.constant 26 : i32
      %dma_start3A_421 = arith.constant 0 : i32
      %dma_start3A_422 = arith.constant 0 : i32
      %dma_start3A_423 = tpu.memref_slice %arg6[%dma_start3A_419, %dma_start3A_420, %dma_start3A_421, %dma_start3A_422] : memref<2x32x50x32xf32, #tpu.memory_space<vmem>> -> memref<1x1x50x32xf32, #tpu.memory_space<vmem>>
      %dma_start3A_424 = tpu.memref_squeeze %dma_start3A_423 : memref<1x1x50x32xf32, #tpu.memory_space<vmem>> -> memref<50x32xf32, #tpu.memory_space<vmem>>
      %dma_start3A_425 = arith.constant 0 : i32
      %dma_start3A_426 = tpu.memref_slice %arg5[%add3A_418, %dma_start3A_425] : memref<512x50xi32, #tpu.memory_space<vmem>> -> memref<1x50xi32, #tpu.memory_space<vmem>>
      %dma_start3A_427 = tpu.memref_squeeze %dma_start3A_426 : memref<1x50xi32, #tpu.memory_space<vmem>> -> memref<50xi32, #tpu.memory_space<vmem>>
      %dma_start3A_428 = arith.constant 0 : i32
      %dma_start3A_429 = arith.constant 0 : i32
      %dma_start3A_430 = tpu.memref_slice %arg2[%dma_start3A_428, %dma_start3A_429] : memref<1000000x32xf32, #tpu.memory_space<hbm>> -> memref<1000000x32xf32, #tpu.memory_space<hbm>>
      tpu.enqueue_indirect_dma source(%dma_start3A_430 : memref<1000000x32xf32, #tpu.memory_space<hbm>>) target(%dma_start3A_424 : memref<50x32xf32, #tpu.memory_space<vmem>>) offsets(%dma_start3A_427 : memref<50xi32, #tpu.memory_space<vmem>>) semaphore(%arg7 : memref<!tpu.dma_semaphore, #tpu.memory_space<semaphore_mem>>)
      %add3A_431 = arith.constant 27 : i32
      %add3A_432 = arith.addi %mul3A_53, %add3A_431 : i32
      %dma_start3A_433 = arith.constant 0 : i32
      %dma_start3A_434 = arith.constant 27 : i32
      %dma_start3A_435 = arith.constant 0 : i32
      %dma_start3A_436 = arith.constant 0 : i32
      %dma_start3A_437 = tpu.memref_slice %arg6[%dma_start3A_433, %dma_start3A_434, %dma_start3A_435, %dma_start3A_436] : memref<2x32x50x32xf32, #tpu.memory_space<vmem>> -> memref<1x1x50x32xf32, #tpu.memory_space<vmem>>
      %dma_start3A_438 = tpu.memref_squeeze %dma_start3A_437 : memref<1x1x50x32xf32, #tpu.memory_space<vmem>> -> memref<50x32xf32, #tpu.memory_space<vmem>>
      %dma_start3A_439 = arith.constant 0 : i32
      %dma_start3A_440 = tpu.memref_slice %arg5[%add3A_432, %dma_start3A_439] : memref<512x50xi32, #tpu.memory_space<vmem>> -> memref<1x50xi32, #tpu.memory_space<vmem>>
      %dma_start3A_441 = tpu.memref_squeeze %dma_start3A_440 : memref<1x50xi32, #tpu.memory_space<vmem>> -> memref<50xi32, #tpu.memory_space<vmem>>
      %dma_start3A_442 = arith.constant 0 : i32
      %dma_start3A_443 = arith.constant 0 : i32
      %dma_start3A_444 = tpu.memref_slice %arg2[%dma_start3A_442, %dma_start3A_443] : memref<1000000x32xf32, #tpu.memory_space<hbm>> -> memref<1000000x32xf32, #tpu.memory_space<hbm>>
      tpu.enqueue_indirect_dma source(%dma_start3A_444 : memref<1000000x32xf32, #tpu.memory_space<hbm>>) target(%dma_start3A_438 : memref<50x32xf32, #tpu.memory_space<vmem>>) offsets(%dma_start3A_441 : memref<50xi32, #tpu.memory_space<vmem>>) semaphore(%arg7 : memref<!tpu.dma_semaphore, #tpu.memory_space<semaphore_mem>>)
      %add3A_445 = arith.constant 28 : i32
      %add3A_446 = arith.addi %mul3A_53, %add3A_445 : i32
      %dma_start3A_447 = arith.constant 0 : i32
      %dma_start3A_448 = arith.constant 28 : i32
      %dma_start3A_449 = arith.constant 0 : i32
      %dma_start3A_450 = arith.constant 0 : i32
      %dma_start3A_451 = tpu.memref_slice %arg6[%dma_start3A_447, %dma_start3A_448, %dma_start3A_449, %dma_start3A_450] : memref<2x32x50x32xf32, #tpu.memory_space<vmem>> -> memref<1x1x50x32xf32, #tpu.memory_space<vmem>>
      %dma_start3A_452 = tpu.memref_squeeze %dma_start3A_451 : memref<1x1x50x32xf32, #tpu.memory_space<vmem>> -> memref<50x32xf32, #tpu.memory_space<vmem>>
      %dma_start3A_453 = arith.constant 0 : i32
      %dma_start3A_454 = tpu.memref_slice %arg5[%add3A_446, %dma_start3A_453] : memref<512x50xi32, #tpu.memory_space<vmem>> -> memref<1x50xi32, #tpu.memory_space<vmem>>
      %dma_start3A_455 = tpu.memref_squeeze %dma_start3A_454 : memref<1x50xi32, #tpu.memory_space<vmem>> -> memref<50xi32, #tpu.memory_space<vmem>>
      %dma_start3A_456 = arith.constant 0 : i32
      %dma_start3A_457 = arith.constant 0 : i32
      %dma_start3A_458 = tpu.memref_slice %arg2[%dma_start3A_456, %dma_start3A_457] : memref<1000000x32xf32, #tpu.memory_space<hbm>> -> memref<1000000x32xf32, #tpu.memory_space<hbm>>
      tpu.enqueue_indirect_dma source(%dma_start3A_458 : memref<1000000x32xf32, #tpu.memory_space<hbm>>) target(%dma_start3A_452 : memref<50x32xf32, #tpu.memory_space<vmem>>) offsets(%dma_start3A_455 : memref<50xi32, #tpu.memory_space<vmem>>) semaphore(%arg7 : memref<!tpu.dma_semaphore, #tpu.memory_space<semaphore_mem>>)
      %add3A_459 = arith.constant 29 : i32
      %add3A_460 = arith.addi %mul3A_53, %add3A_459 : i32
      %dma_start3A_461 = arith.constant 0 : i32
      %dma_start3A_462 = arith.constant 29 : i32
      %dma_start3A_463 = arith.constant 0 : i32
      %dma_start3A_464 = arith.constant 0 : i32
      %dma_start3A_465 = tpu.memref_slice %arg6[%dma_start3A_461, %dma_start3A_462, %dma_start3A_463, %dma_start3A_464] : memref<2x32x50x32xf32, #tpu.memory_space<vmem>> -> memref<1x1x50x32xf32, #tpu.memory_space<vmem>>
      %dma_start3A_466 = tpu.memref_squeeze %dma_start3A_465 : memref<1x1x50x32xf32, #tpu.memory_space<vmem>> -> memref<50x32xf32, #tpu.memory_space<vmem>>
      %dma_start3A_467 = arith.constant 0 : i32
      %dma_start3A_468 = tpu.memref_slice %arg5[%add3A_460, %dma_start3A_467] : memref<512x50xi32, #tpu.memory_space<vmem>> -> memref<1x50xi32, #tpu.memory_space<vmem>>
      %dma_start3A_469 = tpu.memref_squeeze %dma_start3A_468 : memref<1x50xi32, #tpu.memory_space<vmem>> -> memref<50xi32, #tpu.memory_space<vmem>>
      %dma_start3A_470 = arith.constant 0 : i32
      %dma_start3A_471 = arith.constant 0 : i32
      %dma_start3A_472 = tpu.memref_slice %arg2[%dma_start3A_470, %dma_start3A_471] : memref<1000000x32xf32, #tpu.memory_space<hbm>> -> memref<1000000x32xf32, #tpu.memory_space<hbm>>
      tpu.enqueue_indirect_dma source(%dma_start3A_472 : memref<1000000x32xf32, #tpu.memory_space<hbm>>) target(%dma_start3A_466 : memref<50x32xf32, #tpu.memory_space<vmem>>) offsets(%dma_start3A_469 : memref<50xi32, #tpu.memory_space<vmem>>) semaphore(%arg7 : memref<!tpu.dma_semaphore, #tpu.memory_space<semaphore_mem>>)
      %add3A_473 = arith.constant 30 : i32
      %add3A_474 = arith.addi %mul3A_53, %add3A_473 : i32
      %dma_start3A_475 = arith.constant 0 : i32
      %dma_start3A_476 = arith.constant 30 : i32
      %dma_start3A_477 = arith.constant 0 : i32
      %dma_start3A_478 = arith.constant 0 : i32
      %dma_start3A_479 = tpu.memref_slice %arg6[%dma_start3A_475, %dma_start3A_476, %dma_start3A_477, %dma_start3A_478] : memref<2x32x50x32xf32, #tpu.memory_space<vmem>> -> memref<1x1x50x32xf32, #tpu.memory_space<vmem>>
      %dma_start3A_480 = tpu.memref_squeeze %dma_start3A_479 : memref<1x1x50x32xf32, #tpu.memory_space<vmem>> -> memref<50x32xf32, #tpu.memory_space<vmem>>
      %dma_start3A_481 = arith.constant 0 : i32
      %dma_start3A_482 = tpu.memref_slice %arg5[%add3A_474, %dma_start3A_481] : memref<512x50xi32, #tpu.memory_space<vmem>> -> memref<1x50xi32, #tpu.memory_space<vmem>>
      %dma_start3A_483 = tpu.memref_squeeze %dma_start3A_482 : memref<1x50xi32, #tpu.memory_space<vmem>> -> memref<50xi32, #tpu.memory_space<vmem>>
      %dma_start3A_484 = arith.constant 0 : i32
      %dma_start3A_485 = arith.constant 0 : i32
      %dma_start3A_486 = tpu.memref_slice %arg2[%dma_start3A_484, %dma_start3A_485] : memref<1000000x32xf32, #tpu.memory_space<hbm>> -> memref<1000000x32xf32, #tpu.memory_space<hbm>>
      tpu.enqueue_indirect_dma source(%dma_start3A_486 : memref<1000000x32xf32, #tpu.memory_space<hbm>>) target(%dma_start3A_480 : memref<50x32xf32, #tpu.memory_space<vmem>>) offsets(%dma_start3A_483 : memref<50xi32, #tpu.memory_space<vmem>>) semaphore(%arg7 : memref<!tpu.dma_semaphore, #tpu.memory_space<semaphore_mem>>)
      %add3A_487 = arith.constant 31 : i32
      %add3A_488 = arith.addi %mul3A_53, %add3A_487 : i32
      %dma_start3A_489 = arith.constant 0 : i32
      %dma_start3A_490 = arith.constant 31 : i32
      %dma_start3A_491 = arith.constant 0 : i32
      %dma_start3A_492 = arith.constant 0 : i32
      %dma_start3A_493 = tpu.memref_slice %arg6[%dma_start3A_489, %dma_start3A_490, %dma_start3A_491, %dma_start3A_492] : memref<2x32x50x32xf32, #tpu.memory_space<vmem>> -> memref<1x1x50x32xf32, #tpu.memory_space<vmem>>
      %dma_start3A_494 = tpu.memref_squeeze %dma_start3A_493 : memref<1x1x50x32xf32, #tpu.memory_space<vmem>> -> memref<50x32xf32, #tpu.memory_space<vmem>>
      %dma_start3A_495 = arith.constant 0 : i32
      %dma_start3A_496 = tpu.memref_slice %arg5[%add3A_488, %dma_start3A_495] : memref<512x50xi32, #tpu.memory_space<vmem>> -> memref<1x50xi32, #tpu.memory_space<vmem>>
      %dma_start3A_497 = tpu.memref_squeeze %dma_start3A_496 : memref<1x50xi32, #tpu.memory_space<vmem>> -> memref<50xi32, #tpu.memory_space<vmem>>
      %dma_start3A_498 = arith.constant 0 : i32
      %dma_start3A_499 = arith.constant 0 : i32
      %dma_start3A_500 = tpu.memref_slice %arg2[%dma_start3A_498, %dma_start3A_499] : memref<1000000x32xf32, #tpu.memory_space<hbm>> -> memref<1000000x32xf32, #tpu.memory_space<hbm>>
      tpu.enqueue_indirect_dma source(%dma_start3A_500 : memref<1000000x32xf32, #tpu.memory_space<hbm>>) target(%dma_start3A_494 : memref<50x32xf32, #tpu.memory_space<vmem>>) offsets(%dma_start3A_497 : memref<50xi32, #tpu.memory_space<vmem>>) semaphore(%arg7 : memref<!tpu.dma_semaphore, #tpu.memory_space<semaphore_mem>>)
      %dma_wait3A_501 = arith.constant 0 : i32
      %dma_wait3A_502 = arith.constant 0 : i32
      %dma_wait3A_503 = arith.constant 0 : i32
      %dma_wait3A_504 = arith.constant 0 : i32
      %dma_wait3A_505 = tpu.memref_slice %arg6[%dma_wait3A_501, %dma_wait3A_502, %dma_wait3A_503, %dma_wait3A_504] : memref<2x32x50x32xf32, #tpu.memory_space<vmem>> -> memref<1x1x50x32xf32, #tpu.memory_space<vmem>>
      %dma_wait3A_506 = tpu.memref_squeeze %dma_wait3A_505 : memref<1x1x50x32xf32, #tpu.memory_space<vmem>> -> memref<50x32xf32, #tpu.memory_space<vmem>>
      %dma_wait3A_507 = arith.constant 0 : i32
      %dma_wait3A_508 = tpu.memref_slice %arg5[%add3A_55, %dma_wait3A_507] : memref<512x50xi32, #tpu.memory_space<vmem>> -> memref<1x50xi32, #tpu.memory_space<vmem>>
      %dma_wait3A_509 = tpu.memref_squeeze %dma_wait3A_508 : memref<1x50xi32, #tpu.memory_space<vmem>> -> memref<50xi32, #tpu.memory_space<vmem>>
      %dma_wait3A_510 = arith.constant 0 : i32
      %dma_wait3A_511 = arith.constant 0 : i32
      %dma_wait3A_512 = tpu.memref_slice %arg2[%dma_wait3A_510, %dma_wait3A_511] : memref<1000000x32xf32, #tpu.memory_space<hbm>> -> memref<1000000x32xf32, #tpu.memory_space<hbm>>
      tpu.wait_indirect_dma semaphore(%arg7 : memref<!tpu.dma_semaphore, #tpu.memory_space<semaphore_mem>>) src(%dma_wait3A_512 : memref<1000000x32xf32, #tpu.memory_space<hbm>>) dst(%dma_wait3A_506 : memref<50x32xf32, #tpu.memory_space<vmem>>)
      %dma_wait3A_513 = arith.constant 0 : i32
      %dma_wait3A_514 = arith.constant 1 : i32
      %dma_wait3A_515 = arith.constant 0 : i32
      %dma_wait3A_516 = arith.constant 0 : i32
      %dma_wait3A_517 = tpu.memref_slice %arg6[%dma_wait3A_513, %dma_wait3A_514, %dma_wait3A_515, %dma_wait3A_516] : memref<2x32x50x32xf32, #tpu.memory_space<vmem>> -> memref<1x1x50x32xf32, #tpu.memory_space<vmem>>
      %dma_wait3A_518 = tpu.memref_squeeze %dma_wait3A_517 : memref<1x1x50x32xf32, #tpu.memory_space<vmem>> -> memref<50x32xf32, #tpu.memory_space<vmem>>
      %dma_wait3A_519 = arith.constant 0 : i32
      %dma_wait3A_520 = tpu.memref_slice %arg5[%add3A_68, %dma_wait3A_519] : memref<512x50xi32, #tpu.memory_space<vmem>> -> memref<1x50xi32, #tpu.memory_space<vmem>>
      %dma_wait3A_521 = tpu.memref_squeeze %dma_wait3A_520 : memref<1x50xi32, #tpu.memory_space<vmem>> -> memref<50xi32, #tpu.memory_space<vmem>>
      %dma_wait3A_522 = arith.constant 0 : i32
      %dma_wait3A_523 = arith.constant 0 : i32
      %dma_wait3A_524 = tpu.memref_slice %arg2[%dma_wait3A_522, %dma_wait3A_523] : memref<1000000x32xf32, #tpu.memory_space<hbm>> -> memref<1000000x32xf32, #tpu.memory_space<hbm>>
      tpu.wait_indirect_dma semaphore(%arg7 : memref<!tpu.dma_semaphore, #tpu.memory_space<semaphore_mem>>) src(%dma_wait3A_524 : memref<1000000x32xf32, #tpu.memory_space<hbm>>) dst(%dma_wait3A_518 : memref<50x32xf32, #tpu.memory_space<vmem>>)
      %dma_wait3A_525 = arith.constant 0 : i32
      %dma_wait3A_526 = arith.constant 2 : i32
      %dma_wait3A_527 = arith.constant 0 : i32
      %dma_wait3A_528 = arith.constant 0 : i32
      %dma_wait3A_529 = tpu.memref_slice %arg6[%dma_wait3A_525, %dma_wait3A_526, %dma_wait3A_527, %dma_wait3A_528] : memref<2x32x50x32xf32, #tpu.memory_space<vmem>> -> memref<1x1x50x32xf32, #tpu.memory_space<vmem>>
      %dma_wait3A_530 = tpu.memref_squeeze %dma_wait3A_529 : memref<1x1x50x32xf32, #tpu.memory_space<vmem>> -> memref<50x32xf32, #tpu.memory_space<vmem>>
      %dma_wait3A_531 = arith.constant 0 : i32
      %dma_wait3A_532 = tpu.memref_slice %arg5[%add3A_82, %dma_wait3A_531] : memref<512x50xi32, #tpu.memory_space<vmem>> -> memref<1x50xi32, #tpu.memory_space<vmem>>
      %dma_wait3A_533 = tpu.memref_squeeze %dma_wait3A_532 : memref<1x50xi32, #tpu.memory_space<vmem>> -> memref<50xi32, #tpu.memory_space<vmem>>
      %dma_wait3A_534 = arith.constant 0 : i32
      %dma_wait3A_535 = arith.constant 0 : i32
      %dma_wait3A_536 = tpu.memref_slice %arg2[%dma_wait3A_534, %dma_wait3A_535] : memref<1000000x32xf32, #tpu.memory_space<hbm>> -> memref<1000000x32xf32, #tpu.memory_space<hbm>>
      tpu.wait_indirect_dma semaphore(%arg7 : memref<!tpu.dma_semaphore, #tpu.memory_space<semaphore_mem>>) src(%dma_wait3A_536 : memref<1000000x32xf32, #tpu.memory_space<hbm>>) dst(%dma_wait3A_530 : memref<50x32xf32, #tpu.memory_space<vmem>>)
      %dma_wait3A_537 = arith.constant 0 : i32
      %dma_wait3A_538 = arith.constant 3 : i32
      %dma_wait3A_539 = arith.constant 0 : i32
      %dma_wait3A_540 = arith.constant 0 : i32
      %dma_wait3A_541 = tpu.memref_slice %arg6[%dma_wait3A_537, %dma_wait3A_538, %dma_wait3A_539, %dma_wait3A_540] : memref<2x32x50x32xf32, #tpu.memory_space<vmem>> -> memref<1x1x50x32xf32, #tpu.memory_space<vmem>>
      %dma_wait3A_542 = tpu.memref_squeeze %dma_wait3A_541 : memref<1x1x50x32xf32, #tpu.memory_space<vmem>> -> memref<50x32xf32, #tpu.memory_space<vmem>>
      %dma_wait3A_543 = arith.constant 0 : i32
      %dma_wait3A_544 = tpu.memref_slice %arg5[%add3A_96, %dma_wait3A_543] : memref<512x50xi32, #tpu.memory_space<vmem>> -> memref<1x50xi32, #tpu.memory_space<vmem>>
      %dma_wait3A_545 = tpu.memref_squeeze %dma_wait3A_544 : memref<1x50xi32, #tpu.memory_space<vmem>> -> memref<50xi32, #tpu.memory_space<vmem>>
      %dma_wait3A_546 = arith.constant 0 : i32
      %dma_wait3A_547 = arith.constant 0 : i32
      %dma_wait3A_548 = tpu.memref_slice %arg2[%dma_wait3A_546, %dma_wait3A_547] : memref<1000000x32xf32, #tpu.memory_space<hbm>> -> memref<1000000x32xf32, #tpu.memory_space<hbm>>
      tpu.wait_indirect_dma semaphore(%arg7 : memref<!tpu.dma_semaphore, #tpu.memory_space<semaphore_mem>>) src(%dma_wait3A_548 : memref<1000000x32xf32, #tpu.memory_space<hbm>>) dst(%dma_wait3A_542 : memref<50x32xf32, #tpu.memory_space<vmem>>)
      %dma_wait3A_549 = arith.constant 0 : i32
      %dma_wait3A_550 = arith.constant 4 : i32
      %dma_wait3A_551 = arith.constant 0 : i32
      %dma_wait3A_552 = arith.constant 0 : i32
      %dma_wait3A_553 = tpu.memref_slice %arg6[%dma_wait3A_549, %dma_wait3A_550, %dma_wait3A_551, %dma_wait3A_552] : memref<2x32x50x32xf32, #tpu.memory_space<vmem>> -> memref<1x1x50x32xf32, #tpu.memory_space<vmem>>
      %dma_wait3A_554 = tpu.memref_squeeze %dma_wait3A_553 : memref<1x1x50x32xf32, #tpu.memory_space<vmem>> -> memref<50x32xf32, #tpu.memory_space<vmem>>
      %dma_wait3A_555 = arith.constant 0 : i32
      %dma_wait3A_556 = tpu.memref_slice %arg5[%add3A_110, %dma_wait3A_555] : memref<512x50xi32, #tpu.memory_space<vmem>> -> memref<1x50xi32, #tpu.memory_space<vmem>>
      %dma_wait3A_557 = tpu.memref_squeeze %dma_wait3A_556 : memref<1x50xi32, #tpu.memory_space<vmem>> -> memref<50xi32, #tpu.memory_space<vmem>>
      %dma_wait3A_558 = arith.constant 0 : i32
      %dma_wait3A_559 = arith.constant 0 : i32
      %dma_wait3A_560 = tpu.memref_slice %arg2[%dma_wait3A_558, %dma_wait3A_559] : memref<1000000x32xf32, #tpu.memory_space<hbm>> -> memref<1000000x32xf32, #tpu.memory_space<hbm>>
      tpu.wait_indirect_dma semaphore(%arg7 : memref<!tpu.dma_semaphore, #tpu.memory_space<semaphore_mem>>) src(%dma_wait3A_560 : memref<1000000x32xf32, #tpu.memory_space<hbm>>) dst(%dma_wait3A_554 : memref<50x32xf32, #tpu.memory_space<vmem>>)
      %dma_wait3A_561 = arith.constant 0 : i32
      %dma_wait3A_562 = arith.constant 5 : i32
      %dma_wait3A_563 = arith.constant 0 : i32
      %dma_wait3A_564 = arith.constant 0 : i32
      %dma_wait3A_565 = tpu.memref_slice %arg6[%dma_wait3A_561, %dma_wait3A_562, %dma_wait3A_563, %dma_wait3A_564] : memref<2x32x50x32xf32, #tpu.memory_space<vmem>> -> memref<1x1x50x32xf32, #tpu.memory_space<vmem>>
      %dma_wait3A_566 = tpu.memref_squeeze %dma_wait3A_565 : memref<1x1x50x32xf32, #tpu.memory_space<vmem>> -> memref<50x32xf32, #tpu.memory_space<vmem>>
      %dma_wait3A_567 = arith.constant 0 : i32
      %dma_wait3A_568 = tpu.memref_slice %arg5[%add3A_124, %dma_wait3A_567] : memref<512x50xi32, #tpu.memory_space<vmem>> -> memref<1x50xi32, #tpu.memory_space<vmem>>
      %dma_wait3A_569 = tpu.memref_squeeze %dma_wait3A_568 : memref<1x50xi32, #tpu.memory_space<vmem>> -> memref<50xi32, #tpu.memory_space<vmem>>
      %dma_wait3A_570 = arith.constant 0 : i32
      %dma_wait3A_571 = arith.constant 0 : i32
      %dma_wait3A_572 = tpu.memref_slice %arg2[%dma_wait3A_570, %dma_wait3A_571] : memref<1000000x32xf32, #tpu.memory_space<hbm>> -> memref<1000000x32xf32, #tpu.memory_space<hbm>>
      tpu.wait_indirect_dma semaphore(%arg7 : memref<!tpu.dma_semaphore, #tpu.memory_space<semaphore_mem>>) src(%dma_wait3A_572 : memref<1000000x32xf32, #tpu.memory_space<hbm>>) dst(%dma_wait3A_566 : memref<50x32xf32, #tpu.memory_space<vmem>>)
      %dma_wait3A_573 = arith.constant 0 : i32
      %dma_wait3A_574 = arith.constant 6 : i32
      %dma_wait3A_575 = arith.constant 0 : i32
      %dma_wait3A_576 = arith.constant 0 : i32
      %dma_wait3A_577 = tpu.memref_slice %arg6[%dma_wait3A_573, %dma_wait3A_574, %dma_wait3A_575, %dma_wait3A_576] : memref<2x32x50x32xf32, #tpu.memory_space<vmem>> -> memref<1x1x50x32xf32, #tpu.memory_space<vmem>>
      %dma_wait3A_578 = tpu.memref_squeeze %dma_wait3A_577 : memref<1x1x50x32xf32, #tpu.memory_space<vmem>> -> memref<50x32xf32, #tpu.memory_space<vmem>>
      %dma_wait3A_579 = arith.constant 0 : i32
      %dma_wait3A_580 = tpu.memref_slice %arg5[%add3A_138, %dma_wait3A_579] : memref<512x50xi32, #tpu.memory_space<vmem>> -> memref<1x50xi32, #tpu.memory_space<vmem>>
      %dma_wait3A_581 = tpu.memref_squeeze %dma_wait3A_580 : memref<1x50xi32, #tpu.memory_space<vmem>> -> memref<50xi32, #tpu.memory_space<vmem>>
      %dma_wait3A_582 = arith.constant 0 : i32
      %dma_wait3A_583 = arith.constant 0 : i32
      %dma_wait3A_584 = tpu.memref_slice %arg2[%dma_wait3A_582, %dma_wait3A_583] : memref<1000000x32xf32, #tpu.memory_space<hbm>> -> memref<1000000x32xf32, #tpu.memory_space<hbm>>
      tpu.wait_indirect_dma semaphore(%arg7 : memref<!tpu.dma_semaphore, #tpu.memory_space<semaphore_mem>>) src(%dma_wait3A_584 : memref<1000000x32xf32, #tpu.memory_space<hbm>>) dst(%dma_wait3A_578 : memref<50x32xf32, #tpu.memory_space<vmem>>)
      %dma_wait3A_585 = arith.constant 0 : i32
      %dma_wait3A_586 = arith.constant 7 : i32
      %dma_wait3A_587 = arith.constant 0 : i32
      %dma_wait3A_588 = arith.constant 0 : i32
      %dma_wait3A_589 = tpu.memref_slice %arg6[%dma_wait3A_585, %dma_wait3A_586, %dma_wait3A_587, %dma_wait3A_588] : memref<2x32x50x32xf32, #tpu.memory_space<vmem>> -> memref<1x1x50x32xf32, #tpu.memory_space<vmem>>
      %dma_wait3A_590 = tpu.memref_squeeze %dma_wait3A_589 : memref<1x1x50x32xf32, #tpu.memory_space<vmem>> -> memref<50x32xf32, #tpu.memory_space<vmem>>
      %dma_wait3A_591 = arith.constant 0 : i32
      %dma_wait3A_592 = tpu.memref_slice %arg5[%add3A_152, %dma_wait3A_591] : memref<512x50xi32, #tpu.memory_space<vmem>> -> memref<1x50xi32, #tpu.memory_space<vmem>>
      %dma_wait3A_593 = tpu.memref_squeeze %dma_wait3A_592 : memref<1x50xi32, #tpu.memory_space<vmem>> -> memref<50xi32, #tpu.memory_space<vmem>>
      %dma_wait3A_594 = arith.constant 0 : i32
      %dma_wait3A_595 = arith.constant 0 : i32
      %dma_wait3A_596 = tpu.memref_slice %arg2[%dma_wait3A_594, %dma_wait3A_595] : memref<1000000x32xf32, #tpu.memory_space<hbm>> -> memref<1000000x32xf32, #tpu.memory_space<hbm>>
      tpu.wait_indirect_dma semaphore(%arg7 : memref<!tpu.dma_semaphore, #tpu.memory_space<semaphore_mem>>) src(%dma_wait3A_596 : memref<1000000x32xf32, #tpu.memory_space<hbm>>) dst(%dma_wait3A_590 : memref<50x32xf32, #tpu.memory_space<vmem>>)
      %dma_wait3A_597 = arith.constant 0 : i32
      %dma_wait3A_598 = arith.constant 8 : i32
      %dma_wait3A_599 = arith.constant 0 : i32
      %dma_wait3A_600 = arith.constant 0 : i32
      %dma_wait3A_601 = tpu.memref_slice %arg6[%dma_wait3A_597, %dma_wait3A_598, %dma_wait3A_599, %dma_wait3A_600] : memref<2x32x50x32xf32, #tpu.memory_space<vmem>> -> memref<1x1x50x32xf32, #tpu.memory_space<vmem>>
      %dma_wait3A_602 = tpu.memref_squeeze %dma_wait3A_601 : memref<1x1x50x32xf32, #tpu.memory_space<vmem>> -> memref<50x32xf32, #tpu.memory_space<vmem>>
      %dma_wait3A_603 = arith.constant 0 : i32
      %dma_wait3A_604 = tpu.memref_slice %arg5[%add3A_166, %dma_wait3A_603] : memref<512x50xi32, #tpu.memory_space<vmem>> -> memref<1x50xi32, #tpu.memory_space<vmem>>
      %dma_wait3A_605 = tpu.memref_squeeze %dma_wait3A_604 : memref<1x50xi32, #tpu.memory_space<vmem>> -> memref<50xi32, #tpu.memory_space<vmem>>
      %dma_wait3A_606 = arith.constant 0 : i32
      %dma_wait3A_607 = arith.constant 0 : i32
      %dma_wait3A_608 = tpu.memref_slice %arg2[%dma_wait3A_606, %dma_wait3A_607] : memref<1000000x32xf32, #tpu.memory_space<hbm>> -> memref<1000000x32xf32, #tpu.memory_space<hbm>>
      tpu.wait_indirect_dma semaphore(%arg7 : memref<!tpu.dma_semaphore, #tpu.memory_space<semaphore_mem>>) src(%dma_wait3A_608 : memref<1000000x32xf32, #tpu.memory_space<hbm>>) dst(%dma_wait3A_602 : memref<50x32xf32, #tpu.memory_space<vmem>>)
      %dma_wait3A_609 = arith.constant 0 : i32
      %dma_wait3A_610 = arith.constant 9 : i32
      %dma_wait3A_611 = arith.constant 0 : i32
      %dma_wait3A_612 = arith.constant 0 : i32
      %dma_wait3A_613 = tpu.memref_slice %arg6[%dma_wait3A_609, %dma_wait3A_610, %dma_wait3A_611, %dma_wait3A_612] : memref<2x32x50x32xf32, #tpu.memory_space<vmem>> -> memref<1x1x50x32xf32, #tpu.memory_space<vmem>>
      %dma_wait3A_614 = tpu.memref_squeeze %dma_wait3A_613 : memref<1x1x50x32xf32, #tpu.memory_space<vmem>> -> memref<50x32xf32, #tpu.memory_space<vmem>>
      %dma_wait3A_615 = arith.constant 0 : i32
      %dma_wait3A_616 = tpu.memref_slice %arg5[%add3A_180, %dma_wait3A_615] : memref<512x50xi32, #tpu.memory_space<vmem>> -> memref<1x50xi32, #tpu.memory_space<vmem>>
      %dma_wait3A_617 = tpu.memref_squeeze %dma_wait3A_616 : memref<1x50xi32, #tpu.memory_space<vmem>> -> memref<50xi32, #tpu.memory_space<vmem>>
      %dma_wait3A_618 = arith.constant 0 : i32
      %dma_wait3A_619 = arith.constant 0 : i32
      %dma_wait3A_620 = tpu.memref_slice %arg2[%dma_wait3A_618, %dma_wait3A_619] : memref<1000000x32xf32, #tpu.memory_space<hbm>> -> memref<1000000x32xf32, #tpu.memory_space<hbm>>
      tpu.wait_indirect_dma semaphore(%arg7 : memref<!tpu.dma_semaphore, #tpu.memory_space<semaphore_mem>>) src(%dma_wait3A_620 : memref<1000000x32xf32, #tpu.memory_space<hbm>>) dst(%dma_wait3A_614 : memref<50x32xf32, #tpu.memory_space<vmem>>)
      %dma_wait3A_621 = arith.constant 0 : i32
      %dma_wait3A_622 = arith.constant 10 : i32
      %dma_wait3A_623 = arith.constant 0 : i32
      %dma_wait3A_624 = arith.constant 0 : i32
      %dma_wait3A_625 = tpu.memref_slice %arg6[%dma_wait3A_621, %dma_wait3A_622, %dma_wait3A_623, %dma_wait3A_624] : memref<2x32x50x32xf32, #tpu.memory_space<vmem>> -> memref<1x1x50x32xf32, #tpu.memory_space<vmem>>
      %dma_wait3A_626 = tpu.memref_squeeze %dma_wait3A_625 : memref<1x1x50x32xf32, #tpu.memory_space<vmem>> -> memref<50x32xf32, #tpu.memory_space<vmem>>
      %dma_wait3A_627 = arith.constant 0 : i32
      %dma_wait3A_628 = tpu.memref_slice %arg5[%add3A_194, %dma_wait3A_627] : memref<512x50xi32, #tpu.memory_space<vmem>> -> memref<1x50xi32, #tpu.memory_space<vmem>>
      %dma_wait3A_629 = tpu.memref_squeeze %dma_wait3A_628 : memref<1x50xi32, #tpu.memory_space<vmem>> -> memref<50xi32, #tpu.memory_space<vmem>>
      %dma_wait3A_630 = arith.constant 0 : i32
      %dma_wait3A_631 = arith.constant 0 : i32
      %dma_wait3A_632 = tpu.memref_slice %arg2[%dma_wait3A_630, %dma_wait3A_631] : memref<1000000x32xf32, #tpu.memory_space<hbm>> -> memref<1000000x32xf32, #tpu.memory_space<hbm>>
      tpu.wait_indirect_dma semaphore(%arg7 : memref<!tpu.dma_semaphore, #tpu.memory_space<semaphore_mem>>) src(%dma_wait3A_632 : memref<1000000x32xf32, #tpu.memory_space<hbm>>) dst(%dma_wait3A_626 : memref<50x32xf32, #tpu.memory_space<vmem>>)
      %dma_wait3A_633 = arith.constant 0 : i32
      %dma_wait3A_634 = arith.constant 11 : i32
      %dma_wait3A_635 = arith.constant 0 : i32
      %dma_wait3A_636 = arith.constant 0 : i32
      %dma_wait3A_637 = tpu.memref_slice %arg6[%dma_wait3A_633, %dma_wait3A_634, %dma_wait3A_635, %dma_wait3A_636] : memref<2x32x50x32xf32, #tpu.memory_space<vmem>> -> memref<1x1x50x32xf32, #tpu.memory_space<vmem>>
      %dma_wait3A_638 = tpu.memref_squeeze %dma_wait3A_637 : memref<1x1x50x32xf32, #tpu.memory_space<vmem>> -> memref<50x32xf32, #tpu.memory_space<vmem>>
      %dma_wait3A_639 = arith.constant 0 : i32
      %dma_wait3A_640 = tpu.memref_slice %arg5[%add3A_208, %dma_wait3A_639] : memref<512x50xi32, #tpu.memory_space<vmem>> -> memref<1x50xi32, #tpu.memory_space<vmem>>
      %dma_wait3A_641 = tpu.memref_squeeze %dma_wait3A_640 : memref<1x50xi32, #tpu.memory_space<vmem>> -> memref<50xi32, #tpu.memory_space<vmem>>
      %dma_wait3A_642 = arith.constant 0 : i32
      %dma_wait3A_643 = arith.constant 0 : i32
      %dma_wait3A_644 = tpu.memref_slice %arg2[%dma_wait3A_642, %dma_wait3A_643] : memref<1000000x32xf32, #tpu.memory_space<hbm>> -> memref<1000000x32xf32, #tpu.memory_space<hbm>>
      tpu.wait_indirect_dma semaphore(%arg7 : memref<!tpu.dma_semaphore, #tpu.memory_space<semaphore_mem>>) src(%dma_wait3A_644 : memref<1000000x32xf32, #tpu.memory_space<hbm>>) dst(%dma_wait3A_638 : memref<50x32xf32, #tpu.memory_space<vmem>>)
      %dma_wait3A_645 = arith.constant 0 : i32
      %dma_wait3A_646 = arith.constant 12 : i32
      %dma_wait3A_647 = arith.constant 0 : i32
      %dma_wait3A_648 = arith.constant 0 : i32
      %dma_wait3A_649 = tpu.memref_slice %arg6[%dma_wait3A_645, %dma_wait3A_646, %dma_wait3A_647, %dma_wait3A_648] : memref<2x32x50x32xf32, #tpu.memory_space<vmem>> -> memref<1x1x50x32xf32, #tpu.memory_space<vmem>>
      %dma_wait3A_650 = tpu.memref_squeeze %dma_wait3A_649 : memref<1x1x50x32xf32, #tpu.memory_space<vmem>> -> memref<50x32xf32, #tpu.memory_space<vmem>>
      %dma_wait3A_651 = arith.constant 0 : i32
      %dma_wait3A_652 = tpu.memref_slice %arg5[%add3A_222, %dma_wait3A_651] : memref<512x50xi32, #tpu.memory_space<vmem>> -> memref<1x50xi32, #tpu.memory_space<vmem>>
      %dma_wait3A_653 = tpu.memref_squeeze %dma_wait3A_652 : memref<1x50xi32, #tpu.memory_space<vmem>> -> memref<50xi32, #tpu.memory_space<vmem>>
      %dma_wait3A_654 = arith.constant 0 : i32
      %dma_wait3A_655 = arith.constant 0 : i32
      %dma_wait3A_656 = tpu.memref_slice %arg2[%dma_wait3A_654, %dma_wait3A_655] : memref<1000000x32xf32, #tpu.memory_space<hbm>> -> memref<1000000x32xf32, #tpu.memory_space<hbm>>
      tpu.wait_indirect_dma semaphore(%arg7 : memref<!tpu.dma_semaphore, #tpu.memory_space<semaphore_mem>>) src(%dma_wait3A_656 : memref<1000000x32xf32, #tpu.memory_space<hbm>>) dst(%dma_wait3A_650 : memref<50x32xf32, #tpu.memory_space<vmem>>)
      %dma_wait3A_657 = arith.constant 0 : i32
      %dma_wait3A_658 = arith.constant 13 : i32
      %dma_wait3A_659 = arith.constant 0 : i32
      %dma_wait3A_660 = arith.constant 0 : i32
      %dma_wait3A_661 = tpu.memref_slice %arg6[%dma_wait3A_657, %dma_wait3A_658, %dma_wait3A_659, %dma_wait3A_660] : memref<2x32x50x32xf32, #tpu.memory_space<vmem>> -> memref<1x1x50x32xf32, #tpu.memory_space<vmem>>
      %dma_wait3A_662 = tpu.memref_squeeze %dma_wait3A_661 : memref<1x1x50x32xf32, #tpu.memory_space<vmem>> -> memref<50x32xf32, #tpu.memory_space<vmem>>
      %dma_wait3A_663 = arith.constant 0 : i32
      %dma_wait3A_664 = tpu.memref_slice %arg5[%add3A_236, %dma_wait3A_663] : memref<512x50xi32, #tpu.memory_space<vmem>> -> memref<1x50xi32, #tpu.memory_space<vmem>>
      %dma_wait3A_665 = tpu.memref_squeeze %dma_wait3A_664 : memref<1x50xi32, #tpu.memory_space<vmem>> -> memref<50xi32, #tpu.memory_space<vmem>>
      %dma_wait3A_666 = arith.constant 0 : i32
      %dma_wait3A_667 = arith.constant 0 : i32
      %dma_wait3A_668 = tpu.memref_slice %arg2[%dma_wait3A_666, %dma_wait3A_667] : memref<1000000x32xf32, #tpu.memory_space<hbm>> -> memref<1000000x32xf32, #tpu.memory_space<hbm>>
      tpu.wait_indirect_dma semaphore(%arg7 : memref<!tpu.dma_semaphore, #tpu.memory_space<semaphore_mem>>) src(%dma_wait3A_668 : memref<1000000x32xf32, #tpu.memory_space<hbm>>) dst(%dma_wait3A_662 : memref<50x32xf32, #tpu.memory_space<vmem>>)
      %dma_wait3A_669 = arith.constant 0 : i32
      %dma_wait3A_670 = arith.constant 14 : i32
      %dma_wait3A_671 = arith.constant 0 : i32
      %dma_wait3A_672 = arith.constant 0 : i32
      %dma_wait3A_673 = tpu.memref_slice %arg6[%dma_wait3A_669, %dma_wait3A_670, %dma_wait3A_671, %dma_wait3A_672] : memref<2x32x50x32xf32, #tpu.memory_space<vmem>> -> memref<1x1x50x32xf32, #tpu.memory_space<vmem>>
      %dma_wait3A_674 = tpu.memref_squeeze %dma_wait3A_673 : memref<1x1x50x32xf32, #tpu.memory_space<vmem>> -> memref<50x32xf32, #tpu.memory_space<vmem>>
      %dma_wait3A_675 = arith.constant 0 : i32
      %dma_wait3A_676 = tpu.memref_slice %arg5[%add3A_250, %dma_wait3A_675] : memref<512x50xi32, #tpu.memory_space<vmem>> -> memref<1x50xi32, #tpu.memory_space<vmem>>
      %dma_wait3A_677 = tpu.memref_squeeze %dma_wait3A_676 : memref<1x50xi32, #tpu.memory_space<vmem>> -> memref<50xi32, #tpu.memory_space<vmem>>
      %dma_wait3A_678 = arith.constant 0 : i32
      %dma_wait3A_679 = arith.constant 0 : i32
      %dma_wait3A_680 = tpu.memref_slice %arg2[%dma_wait3A_678, %dma_wait3A_679] : memref<1000000x32xf32, #tpu.memory_space<hbm>> -> memref<1000000x32xf32, #tpu.memory_space<hbm>>
      tpu.wait_indirect_dma semaphore(%arg7 : memref<!tpu.dma_semaphore, #tpu.memory_space<semaphore_mem>>) src(%dma_wait3A_680 : memref<1000000x32xf32, #tpu.memory_space<hbm>>) dst(%dma_wait3A_674 : memref<50x32xf32, #tpu.memory_space<vmem>>)
      %dma_wait3A_681 = arith.constant 0 : i32
      %dma_wait3A_682 = arith.constant 15 : i32
      %dma_wait3A_683 = arith.constant 0 : i32
      %dma_wait3A_684 = arith.constant 0 : i32
      %dma_wait3A_685 = tpu.memref_slice %arg6[%dma_wait3A_681, %dma_wait3A_682, %dma_wait3A_683, %dma_wait3A_684] : memref<2x32x50x32xf32, #tpu.memory_space<vmem>> -> memref<1x1x50x32xf32, #tpu.memory_space<vmem>>
      %dma_wait3A_686 = tpu.memref_squeeze %dma_wait3A_685 : memref<1x1x50x32xf32, #tpu.memory_space<vmem>> -> memref<50x32xf32, #tpu.memory_space<vmem>>
      %dma_wait3A_687 = arith.constant 0 : i32
      %dma_wait3A_688 = tpu.memref_slice %arg5[%add3A_264, %dma_wait3A_687] : memref<512x50xi32, #tpu.memory_space<vmem>> -> memref<1x50xi32, #tpu.memory_space<vmem>>
      %dma_wait3A_689 = tpu.memref_squeeze %dma_wait3A_688 : memref<1x50xi32, #tpu.memory_space<vmem>> -> memref<50xi32, #tpu.memory_space<vmem>>
      %dma_wait3A_690 = arith.constant 0 : i32
      %dma_wait3A_691 = arith.constant 0 : i32
      %dma_wait3A_692 = tpu.memref_slice %arg2[%dma_wait3A_690, %dma_wait3A_691] : memref<1000000x32xf32, #tpu.memory_space<hbm>> -> memref<1000000x32xf32, #tpu.memory_space<hbm>>
      tpu.wait_indirect_dma semaphore(%arg7 : memref<!tpu.dma_semaphore, #tpu.memory_space<semaphore_mem>>) src(%dma_wait3A_692 : memref<1000000x32xf32, #tpu.memory_space<hbm>>) dst(%dma_wait3A_686 : memref<50x32xf32, #tpu.memory_space<vmem>>)
      %dma_wait3A_693 = arith.constant 0 : i32
      %dma_wait3A_694 = arith.constant 16 : i32
      %dma_wait3A_695 = arith.constant 0 : i32
      %dma_wait3A_696 = arith.constant 0 : i32
      %dma_wait3A_697 = tpu.memref_slice %arg6[%dma_wait3A_693, %dma_wait3A_694, %dma_wait3A_695, %dma_wait3A_696] : memref<2x32x50x32xf32, #tpu.memory_space<vmem>> -> memref<1x1x50x32xf32, #tpu.memory_space<vmem>>
      %dma_wait3A_698 = tpu.memref_squeeze %dma_wait3A_697 : memref<1x1x50x32xf32, #tpu.memory_space<vmem>> -> memref<50x32xf32, #tpu.memory_space<vmem>>
      %dma_wait3A_699 = arith.constant 0 : i32
      %dma_wait3A_700 = tpu.memref_slice %arg5[%add3A_278, %dma_wait3A_699] : memref<512x50xi32, #tpu.memory_space<vmem>> -> memref<1x50xi32, #tpu.memory_space<vmem>>
      %dma_wait3A_701 = tpu.memref_squeeze %dma_wait3A_700 : memref<1x50xi32, #tpu.memory_space<vmem>> -> memref<50xi32, #tpu.memory_space<vmem>>
      %dma_wait3A_702 = arith.constant 0 : i32
      %dma_wait3A_703 = arith.constant 0 : i32
      %dma_wait3A_704 = tpu.memref_slice %arg2[%dma_wait3A_702, %dma_wait3A_703] : memref<1000000x32xf32, #tpu.memory_space<hbm>> -> memref<1000000x32xf32, #tpu.memory_space<hbm>>
      tpu.wait_indirect_dma semaphore(%arg7 : memref<!tpu.dma_semaphore, #tpu.memory_space<semaphore_mem>>) src(%dma_wait3A_704 : memref<1000000x32xf32, #tpu.memory_space<hbm>>) dst(%dma_wait3A_698 : memref<50x32xf32, #tpu.memory_space<vmem>>)
      %dma_wait3A_705 = arith.constant 0 : i32
      %dma_wait3A_706 = arith.constant 17 : i32
      %dma_wait3A_707 = arith.constant 0 : i32
      %dma_wait3A_708 = arith.constant 0 : i32
      %dma_wait3A_709 = tpu.memref_slice %arg6[%dma_wait3A_705, %dma_wait3A_706, %dma_wait3A_707, %dma_wait3A_708] : memref<2x32x50x32xf32, #tpu.memory_space<vmem>> -> memref<1x1x50x32xf32, #tpu.memory_space<vmem>>
      %dma_wait3A_710 = tpu.memref_squeeze %dma_wait3A_709 : memref<1x1x50x32xf32, #tpu.memory_space<vmem>> -> memref<50x32xf32, #tpu.memory_space<vmem>>
      %dma_wait3A_711 = arith.constant 0 : i32
      %dma_wait3A_712 = tpu.memref_slice %arg5[%add3A_292, %dma_wait3A_711] : memref<512x50xi32, #tpu.memory_space<vmem>> -> memref<1x50xi32, #tpu.memory_space<vmem>>
      %dma_wait3A_713 = tpu.memref_squeeze %dma_wait3A_712 : memref<1x50xi32, #tpu.memory_space<vmem>> -> memref<50xi32, #tpu.memory_space<vmem>>
      %dma_wait3A_714 = arith.constant 0 : i32
      %dma_wait3A_715 = arith.constant 0 : i32
      %dma_wait3A_716 = tpu.memref_slice %arg2[%dma_wait3A_714, %dma_wait3A_715] : memref<1000000x32xf32, #tpu.memory_space<hbm>> -> memref<1000000x32xf32, #tpu.memory_space<hbm>>
      tpu.wait_indirect_dma semaphore(%arg7 : memref<!tpu.dma_semaphore, #tpu.memory_space<semaphore_mem>>) src(%dma_wait3A_716 : memref<1000000x32xf32, #tpu.memory_space<hbm>>) dst(%dma_wait3A_710 : memref<50x32xf32, #tpu.memory_space<vmem>>)
      %dma_wait3A_717 = arith.constant 0 : i32
      %dma_wait3A_718 = arith.constant 18 : i32
      %dma_wait3A_719 = arith.constant 0 : i32
      %dma_wait3A_720 = arith.constant 0 : i32
      %dma_wait3A_721 = tpu.memref_slice %arg6[%dma_wait3A_717, %dma_wait3A_718, %dma_wait3A_719, %dma_wait3A_720] : memref<2x32x50x32xf32, #tpu.memory_space<vmem>> -> memref<1x1x50x32xf32, #tpu.memory_space<vmem>>
      %dma_wait3A_722 = tpu.memref_squeeze %dma_wait3A_721 : memref<1x1x50x32xf32, #tpu.memory_space<vmem>> -> memref<50x32xf32, #tpu.memory_space<vmem>>
      %dma_wait3A_723 = arith.constant 0 : i32
      %dma_wait3A_724 = tpu.memref_slice %arg5[%add3A_306, %dma_wait3A_723] : memref<512x50xi32, #tpu.memory_space<vmem>> -> memref<1x50xi32, #tpu.memory_space<vmem>>
      %dma_wait3A_725 = tpu.memref_squeeze %dma_wait3A_724 : memref<1x50xi32, #tpu.memory_space<vmem>> -> memref<50xi32, #tpu.memory_space<vmem>>
      %dma_wait3A_726 = arith.constant 0 : i32
      %dma_wait3A_727 = arith.constant 0 : i32
      %dma_wait3A_728 = tpu.memref_slice %arg2[%dma_wait3A_726, %dma_wait3A_727] : memref<1000000x32xf32, #tpu.memory_space<hbm>> -> memref<1000000x32xf32, #tpu.memory_space<hbm>>
      tpu.wait_indirect_dma semaphore(%arg7 : memref<!tpu.dma_semaphore, #tpu.memory_space<semaphore_mem>>) src(%dma_wait3A_728 : memref<1000000x32xf32, #tpu.memory_space<hbm>>) dst(%dma_wait3A_722 : memref<50x32xf32, #tpu.memory_space<vmem>>)
      %dma_wait3A_729 = arith.constant 0 : i32
      %dma_wait3A_730 = arith.constant 19 : i32
      %dma_wait3A_731 = arith.constant 0 : i32
      %dma_wait3A_732 = arith.constant 0 : i32
      %dma_wait3A_733 = tpu.memref_slice %arg6[%dma_wait3A_729, %dma_wait3A_730, %dma_wait3A_731, %dma_wait3A_732] : memref<2x32x50x32xf32, #tpu.memory_space<vmem>> -> memref<1x1x50x32xf32, #tpu.memory_space<vmem>>
      %dma_wait3A_734 = tpu.memref_squeeze %dma_wait3A_733 : memref<1x1x50x32xf32, #tpu.memory_space<vmem>> -> memref<50x32xf32, #tpu.memory_space<vmem>>
      %dma_wait3A_735 = arith.constant 0 : i32
      %dma_wait3A_736 = tpu.memref_slice %arg5[%add3A_320, %dma_wait3A_735] : memref<512x50xi32, #tpu.memory_space<vmem>> -> memref<1x50xi32, #tpu.memory_space<vmem>>
      %dma_wait3A_737 = tpu.memref_squeeze %dma_wait3A_736 : memref<1x50xi32, #tpu.memory_space<vmem>> -> memref<50xi32, #tpu.memory_space<vmem>>
      %dma_wait3A_738 = arith.constant 0 : i32
      %dma_wait3A_739 = arith.constant 0 : i32
      %dma_wait3A_740 = tpu.memref_slice %arg2[%dma_wait3A_738, %dma_wait3A_739] : memref<1000000x32xf32, #tpu.memory_space<hbm>> -> memref<1000000x32xf32, #tpu.memory_space<hbm>>
      tpu.wait_indirect_dma semaphore(%arg7 : memref<!tpu.dma_semaphore, #tpu.memory_space<semaphore_mem>>) src(%dma_wait3A_740 : memref<1000000x32xf32, #tpu.memory_space<hbm>>) dst(%dma_wait3A_734 : memref<50x32xf32, #tpu.memory_space<vmem>>)
      %dma_wait3A_741 = arith.constant 0 : i32
      %dma_wait3A_742 = arith.constant 20 : i32
      %dma_wait3A_743 = arith.constant 0 : i32
      %dma_wait3A_744 = arith.constant 0 : i32
      %dma_wait3A_745 = tpu.memref_slice %arg6[%dma_wait3A_741, %dma_wait3A_742, %dma_wait3A_743, %dma_wait3A_744] : memref<2x32x50x32xf32, #tpu.memory_space<vmem>> -> memref<1x1x50x32xf32, #tpu.memory_space<vmem>>
      %dma_wait3A_746 = tpu.memref_squeeze %dma_wait3A_745 : memref<1x1x50x32xf32, #tpu.memory_space<vmem>> -> memref<50x32xf32, #tpu.memory_space<vmem>>
      %dma_wait3A_747 = arith.constant 0 : i32
      %dma_wait3A_748 = tpu.memref_slice %arg5[%add3A_334, %dma_wait3A_747] : memref<512x50xi32, #tpu.memory_space<vmem>> -> memref<1x50xi32, #tpu.memory_space<vmem>>
      %dma_wait3A_749 = tpu.memref_squeeze %dma_wait3A_748 : memref<1x50xi32, #tpu.memory_space<vmem>> -> memref<50xi32, #tpu.memory_space<vmem>>
      %dma_wait3A_750 = arith.constant 0 : i32
      %dma_wait3A_751 = arith.constant 0 : i32
      %dma_wait3A_752 = tpu.memref_slice %arg2[%dma_wait3A_750, %dma_wait3A_751] : memref<1000000x32xf32, #tpu.memory_space<hbm>> -> memref<1000000x32xf32, #tpu.memory_space<hbm>>
      tpu.wait_indirect_dma semaphore(%arg7 : memref<!tpu.dma_semaphore, #tpu.memory_space<semaphore_mem>>) src(%dma_wait3A_752 : memref<1000000x32xf32, #tpu.memory_space<hbm>>) dst(%dma_wait3A_746 : memref<50x32xf32, #tpu.memory_space<vmem>>)
      %dma_wait3A_753 = arith.constant 0 : i32
      %dma_wait3A_754 = arith.constant 21 : i32
      %dma_wait3A_755 = arith.constant 0 : i32
      %dma_wait3A_756 = arith.constant 0 : i32
      %dma_wait3A_757 = tpu.memref_slice %arg6[%dma_wait3A_753, %dma_wait3A_754, %dma_wait3A_755, %dma_wait3A_756] : memref<2x32x50x32xf32, #tpu.memory_space<vmem>> -> memref<1x1x50x32xf32, #tpu.memory_space<vmem>>
      %dma_wait3A_758 = tpu.memref_squeeze %dma_wait3A_757 : memref<1x1x50x32xf32, #tpu.memory_space<vmem>> -> memref<50x32xf32, #tpu.memory_space<vmem>>
      %dma_wait3A_759 = arith.constant 0 : i32
      %dma_wait3A_760 = tpu.memref_slice %arg5[%add3A_348, %dma_wait3A_759] : memref<512x50xi32, #tpu.memory_space<vmem>> -> memref<1x50xi32, #tpu.memory_space<vmem>>
      %dma_wait3A_761 = tpu.memref_squeeze %dma_wait3A_760 : memref<1x50xi32, #tpu.memory_space<vmem>> -> memref<50xi32, #tpu.memory_space<vmem>>
      %dma_wait3A_762 = arith.constant 0 : i32
      %dma_wait3A_763 = arith.constant 0 : i32
      %dma_wait3A_764 = tpu.memref_slice %arg2[%dma_wait3A_762, %dma_wait3A_763] : memref<1000000x32xf32, #tpu.memory_space<hbm>> -> memref<1000000x32xf32, #tpu.memory_space<hbm>>
      tpu.wait_indirect_dma semaphore(%arg7 : memref<!tpu.dma_semaphore, #tpu.memory_space<semaphore_mem>>) src(%dma_wait3A_764 : memref<1000000x32xf32, #tpu.memory_space<hbm>>) dst(%dma_wait3A_758 : memref<50x32xf32, #tpu.memory_space<vmem>>)
      %dma_wait3A_765 = arith.constant 0 : i32
      %dma_wait3A_766 = arith.constant 22 : i32
      %dma_wait3A_767 = arith.constant 0 : i32
      %dma_wait3A_768 = arith.constant 0 : i32
      %dma_wait3A_769 = tpu.memref_slice %arg6[%dma_wait3A_765, %dma_wait3A_766, %dma_wait3A_767, %dma_wait3A_768] : memref<2x32x50x32xf32, #tpu.memory_space<vmem>> -> memref<1x1x50x32xf32, #tpu.memory_space<vmem>>
      %dma_wait3A_770 = tpu.memref_squeeze %dma_wait3A_769 : memref<1x1x50x32xf32, #tpu.memory_space<vmem>> -> memref<50x32xf32, #tpu.memory_space<vmem>>
      %dma_wait3A_771 = arith.constant 0 : i32
      %dma_wait3A_772 = tpu.memref_slice %arg5[%add3A_362, %dma_wait3A_771] : memref<512x50xi32, #tpu.memory_space<vmem>> -> memref<1x50xi32, #tpu.memory_space<vmem>>
      %dma_wait3A_773 = tpu.memref_squeeze %dma_wait3A_772 : memref<1x50xi32, #tpu.memory_space<vmem>> -> memref<50xi32, #tpu.memory_space<vmem>>
      %dma_wait3A_774 = arith.constant 0 : i32
      %dma_wait3A_775 = arith.constant 0 : i32
      %dma_wait3A_776 = tpu.memref_slice %arg2[%dma_wait3A_774, %dma_wait3A_775] : memref<1000000x32xf32, #tpu.memory_space<hbm>> -> memref<1000000x32xf32, #tpu.memory_space<hbm>>
      tpu.wait_indirect_dma semaphore(%arg7 : memref<!tpu.dma_semaphore, #tpu.memory_space<semaphore_mem>>) src(%dma_wait3A_776 : memref<1000000x32xf32, #tpu.memory_space<hbm>>) dst(%dma_wait3A_770 : memref<50x32xf32, #tpu.memory_space<vmem>>)
      %dma_wait3A_777 = arith.constant 0 : i32
      %dma_wait3A_778 = arith.constant 23 : i32
      %dma_wait3A_779 = arith.constant 0 : i32
      %dma_wait3A_780 = arith.constant 0 : i32
      %dma_wait3A_781 = tpu.memref_slice %arg6[%dma_wait3A_777, %dma_wait3A_778, %dma_wait3A_779, %dma_wait3A_780] : memref<2x32x50x32xf32, #tpu.memory_space<vmem>> -> memref<1x1x50x32xf32, #tpu.memory_space<vmem>>
      %dma_wait3A_782 = tpu.memref_squeeze %dma_wait3A_781 : memref<1x1x50x32xf32, #tpu.memory_space<vmem>> -> memref<50x32xf32, #tpu.memory_space<vmem>>
      %dma_wait3A_783 = arith.constant 0 : i32
      %dma_wait3A_784 = tpu.memref_slice %arg5[%add3A_376, %dma_wait3A_783] : memref<512x50xi32, #tpu.memory_space<vmem>> -> memref<1x50xi32, #tpu.memory_space<vmem>>
      %dma_wait3A_785 = tpu.memref_squeeze %dma_wait3A_784 : memref<1x50xi32, #tpu.memory_space<vmem>> -> memref<50xi32, #tpu.memory_space<vmem>>
      %dma_wait3A_786 = arith.constant 0 : i32
      %dma_wait3A_787 = arith.constant 0 : i32
      %dma_wait3A_788 = tpu.memref_slice %arg2[%dma_wait3A_786, %dma_wait3A_787] : memref<1000000x32xf32, #tpu.memory_space<hbm>> -> memref<1000000x32xf32, #tpu.memory_space<hbm>>
      tpu.wait_indirect_dma semaphore(%arg7 : memref<!tpu.dma_semaphore, #tpu.memory_space<semaphore_mem>>) src(%dma_wait3A_788 : memref<1000000x32xf32, #tpu.memory_space<hbm>>) dst(%dma_wait3A_782 : memref<50x32xf32, #tpu.memory_space<vmem>>)
      %dma_wait3A_789 = arith.constant 0 : i32
      %dma_wait3A_790 = arith.constant 24 : i32
      %dma_wait3A_791 = arith.constant 0 : i32
      %dma_wait3A_792 = arith.constant 0 : i32
      %dma_wait3A_793 = tpu.memref_slice %arg6[%dma_wait3A_789, %dma_wait3A_790, %dma_wait3A_791, %dma_wait3A_792] : memref<2x32x50x32xf32, #tpu.memory_space<vmem>> -> memref<1x1x50x32xf32, #tpu.memory_space<vmem>>
      %dma_wait3A_794 = tpu.memref_squeeze %dma_wait3A_793 : memref<1x1x50x32xf32, #tpu.memory_space<vmem>> -> memref<50x32xf32, #tpu.memory_space<vmem>>
      %dma_wait3A_795 = arith.constant 0 : i32
      %dma_wait3A_796 = tpu.memref_slice %arg5[%add3A_390, %dma_wait3A_795] : memref<512x50xi32, #tpu.memory_space<vmem>> -> memref<1x50xi32, #tpu.memory_space<vmem>>
      %dma_wait3A_797 = tpu.memref_squeeze %dma_wait3A_796 : memref<1x50xi32, #tpu.memory_space<vmem>> -> memref<50xi32, #tpu.memory_space<vmem>>
      %dma_wait3A_798 = arith.constant 0 : i32
      %dma_wait3A_799 = arith.constant 0 : i32
      %dma_wait3A_800 = tpu.memref_slice %arg2[%dma_wait3A_798, %dma_wait3A_799] : memref<1000000x32xf32, #tpu.memory_space<hbm>> -> memref<1000000x32xf32, #tpu.memory_space<hbm>>
      tpu.wait_indirect_dma semaphore(%arg7 : memref<!tpu.dma_semaphore, #tpu.memory_space<semaphore_mem>>) src(%dma_wait3A_800 : memref<1000000x32xf32, #tpu.memory_space<hbm>>) dst(%dma_wait3A_794 : memref<50x32xf32, #tpu.memory_space<vmem>>)
      %dma_wait3A_801 = arith.constant 0 : i32
      %dma_wait3A_802 = arith.constant 25 : i32
      %dma_wait3A_803 = arith.constant 0 : i32
      %dma_wait3A_804 = arith.constant 0 : i32
      %dma_wait3A_805 = tpu.memref_slice %arg6[%dma_wait3A_801, %dma_wait3A_802, %dma_wait3A_803, %dma_wait3A_804] : memref<2x32x50x32xf32, #tpu.memory_space<vmem>> -> memref<1x1x50x32xf32, #tpu.memory_space<vmem>>
      %dma_wait3A_806 = tpu.memref_squeeze %dma_wait3A_805 : memref<1x1x50x32xf32, #tpu.memory_space<vmem>> -> memref<50x32xf32, #tpu.memory_space<vmem>>
      %dma_wait3A_807 = arith.constant 0 : i32
      %dma_wait3A_808 = tpu.memref_slice %arg5[%add3A_404, %dma_wait3A_807] : memref<512x50xi32, #tpu.memory_space<vmem>> -> memref<1x50xi32, #tpu.memory_space<vmem>>
      %dma_wait3A_809 = tpu.memref_squeeze %dma_wait3A_808 : memref<1x50xi32, #tpu.memory_space<vmem>> -> memref<50xi32, #tpu.memory_space<vmem>>
      %dma_wait3A_810 = arith.constant 0 : i32
      %dma_wait3A_811 = arith.constant 0 : i32
      %dma_wait3A_812 = tpu.memref_slice %arg2[%dma_wait3A_810, %dma_wait3A_811] : memref<1000000x32xf32, #tpu.memory_space<hbm>> -> memref<1000000x32xf32, #tpu.memory_space<hbm>>
      tpu.wait_indirect_dma semaphore(%arg7 : memref<!tpu.dma_semaphore, #tpu.memory_space<semaphore_mem>>) src(%dma_wait3A_812 : memref<1000000x32xf32, #tpu.memory_space<hbm>>) dst(%dma_wait3A_806 : memref<50x32xf32, #tpu.memory_space<vmem>>)
      %dma_wait3A_813 = arith.constant 0 : i32
      %dma_wait3A_814 = arith.constant 26 : i32
      %dma_wait3A_815 = arith.constant 0 : i32
      %dma_wait3A_816 = arith.constant 0 : i32
      %dma_wait3A_817 = tpu.memref_slice %arg6[%dma_wait3A_813, %dma_wait3A_814, %dma_wait3A_815, %dma_wait3A_816] : memref<2x32x50x32xf32, #tpu.memory_space<vmem>> -> memref<1x1x50x32xf32, #tpu.memory_space<vmem>>
      %dma_wait3A_818 = tpu.memref_squeeze %dma_wait3A_817 : memref<1x1x50x32xf32, #tpu.memory_space<vmem>> -> memref<50x32xf32, #tpu.memory_space<vmem>>
      %dma_wait3A_819 = arith.constant 0 : i32
      %dma_wait3A_820 = tpu.memref_slice %arg5[%add3A_418, %dma_wait3A_819] : memref<512x50xi32, #tpu.memory_space<vmem>> -> memref<1x50xi32, #tpu.memory_space<vmem>>
      %dma_wait3A_821 = tpu.memref_squeeze %dma_wait3A_820 : memref<1x50xi32, #tpu.memory_space<vmem>> -> memref<50xi32, #tpu.memory_space<vmem>>
      %dma_wait3A_822 = arith.constant 0 : i32
      %dma_wait3A_823 = arith.constant 0 : i32
      %dma_wait3A_824 = tpu.memref_slice %arg2[%dma_wait3A_822, %dma_wait3A_823] : memref<1000000x32xf32, #tpu.memory_space<hbm>> -> memref<1000000x32xf32, #tpu.memory_space<hbm>>
      tpu.wait_indirect_dma semaphore(%arg7 : memref<!tpu.dma_semaphore, #tpu.memory_space<semaphore_mem>>) src(%dma_wait3A_824 : memref<1000000x32xf32, #tpu.memory_space<hbm>>) dst(%dma_wait3A_818 : memref<50x32xf32, #tpu.memory_space<vmem>>)
      %dma_wait3A_825 = arith.constant 0 : i32
      %dma_wait3A_826 = arith.constant 27 : i32
      %dma_wait3A_827 = arith.constant 0 : i32
      %dma_wait3A_828 = arith.constant 0 : i32
      %dma_wait3A_829 = tpu.memref_slice %arg6[%dma_wait3A_825, %dma_wait3A_826, %dma_wait3A_827, %dma_wait3A_828] : memref<2x32x50x32xf32, #tpu.memory_space<vmem>> -> memref<1x1x50x32xf32, #tpu.memory_space<vmem>>
      %dma_wait3A_830 = tpu.memref_squeeze %dma_wait3A_829 : memref<1x1x50x32xf32, #tpu.memory_space<vmem>> -> memref<50x32xf32, #tpu.memory_space<vmem>>
      %dma_wait3A_831 = arith.constant 0 : i32
      %dma_wait3A_832 = tpu.memref_slice %arg5[%add3A_432, %dma_wait3A_831] : memref<512x50xi32, #tpu.memory_space<vmem>> -> memref<1x50xi32, #tpu.memory_space<vmem>>
      %dma_wait3A_833 = tpu.memref_squeeze %dma_wait3A_832 : memref<1x50xi32, #tpu.memory_space<vmem>> -> memref<50xi32, #tpu.memory_space<vmem>>
      %dma_wait3A_834 = arith.constant 0 : i32
      %dma_wait3A_835 = arith.constant 0 : i32
      %dma_wait3A_836 = tpu.memref_slice %arg2[%dma_wait3A_834, %dma_wait3A_835] : memref<1000000x32xf32, #tpu.memory_space<hbm>> -> memref<1000000x32xf32, #tpu.memory_space<hbm>>
      tpu.wait_indirect_dma semaphore(%arg7 : memref<!tpu.dma_semaphore, #tpu.memory_space<semaphore_mem>>) src(%dma_wait3A_836 : memref<1000000x32xf32, #tpu.memory_space<hbm>>) dst(%dma_wait3A_830 : memref<50x32xf32, #tpu.memory_space<vmem>>)
      %dma_wait3A_837 = arith.constant 0 : i32
      %dma_wait3A_838 = arith.constant 28 : i32
      %dma_wait3A_839 = arith.constant 0 : i32
      %dma_wait3A_840 = arith.constant 0 : i32
      %dma_wait3A_841 = tpu.memref_slice %arg6[%dma_wait3A_837, %dma_wait3A_838, %dma_wait3A_839, %dma_wait3A_840] : memref<2x32x50x32xf32, #tpu.memory_space<vmem>> -> memref<1x1x50x32xf32, #tpu.memory_space<vmem>>
      %dma_wait3A_842 = tpu.memref_squeeze %dma_wait3A_841 : memref<1x1x50x32xf32, #tpu.memory_space<vmem>> -> memref<50x32xf32, #tpu.memory_space<vmem>>
      %dma_wait3A_843 = arith.constant 0 : i32
      %dma_wait3A_844 = tpu.memref_slice %arg5[%add3A_446, %dma_wait3A_843] : memref<512x50xi32, #tpu.memory_space<vmem>> -> memref<1x50xi32, #tpu.memory_space<vmem>>
      %dma_wait3A_845 = tpu.memref_squeeze %dma_wait3A_844 : memref<1x50xi32, #tpu.memory_space<vmem>> -> memref<50xi32, #tpu.memory_space<vmem>>
      %dma_wait3A_846 = arith.constant 0 : i32
      %dma_wait3A_847 = arith.constant 0 : i32
      %dma_wait3A_848 = tpu.memref_slice %arg2[%dma_wait3A_846, %dma_wait3A_847] : memref<1000000x32xf32, #tpu.memory_space<hbm>> -> memref<1000000x32xf32, #tpu.memory_space<hbm>>
      tpu.wait_indirect_dma semaphore(%arg7 : memref<!tpu.dma_semaphore, #tpu.memory_space<semaphore_mem>>) src(%dma_wait3A_848 : memref<1000000x32xf32, #tpu.memory_space<hbm>>) dst(%dma_wait3A_842 : memref<50x32xf32, #tpu.memory_space<vmem>>)
      %dma_wait3A_849 = arith.constant 0 : i32
      %dma_wait3A_850 = arith.constant 29 : i32
      %dma_wait3A_851 = arith.constant 0 : i32
      %dma_wait3A_852 = arith.constant 0 : i32
      %dma_wait3A_853 = tpu.memref_slice %arg6[%dma_wait3A_849, %dma_wait3A_850, %dma_wait3A_851, %dma_wait3A_852] : memref<2x32x50x32xf32, #tpu.memory_space<vmem>> -> memref<1x1x50x32xf32, #tpu.memory_space<vmem>>
      %dma_wait3A_854 = tpu.memref_squeeze %dma_wait3A_853 : memref<1x1x50x32xf32, #tpu.memory_space<vmem>> -> memref<50x32xf32, #tpu.memory_space<vmem>>
      %dma_wait3A_855 = arith.constant 0 : i32
      %dma_wait3A_856 = tpu.memref_slice %arg5[%add3A_460, %dma_wait3A_855] : memref<512x50xi32, #tpu.memory_space<vmem>> -> memref<1x50xi32, #tpu.memory_space<vmem>>
      %dma_wait3A_857 = tpu.memref_squeeze %dma_wait3A_856 : memref<1x50xi32, #tpu.memory_space<vmem>> -> memref<50xi32, #tpu.memory_space<vmem>>
      %dma_wait3A_858 = arith.constant 0 : i32
      %dma_wait3A_859 = arith.constant 0 : i32
      %dma_wait3A_860 = tpu.memref_slice %arg2[%dma_wait3A_858, %dma_wait3A_859] : memref<1000000x32xf32, #tpu.memory_space<hbm>> -> memref<1000000x32xf32, #tpu.memory_space<hbm>>
      tpu.wait_indirect_dma semaphore(%arg7 : memref<!tpu.dma_semaphore, #tpu.memory_space<semaphore_mem>>) src(%dma_wait3A_860 : memref<1000000x32xf32, #tpu.memory_space<hbm>>) dst(%dma_wait3A_854 : memref<50x32xf32, #tpu.memory_space<vmem>>)
      %dma_wait3A_861 = arith.constant 0 : i32
      %dma_wait3A_862 = arith.constant 30 : i32
      %dma_wait3A_863 = arith.constant 0 : i32
      %dma_wait3A_864 = arith.constant 0 : i32
      %dma_wait3A_865 = tpu.memref_slice %arg6[%dma_wait3A_861, %dma_wait3A_862, %dma_wait3A_863, %dma_wait3A_864] : memref<2x32x50x32xf32, #tpu.memory_space<vmem>> -> memref<1x1x50x32xf32, #tpu.memory_space<vmem>>
      %dma_wait3A_866 = tpu.memref_squeeze %dma_wait3A_865 : memref<1x1x50x32xf32, #tpu.memory_space<vmem>> -> memref<50x32xf32, #tpu.memory_space<vmem>>
      %dma_wait3A_867 = arith.constant 0 : i32
      %dma_wait3A_868 = tpu.memref_slice %arg5[%add3A_474, %dma_wait3A_867] : memref<512x50xi32, #tpu.memory_space<vmem>> -> memref<1x50xi32, #tpu.memory_space<vmem>>
      %dma_wait3A_869 = tpu.memref_squeeze %dma_wait3A_868 : memref<1x50xi32, #tpu.memory_space<vmem>> -> memref<50xi32, #tpu.memory_space<vmem>>
      %dma_wait3A_870 = arith.constant 0 : i32
      %dma_wait3A_871 = arith.constant 0 : i32
      %dma_wait3A_872 = tpu.memref_slice %arg2[%dma_wait3A_870, %dma_wait3A_871] : memref<1000000x32xf32, #tpu.memory_space<hbm>> -> memref<1000000x32xf32, #tpu.memory_space<hbm>>
      tpu.wait_indirect_dma semaphore(%arg7 : memref<!tpu.dma_semaphore, #tpu.memory_space<semaphore_mem>>) src(%dma_wait3A_872 : memref<1000000x32xf32, #tpu.memory_space<hbm>>) dst(%dma_wait3A_866 : memref<50x32xf32, #tpu.memory_space<vmem>>)
      %dma_wait3A_873 = arith.constant 0 : i32
      %dma_wait3A_874 = arith.constant 31 : i32
      %dma_wait3A_875 = arith.constant 0 : i32
      %dma_wait3A_876 = arith.constant 0 : i32
      %dma_wait3A_877 = tpu.memref_slice %arg6[%dma_wait3A_873, %dma_wait3A_874, %dma_wait3A_875, %dma_wait3A_876] : memref<2x32x50x32xf32, #tpu.memory_space<vmem>> -> memref<1x1x50x32xf32, #tpu.memory_space<vmem>>
      %dma_wait3A_878 = tpu.memref_squeeze %dma_wait3A_877 : memref<1x1x50x32xf32, #tpu.memory_space<vmem>> -> memref<50x32xf32, #tpu.memory_space<vmem>>
      %dma_wait3A_879 = arith.constant 0 : i32
      %dma_wait3A_880 = tpu.memref_slice %arg5[%add3A_488, %dma_wait3A_879] : memref<512x50xi32, #tpu.memory_space<vmem>> -> memref<1x50xi32, #tpu.memory_space<vmem>>
      %dma_wait3A_881 = tpu.memref_squeeze %dma_wait3A_880 : memref<1x50xi32, #tpu.memory_space<vmem>> -> memref<50xi32, #tpu.memory_space<vmem>>
      %dma_wait3A_882 = arith.constant 0 : i32
      %dma_wait3A_883 = arith.constant 0 : i32
      %dma_wait3A_884 = tpu.memref_slice %arg2[%dma_wait3A_882, %dma_wait3A_883] : memref<1000000x32xf32, #tpu.memory_space<hbm>> -> memref<1000000x32xf32, #tpu.memory_space<hbm>>
      tpu.wait_indirect_dma semaphore(%arg7 : memref<!tpu.dma_semaphore, #tpu.memory_space<semaphore_mem>>) src(%dma_wait3A_884 : memref<1000000x32xf32, #tpu.memory_space<hbm>>) dst(%dma_wait3A_878 : memref<50x32xf32, #tpu.memory_space<vmem>>)
      %add3A_885 = arith.addi %mul3A_2, %mul3A_53 : i32
      %dma_start3A_886 = arith.constant 0 : i32
      %dma_start3A_887 = arith.constant 0 : i32
      %dma_start3A_888 = arith.constant 0 : i32
      %dma_start3A_889 = arith.constant 0 : i32
      %dma_start3A_890 = tpu.memref_slice %arg6[%dma_start3A_886, %dma_start3A_887, %dma_start3A_888, %dma_start3A_889] : memref<2x32x50x32xf32, #tpu.memory_space<vmem>> -> memref<1x32x50x32xf32, #tpu.memory_space<vmem>>
      %dma_start3A_891 = tpu.memref_squeeze %dma_start3A_890 : memref<1x32x50x32xf32, #tpu.memory_space<vmem>> -> memref<32x50x32xf32, #tpu.memory_space<vmem>>
      %dma_start3A_892 = arith.constant 0 : i32
      %dma_start3A_893 = arith.constant 0 : i32
      %dma_start3A_894 = tpu.memref_slice %arg4[%add3A_885, %dma_start3A_892, %dma_start3A_893] : memref<16384x50x32xf32, #tpu.memory_space<hbm>> -> memref<32x50x32xf32, #tpu.memory_space<hbm>>
      %dma_start3A_895 = arith.constant 0 : i32
      %dma_start3A_896 = arith.constant 0 : i32
      %dma_start3A_897 = tpu.memref_slice %arg4[%add3A_885, %dma_start3A_895, %dma_start3A_896] : memref<16384x50x32xf32, #tpu.memory_space<hbm>> -> memref<32x50x32xf32, #tpu.memory_space<hbm>>
      %dma_start3A_898 = arith.constant 0 : i32
      %dma_start3A_899 = arith.constant 0 : i32
      %dma_start3A_900 = arith.constant 0 : i32
      %dma_start3A_901 = tpu.memref_slice %arg6[%dma_start3A_886, %dma_start3A_898, %dma_start3A_899, %dma_start3A_900] : memref<2x32x50x32xf32, #tpu.memory_space<vmem>> -> memref<1x32x50x32xf32, #tpu.memory_space<vmem>>
      %dma_start3A_902 = tpu.memref_squeeze %dma_start3A_901 : memref<1x32x50x32xf32, #tpu.memory_space<vmem>> -> memref<32x50x32xf32, #tpu.memory_space<vmem>>
      tpu.enqueue_dma source(%dma_start3A_902 : memref<32x50x32xf32, #tpu.memory_space<vmem>>) target(%dma_start3A_897 : memref<32x50x32xf32, #tpu.memory_space<hbm>>) target_semaphore(%arg8 : memref<!tpu.dma_semaphore, #tpu.memory_space<semaphore_mem>>)
      %mul3A_903 = arith.constant 2 : i32
      %mul3A_904 = arith.muli %mul3A_903, %scan3A_45 : i32
      %add3A_905 = arith.constant 1 : i32
      %add3A_906 = arith.addi %mul3A_904, %add3A_905 : i32
      %gt3A_907 = arith.constant 0 : i32
      %gt3A_908 = arith.cmpi sgt, %scan3A_45, %gt3A_907 : i32
      %convert_element_type3A_909 = arith.extui %gt3A_908 : i1 to i32
      %cond3A_910 = arith.constant 0 : i32
      %cond3A_911 = arith.cmpi ne, %convert_element_type3A_909, %cond3A_910 : i32
      scf.if %cond3A_911 {
        %sub3A = arith.constant 2 : i32
        %sub3A_1764 = arith.subi %add3A_906, %sub3A : i32
        %mul3A_1765 = arith.constant 32 : i32
        %mul3A_1766 = arith.muli %sub3A_1764, %mul3A_1765 : i32
        %add3A_1767 = arith.addi %mul3A_2, %mul3A_1766 : i32
        %dma_wait3A_1768 = arith.constant 1 : i32
        %dma_wait3A_1769 = arith.constant 0 : i32
        %dma_wait3A_1770 = arith.constant 0 : i32
        %dma_wait3A_1771 = arith.constant 0 : i32
        %dma_wait3A_1772 = tpu.memref_slice %arg6[%dma_wait3A_1768, %dma_wait3A_1769, %dma_wait3A_1770, %dma_wait3A_1771] : memref<2x32x50x32xf32, #tpu.memory_space<vmem>> -> memref<1x32x50x32xf32, #tpu.memory_space<vmem>>
        %dma_wait3A_1773 = tpu.memref_squeeze %dma_wait3A_1772 : memref<1x32x50x32xf32, #tpu.memory_space<vmem>> -> memref<32x50x32xf32, #tpu.memory_space<vmem>>
        %dma_wait3A_1774 = arith.constant 0 : i32
        %dma_wait3A_1775 = arith.constant 0 : i32
        %dma_wait3A_1776 = tpu.memref_slice %arg4[%add3A_1767, %dma_wait3A_1774, %dma_wait3A_1775] : memref<16384x50x32xf32, #tpu.memory_space<hbm>> -> memref<32x50x32xf32, #tpu.memory_space<hbm>>
        %dma_wait3A_1777 = arith.constant 0 : i32
        %dma_wait3A_1778 = arith.constant 0 : i32
        %dma_wait3A_1779 = tpu.memref_slice %arg4[%add3A_1767, %dma_wait3A_1777, %dma_wait3A_1778] : memref<16384x50x32xf32, #tpu.memory_space<hbm>> -> memref<32x50x32xf32, #tpu.memory_space<hbm>>
        %dma_wait3A_1780 = arith.constant 0 : i32
        %dma_wait3A_1781 = arith.constant 0 : i32
        %dma_wait3A_1782 = arith.constant 0 : i32
        %dma_wait3A_1783 = tpu.memref_slice %arg6[%dma_wait3A_1768, %dma_wait3A_1780, %dma_wait3A_1781, %dma_wait3A_1782] : memref<2x32x50x32xf32, #tpu.memory_space<vmem>> -> memref<1x32x50x32xf32, #tpu.memory_space<vmem>>
        %dma_wait3A_1784 = tpu.memref_squeeze %dma_wait3A_1783 : memref<1x32x50x32xf32, #tpu.memory_space<vmem>> -> memref<32x50x32xf32, #tpu.memory_space<vmem>>
        tpu.wait_dma2 semaphore(%arg9 : memref<!tpu.dma_semaphore, #tpu.memory_space<semaphore_mem>>) src(%dma_wait3A_1784 : memref<32x50x32xf32, #tpu.memory_space<vmem>>) dst(%dma_wait3A_1779 : memref<32x50x32xf32, #tpu.memory_space<hbm>>)
      } else {
      }
      %mul3A_912 = arith.constant 32 : i32
      %mul3A_913 = arith.muli %add3A_906, %mul3A_912 : i32
      %add3A_914 = arith.constant 0 : i32
      %add3A_915 = arith.addi %mul3A_913, %add3A_914 : i32
      %dma_start3A_916 = arith.constant 1 : i32
      %dma_start3A_917 = arith.constant 0 : i32
      %dma_start3A_918 = arith.constant 0 : i32
      %dma_start3A_919 = arith.constant 0 : i32
      %dma_start3A_920 = tpu.memref_slice %arg6[%dma_start3A_916, %dma_start3A_917, %dma_start3A_918, %dma_start3A_919] : memref<2x32x50x32xf32, #tpu.memory_space<vmem>> -> memref<1x1x50x32xf32, #tpu.memory_space<vmem>>
      %dma_start3A_921 = tpu.memref_squeeze %dma_start3A_920 : memref<1x1x50x32xf32, #tpu.memory_space<vmem>> -> memref<50x32xf32, #tpu.memory_space<vmem>>
      %dma_start3A_922 = arith.constant 0 : i32
      %dma_start3A_923 = tpu.memref_slice %arg5[%add3A_915, %dma_start3A_922] : memref<512x50xi32, #tpu.memory_space<vmem>> -> memref<1x50xi32, #tpu.memory_space<vmem>>
      %dma_start3A_924 = tpu.memref_squeeze %dma_start3A_923 : memref<1x50xi32, #tpu.memory_space<vmem>> -> memref<50xi32, #tpu.memory_space<vmem>>
      %dma_start3A_925 = arith.constant 0 : i32
      %dma_start3A_926 = arith.constant 0 : i32
      %dma_start3A_927 = tpu.memref_slice %arg2[%dma_start3A_925, %dma_start3A_926] : memref<1000000x32xf32, #tpu.memory_space<hbm>> -> memref<1000000x32xf32, #tpu.memory_space<hbm>>
      tpu.enqueue_indirect_dma source(%dma_start3A_927 : memref<1000000x32xf32, #tpu.memory_space<hbm>>) target(%dma_start3A_921 : memref<50x32xf32, #tpu.memory_space<vmem>>) offsets(%dma_start3A_924 : memref<50xi32, #tpu.memory_space<vmem>>) semaphore(%arg7 : memref<!tpu.dma_semaphore, #tpu.memory_space<semaphore_mem>>)
      %add3A_928 = arith.constant 1 : i32
      %add3A_929 = arith.addi %mul3A_913, %add3A_928 : i32
      %dma_start3A_930 = arith.constant 1 : i32
      %dma_start3A_931 = arith.constant 1 : i32
      %dma_start3A_932 = arith.constant 0 : i32
      %dma_start3A_933 = arith.constant 0 : i32
      %dma_start3A_934 = tpu.memref_slice %arg6[%dma_start3A_930, %dma_start3A_931, %dma_start3A_932, %dma_start3A_933] : memref<2x32x50x32xf32, #tpu.memory_space<vmem>> -> memref<1x1x50x32xf32, #tpu.memory_space<vmem>>
      %dma_start3A_935 = tpu.memref_squeeze %dma_start3A_934 : memref<1x1x50x32xf32, #tpu.memory_space<vmem>> -> memref<50x32xf32, #tpu.memory_space<vmem>>
      %dma_start3A_936 = arith.constant 0 : i32
      %dma_start3A_937 = tpu.memref_slice %arg5[%add3A_929, %dma_start3A_936] : memref<512x50xi32, #tpu.memory_space<vmem>> -> memref<1x50xi32, #tpu.memory_space<vmem>>
      %dma_start3A_938 = tpu.memref_squeeze %dma_start3A_937 : memref<1x50xi32, #tpu.memory_space<vmem>> -> memref<50xi32, #tpu.memory_space<vmem>>
      %dma_start3A_939 = arith.constant 0 : i32
      %dma_start3A_940 = arith.constant 0 : i32
      %dma_start3A_941 = tpu.memref_slice %arg2[%dma_start3A_939, %dma_start3A_940] : memref<1000000x32xf32, #tpu.memory_space<hbm>> -> memref<1000000x32xf32, #tpu.memory_space<hbm>>
      tpu.enqueue_indirect_dma source(%dma_start3A_941 : memref<1000000x32xf32, #tpu.memory_space<hbm>>) target(%dma_start3A_935 : memref<50x32xf32, #tpu.memory_space<vmem>>) offsets(%dma_start3A_938 : memref<50xi32, #tpu.memory_space<vmem>>) semaphore(%arg7 : memref<!tpu.dma_semaphore, #tpu.memory_space<semaphore_mem>>)
      %add3A_942 = arith.constant 2 : i32
      %add3A_943 = arith.addi %mul3A_913, %add3A_942 : i32
      %dma_start3A_944 = arith.constant 1 : i32
      %dma_start3A_945 = arith.constant 2 : i32
      %dma_start3A_946 = arith.constant 0 : i32
      %dma_start3A_947 = arith.constant 0 : i32
      %dma_start3A_948 = tpu.memref_slice %arg6[%dma_start3A_944, %dma_start3A_945, %dma_start3A_946, %dma_start3A_947] : memref<2x32x50x32xf32, #tpu.memory_space<vmem>> -> memref<1x1x50x32xf32, #tpu.memory_space<vmem>>
      %dma_start3A_949 = tpu.memref_squeeze %dma_start3A_948 : memref<1x1x50x32xf32, #tpu.memory_space<vmem>> -> memref<50x32xf32, #tpu.memory_space<vmem>>
      %dma_start3A_950 = arith.constant 0 : i32
      %dma_start3A_951 = tpu.memref_slice %arg5[%add3A_943, %dma_start3A_950] : memref<512x50xi32, #tpu.memory_space<vmem>> -> memref<1x50xi32, #tpu.memory_space<vmem>>
      %dma_start3A_952 = tpu.memref_squeeze %dma_start3A_951 : memref<1x50xi32, #tpu.memory_space<vmem>> -> memref<50xi32, #tpu.memory_space<vmem>>
      %dma_start3A_953 = arith.constant 0 : i32
      %dma_start3A_954 = arith.constant 0 : i32
      %dma_start3A_955 = tpu.memref_slice %arg2[%dma_start3A_953, %dma_start3A_954] : memref<1000000x32xf32, #tpu.memory_space<hbm>> -> memref<1000000x32xf32, #tpu.memory_space<hbm>>
      tpu.enqueue_indirect_dma source(%dma_start3A_955 : memref<1000000x32xf32, #tpu.memory_space<hbm>>) target(%dma_start3A_949 : memref<50x32xf32, #tpu.memory_space<vmem>>) offsets(%dma_start3A_952 : memref<50xi32, #tpu.memory_space<vmem>>) semaphore(%arg7 : memref<!tpu.dma_semaphore, #tpu.memory_space<semaphore_mem>>)
      %add3A_956 = arith.constant 3 : i32
      %add3A_957 = arith.addi %mul3A_913, %add3A_956 : i32
      %dma_start3A_958 = arith.constant 1 : i32
      %dma_start3A_959 = arith.constant 3 : i32
      %dma_start3A_960 = arith.constant 0 : i32
      %dma_start3A_961 = arith.constant 0 : i32
      %dma_start3A_962 = tpu.memref_slice %arg6[%dma_start3A_958, %dma_start3A_959, %dma_start3A_960, %dma_start3A_961] : memref<2x32x50x32xf32, #tpu.memory_space<vmem>> -> memref<1x1x50x32xf32, #tpu.memory_space<vmem>>
      %dma_start3A_963 = tpu.memref_squeeze %dma_start3A_962 : memref<1x1x50x32xf32, #tpu.memory_space<vmem>> -> memref<50x32xf32, #tpu.memory_space<vmem>>
      %dma_start3A_964 = arith.constant 0 : i32
      %dma_start3A_965 = tpu.memref_slice %arg5[%add3A_957, %dma_start3A_964] : memref<512x50xi32, #tpu.memory_space<vmem>> -> memref<1x50xi32, #tpu.memory_space<vmem>>
      %dma_start3A_966 = tpu.memref_squeeze %dma_start3A_965 : memref<1x50xi32, #tpu.memory_space<vmem>> -> memref<50xi32, #tpu.memory_space<vmem>>
      %dma_start3A_967 = arith.constant 0 : i32
      %dma_start3A_968 = arith.constant 0 : i32
      %dma_start3A_969 = tpu.memref_slice %arg2[%dma_start3A_967, %dma_start3A_968] : memref<1000000x32xf32, #tpu.memory_space<hbm>> -> memref<1000000x32xf32, #tpu.memory_space<hbm>>
      tpu.enqueue_indirect_dma source(%dma_start3A_969 : memref<1000000x32xf32, #tpu.memory_space<hbm>>) target(%dma_start3A_963 : memref<50x32xf32, #tpu.memory_space<vmem>>) offsets(%dma_start3A_966 : memref<50xi32, #tpu.memory_space<vmem>>) semaphore(%arg7 : memref<!tpu.dma_semaphore, #tpu.memory_space<semaphore_mem>>)
      %add3A_970 = arith.constant 4 : i32
      %add3A_971 = arith.addi %mul3A_913, %add3A_970 : i32
      %dma_start3A_972 = arith.constant 1 : i32
      %dma_start3A_973 = arith.constant 4 : i32
      %dma_start3A_974 = arith.constant 0 : i32
      %dma_start3A_975 = arith.constant 0 : i32
      %dma_start3A_976 = tpu.memref_slice %arg6[%dma_start3A_972, %dma_start3A_973, %dma_start3A_974, %dma_start3A_975] : memref<2x32x50x32xf32, #tpu.memory_space<vmem>> -> memref<1x1x50x32xf32, #tpu.memory_space<vmem>>
      %dma_start3A_977 = tpu.memref_squeeze %dma_start3A_976 : memref<1x1x50x32xf32, #tpu.memory_space<vmem>> -> memref<50x32xf32, #tpu.memory_space<vmem>>
      %dma_start3A_978 = arith.constant 0 : i32
      %dma_start3A_979 = tpu.memref_slice %arg5[%add3A_971, %dma_start3A_978] : memref<512x50xi32, #tpu.memory_space<vmem>> -> memref<1x50xi32, #tpu.memory_space<vmem>>
      %dma_start3A_980 = tpu.memref_squeeze %dma_start3A_979 : memref<1x50xi32, #tpu.memory_space<vmem>> -> memref<50xi32, #tpu.memory_space<vmem>>
      %dma_start3A_981 = arith.constant 0 : i32
      %dma_start3A_982 = arith.constant 0 : i32
      %dma_start3A_983 = tpu.memref_slice %arg2[%dma_start3A_981, %dma_start3A_982] : memref<1000000x32xf32, #tpu.memory_space<hbm>> -> memref<1000000x32xf32, #tpu.memory_space<hbm>>
      tpu.enqueue_indirect_dma source(%dma_start3A_983 : memref<1000000x32xf32, #tpu.memory_space<hbm>>) target(%dma_start3A_977 : memref<50x32xf32, #tpu.memory_space<vmem>>) offsets(%dma_start3A_980 : memref<50xi32, #tpu.memory_space<vmem>>) semaphore(%arg7 : memref<!tpu.dma_semaphore, #tpu.memory_space<semaphore_mem>>)
      %add3A_984 = arith.constant 5 : i32
      %add3A_985 = arith.addi %mul3A_913, %add3A_984 : i32
      %dma_start3A_986 = arith.constant 1 : i32
      %dma_start3A_987 = arith.constant 5 : i32
      %dma_start3A_988 = arith.constant 0 : i32
      %dma_start3A_989 = arith.constant 0 : i32
      %dma_start3A_990 = tpu.memref_slice %arg6[%dma_start3A_986, %dma_start3A_987, %dma_start3A_988, %dma_start3A_989] : memref<2x32x50x32xf32, #tpu.memory_space<vmem>> -> memref<1x1x50x32xf32, #tpu.memory_space<vmem>>
      %dma_start3A_991 = tpu.memref_squeeze %dma_start3A_990 : memref<1x1x50x32xf32, #tpu.memory_space<vmem>> -> memref<50x32xf32, #tpu.memory_space<vmem>>
      %dma_start3A_992 = arith.constant 0 : i32
      %dma_start3A_993 = tpu.memref_slice %arg5[%add3A_985, %dma_start3A_992] : memref<512x50xi32, #tpu.memory_space<vmem>> -> memref<1x50xi32, #tpu.memory_space<vmem>>
      %dma_start3A_994 = tpu.memref_squeeze %dma_start3A_993 : memref<1x50xi32, #tpu.memory_space<vmem>> -> memref<50xi32, #tpu.memory_space<vmem>>
      %dma_start3A_995 = arith.constant 0 : i32
      %dma_start3A_996 = arith.constant 0 : i32
      %dma_start3A_997 = tpu.memref_slice %arg2[%dma_start3A_995, %dma_start3A_996] : memref<1000000x32xf32, #tpu.memory_space<hbm>> -> memref<1000000x32xf32, #tpu.memory_space<hbm>>
      tpu.enqueue_indirect_dma source(%dma_start3A_997 : memref<1000000x32xf32, #tpu.memory_space<hbm>>) target(%dma_start3A_991 : memref<50x32xf32, #tpu.memory_space<vmem>>) offsets(%dma_start3A_994 : memref<50xi32, #tpu.memory_space<vmem>>) semaphore(%arg7 : memref<!tpu.dma_semaphore, #tpu.memory_space<semaphore_mem>>)
      %add3A_998 = arith.constant 6 : i32
      %add3A_999 = arith.addi %mul3A_913, %add3A_998 : i32
      %dma_start3A_1000 = arith.constant 1 : i32
      %dma_start3A_1001 = arith.constant 6 : i32
      %dma_start3A_1002 = arith.constant 0 : i32
      %dma_start3A_1003 = arith.constant 0 : i32
      %dma_start3A_1004 = tpu.memref_slice %arg6[%dma_start3A_1000, %dma_start3A_1001, %dma_start3A_1002, %dma_start3A_1003] : memref<2x32x50x32xf32, #tpu.memory_space<vmem>> -> memref<1x1x50x32xf32, #tpu.memory_space<vmem>>
      %dma_start3A_1005 = tpu.memref_squeeze %dma_start3A_1004 : memref<1x1x50x32xf32, #tpu.memory_space<vmem>> -> memref<50x32xf32, #tpu.memory_space<vmem>>
      %dma_start3A_1006 = arith.constant 0 : i32
      %dma_start3A_1007 = tpu.memref_slice %arg5[%add3A_999, %dma_start3A_1006] : memref<512x50xi32, #tpu.memory_space<vmem>> -> memref<1x50xi32, #tpu.memory_space<vmem>>
      %dma_start3A_1008 = tpu.memref_squeeze %dma_start3A_1007 : memref<1x50xi32, #tpu.memory_space<vmem>> -> memref<50xi32, #tpu.memory_space<vmem>>
      %dma_start3A_1009 = arith.constant 0 : i32
      %dma_start3A_1010 = arith.constant 0 : i32
      %dma_start3A_1011 = tpu.memref_slice %arg2[%dma_start3A_1009, %dma_start3A_1010] : memref<1000000x32xf32, #tpu.memory_space<hbm>> -> memref<1000000x32xf32, #tpu.memory_space<hbm>>
      tpu.enqueue_indirect_dma source(%dma_start3A_1011 : memref<1000000x32xf32, #tpu.memory_space<hbm>>) target(%dma_start3A_1005 : memref<50x32xf32, #tpu.memory_space<vmem>>) offsets(%dma_start3A_1008 : memref<50xi32, #tpu.memory_space<vmem>>) semaphore(%arg7 : memref<!tpu.dma_semaphore, #tpu.memory_space<semaphore_mem>>)
      %add3A_1012 = arith.constant 7 : i32
      %add3A_1013 = arith.addi %mul3A_913, %add3A_1012 : i32
      %dma_start3A_1014 = arith.constant 1 : i32
      %dma_start3A_1015 = arith.constant 7 : i32
      %dma_start3A_1016 = arith.constant 0 : i32
      %dma_start3A_1017 = arith.constant 0 : i32
      %dma_start3A_1018 = tpu.memref_slice %arg6[%dma_start3A_1014, %dma_start3A_1015, %dma_start3A_1016, %dma_start3A_1017] : memref<2x32x50x32xf32, #tpu.memory_space<vmem>> -> memref<1x1x50x32xf32, #tpu.memory_space<vmem>>
      %dma_start3A_1019 = tpu.memref_squeeze %dma_start3A_1018 : memref<1x1x50x32xf32, #tpu.memory_space<vmem>> -> memref<50x32xf32, #tpu.memory_space<vmem>>
      %dma_start3A_1020 = arith.constant 0 : i32
      %dma_start3A_1021 = tpu.memref_slice %arg5[%add3A_1013, %dma_start3A_1020] : memref<512x50xi32, #tpu.memory_space<vmem>> -> memref<1x50xi32, #tpu.memory_space<vmem>>
      %dma_start3A_1022 = tpu.memref_squeeze %dma_start3A_1021 : memref<1x50xi32, #tpu.memory_space<vmem>> -> memref<50xi32, #tpu.memory_space<vmem>>
      %dma_start3A_1023 = arith.constant 0 : i32
      %dma_start3A_1024 = arith.constant 0 : i32
      %dma_start3A_1025 = tpu.memref_slice %arg2[%dma_start3A_1023, %dma_start3A_1024] : memref<1000000x32xf32, #tpu.memory_space<hbm>> -> memref<1000000x32xf32, #tpu.memory_space<hbm>>
      tpu.enqueue_indirect_dma source(%dma_start3A_1025 : memref<1000000x32xf32, #tpu.memory_space<hbm>>) target(%dma_start3A_1019 : memref<50x32xf32, #tpu.memory_space<vmem>>) offsets(%dma_start3A_1022 : memref<50xi32, #tpu.memory_space<vmem>>) semaphore(%arg7 : memref<!tpu.dma_semaphore, #tpu.memory_space<semaphore_mem>>)
      %add3A_1026 = arith.constant 8 : i32
      %add3A_1027 = arith.addi %mul3A_913, %add3A_1026 : i32
      %dma_start3A_1028 = arith.constant 1 : i32
      %dma_start3A_1029 = arith.constant 8 : i32
      %dma_start3A_1030 = arith.constant 0 : i32
      %dma_start3A_1031 = arith.constant 0 : i32
      %dma_start3A_1032 = tpu.memref_slice %arg6[%dma_start3A_1028, %dma_start3A_1029, %dma_start3A_1030, %dma_start3A_1031] : memref<2x32x50x32xf32, #tpu.memory_space<vmem>> -> memref<1x1x50x32xf32, #tpu.memory_space<vmem>>
      %dma_start3A_1033 = tpu.memref_squeeze %dma_start3A_1032 : memref<1x1x50x32xf32, #tpu.memory_space<vmem>> -> memref<50x32xf32, #tpu.memory_space<vmem>>
      %dma_start3A_1034 = arith.constant 0 : i32
      %dma_start3A_1035 = tpu.memref_slice %arg5[%add3A_1027, %dma_start3A_1034] : memref<512x50xi32, #tpu.memory_space<vmem>> -> memref<1x50xi32, #tpu.memory_space<vmem>>
      %dma_start3A_1036 = tpu.memref_squeeze %dma_start3A_1035 : memref<1x50xi32, #tpu.memory_space<vmem>> -> memref<50xi32, #tpu.memory_space<vmem>>
      %dma_start3A_1037 = arith.constant 0 : i32
      %dma_start3A_1038 = arith.constant 0 : i32
      %dma_start3A_1039 = tpu.memref_slice %arg2[%dma_start3A_1037, %dma_start3A_1038] : memref<1000000x32xf32, #tpu.memory_space<hbm>> -> memref<1000000x32xf32, #tpu.memory_space<hbm>>
      tpu.enqueue_indirect_dma source(%dma_start3A_1039 : memref<1000000x32xf32, #tpu.memory_space<hbm>>) target(%dma_start3A_1033 : memref<50x32xf32, #tpu.memory_space<vmem>>) offsets(%dma_start3A_1036 : memref<50xi32, #tpu.memory_space<vmem>>) semaphore(%arg7 : memref<!tpu.dma_semaphore, #tpu.memory_space<semaphore_mem>>)
      %add3A_1040 = arith.constant 9 : i32
      %add3A_1041 = arith.addi %mul3A_913, %add3A_1040 : i32
      %dma_start3A_1042 = arith.constant 1 : i32
      %dma_start3A_1043 = arith.constant 9 : i32
      %dma_start3A_1044 = arith.constant 0 : i32
      %dma_start3A_1045 = arith.constant 0 : i32
      %dma_start3A_1046 = tpu.memref_slice %arg6[%dma_start3A_1042, %dma_start3A_1043, %dma_start3A_1044, %dma_start3A_1045] : memref<2x32x50x32xf32, #tpu.memory_space<vmem>> -> memref<1x1x50x32xf32, #tpu.memory_space<vmem>>
      %dma_start3A_1047 = tpu.memref_squeeze %dma_start3A_1046 : memref<1x1x50x32xf32, #tpu.memory_space<vmem>> -> memref<50x32xf32, #tpu.memory_space<vmem>>
      %dma_start3A_1048 = arith.constant 0 : i32
      %dma_start3A_1049 = tpu.memref_slice %arg5[%add3A_1041, %dma_start3A_1048] : memref<512x50xi32, #tpu.memory_space<vmem>> -> memref<1x50xi32, #tpu.memory_space<vmem>>
      %dma_start3A_1050 = tpu.memref_squeeze %dma_start3A_1049 : memref<1x50xi32, #tpu.memory_space<vmem>> -> memref<50xi32, #tpu.memory_space<vmem>>
      %dma_start3A_1051 = arith.constant 0 : i32
      %dma_start3A_1052 = arith.constant 0 : i32
      %dma_start3A_1053 = tpu.memref_slice %arg2[%dma_start3A_1051, %dma_start3A_1052] : memref<1000000x32xf32, #tpu.memory_space<hbm>> -> memref<1000000x32xf32, #tpu.memory_space<hbm>>
      tpu.enqueue_indirect_dma source(%dma_start3A_1053 : memref<1000000x32xf32, #tpu.memory_space<hbm>>) target(%dma_start3A_1047 : memref<50x32xf32, #tpu.memory_space<vmem>>) offsets(%dma_start3A_1050 : memref<50xi32, #tpu.memory_space<vmem>>) semaphore(%arg7 : memref<!tpu.dma_semaphore, #tpu.memory_space<semaphore_mem>>)
      %add3A_1054 = arith.constant 10 : i32
      %add3A_1055 = arith.addi %mul3A_913, %add3A_1054 : i32
      %dma_start3A_1056 = arith.constant 1 : i32
      %dma_start3A_1057 = arith.constant 10 : i32
      %dma_start3A_1058 = arith.constant 0 : i32
      %dma_start3A_1059 = arith.constant 0 : i32
      %dma_start3A_1060 = tpu.memref_slice %arg6[%dma_start3A_1056, %dma_start3A_1057, %dma_start3A_1058, %dma_start3A_1059] : memref<2x32x50x32xf32, #tpu.memory_space<vmem>> -> memref<1x1x50x32xf32, #tpu.memory_space<vmem>>
      %dma_start3A_1061 = tpu.memref_squeeze %dma_start3A_1060 : memref<1x1x50x32xf32, #tpu.memory_space<vmem>> -> memref<50x32xf32, #tpu.memory_space<vmem>>
      %dma_start3A_1062 = arith.constant 0 : i32
      %dma_start3A_1063 = tpu.memref_slice %arg5[%add3A_1055, %dma_start3A_1062] : memref<512x50xi32, #tpu.memory_space<vmem>> -> memref<1x50xi32, #tpu.memory_space<vmem>>
      %dma_start3A_1064 = tpu.memref_squeeze %dma_start3A_1063 : memref<1x50xi32, #tpu.memory_space<vmem>> -> memref<50xi32, #tpu.memory_space<vmem>>
      %dma_start3A_1065 = arith.constant 0 : i32
      %dma_start3A_1066 = arith.constant 0 : i32
      %dma_start3A_1067 = tpu.memref_slice %arg2[%dma_start3A_1065, %dma_start3A_1066] : memref<1000000x32xf32, #tpu.memory_space<hbm>> -> memref<1000000x32xf32, #tpu.memory_space<hbm>>
      tpu.enqueue_indirect_dma source(%dma_start3A_1067 : memref<1000000x32xf32, #tpu.memory_space<hbm>>) target(%dma_start3A_1061 : memref<50x32xf32, #tpu.memory_space<vmem>>) offsets(%dma_start3A_1064 : memref<50xi32, #tpu.memory_space<vmem>>) semaphore(%arg7 : memref<!tpu.dma_semaphore, #tpu.memory_space<semaphore_mem>>)
      %add3A_1068 = arith.constant 11 : i32
      %add3A_1069 = arith.addi %mul3A_913, %add3A_1068 : i32
      %dma_start3A_1070 = arith.constant 1 : i32
      %dma_start3A_1071 = arith.constant 11 : i32
      %dma_start3A_1072 = arith.constant 0 : i32
      %dma_start3A_1073 = arith.constant 0 : i32
      %dma_start3A_1074 = tpu.memref_slice %arg6[%dma_start3A_1070, %dma_start3A_1071, %dma_start3A_1072, %dma_start3A_1073] : memref<2x32x50x32xf32, #tpu.memory_space<vmem>> -> memref<1x1x50x32xf32, #tpu.memory_space<vmem>>
      %dma_start3A_1075 = tpu.memref_squeeze %dma_start3A_1074 : memref<1x1x50x32xf32, #tpu.memory_space<vmem>> -> memref<50x32xf32, #tpu.memory_space<vmem>>
      %dma_start3A_1076 = arith.constant 0 : i32
      %dma_start3A_1077 = tpu.memref_slice %arg5[%add3A_1069, %dma_start3A_1076] : memref<512x50xi32, #tpu.memory_space<vmem>> -> memref<1x50xi32, #tpu.memory_space<vmem>>
      %dma_start3A_1078 = tpu.memref_squeeze %dma_start3A_1077 : memref<1x50xi32, #tpu.memory_space<vmem>> -> memref<50xi32, #tpu.memory_space<vmem>>
      %dma_start3A_1079 = arith.constant 0 : i32
      %dma_start3A_1080 = arith.constant 0 : i32
      %dma_start3A_1081 = tpu.memref_slice %arg2[%dma_start3A_1079, %dma_start3A_1080] : memref<1000000x32xf32, #tpu.memory_space<hbm>> -> memref<1000000x32xf32, #tpu.memory_space<hbm>>
      tpu.enqueue_indirect_dma source(%dma_start3A_1081 : memref<1000000x32xf32, #tpu.memory_space<hbm>>) target(%dma_start3A_1075 : memref<50x32xf32, #tpu.memory_space<vmem>>) offsets(%dma_start3A_1078 : memref<50xi32, #tpu.memory_space<vmem>>) semaphore(%arg7 : memref<!tpu.dma_semaphore, #tpu.memory_space<semaphore_mem>>)
      %add3A_1082 = arith.constant 12 : i32
      %add3A_1083 = arith.addi %mul3A_913, %add3A_1082 : i32
      %dma_start3A_1084 = arith.constant 1 : i32
      %dma_start3A_1085 = arith.constant 12 : i32
      %dma_start3A_1086 = arith.constant 0 : i32
      %dma_start3A_1087 = arith.constant 0 : i32
      %dma_start3A_1088 = tpu.memref_slice %arg6[%dma_start3A_1084, %dma_start3A_1085, %dma_start3A_1086, %dma_start3A_1087] : memref<2x32x50x32xf32, #tpu.memory_space<vmem>> -> memref<1x1x50x32xf32, #tpu.memory_space<vmem>>
      %dma_start3A_1089 = tpu.memref_squeeze %dma_start3A_1088 : memref<1x1x50x32xf32, #tpu.memory_space<vmem>> -> memref<50x32xf32, #tpu.memory_space<vmem>>
      %dma_start3A_1090 = arith.constant 0 : i32
      %dma_start3A_1091 = tpu.memref_slice %arg5[%add3A_1083, %dma_start3A_1090] : memref<512x50xi32, #tpu.memory_space<vmem>> -> memref<1x50xi32, #tpu.memory_space<vmem>>
      %dma_start3A_1092 = tpu.memref_squeeze %dma_start3A_1091 : memref<1x50xi32, #tpu.memory_space<vmem>> -> memref<50xi32, #tpu.memory_space<vmem>>
      %dma_start3A_1093 = arith.constant 0 : i32
      %dma_start3A_1094 = arith.constant 0 : i32
      %dma_start3A_1095 = tpu.memref_slice %arg2[%dma_start3A_1093, %dma_start3A_1094] : memref<1000000x32xf32, #tpu.memory_space<hbm>> -> memref<1000000x32xf32, #tpu.memory_space<hbm>>
      tpu.enqueue_indirect_dma source(%dma_start3A_1095 : memref<1000000x32xf32, #tpu.memory_space<hbm>>) target(%dma_start3A_1089 : memref<50x32xf32, #tpu.memory_space<vmem>>) offsets(%dma_start3A_1092 : memref<50xi32, #tpu.memory_space<vmem>>) semaphore(%arg7 : memref<!tpu.dma_semaphore, #tpu.memory_space<semaphore_mem>>)
      %add3A_1096 = arith.constant 13 : i32
      %add3A_1097 = arith.addi %mul3A_913, %add3A_1096 : i32
      %dma_start3A_1098 = arith.constant 1 : i32
      %dma_start3A_1099 = arith.constant 13 : i32
      %dma_start3A_1100 = arith.constant 0 : i32
      %dma_start3A_1101 = arith.constant 0 : i32
      %dma_start3A_1102 = tpu.memref_slice %arg6[%dma_start3A_1098, %dma_start3A_1099, %dma_start3A_1100, %dma_start3A_1101] : memref<2x32x50x32xf32, #tpu.memory_space<vmem>> -> memref<1x1x50x32xf32, #tpu.memory_space<vmem>>
      %dma_start3A_1103 = tpu.memref_squeeze %dma_start3A_1102 : memref<1x1x50x32xf32, #tpu.memory_space<vmem>> -> memref<50x32xf32, #tpu.memory_space<vmem>>
      %dma_start3A_1104 = arith.constant 0 : i32
      %dma_start3A_1105 = tpu.memref_slice %arg5[%add3A_1097, %dma_start3A_1104] : memref<512x50xi32, #tpu.memory_space<vmem>> -> memref<1x50xi32, #tpu.memory_space<vmem>>
      %dma_start3A_1106 = tpu.memref_squeeze %dma_start3A_1105 : memref<1x50xi32, #tpu.memory_space<vmem>> -> memref<50xi32, #tpu.memory_space<vmem>>
      %dma_start3A_1107 = arith.constant 0 : i32
      %dma_start3A_1108 = arith.constant 0 : i32
      %dma_start3A_1109 = tpu.memref_slice %arg2[%dma_start3A_1107, %dma_start3A_1108] : memref<1000000x32xf32, #tpu.memory_space<hbm>> -> memref<1000000x32xf32, #tpu.memory_space<hbm>>
      tpu.enqueue_indirect_dma source(%dma_start3A_1109 : memref<1000000x32xf32, #tpu.memory_space<hbm>>) target(%dma_start3A_1103 : memref<50x32xf32, #tpu.memory_space<vmem>>) offsets(%dma_start3A_1106 : memref<50xi32, #tpu.memory_space<vmem>>) semaphore(%arg7 : memref<!tpu.dma_semaphore, #tpu.memory_space<semaphore_mem>>)
      %add3A_1110 = arith.constant 14 : i32
      %add3A_1111 = arith.addi %mul3A_913, %add3A_1110 : i32
      %dma_start3A_1112 = arith.constant 1 : i32
      %dma_start3A_1113 = arith.constant 14 : i32
      %dma_start3A_1114 = arith.constant 0 : i32
      %dma_start3A_1115 = arith.constant 0 : i32
      %dma_start3A_1116 = tpu.memref_slice %arg6[%dma_start3A_1112, %dma_start3A_1113, %dma_start3A_1114, %dma_start3A_1115] : memref<2x32x50x32xf32, #tpu.memory_space<vmem>> -> memref<1x1x50x32xf32, #tpu.memory_space<vmem>>
      %dma_start3A_1117 = tpu.memref_squeeze %dma_start3A_1116 : memref<1x1x50x32xf32, #tpu.memory_space<vmem>> -> memref<50x32xf32, #tpu.memory_space<vmem>>
      %dma_start3A_1118 = arith.constant 0 : i32
      %dma_start3A_1119 = tpu.memref_slice %arg5[%add3A_1111, %dma_start3A_1118] : memref<512x50xi32, #tpu.memory_space<vmem>> -> memref<1x50xi32, #tpu.memory_space<vmem>>
      %dma_start3A_1120 = tpu.memref_squeeze %dma_start3A_1119 : memref<1x50xi32, #tpu.memory_space<vmem>> -> memref<50xi32, #tpu.memory_space<vmem>>
      %dma_start3A_1121 = arith.constant 0 : i32
      %dma_start3A_1122 = arith.constant 0 : i32
      %dma_start3A_1123 = tpu.memref_slice %arg2[%dma_start3A_1121, %dma_start3A_1122] : memref<1000000x32xf32, #tpu.memory_space<hbm>> -> memref<1000000x32xf32, #tpu.memory_space<hbm>>
      tpu.enqueue_indirect_dma source(%dma_start3A_1123 : memref<1000000x32xf32, #tpu.memory_space<hbm>>) target(%dma_start3A_1117 : memref<50x32xf32, #tpu.memory_space<vmem>>) offsets(%dma_start3A_1120 : memref<50xi32, #tpu.memory_space<vmem>>) semaphore(%arg7 : memref<!tpu.dma_semaphore, #tpu.memory_space<semaphore_mem>>)
      %add3A_1124 = arith.constant 15 : i32
      %add3A_1125 = arith.addi %mul3A_913, %add3A_1124 : i32
      %dma_start3A_1126 = arith.constant 1 : i32
      %dma_start3A_1127 = arith.constant 15 : i32
      %dma_start3A_1128 = arith.constant 0 : i32
      %dma_start3A_1129 = arith.constant 0 : i32
      %dma_start3A_1130 = tpu.memref_slice %arg6[%dma_start3A_1126, %dma_start3A_1127, %dma_start3A_1128, %dma_start3A_1129] : memref<2x32x50x32xf32, #tpu.memory_space<vmem>> -> memref<1x1x50x32xf32, #tpu.memory_space<vmem>>
      %dma_start3A_1131 = tpu.memref_squeeze %dma_start3A_1130 : memref<1x1x50x32xf32, #tpu.memory_space<vmem>> -> memref<50x32xf32, #tpu.memory_space<vmem>>
      %dma_start3A_1132 = arith.constant 0 : i32
      %dma_start3A_1133 = tpu.memref_slice %arg5[%add3A_1125, %dma_start3A_1132] : memref<512x50xi32, #tpu.memory_space<vmem>> -> memref<1x50xi32, #tpu.memory_space<vmem>>
      %dma_start3A_1134 = tpu.memref_squeeze %dma_start3A_1133 : memref<1x50xi32, #tpu.memory_space<vmem>> -> memref<50xi32, #tpu.memory_space<vmem>>
      %dma_start3A_1135 = arith.constant 0 : i32
      %dma_start3A_1136 = arith.constant 0 : i32
      %dma_start3A_1137 = tpu.memref_slice %arg2[%dma_start3A_1135, %dma_start3A_1136] : memref<1000000x32xf32, #tpu.memory_space<hbm>> -> memref<1000000x32xf32, #tpu.memory_space<hbm>>
      tpu.enqueue_indirect_dma source(%dma_start3A_1137 : memref<1000000x32xf32, #tpu.memory_space<hbm>>) target(%dma_start3A_1131 : memref<50x32xf32, #tpu.memory_space<vmem>>) offsets(%dma_start3A_1134 : memref<50xi32, #tpu.memory_space<vmem>>) semaphore(%arg7 : memref<!tpu.dma_semaphore, #tpu.memory_space<semaphore_mem>>)
      %add3A_1138 = arith.constant 16 : i32
      %add3A_1139 = arith.addi %mul3A_913, %add3A_1138 : i32
      %dma_start3A_1140 = arith.constant 1 : i32
      %dma_start3A_1141 = arith.constant 16 : i32
      %dma_start3A_1142 = arith.constant 0 : i32
      %dma_start3A_1143 = arith.constant 0 : i32
      %dma_start3A_1144 = tpu.memref_slice %arg6[%dma_start3A_1140, %dma_start3A_1141, %dma_start3A_1142, %dma_start3A_1143] : memref<2x32x50x32xf32, #tpu.memory_space<vmem>> -> memref<1x1x50x32xf32, #tpu.memory_space<vmem>>
      %dma_start3A_1145 = tpu.memref_squeeze %dma_start3A_1144 : memref<1x1x50x32xf32, #tpu.memory_space<vmem>> -> memref<50x32xf32, #tpu.memory_space<vmem>>
      %dma_start3A_1146 = arith.constant 0 : i32
      %dma_start3A_1147 = tpu.memref_slice %arg5[%add3A_1139, %dma_start3A_1146] : memref<512x50xi32, #tpu.memory_space<vmem>> -> memref<1x50xi32, #tpu.memory_space<vmem>>
      %dma_start3A_1148 = tpu.memref_squeeze %dma_start3A_1147 : memref<1x50xi32, #tpu.memory_space<vmem>> -> memref<50xi32, #tpu.memory_space<vmem>>
      %dma_start3A_1149 = arith.constant 0 : i32
      %dma_start3A_1150 = arith.constant 0 : i32
      %dma_start3A_1151 = tpu.memref_slice %arg2[%dma_start3A_1149, %dma_start3A_1150] : memref<1000000x32xf32, #tpu.memory_space<hbm>> -> memref<1000000x32xf32, #tpu.memory_space<hbm>>
      tpu.enqueue_indirect_dma source(%dma_start3A_1151 : memref<1000000x32xf32, #tpu.memory_space<hbm>>) target(%dma_start3A_1145 : memref<50x32xf32, #tpu.memory_space<vmem>>) offsets(%dma_start3A_1148 : memref<50xi32, #tpu.memory_space<vmem>>) semaphore(%arg7 : memref<!tpu.dma_semaphore, #tpu.memory_space<semaphore_mem>>)
      %add3A_1152 = arith.constant 17 : i32
      %add3A_1153 = arith.addi %mul3A_913, %add3A_1152 : i32
      %dma_start3A_1154 = arith.constant 1 : i32
      %dma_start3A_1155 = arith.constant 17 : i32
      %dma_start3A_1156 = arith.constant 0 : i32
      %dma_start3A_1157 = arith.constant 0 : i32
      %dma_start3A_1158 = tpu.memref_slice %arg6[%dma_start3A_1154, %dma_start3A_1155, %dma_start3A_1156, %dma_start3A_1157] : memref<2x32x50x32xf32, #tpu.memory_space<vmem>> -> memref<1x1x50x32xf32, #tpu.memory_space<vmem>>
      %dma_start3A_1159 = tpu.memref_squeeze %dma_start3A_1158 : memref<1x1x50x32xf32, #tpu.memory_space<vmem>> -> memref<50x32xf32, #tpu.memory_space<vmem>>
      %dma_start3A_1160 = arith.constant 0 : i32
      %dma_start3A_1161 = tpu.memref_slice %arg5[%add3A_1153, %dma_start3A_1160] : memref<512x50xi32, #tpu.memory_space<vmem>> -> memref<1x50xi32, #tpu.memory_space<vmem>>
      %dma_start3A_1162 = tpu.memref_squeeze %dma_start3A_1161 : memref<1x50xi32, #tpu.memory_space<vmem>> -> memref<50xi32, #tpu.memory_space<vmem>>
      %dma_start3A_1163 = arith.constant 0 : i32
      %dma_start3A_1164 = arith.constant 0 : i32
      %dma_start3A_1165 = tpu.memref_slice %arg2[%dma_start3A_1163, %dma_start3A_1164] : memref<1000000x32xf32, #tpu.memory_space<hbm>> -> memref<1000000x32xf32, #tpu.memory_space<hbm>>
      tpu.enqueue_indirect_dma source(%dma_start3A_1165 : memref<1000000x32xf32, #tpu.memory_space<hbm>>) target(%dma_start3A_1159 : memref<50x32xf32, #tpu.memory_space<vmem>>) offsets(%dma_start3A_1162 : memref<50xi32, #tpu.memory_space<vmem>>) semaphore(%arg7 : memref<!tpu.dma_semaphore, #tpu.memory_space<semaphore_mem>>)
      %add3A_1166 = arith.constant 18 : i32
      %add3A_1167 = arith.addi %mul3A_913, %add3A_1166 : i32
      %dma_start3A_1168 = arith.constant 1 : i32
      %dma_start3A_1169 = arith.constant 18 : i32
      %dma_start3A_1170 = arith.constant 0 : i32
      %dma_start3A_1171 = arith.constant 0 : i32
      %dma_start3A_1172 = tpu.memref_slice %arg6[%dma_start3A_1168, %dma_start3A_1169, %dma_start3A_1170, %dma_start3A_1171] : memref<2x32x50x32xf32, #tpu.memory_space<vmem>> -> memref<1x1x50x32xf32, #tpu.memory_space<vmem>>
      %dma_start3A_1173 = tpu.memref_squeeze %dma_start3A_1172 : memref<1x1x50x32xf32, #tpu.memory_space<vmem>> -> memref<50x32xf32, #tpu.memory_space<vmem>>
      %dma_start3A_1174 = arith.constant 0 : i32
      %dma_start3A_1175 = tpu.memref_slice %arg5[%add3A_1167, %dma_start3A_1174] : memref<512x50xi32, #tpu.memory_space<vmem>> -> memref<1x50xi32, #tpu.memory_space<vmem>>
      %dma_start3A_1176 = tpu.memref_squeeze %dma_start3A_1175 : memref<1x50xi32, #tpu.memory_space<vmem>> -> memref<50xi32, #tpu.memory_space<vmem>>
      %dma_start3A_1177 = arith.constant 0 : i32
      %dma_start3A_1178 = arith.constant 0 : i32
      %dma_start3A_1179 = tpu.memref_slice %arg2[%dma_start3A_1177, %dma_start3A_1178] : memref<1000000x32xf32, #tpu.memory_space<hbm>> -> memref<1000000x32xf32, #tpu.memory_space<hbm>>
      tpu.enqueue_indirect_dma source(%dma_start3A_1179 : memref<1000000x32xf32, #tpu.memory_space<hbm>>) target(%dma_start3A_1173 : memref<50x32xf32, #tpu.memory_space<vmem>>) offsets(%dma_start3A_1176 : memref<50xi32, #tpu.memory_space<vmem>>) semaphore(%arg7 : memref<!tpu.dma_semaphore, #tpu.memory_space<semaphore_mem>>)
      %add3A_1180 = arith.constant 19 : i32
      %add3A_1181 = arith.addi %mul3A_913, %add3A_1180 : i32
      %dma_start3A_1182 = arith.constant 1 : i32
      %dma_start3A_1183 = arith.constant 19 : i32
      %dma_start3A_1184 = arith.constant 0 : i32
      %dma_start3A_1185 = arith.constant 0 : i32
      %dma_start3A_1186 = tpu.memref_slice %arg6[%dma_start3A_1182, %dma_start3A_1183, %dma_start3A_1184, %dma_start3A_1185] : memref<2x32x50x32xf32, #tpu.memory_space<vmem>> -> memref<1x1x50x32xf32, #tpu.memory_space<vmem>>
      %dma_start3A_1187 = tpu.memref_squeeze %dma_start3A_1186 : memref<1x1x50x32xf32, #tpu.memory_space<vmem>> -> memref<50x32xf32, #tpu.memory_space<vmem>>
      %dma_start3A_1188 = arith.constant 0 : i32
      %dma_start3A_1189 = tpu.memref_slice %arg5[%add3A_1181, %dma_start3A_1188] : memref<512x50xi32, #tpu.memory_space<vmem>> -> memref<1x50xi32, #tpu.memory_space<vmem>>
      %dma_start3A_1190 = tpu.memref_squeeze %dma_start3A_1189 : memref<1x50xi32, #tpu.memory_space<vmem>> -> memref<50xi32, #tpu.memory_space<vmem>>
      %dma_start3A_1191 = arith.constant 0 : i32
      %dma_start3A_1192 = arith.constant 0 : i32
      %dma_start3A_1193 = tpu.memref_slice %arg2[%dma_start3A_1191, %dma_start3A_1192] : memref<1000000x32xf32, #tpu.memory_space<hbm>> -> memref<1000000x32xf32, #tpu.memory_space<hbm>>
      tpu.enqueue_indirect_dma source(%dma_start3A_1193 : memref<1000000x32xf32, #tpu.memory_space<hbm>>) target(%dma_start3A_1187 : memref<50x32xf32, #tpu.memory_space<vmem>>) offsets(%dma_start3A_1190 : memref<50xi32, #tpu.memory_space<vmem>>) semaphore(%arg7 : memref<!tpu.dma_semaphore, #tpu.memory_space<semaphore_mem>>)
      %add3A_1194 = arith.constant 20 : i32
      %add3A_1195 = arith.addi %mul3A_913, %add3A_1194 : i32
      %dma_start3A_1196 = arith.constant 1 : i32
      %dma_start3A_1197 = arith.constant 20 : i32
      %dma_start3A_1198 = arith.constant 0 : i32
      %dma_start3A_1199 = arith.constant 0 : i32
      %dma_start3A_1200 = tpu.memref_slice %arg6[%dma_start3A_1196, %dma_start3A_1197, %dma_start3A_1198, %dma_start3A_1199] : memref<2x32x50x32xf32, #tpu.memory_space<vmem>> -> memref<1x1x50x32xf32, #tpu.memory_space<vmem>>
      %dma_start3A_1201 = tpu.memref_squeeze %dma_start3A_1200 : memref<1x1x50x32xf32, #tpu.memory_space<vmem>> -> memref<50x32xf32, #tpu.memory_space<vmem>>
      %dma_start3A_1202 = arith.constant 0 : i32
      %dma_start3A_1203 = tpu.memref_slice %arg5[%add3A_1195, %dma_start3A_1202] : memref<512x50xi32, #tpu.memory_space<vmem>> -> memref<1x50xi32, #tpu.memory_space<vmem>>
      %dma_start3A_1204 = tpu.memref_squeeze %dma_start3A_1203 : memref<1x50xi32, #tpu.memory_space<vmem>> -> memref<50xi32, #tpu.memory_space<vmem>>
      %dma_start3A_1205 = arith.constant 0 : i32
      %dma_start3A_1206 = arith.constant 0 : i32
      %dma_start3A_1207 = tpu.memref_slice %arg2[%dma_start3A_1205, %dma_start3A_1206] : memref<1000000x32xf32, #tpu.memory_space<hbm>> -> memref<1000000x32xf32, #tpu.memory_space<hbm>>
      tpu.enqueue_indirect_dma source(%dma_start3A_1207 : memref<1000000x32xf32, #tpu.memory_space<hbm>>) target(%dma_start3A_1201 : memref<50x32xf32, #tpu.memory_space<vmem>>) offsets(%dma_start3A_1204 : memref<50xi32, #tpu.memory_space<vmem>>) semaphore(%arg7 : memref<!tpu.dma_semaphore, #tpu.memory_space<semaphore_mem>>)
      %add3A_1208 = arith.constant 21 : i32
      %add3A_1209 = arith.addi %mul3A_913, %add3A_1208 : i32
      %dma_start3A_1210 = arith.constant 1 : i32
      %dma_start3A_1211 = arith.constant 21 : i32
      %dma_start3A_1212 = arith.constant 0 : i32
      %dma_start3A_1213 = arith.constant 0 : i32
      %dma_start3A_1214 = tpu.memref_slice %arg6[%dma_start3A_1210, %dma_start3A_1211, %dma_start3A_1212, %dma_start3A_1213] : memref<2x32x50x32xf32, #tpu.memory_space<vmem>> -> memref<1x1x50x32xf32, #tpu.memory_space<vmem>>
      %dma_start3A_1215 = tpu.memref_squeeze %dma_start3A_1214 : memref<1x1x50x32xf32, #tpu.memory_space<vmem>> -> memref<50x32xf32, #tpu.memory_space<vmem>>
      %dma_start3A_1216 = arith.constant 0 : i32
      %dma_start3A_1217 = tpu.memref_slice %arg5[%add3A_1209, %dma_start3A_1216] : memref<512x50xi32, #tpu.memory_space<vmem>> -> memref<1x50xi32, #tpu.memory_space<vmem>>
      %dma_start3A_1218 = tpu.memref_squeeze %dma_start3A_1217 : memref<1x50xi32, #tpu.memory_space<vmem>> -> memref<50xi32, #tpu.memory_space<vmem>>
      %dma_start3A_1219 = arith.constant 0 : i32
      %dma_start3A_1220 = arith.constant 0 : i32
      %dma_start3A_1221 = tpu.memref_slice %arg2[%dma_start3A_1219, %dma_start3A_1220] : memref<1000000x32xf32, #tpu.memory_space<hbm>> -> memref<1000000x32xf32, #tpu.memory_space<hbm>>
      tpu.enqueue_indirect_dma source(%dma_start3A_1221 : memref<1000000x32xf32, #tpu.memory_space<hbm>>) target(%dma_start3A_1215 : memref<50x32xf32, #tpu.memory_space<vmem>>) offsets(%dma_start3A_1218 : memref<50xi32, #tpu.memory_space<vmem>>) semaphore(%arg7 : memref<!tpu.dma_semaphore, #tpu.memory_space<semaphore_mem>>)
      %add3A_1222 = arith.constant 22 : i32
      %add3A_1223 = arith.addi %mul3A_913, %add3A_1222 : i32
      %dma_start3A_1224 = arith.constant 1 : i32
      %dma_start3A_1225 = arith.constant 22 : i32
      %dma_start3A_1226 = arith.constant 0 : i32
      %dma_start3A_1227 = arith.constant 0 : i32
      %dma_start3A_1228 = tpu.memref_slice %arg6[%dma_start3A_1224, %dma_start3A_1225, %dma_start3A_1226, %dma_start3A_1227] : memref<2x32x50x32xf32, #tpu.memory_space<vmem>> -> memref<1x1x50x32xf32, #tpu.memory_space<vmem>>
      %dma_start3A_1229 = tpu.memref_squeeze %dma_start3A_1228 : memref<1x1x50x32xf32, #tpu.memory_space<vmem>> -> memref<50x32xf32, #tpu.memory_space<vmem>>
      %dma_start3A_1230 = arith.constant 0 : i32
      %dma_start3A_1231 = tpu.memref_slice %arg5[%add3A_1223, %dma_start3A_1230] : memref<512x50xi32, #tpu.memory_space<vmem>> -> memref<1x50xi32, #tpu.memory_space<vmem>>
      %dma_start3A_1232 = tpu.memref_squeeze %dma_start3A_1231 : memref<1x50xi32, #tpu.memory_space<vmem>> -> memref<50xi32, #tpu.memory_space<vmem>>
      %dma_start3A_1233 = arith.constant 0 : i32
      %dma_start3A_1234 = arith.constant 0 : i32
      %dma_start3A_1235 = tpu.memref_slice %arg2[%dma_start3A_1233, %dma_start3A_1234] : memref<1000000x32xf32, #tpu.memory_space<hbm>> -> memref<1000000x32xf32, #tpu.memory_space<hbm>>
      tpu.enqueue_indirect_dma source(%dma_start3A_1235 : memref<1000000x32xf32, #tpu.memory_space<hbm>>) target(%dma_start3A_1229 : memref<50x32xf32, #tpu.memory_space<vmem>>) offsets(%dma_start3A_1232 : memref<50xi32, #tpu.memory_space<vmem>>) semaphore(%arg7 : memref<!tpu.dma_semaphore, #tpu.memory_space<semaphore_mem>>)
      %add3A_1236 = arith.constant 23 : i32
      %add3A_1237 = arith.addi %mul3A_913, %add3A_1236 : i32
      %dma_start3A_1238 = arith.constant 1 : i32
      %dma_start3A_1239 = arith.constant 23 : i32
      %dma_start3A_1240 = arith.constant 0 : i32
      %dma_start3A_1241 = arith.constant 0 : i32
      %dma_start3A_1242 = tpu.memref_slice %arg6[%dma_start3A_1238, %dma_start3A_1239, %dma_start3A_1240, %dma_start3A_1241] : memref<2x32x50x32xf32, #tpu.memory_space<vmem>> -> memref<1x1x50x32xf32, #tpu.memory_space<vmem>>
      %dma_start3A_1243 = tpu.memref_squeeze %dma_start3A_1242 : memref<1x1x50x32xf32, #tpu.memory_space<vmem>> -> memref<50x32xf32, #tpu.memory_space<vmem>>
      %dma_start3A_1244 = arith.constant 0 : i32
      %dma_start3A_1245 = tpu.memref_slice %arg5[%add3A_1237, %dma_start3A_1244] : memref<512x50xi32, #tpu.memory_space<vmem>> -> memref<1x50xi32, #tpu.memory_space<vmem>>
      %dma_start3A_1246 = tpu.memref_squeeze %dma_start3A_1245 : memref<1x50xi32, #tpu.memory_space<vmem>> -> memref<50xi32, #tpu.memory_space<vmem>>
      %dma_start3A_1247 = arith.constant 0 : i32
      %dma_start3A_1248 = arith.constant 0 : i32
      %dma_start3A_1249 = tpu.memref_slice %arg2[%dma_start3A_1247, %dma_start3A_1248] : memref<1000000x32xf32, #tpu.memory_space<hbm>> -> memref<1000000x32xf32, #tpu.memory_space<hbm>>
      tpu.enqueue_indirect_dma source(%dma_start3A_1249 : memref<1000000x32xf32, #tpu.memory_space<hbm>>) target(%dma_start3A_1243 : memref<50x32xf32, #tpu.memory_space<vmem>>) offsets(%dma_start3A_1246 : memref<50xi32, #tpu.memory_space<vmem>>) semaphore(%arg7 : memref<!tpu.dma_semaphore, #tpu.memory_space<semaphore_mem>>)
      %add3A_1250 = arith.constant 24 : i32
      %add3A_1251 = arith.addi %mul3A_913, %add3A_1250 : i32
      %dma_start3A_1252 = arith.constant 1 : i32
      %dma_start3A_1253 = arith.constant 24 : i32
      %dma_start3A_1254 = arith.constant 0 : i32
      %dma_start3A_1255 = arith.constant 0 : i32
      %dma_start3A_1256 = tpu.memref_slice %arg6[%dma_start3A_1252, %dma_start3A_1253, %dma_start3A_1254, %dma_start3A_1255] : memref<2x32x50x32xf32, #tpu.memory_space<vmem>> -> memref<1x1x50x32xf32, #tpu.memory_space<vmem>>
      %dma_start3A_1257 = tpu.memref_squeeze %dma_start3A_1256 : memref<1x1x50x32xf32, #tpu.memory_space<vmem>> -> memref<50x32xf32, #tpu.memory_space<vmem>>
      %dma_start3A_1258 = arith.constant 0 : i32
      %dma_start3A_1259 = tpu.memref_slice %arg5[%add3A_1251, %dma_start3A_1258] : memref<512x50xi32, #tpu.memory_space<vmem>> -> memref<1x50xi32, #tpu.memory_space<vmem>>
      %dma_start3A_1260 = tpu.memref_squeeze %dma_start3A_1259 : memref<1x50xi32, #tpu.memory_space<vmem>> -> memref<50xi32, #tpu.memory_space<vmem>>
      %dma_start3A_1261 = arith.constant 0 : i32
      %dma_start3A_1262 = arith.constant 0 : i32
      %dma_start3A_1263 = tpu.memref_slice %arg2[%dma_start3A_1261, %dma_start3A_1262] : memref<1000000x32xf32, #tpu.memory_space<hbm>> -> memref<1000000x32xf32, #tpu.memory_space<hbm>>
      tpu.enqueue_indirect_dma source(%dma_start3A_1263 : memref<1000000x32xf32, #tpu.memory_space<hbm>>) target(%dma_start3A_1257 : memref<50x32xf32, #tpu.memory_space<vmem>>) offsets(%dma_start3A_1260 : memref<50xi32, #tpu.memory_space<vmem>>) semaphore(%arg7 : memref<!tpu.dma_semaphore, #tpu.memory_space<semaphore_mem>>)
      %add3A_1264 = arith.constant 25 : i32
      %add3A_1265 = arith.addi %mul3A_913, %add3A_1264 : i32
      %dma_start3A_1266 = arith.constant 1 : i32
      %dma_start3A_1267 = arith.constant 25 : i32
      %dma_start3A_1268 = arith.constant 0 : i32
      %dma_start3A_1269 = arith.constant 0 : i32
      %dma_start3A_1270 = tpu.memref_slice %arg6[%dma_start3A_1266, %dma_start3A_1267, %dma_start3A_1268, %dma_start3A_1269] : memref<2x32x50x32xf32, #tpu.memory_space<vmem>> -> memref<1x1x50x32xf32, #tpu.memory_space<vmem>>
      %dma_start3A_1271 = tpu.memref_squeeze %dma_start3A_1270 : memref<1x1x50x32xf32, #tpu.memory_space<vmem>> -> memref<50x32xf32, #tpu.memory_space<vmem>>
      %dma_start3A_1272 = arith.constant 0 : i32
      %dma_start3A_1273 = tpu.memref_slice %arg5[%add3A_1265, %dma_start3A_1272] : memref<512x50xi32, #tpu.memory_space<vmem>> -> memref<1x50xi32, #tpu.memory_space<vmem>>
      %dma_start3A_1274 = tpu.memref_squeeze %dma_start3A_1273 : memref<1x50xi32, #tpu.memory_space<vmem>> -> memref<50xi32, #tpu.memory_space<vmem>>
      %dma_start3A_1275 = arith.constant 0 : i32
      %dma_start3A_1276 = arith.constant 0 : i32
      %dma_start3A_1277 = tpu.memref_slice %arg2[%dma_start3A_1275, %dma_start3A_1276] : memref<1000000x32xf32, #tpu.memory_space<hbm>> -> memref<1000000x32xf32, #tpu.memory_space<hbm>>
      tpu.enqueue_indirect_dma source(%dma_start3A_1277 : memref<1000000x32xf32, #tpu.memory_space<hbm>>) target(%dma_start3A_1271 : memref<50x32xf32, #tpu.memory_space<vmem>>) offsets(%dma_start3A_1274 : memref<50xi32, #tpu.memory_space<vmem>>) semaphore(%arg7 : memref<!tpu.dma_semaphore, #tpu.memory_space<semaphore_mem>>)
      %add3A_1278 = arith.constant 26 : i32
      %add3A_1279 = arith.addi %mul3A_913, %add3A_1278 : i32
      %dma_start3A_1280 = arith.constant 1 : i32
      %dma_start3A_1281 = arith.constant 26 : i32
      %dma_start3A_1282 = arith.constant 0 : i32
      %dma_start3A_1283 = arith.constant 0 : i32
      %dma_start3A_1284 = tpu.memref_slice %arg6[%dma_start3A_1280, %dma_start3A_1281, %dma_start3A_1282, %dma_start3A_1283] : memref<2x32x50x32xf32, #tpu.memory_space<vmem>> -> memref<1x1x50x32xf32, #tpu.memory_space<vmem>>
      %dma_start3A_1285 = tpu.memref_squeeze %dma_start3A_1284 : memref<1x1x50x32xf32, #tpu.memory_space<vmem>> -> memref<50x32xf32, #tpu.memory_space<vmem>>
      %dma_start3A_1286 = arith.constant 0 : i32
      %dma_start3A_1287 = tpu.memref_slice %arg5[%add3A_1279, %dma_start3A_1286] : memref<512x50xi32, #tpu.memory_space<vmem>> -> memref<1x50xi32, #tpu.memory_space<vmem>>
      %dma_start3A_1288 = tpu.memref_squeeze %dma_start3A_1287 : memref<1x50xi32, #tpu.memory_space<vmem>> -> memref<50xi32, #tpu.memory_space<vmem>>
      %dma_start3A_1289 = arith.constant 0 : i32
      %dma_start3A_1290 = arith.constant 0 : i32
      %dma_start3A_1291 = tpu.memref_slice %arg2[%dma_start3A_1289, %dma_start3A_1290] : memref<1000000x32xf32, #tpu.memory_space<hbm>> -> memref<1000000x32xf32, #tpu.memory_space<hbm>>
      tpu.enqueue_indirect_dma source(%dma_start3A_1291 : memref<1000000x32xf32, #tpu.memory_space<hbm>>) target(%dma_start3A_1285 : memref<50x32xf32, #tpu.memory_space<vmem>>) offsets(%dma_start3A_1288 : memref<50xi32, #tpu.memory_space<vmem>>) semaphore(%arg7 : memref<!tpu.dma_semaphore, #tpu.memory_space<semaphore_mem>>)
      %add3A_1292 = arith.constant 27 : i32
      %add3A_1293 = arith.addi %mul3A_913, %add3A_1292 : i32
      %dma_start3A_1294 = arith.constant 1 : i32
      %dma_start3A_1295 = arith.constant 27 : i32
      %dma_start3A_1296 = arith.constant 0 : i32
      %dma_start3A_1297 = arith.constant 0 : i32
      %dma_start3A_1298 = tpu.memref_slice %arg6[%dma_start3A_1294, %dma_start3A_1295, %dma_start3A_1296, %dma_start3A_1297] : memref<2x32x50x32xf32, #tpu.memory_space<vmem>> -> memref<1x1x50x32xf32, #tpu.memory_space<vmem>>
      %dma_start3A_1299 = tpu.memref_squeeze %dma_start3A_1298 : memref<1x1x50x32xf32, #tpu.memory_space<vmem>> -> memref<50x32xf32, #tpu.memory_space<vmem>>
      %dma_start3A_1300 = arith.constant 0 : i32
      %dma_start3A_1301 = tpu.memref_slice %arg5[%add3A_1293, %dma_start3A_1300] : memref<512x50xi32, #tpu.memory_space<vmem>> -> memref<1x50xi32, #tpu.memory_space<vmem>>
      %dma_start3A_1302 = tpu.memref_squeeze %dma_start3A_1301 : memref<1x50xi32, #tpu.memory_space<vmem>> -> memref<50xi32, #tpu.memory_space<vmem>>
      %dma_start3A_1303 = arith.constant 0 : i32
      %dma_start3A_1304 = arith.constant 0 : i32
      %dma_start3A_1305 = tpu.memref_slice %arg2[%dma_start3A_1303, %dma_start3A_1304] : memref<1000000x32xf32, #tpu.memory_space<hbm>> -> memref<1000000x32xf32, #tpu.memory_space<hbm>>
      tpu.enqueue_indirect_dma source(%dma_start3A_1305 : memref<1000000x32xf32, #tpu.memory_space<hbm>>) target(%dma_start3A_1299 : memref<50x32xf32, #tpu.memory_space<vmem>>) offsets(%dma_start3A_1302 : memref<50xi32, #tpu.memory_space<vmem>>) semaphore(%arg7 : memref<!tpu.dma_semaphore, #tpu.memory_space<semaphore_mem>>)
      %add3A_1306 = arith.constant 28 : i32
      %add3A_1307 = arith.addi %mul3A_913, %add3A_1306 : i32
      %dma_start3A_1308 = arith.constant 1 : i32
      %dma_start3A_1309 = arith.constant 28 : i32
      %dma_start3A_1310 = arith.constant 0 : i32
      %dma_start3A_1311 = arith.constant 0 : i32
      %dma_start3A_1312 = tpu.memref_slice %arg6[%dma_start3A_1308, %dma_start3A_1309, %dma_start3A_1310, %dma_start3A_1311] : memref<2x32x50x32xf32, #tpu.memory_space<vmem>> -> memref<1x1x50x32xf32, #tpu.memory_space<vmem>>
      %dma_start3A_1313 = tpu.memref_squeeze %dma_start3A_1312 : memref<1x1x50x32xf32, #tpu.memory_space<vmem>> -> memref<50x32xf32, #tpu.memory_space<vmem>>
      %dma_start3A_1314 = arith.constant 0 : i32
      %dma_start3A_1315 = tpu.memref_slice %arg5[%add3A_1307, %dma_start3A_1314] : memref<512x50xi32, #tpu.memory_space<vmem>> -> memref<1x50xi32, #tpu.memory_space<vmem>>
      %dma_start3A_1316 = tpu.memref_squeeze %dma_start3A_1315 : memref<1x50xi32, #tpu.memory_space<vmem>> -> memref<50xi32, #tpu.memory_space<vmem>>
      %dma_start3A_1317 = arith.constant 0 : i32
      %dma_start3A_1318 = arith.constant 0 : i32
      %dma_start3A_1319 = tpu.memref_slice %arg2[%dma_start3A_1317, %dma_start3A_1318] : memref<1000000x32xf32, #tpu.memory_space<hbm>> -> memref<1000000x32xf32, #tpu.memory_space<hbm>>
      tpu.enqueue_indirect_dma source(%dma_start3A_1319 : memref<1000000x32xf32, #tpu.memory_space<hbm>>) target(%dma_start3A_1313 : memref<50x32xf32, #tpu.memory_space<vmem>>) offsets(%dma_start3A_1316 : memref<50xi32, #tpu.memory_space<vmem>>) semaphore(%arg7 : memref<!tpu.dma_semaphore, #tpu.memory_space<semaphore_mem>>)
      %add3A_1320 = arith.constant 29 : i32
      %add3A_1321 = arith.addi %mul3A_913, %add3A_1320 : i32
      %dma_start3A_1322 = arith.constant 1 : i32
      %dma_start3A_1323 = arith.constant 29 : i32
      %dma_start3A_1324 = arith.constant 0 : i32
      %dma_start3A_1325 = arith.constant 0 : i32
      %dma_start3A_1326 = tpu.memref_slice %arg6[%dma_start3A_1322, %dma_start3A_1323, %dma_start3A_1324, %dma_start3A_1325] : memref<2x32x50x32xf32, #tpu.memory_space<vmem>> -> memref<1x1x50x32xf32, #tpu.memory_space<vmem>>
      %dma_start3A_1327 = tpu.memref_squeeze %dma_start3A_1326 : memref<1x1x50x32xf32, #tpu.memory_space<vmem>> -> memref<50x32xf32, #tpu.memory_space<vmem>>
      %dma_start3A_1328 = arith.constant 0 : i32
      %dma_start3A_1329 = tpu.memref_slice %arg5[%add3A_1321, %dma_start3A_1328] : memref<512x50xi32, #tpu.memory_space<vmem>> -> memref<1x50xi32, #tpu.memory_space<vmem>>
      %dma_start3A_1330 = tpu.memref_squeeze %dma_start3A_1329 : memref<1x50xi32, #tpu.memory_space<vmem>> -> memref<50xi32, #tpu.memory_space<vmem>>
      %dma_start3A_1331 = arith.constant 0 : i32
      %dma_start3A_1332 = arith.constant 0 : i32
      %dma_start3A_1333 = tpu.memref_slice %arg2[%dma_start3A_1331, %dma_start3A_1332] : memref<1000000x32xf32, #tpu.memory_space<hbm>> -> memref<1000000x32xf32, #tpu.memory_space<hbm>>
      tpu.enqueue_indirect_dma source(%dma_start3A_1333 : memref<1000000x32xf32, #tpu.memory_space<hbm>>) target(%dma_start3A_1327 : memref<50x32xf32, #tpu.memory_space<vmem>>) offsets(%dma_start3A_1330 : memref<50xi32, #tpu.memory_space<vmem>>) semaphore(%arg7 : memref<!tpu.dma_semaphore, #tpu.memory_space<semaphore_mem>>)
      %add3A_1334 = arith.constant 30 : i32
      %add3A_1335 = arith.addi %mul3A_913, %add3A_1334 : i32
      %dma_start3A_1336 = arith.constant 1 : i32
      %dma_start3A_1337 = arith.constant 30 : i32
      %dma_start3A_1338 = arith.constant 0 : i32
      %dma_start3A_1339 = arith.constant 0 : i32
      %dma_start3A_1340 = tpu.memref_slice %arg6[%dma_start3A_1336, %dma_start3A_1337, %dma_start3A_1338, %dma_start3A_1339] : memref<2x32x50x32xf32, #tpu.memory_space<vmem>> -> memref<1x1x50x32xf32, #tpu.memory_space<vmem>>
      %dma_start3A_1341 = tpu.memref_squeeze %dma_start3A_1340 : memref<1x1x50x32xf32, #tpu.memory_space<vmem>> -> memref<50x32xf32, #tpu.memory_space<vmem>>
      %dma_start3A_1342 = arith.constant 0 : i32
      %dma_start3A_1343 = tpu.memref_slice %arg5[%add3A_1335, %dma_start3A_1342] : memref<512x50xi32, #tpu.memory_space<vmem>> -> memref<1x50xi32, #tpu.memory_space<vmem>>
      %dma_start3A_1344 = tpu.memref_squeeze %dma_start3A_1343 : memref<1x50xi32, #tpu.memory_space<vmem>> -> memref<50xi32, #tpu.memory_space<vmem>>
      %dma_start3A_1345 = arith.constant 0 : i32
      %dma_start3A_1346 = arith.constant 0 : i32
      %dma_start3A_1347 = tpu.memref_slice %arg2[%dma_start3A_1345, %dma_start3A_1346] : memref<1000000x32xf32, #tpu.memory_space<hbm>> -> memref<1000000x32xf32, #tpu.memory_space<hbm>>
      tpu.enqueue_indirect_dma source(%dma_start3A_1347 : memref<1000000x32xf32, #tpu.memory_space<hbm>>) target(%dma_start3A_1341 : memref<50x32xf32, #tpu.memory_space<vmem>>) offsets(%dma_start3A_1344 : memref<50xi32, #tpu.memory_space<vmem>>) semaphore(%arg7 : memref<!tpu.dma_semaphore, #tpu.memory_space<semaphore_mem>>)
      %add3A_1348 = arith.constant 31 : i32
      %add3A_1349 = arith.addi %mul3A_913, %add3A_1348 : i32
      %dma_start3A_1350 = arith.constant 1 : i32
      %dma_start3A_1351 = arith.constant 31 : i32
      %dma_start3A_1352 = arith.constant 0 : i32
      %dma_start3A_1353 = arith.constant 0 : i32
      %dma_start3A_1354 = tpu.memref_slice %arg6[%dma_start3A_1350, %dma_start3A_1351, %dma_start3A_1352, %dma_start3A_1353] : memref<2x32x50x32xf32, #tpu.memory_space<vmem>> -> memref<1x1x50x32xf32, #tpu.memory_space<vmem>>
      %dma_start3A_1355 = tpu.memref_squeeze %dma_start3A_1354 : memref<1x1x50x32xf32, #tpu.memory_space<vmem>> -> memref<50x32xf32, #tpu.memory_space<vmem>>
      %dma_start3A_1356 = arith.constant 0 : i32
      %dma_start3A_1357 = tpu.memref_slice %arg5[%add3A_1349, %dma_start3A_1356] : memref<512x50xi32, #tpu.memory_space<vmem>> -> memref<1x50xi32, #tpu.memory_space<vmem>>
      %dma_start3A_1358 = tpu.memref_squeeze %dma_start3A_1357 : memref<1x50xi32, #tpu.memory_space<vmem>> -> memref<50xi32, #tpu.memory_space<vmem>>
      %dma_start3A_1359 = arith.constant 0 : i32
      %dma_start3A_1360 = arith.constant 0 : i32
      %dma_start3A_1361 = tpu.memref_slice %arg2[%dma_start3A_1359, %dma_start3A_1360] : memref<1000000x32xf32, #tpu.memory_space<hbm>> -> memref<1000000x32xf32, #tpu.memory_space<hbm>>
      tpu.enqueue_indirect_dma source(%dma_start3A_1361 : memref<1000000x32xf32, #tpu.memory_space<hbm>>) target(%dma_start3A_1355 : memref<50x32xf32, #tpu.memory_space<vmem>>) offsets(%dma_start3A_1358 : memref<50xi32, #tpu.memory_space<vmem>>) semaphore(%arg7 : memref<!tpu.dma_semaphore, #tpu.memory_space<semaphore_mem>>)
      %dma_wait3A_1362 = arith.constant 1 : i32
      %dma_wait3A_1363 = arith.constant 0 : i32
      %dma_wait3A_1364 = arith.constant 0 : i32
      %dma_wait3A_1365 = arith.constant 0 : i32
      %dma_wait3A_1366 = tpu.memref_slice %arg6[%dma_wait3A_1362, %dma_wait3A_1363, %dma_wait3A_1364, %dma_wait3A_1365] : memref<2x32x50x32xf32, #tpu.memory_space<vmem>> -> memref<1x1x50x32xf32, #tpu.memory_space<vmem>>
      %dma_wait3A_1367 = tpu.memref_squeeze %dma_wait3A_1366 : memref<1x1x50x32xf32, #tpu.memory_space<vmem>> -> memref<50x32xf32, #tpu.memory_space<vmem>>
      %dma_wait3A_1368 = arith.constant 0 : i32
      %dma_wait3A_1369 = tpu.memref_slice %arg5[%add3A_915, %dma_wait3A_1368] : memref<512x50xi32, #tpu.memory_space<vmem>> -> memref<1x50xi32, #tpu.memory_space<vmem>>
      %dma_wait3A_1370 = tpu.memref_squeeze %dma_wait3A_1369 : memref<1x50xi32, #tpu.memory_space<vmem>> -> memref<50xi32, #tpu.memory_space<vmem>>
      %dma_wait3A_1371 = arith.constant 0 : i32
      %dma_wait3A_1372 = arith.constant 0 : i32
      %dma_wait3A_1373 = tpu.memref_slice %arg2[%dma_wait3A_1371, %dma_wait3A_1372] : memref<1000000x32xf32, #tpu.memory_space<hbm>> -> memref<1000000x32xf32, #tpu.memory_space<hbm>>
      tpu.wait_indirect_dma semaphore(%arg7 : memref<!tpu.dma_semaphore, #tpu.memory_space<semaphore_mem>>) src(%dma_wait3A_1373 : memref<1000000x32xf32, #tpu.memory_space<hbm>>) dst(%dma_wait3A_1367 : memref<50x32xf32, #tpu.memory_space<vmem>>)
      %dma_wait3A_1374 = arith.constant 1 : i32
      %dma_wait3A_1375 = arith.constant 1 : i32
      %dma_wait3A_1376 = arith.constant 0 : i32
      %dma_wait3A_1377 = arith.constant 0 : i32
      %dma_wait3A_1378 = tpu.memref_slice %arg6[%dma_wait3A_1374, %dma_wait3A_1375, %dma_wait3A_1376, %dma_wait3A_1377] : memref<2x32x50x32xf32, #tpu.memory_space<vmem>> -> memref<1x1x50x32xf32, #tpu.memory_space<vmem>>
      %dma_wait3A_1379 = tpu.memref_squeeze %dma_wait3A_1378 : memref<1x1x50x32xf32, #tpu.memory_space<vmem>> -> memref<50x32xf32, #tpu.memory_space<vmem>>
      %dma_wait3A_1380 = arith.constant 0 : i32
      %dma_wait3A_1381 = tpu.memref_slice %arg5[%add3A_929, %dma_wait3A_1380] : memref<512x50xi32, #tpu.memory_space<vmem>> -> memref<1x50xi32, #tpu.memory_space<vmem>>
      %dma_wait3A_1382 = tpu.memref_squeeze %dma_wait3A_1381 : memref<1x50xi32, #tpu.memory_space<vmem>> -> memref<50xi32, #tpu.memory_space<vmem>>
      %dma_wait3A_1383 = arith.constant 0 : i32
      %dma_wait3A_1384 = arith.constant 0 : i32
      %dma_wait3A_1385 = tpu.memref_slice %arg2[%dma_wait3A_1383, %dma_wait3A_1384] : memref<1000000x32xf32, #tpu.memory_space<hbm>> -> memref<1000000x32xf32, #tpu.memory_space<hbm>>
      tpu.wait_indirect_dma semaphore(%arg7 : memref<!tpu.dma_semaphore, #tpu.memory_space<semaphore_mem>>) src(%dma_wait3A_1385 : memref<1000000x32xf32, #tpu.memory_space<hbm>>) dst(%dma_wait3A_1379 : memref<50x32xf32, #tpu.memory_space<vmem>>)
      %dma_wait3A_1386 = arith.constant 1 : i32
      %dma_wait3A_1387 = arith.constant 2 : i32
      %dma_wait3A_1388 = arith.constant 0 : i32
      %dma_wait3A_1389 = arith.constant 0 : i32
      %dma_wait3A_1390 = tpu.memref_slice %arg6[%dma_wait3A_1386, %dma_wait3A_1387, %dma_wait3A_1388, %dma_wait3A_1389] : memref<2x32x50x32xf32, #tpu.memory_space<vmem>> -> memref<1x1x50x32xf32, #tpu.memory_space<vmem>>
      %dma_wait3A_1391 = tpu.memref_squeeze %dma_wait3A_1390 : memref<1x1x50x32xf32, #tpu.memory_space<vmem>> -> memref<50x32xf32, #tpu.memory_space<vmem>>
      %dma_wait3A_1392 = arith.constant 0 : i32
      %dma_wait3A_1393 = tpu.memref_slice %arg5[%add3A_943, %dma_wait3A_1392] : memref<512x50xi32, #tpu.memory_space<vmem>> -> memref<1x50xi32, #tpu.memory_space<vmem>>
      %dma_wait3A_1394 = tpu.memref_squeeze %dma_wait3A_1393 : memref<1x50xi32, #tpu.memory_space<vmem>> -> memref<50xi32, #tpu.memory_space<vmem>>
      %dma_wait3A_1395 = arith.constant 0 : i32
      %dma_wait3A_1396 = arith.constant 0 : i32
      %dma_wait3A_1397 = tpu.memref_slice %arg2[%dma_wait3A_1395, %dma_wait3A_1396] : memref<1000000x32xf32, #tpu.memory_space<hbm>> -> memref<1000000x32xf32, #tpu.memory_space<hbm>>
      tpu.wait_indirect_dma semaphore(%arg7 : memref<!tpu.dma_semaphore, #tpu.memory_space<semaphore_mem>>) src(%dma_wait3A_1397 : memref<1000000x32xf32, #tpu.memory_space<hbm>>) dst(%dma_wait3A_1391 : memref<50x32xf32, #tpu.memory_space<vmem>>)
      %dma_wait3A_1398 = arith.constant 1 : i32
      %dma_wait3A_1399 = arith.constant 3 : i32
      %dma_wait3A_1400 = arith.constant 0 : i32
      %dma_wait3A_1401 = arith.constant 0 : i32
      %dma_wait3A_1402 = tpu.memref_slice %arg6[%dma_wait3A_1398, %dma_wait3A_1399, %dma_wait3A_1400, %dma_wait3A_1401] : memref<2x32x50x32xf32, #tpu.memory_space<vmem>> -> memref<1x1x50x32xf32, #tpu.memory_space<vmem>>
      %dma_wait3A_1403 = tpu.memref_squeeze %dma_wait3A_1402 : memref<1x1x50x32xf32, #tpu.memory_space<vmem>> -> memref<50x32xf32, #tpu.memory_space<vmem>>
      %dma_wait3A_1404 = arith.constant 0 : i32
      %dma_wait3A_1405 = tpu.memref_slice %arg5[%add3A_957, %dma_wait3A_1404] : memref<512x50xi32, #tpu.memory_space<vmem>> -> memref<1x50xi32, #tpu.memory_space<vmem>>
      %dma_wait3A_1406 = tpu.memref_squeeze %dma_wait3A_1405 : memref<1x50xi32, #tpu.memory_space<vmem>> -> memref<50xi32, #tpu.memory_space<vmem>>
      %dma_wait3A_1407 = arith.constant 0 : i32
      %dma_wait3A_1408 = arith.constant 0 : i32
      %dma_wait3A_1409 = tpu.memref_slice %arg2[%dma_wait3A_1407, %dma_wait3A_1408] : memref<1000000x32xf32, #tpu.memory_space<hbm>> -> memref<1000000x32xf32, #tpu.memory_space<hbm>>
      tpu.wait_indirect_dma semaphore(%arg7 : memref<!tpu.dma_semaphore, #tpu.memory_space<semaphore_mem>>) src(%dma_wait3A_1409 : memref<1000000x32xf32, #tpu.memory_space<hbm>>) dst(%dma_wait3A_1403 : memref<50x32xf32, #tpu.memory_space<vmem>>)
      %dma_wait3A_1410 = arith.constant 1 : i32
      %dma_wait3A_1411 = arith.constant 4 : i32
      %dma_wait3A_1412 = arith.constant 0 : i32
      %dma_wait3A_1413 = arith.constant 0 : i32
      %dma_wait3A_1414 = tpu.memref_slice %arg6[%dma_wait3A_1410, %dma_wait3A_1411, %dma_wait3A_1412, %dma_wait3A_1413] : memref<2x32x50x32xf32, #tpu.memory_space<vmem>> -> memref<1x1x50x32xf32, #tpu.memory_space<vmem>>
      %dma_wait3A_1415 = tpu.memref_squeeze %dma_wait3A_1414 : memref<1x1x50x32xf32, #tpu.memory_space<vmem>> -> memref<50x32xf32, #tpu.memory_space<vmem>>
      %dma_wait3A_1416 = arith.constant 0 : i32
      %dma_wait3A_1417 = tpu.memref_slice %arg5[%add3A_971, %dma_wait3A_1416] : memref<512x50xi32, #tpu.memory_space<vmem>> -> memref<1x50xi32, #tpu.memory_space<vmem>>
      %dma_wait3A_1418 = tpu.memref_squeeze %dma_wait3A_1417 : memref<1x50xi32, #tpu.memory_space<vmem>> -> memref<50xi32, #tpu.memory_space<vmem>>
      %dma_wait3A_1419 = arith.constant 0 : i32
      %dma_wait3A_1420 = arith.constant 0 : i32
      %dma_wait3A_1421 = tpu.memref_slice %arg2[%dma_wait3A_1419, %dma_wait3A_1420] : memref<1000000x32xf32, #tpu.memory_space<hbm>> -> memref<1000000x32xf32, #tpu.memory_space<hbm>>
      tpu.wait_indirect_dma semaphore(%arg7 : memref<!tpu.dma_semaphore, #tpu.memory_space<semaphore_mem>>) src(%dma_wait3A_1421 : memref<1000000x32xf32, #tpu.memory_space<hbm>>) dst(%dma_wait3A_1415 : memref<50x32xf32, #tpu.memory_space<vmem>>)
      %dma_wait3A_1422 = arith.constant 1 : i32
      %dma_wait3A_1423 = arith.constant 5 : i32
      %dma_wait3A_1424 = arith.constant 0 : i32
      %dma_wait3A_1425 = arith.constant 0 : i32
      %dma_wait3A_1426 = tpu.memref_slice %arg6[%dma_wait3A_1422, %dma_wait3A_1423, %dma_wait3A_1424, %dma_wait3A_1425] : memref<2x32x50x32xf32, #tpu.memory_space<vmem>> -> memref<1x1x50x32xf32, #tpu.memory_space<vmem>>
      %dma_wait3A_1427 = tpu.memref_squeeze %dma_wait3A_1426 : memref<1x1x50x32xf32, #tpu.memory_space<vmem>> -> memref<50x32xf32, #tpu.memory_space<vmem>>
      %dma_wait3A_1428 = arith.constant 0 : i32
      %dma_wait3A_1429 = tpu.memref_slice %arg5[%add3A_985, %dma_wait3A_1428] : memref<512x50xi32, #tpu.memory_space<vmem>> -> memref<1x50xi32, #tpu.memory_space<vmem>>
      %dma_wait3A_1430 = tpu.memref_squeeze %dma_wait3A_1429 : memref<1x50xi32, #tpu.memory_space<vmem>> -> memref<50xi32, #tpu.memory_space<vmem>>
      %dma_wait3A_1431 = arith.constant 0 : i32
      %dma_wait3A_1432 = arith.constant 0 : i32
      %dma_wait3A_1433 = tpu.memref_slice %arg2[%dma_wait3A_1431, %dma_wait3A_1432] : memref<1000000x32xf32, #tpu.memory_space<hbm>> -> memref<1000000x32xf32, #tpu.memory_space<hbm>>
      tpu.wait_indirect_dma semaphore(%arg7 : memref<!tpu.dma_semaphore, #tpu.memory_space<semaphore_mem>>) src(%dma_wait3A_1433 : memref<1000000x32xf32, #tpu.memory_space<hbm>>) dst(%dma_wait3A_1427 : memref<50x32xf32, #tpu.memory_space<vmem>>)
      %dma_wait3A_1434 = arith.constant 1 : i32
      %dma_wait3A_1435 = arith.constant 6 : i32
      %dma_wait3A_1436 = arith.constant 0 : i32
      %dma_wait3A_1437 = arith.constant 0 : i32
      %dma_wait3A_1438 = tpu.memref_slice %arg6[%dma_wait3A_1434, %dma_wait3A_1435, %dma_wait3A_1436, %dma_wait3A_1437] : memref<2x32x50x32xf32, #tpu.memory_space<vmem>> -> memref<1x1x50x32xf32, #tpu.memory_space<vmem>>
      %dma_wait3A_1439 = tpu.memref_squeeze %dma_wait3A_1438 : memref<1x1x50x32xf32, #tpu.memory_space<vmem>> -> memref<50x32xf32, #tpu.memory_space<vmem>>
      %dma_wait3A_1440 = arith.constant 0 : i32
      %dma_wait3A_1441 = tpu.memref_slice %arg5[%add3A_999, %dma_wait3A_1440] : memref<512x50xi32, #tpu.memory_space<vmem>> -> memref<1x50xi32, #tpu.memory_space<vmem>>
      %dma_wait3A_1442 = tpu.memref_squeeze %dma_wait3A_1441 : memref<1x50xi32, #tpu.memory_space<vmem>> -> memref<50xi32, #tpu.memory_space<vmem>>
      %dma_wait3A_1443 = arith.constant 0 : i32
      %dma_wait3A_1444 = arith.constant 0 : i32
      %dma_wait3A_1445 = tpu.memref_slice %arg2[%dma_wait3A_1443, %dma_wait3A_1444] : memref<1000000x32xf32, #tpu.memory_space<hbm>> -> memref<1000000x32xf32, #tpu.memory_space<hbm>>
      tpu.wait_indirect_dma semaphore(%arg7 : memref<!tpu.dma_semaphore, #tpu.memory_space<semaphore_mem>>) src(%dma_wait3A_1445 : memref<1000000x32xf32, #tpu.memory_space<hbm>>) dst(%dma_wait3A_1439 : memref<50x32xf32, #tpu.memory_space<vmem>>)
      %dma_wait3A_1446 = arith.constant 1 : i32
      %dma_wait3A_1447 = arith.constant 7 : i32
      %dma_wait3A_1448 = arith.constant 0 : i32
      %dma_wait3A_1449 = arith.constant 0 : i32
      %dma_wait3A_1450 = tpu.memref_slice %arg6[%dma_wait3A_1446, %dma_wait3A_1447, %dma_wait3A_1448, %dma_wait3A_1449] : memref<2x32x50x32xf32, #tpu.memory_space<vmem>> -> memref<1x1x50x32xf32, #tpu.memory_space<vmem>>
      %dma_wait3A_1451 = tpu.memref_squeeze %dma_wait3A_1450 : memref<1x1x50x32xf32, #tpu.memory_space<vmem>> -> memref<50x32xf32, #tpu.memory_space<vmem>>
      %dma_wait3A_1452 = arith.constant 0 : i32
      %dma_wait3A_1453 = tpu.memref_slice %arg5[%add3A_1013, %dma_wait3A_1452] : memref<512x50xi32, #tpu.memory_space<vmem>> -> memref<1x50xi32, #tpu.memory_space<vmem>>
      %dma_wait3A_1454 = tpu.memref_squeeze %dma_wait3A_1453 : memref<1x50xi32, #tpu.memory_space<vmem>> -> memref<50xi32, #tpu.memory_space<vmem>>
      %dma_wait3A_1455 = arith.constant 0 : i32
      %dma_wait3A_1456 = arith.constant 0 : i32
      %dma_wait3A_1457 = tpu.memref_slice %arg2[%dma_wait3A_1455, %dma_wait3A_1456] : memref<1000000x32xf32, #tpu.memory_space<hbm>> -> memref<1000000x32xf32, #tpu.memory_space<hbm>>
      tpu.wait_indirect_dma semaphore(%arg7 : memref<!tpu.dma_semaphore, #tpu.memory_space<semaphore_mem>>) src(%dma_wait3A_1457 : memref<1000000x32xf32, #tpu.memory_space<hbm>>) dst(%dma_wait3A_1451 : memref<50x32xf32, #tpu.memory_space<vmem>>)
      %dma_wait3A_1458 = arith.constant 1 : i32
      %dma_wait3A_1459 = arith.constant 8 : i32
      %dma_wait3A_1460 = arith.constant 0 : i32
      %dma_wait3A_1461 = arith.constant 0 : i32
      %dma_wait3A_1462 = tpu.memref_slice %arg6[%dma_wait3A_1458, %dma_wait3A_1459, %dma_wait3A_1460, %dma_wait3A_1461] : memref<2x32x50x32xf32, #tpu.memory_space<vmem>> -> memref<1x1x50x32xf32, #tpu.memory_space<vmem>>
      %dma_wait3A_1463 = tpu.memref_squeeze %dma_wait3A_1462 : memref<1x1x50x32xf32, #tpu.memory_space<vmem>> -> memref<50x32xf32, #tpu.memory_space<vmem>>
      %dma_wait3A_1464 = arith.constant 0 : i32
      %dma_wait3A_1465 = tpu.memref_slice %arg5[%add3A_1027, %dma_wait3A_1464] : memref<512x50xi32, #tpu.memory_space<vmem>> -> memref<1x50xi32, #tpu.memory_space<vmem>>
      %dma_wait3A_1466 = tpu.memref_squeeze %dma_wait3A_1465 : memref<1x50xi32, #tpu.memory_space<vmem>> -> memref<50xi32, #tpu.memory_space<vmem>>
      %dma_wait3A_1467 = arith.constant 0 : i32
      %dma_wait3A_1468 = arith.constant 0 : i32
      %dma_wait3A_1469 = tpu.memref_slice %arg2[%dma_wait3A_1467, %dma_wait3A_1468] : memref<1000000x32xf32, #tpu.memory_space<hbm>> -> memref<1000000x32xf32, #tpu.memory_space<hbm>>
      tpu.wait_indirect_dma semaphore(%arg7 : memref<!tpu.dma_semaphore, #tpu.memory_space<semaphore_mem>>) src(%dma_wait3A_1469 : memref<1000000x32xf32, #tpu.memory_space<hbm>>) dst(%dma_wait3A_1463 : memref<50x32xf32, #tpu.memory_space<vmem>>)
      %dma_wait3A_1470 = arith.constant 1 : i32
      %dma_wait3A_1471 = arith.constant 9 : i32
      %dma_wait3A_1472 = arith.constant 0 : i32
      %dma_wait3A_1473 = arith.constant 0 : i32
      %dma_wait3A_1474 = tpu.memref_slice %arg6[%dma_wait3A_1470, %dma_wait3A_1471, %dma_wait3A_1472, %dma_wait3A_1473] : memref<2x32x50x32xf32, #tpu.memory_space<vmem>> -> memref<1x1x50x32xf32, #tpu.memory_space<vmem>>
      %dma_wait3A_1475 = tpu.memref_squeeze %dma_wait3A_1474 : memref<1x1x50x32xf32, #tpu.memory_space<vmem>> -> memref<50x32xf32, #tpu.memory_space<vmem>>
      %dma_wait3A_1476 = arith.constant 0 : i32
      %dma_wait3A_1477 = tpu.memref_slice %arg5[%add3A_1041, %dma_wait3A_1476] : memref<512x50xi32, #tpu.memory_space<vmem>> -> memref<1x50xi32, #tpu.memory_space<vmem>>
      %dma_wait3A_1478 = tpu.memref_squeeze %dma_wait3A_1477 : memref<1x50xi32, #tpu.memory_space<vmem>> -> memref<50xi32, #tpu.memory_space<vmem>>
      %dma_wait3A_1479 = arith.constant 0 : i32
      %dma_wait3A_1480 = arith.constant 0 : i32
      %dma_wait3A_1481 = tpu.memref_slice %arg2[%dma_wait3A_1479, %dma_wait3A_1480] : memref<1000000x32xf32, #tpu.memory_space<hbm>> -> memref<1000000x32xf32, #tpu.memory_space<hbm>>
      tpu.wait_indirect_dma semaphore(%arg7 : memref<!tpu.dma_semaphore, #tpu.memory_space<semaphore_mem>>) src(%dma_wait3A_1481 : memref<1000000x32xf32, #tpu.memory_space<hbm>>) dst(%dma_wait3A_1475 : memref<50x32xf32, #tpu.memory_space<vmem>>)
      %dma_wait3A_1482 = arith.constant 1 : i32
      %dma_wait3A_1483 = arith.constant 10 : i32
      %dma_wait3A_1484 = arith.constant 0 : i32
      %dma_wait3A_1485 = arith.constant 0 : i32
      %dma_wait3A_1486 = tpu.memref_slice %arg6[%dma_wait3A_1482, %dma_wait3A_1483, %dma_wait3A_1484, %dma_wait3A_1485] : memref<2x32x50x32xf32, #tpu.memory_space<vmem>> -> memref<1x1x50x32xf32, #tpu.memory_space<vmem>>
      %dma_wait3A_1487 = tpu.memref_squeeze %dma_wait3A_1486 : memref<1x1x50x32xf32, #tpu.memory_space<vmem>> -> memref<50x32xf32, #tpu.memory_space<vmem>>
      %dma_wait3A_1488 = arith.constant 0 : i32
      %dma_wait3A_1489 = tpu.memref_slice %arg5[%add3A_1055, %dma_wait3A_1488] : memref<512x50xi32, #tpu.memory_space<vmem>> -> memref<1x50xi32, #tpu.memory_space<vmem>>
      %dma_wait3A_1490 = tpu.memref_squeeze %dma_wait3A_1489 : memref<1x50xi32, #tpu.memory_space<vmem>> -> memref<50xi32, #tpu.memory_space<vmem>>
      %dma_wait3A_1491 = arith.constant 0 : i32
      %dma_wait3A_1492 = arith.constant 0 : i32
      %dma_wait3A_1493 = tpu.memref_slice %arg2[%dma_wait3A_1491, %dma_wait3A_1492] : memref<1000000x32xf32, #tpu.memory_space<hbm>> -> memref<1000000x32xf32, #tpu.memory_space<hbm>>
      tpu.wait_indirect_dma semaphore(%arg7 : memref<!tpu.dma_semaphore, #tpu.memory_space<semaphore_mem>>) src(%dma_wait3A_1493 : memref<1000000x32xf32, #tpu.memory_space<hbm>>) dst(%dma_wait3A_1487 : memref<50x32xf32, #tpu.memory_space<vmem>>)
      %dma_wait3A_1494 = arith.constant 1 : i32
      %dma_wait3A_1495 = arith.constant 11 : i32
      %dma_wait3A_1496 = arith.constant 0 : i32
      %dma_wait3A_1497 = arith.constant 0 : i32
      %dma_wait3A_1498 = tpu.memref_slice %arg6[%dma_wait3A_1494, %dma_wait3A_1495, %dma_wait3A_1496, %dma_wait3A_1497] : memref<2x32x50x32xf32, #tpu.memory_space<vmem>> -> memref<1x1x50x32xf32, #tpu.memory_space<vmem>>
      %dma_wait3A_1499 = tpu.memref_squeeze %dma_wait3A_1498 : memref<1x1x50x32xf32, #tpu.memory_space<vmem>> -> memref<50x32xf32, #tpu.memory_space<vmem>>
      %dma_wait3A_1500 = arith.constant 0 : i32
      %dma_wait3A_1501 = tpu.memref_slice %arg5[%add3A_1069, %dma_wait3A_1500] : memref<512x50xi32, #tpu.memory_space<vmem>> -> memref<1x50xi32, #tpu.memory_space<vmem>>
      %dma_wait3A_1502 = tpu.memref_squeeze %dma_wait3A_1501 : memref<1x50xi32, #tpu.memory_space<vmem>> -> memref<50xi32, #tpu.memory_space<vmem>>
      %dma_wait3A_1503 = arith.constant 0 : i32
      %dma_wait3A_1504 = arith.constant 0 : i32
      %dma_wait3A_1505 = tpu.memref_slice %arg2[%dma_wait3A_1503, %dma_wait3A_1504] : memref<1000000x32xf32, #tpu.memory_space<hbm>> -> memref<1000000x32xf32, #tpu.memory_space<hbm>>
      tpu.wait_indirect_dma semaphore(%arg7 : memref<!tpu.dma_semaphore, #tpu.memory_space<semaphore_mem>>) src(%dma_wait3A_1505 : memref<1000000x32xf32, #tpu.memory_space<hbm>>) dst(%dma_wait3A_1499 : memref<50x32xf32, #tpu.memory_space<vmem>>)
      %dma_wait3A_1506 = arith.constant 1 : i32
      %dma_wait3A_1507 = arith.constant 12 : i32
      %dma_wait3A_1508 = arith.constant 0 : i32
      %dma_wait3A_1509 = arith.constant 0 : i32
      %dma_wait3A_1510 = tpu.memref_slice %arg6[%dma_wait3A_1506, %dma_wait3A_1507, %dma_wait3A_1508, %dma_wait3A_1509] : memref<2x32x50x32xf32, #tpu.memory_space<vmem>> -> memref<1x1x50x32xf32, #tpu.memory_space<vmem>>
      %dma_wait3A_1511 = tpu.memref_squeeze %dma_wait3A_1510 : memref<1x1x50x32xf32, #tpu.memory_space<vmem>> -> memref<50x32xf32, #tpu.memory_space<vmem>>
      %dma_wait3A_1512 = arith.constant 0 : i32
      %dma_wait3A_1513 = tpu.memref_slice %arg5[%add3A_1083, %dma_wait3A_1512] : memref<512x50xi32, #tpu.memory_space<vmem>> -> memref<1x50xi32, #tpu.memory_space<vmem>>
      %dma_wait3A_1514 = tpu.memref_squeeze %dma_wait3A_1513 : memref<1x50xi32, #tpu.memory_space<vmem>> -> memref<50xi32, #tpu.memory_space<vmem>>
      %dma_wait3A_1515 = arith.constant 0 : i32
      %dma_wait3A_1516 = arith.constant 0 : i32
      %dma_wait3A_1517 = tpu.memref_slice %arg2[%dma_wait3A_1515, %dma_wait3A_1516] : memref<1000000x32xf32, #tpu.memory_space<hbm>> -> memref<1000000x32xf32, #tpu.memory_space<hbm>>
      tpu.wait_indirect_dma semaphore(%arg7 : memref<!tpu.dma_semaphore, #tpu.memory_space<semaphore_mem>>) src(%dma_wait3A_1517 : memref<1000000x32xf32, #tpu.memory_space<hbm>>) dst(%dma_wait3A_1511 : memref<50x32xf32, #tpu.memory_space<vmem>>)
      %dma_wait3A_1518 = arith.constant 1 : i32
      %dma_wait3A_1519 = arith.constant 13 : i32
      %dma_wait3A_1520 = arith.constant 0 : i32
      %dma_wait3A_1521 = arith.constant 0 : i32
      %dma_wait3A_1522 = tpu.memref_slice %arg6[%dma_wait3A_1518, %dma_wait3A_1519, %dma_wait3A_1520, %dma_wait3A_1521] : memref<2x32x50x32xf32, #tpu.memory_space<vmem>> -> memref<1x1x50x32xf32, #tpu.memory_space<vmem>>
      %dma_wait3A_1523 = tpu.memref_squeeze %dma_wait3A_1522 : memref<1x1x50x32xf32, #tpu.memory_space<vmem>> -> memref<50x32xf32, #tpu.memory_space<vmem>>
      %dma_wait3A_1524 = arith.constant 0 : i32
      %dma_wait3A_1525 = tpu.memref_slice %arg5[%add3A_1097, %dma_wait3A_1524] : memref<512x50xi32, #tpu.memory_space<vmem>> -> memref<1x50xi32, #tpu.memory_space<vmem>>
      %dma_wait3A_1526 = tpu.memref_squeeze %dma_wait3A_1525 : memref<1x50xi32, #tpu.memory_space<vmem>> -> memref<50xi32, #tpu.memory_space<vmem>>
      %dma_wait3A_1527 = arith.constant 0 : i32
      %dma_wait3A_1528 = arith.constant 0 : i32
      %dma_wait3A_1529 = tpu.memref_slice %arg2[%dma_wait3A_1527, %dma_wait3A_1528] : memref<1000000x32xf32, #tpu.memory_space<hbm>> -> memref<1000000x32xf32, #tpu.memory_space<hbm>>
      tpu.wait_indirect_dma semaphore(%arg7 : memref<!tpu.dma_semaphore, #tpu.memory_space<semaphore_mem>>) src(%dma_wait3A_1529 : memref<1000000x32xf32, #tpu.memory_space<hbm>>) dst(%dma_wait3A_1523 : memref<50x32xf32, #tpu.memory_space<vmem>>)
      %dma_wait3A_1530 = arith.constant 1 : i32
      %dma_wait3A_1531 = arith.constant 14 : i32
      %dma_wait3A_1532 = arith.constant 0 : i32
      %dma_wait3A_1533 = arith.constant 0 : i32
      %dma_wait3A_1534 = tpu.memref_slice %arg6[%dma_wait3A_1530, %dma_wait3A_1531, %dma_wait3A_1532, %dma_wait3A_1533] : memref<2x32x50x32xf32, #tpu.memory_space<vmem>> -> memref<1x1x50x32xf32, #tpu.memory_space<vmem>>
      %dma_wait3A_1535 = tpu.memref_squeeze %dma_wait3A_1534 : memref<1x1x50x32xf32, #tpu.memory_space<vmem>> -> memref<50x32xf32, #tpu.memory_space<vmem>>
      %dma_wait3A_1536 = arith.constant 0 : i32
      %dma_wait3A_1537 = tpu.memref_slice %arg5[%add3A_1111, %dma_wait3A_1536] : memref<512x50xi32, #tpu.memory_space<vmem>> -> memref<1x50xi32, #tpu.memory_space<vmem>>
      %dma_wait3A_1538 = tpu.memref_squeeze %dma_wait3A_1537 : memref<1x50xi32, #tpu.memory_space<vmem>> -> memref<50xi32, #tpu.memory_space<vmem>>
      %dma_wait3A_1539 = arith.constant 0 : i32
      %dma_wait3A_1540 = arith.constant 0 : i32
      %dma_wait3A_1541 = tpu.memref_slice %arg2[%dma_wait3A_1539, %dma_wait3A_1540] : memref<1000000x32xf32, #tpu.memory_space<hbm>> -> memref<1000000x32xf32, #tpu.memory_space<hbm>>
      tpu.wait_indirect_dma semaphore(%arg7 : memref<!tpu.dma_semaphore, #tpu.memory_space<semaphore_mem>>) src(%dma_wait3A_1541 : memref<1000000x32xf32, #tpu.memory_space<hbm>>) dst(%dma_wait3A_1535 : memref<50x32xf32, #tpu.memory_space<vmem>>)
      %dma_wait3A_1542 = arith.constant 1 : i32
      %dma_wait3A_1543 = arith.constant 15 : i32
      %dma_wait3A_1544 = arith.constant 0 : i32
      %dma_wait3A_1545 = arith.constant 0 : i32
      %dma_wait3A_1546 = tpu.memref_slice %arg6[%dma_wait3A_1542, %dma_wait3A_1543, %dma_wait3A_1544, %dma_wait3A_1545] : memref<2x32x50x32xf32, #tpu.memory_space<vmem>> -> memref<1x1x50x32xf32, #tpu.memory_space<vmem>>
      %dma_wait3A_1547 = tpu.memref_squeeze %dma_wait3A_1546 : memref<1x1x50x32xf32, #tpu.memory_space<vmem>> -> memref<50x32xf32, #tpu.memory_space<vmem>>
      %dma_wait3A_1548 = arith.constant 0 : i32
      %dma_wait3A_1549 = tpu.memref_slice %arg5[%add3A_1125, %dma_wait3A_1548] : memref<512x50xi32, #tpu.memory_space<vmem>> -> memref<1x50xi32, #tpu.memory_space<vmem>>
      %dma_wait3A_1550 = tpu.memref_squeeze %dma_wait3A_1549 : memref<1x50xi32, #tpu.memory_space<vmem>> -> memref<50xi32, #tpu.memory_space<vmem>>
      %dma_wait3A_1551 = arith.constant 0 : i32
      %dma_wait3A_1552 = arith.constant 0 : i32
      %dma_wait3A_1553 = tpu.memref_slice %arg2[%dma_wait3A_1551, %dma_wait3A_1552] : memref<1000000x32xf32, #tpu.memory_space<hbm>> -> memref<1000000x32xf32, #tpu.memory_space<hbm>>
      tpu.wait_indirect_dma semaphore(%arg7 : memref<!tpu.dma_semaphore, #tpu.memory_space<semaphore_mem>>) src(%dma_wait3A_1553 : memref<1000000x32xf32, #tpu.memory_space<hbm>>) dst(%dma_wait3A_1547 : memref<50x32xf32, #tpu.memory_space<vmem>>)
      %dma_wait3A_1554 = arith.constant 1 : i32
      %dma_wait3A_1555 = arith.constant 16 : i32
      %dma_wait3A_1556 = arith.constant 0 : i32
      %dma_wait3A_1557 = arith.constant 0 : i32
      %dma_wait3A_1558 = tpu.memref_slice %arg6[%dma_wait3A_1554, %dma_wait3A_1555, %dma_wait3A_1556, %dma_wait3A_1557] : memref<2x32x50x32xf32, #tpu.memory_space<vmem>> -> memref<1x1x50x32xf32, #tpu.memory_space<vmem>>
      %dma_wait3A_1559 = tpu.memref_squeeze %dma_wait3A_1558 : memref<1x1x50x32xf32, #tpu.memory_space<vmem>> -> memref<50x32xf32, #tpu.memory_space<vmem>>
      %dma_wait3A_1560 = arith.constant 0 : i32
      %dma_wait3A_1561 = tpu.memref_slice %arg5[%add3A_1139, %dma_wait3A_1560] : memref<512x50xi32, #tpu.memory_space<vmem>> -> memref<1x50xi32, #tpu.memory_space<vmem>>
      %dma_wait3A_1562 = tpu.memref_squeeze %dma_wait3A_1561 : memref<1x50xi32, #tpu.memory_space<vmem>> -> memref<50xi32, #tpu.memory_space<vmem>>
      %dma_wait3A_1563 = arith.constant 0 : i32
      %dma_wait3A_1564 = arith.constant 0 : i32
      %dma_wait3A_1565 = tpu.memref_slice %arg2[%dma_wait3A_1563, %dma_wait3A_1564] : memref<1000000x32xf32, #tpu.memory_space<hbm>> -> memref<1000000x32xf32, #tpu.memory_space<hbm>>
      tpu.wait_indirect_dma semaphore(%arg7 : memref<!tpu.dma_semaphore, #tpu.memory_space<semaphore_mem>>) src(%dma_wait3A_1565 : memref<1000000x32xf32, #tpu.memory_space<hbm>>) dst(%dma_wait3A_1559 : memref<50x32xf32, #tpu.memory_space<vmem>>)
      %dma_wait3A_1566 = arith.constant 1 : i32
      %dma_wait3A_1567 = arith.constant 17 : i32
      %dma_wait3A_1568 = arith.constant 0 : i32
      %dma_wait3A_1569 = arith.constant 0 : i32
      %dma_wait3A_1570 = tpu.memref_slice %arg6[%dma_wait3A_1566, %dma_wait3A_1567, %dma_wait3A_1568, %dma_wait3A_1569] : memref<2x32x50x32xf32, #tpu.memory_space<vmem>> -> memref<1x1x50x32xf32, #tpu.memory_space<vmem>>
      %dma_wait3A_1571 = tpu.memref_squeeze %dma_wait3A_1570 : memref<1x1x50x32xf32, #tpu.memory_space<vmem>> -> memref<50x32xf32, #tpu.memory_space<vmem>>
      %dma_wait3A_1572 = arith.constant 0 : i32
      %dma_wait3A_1573 = tpu.memref_slice %arg5[%add3A_1153, %dma_wait3A_1572] : memref<512x50xi32, #tpu.memory_space<vmem>> -> memref<1x50xi32, #tpu.memory_space<vmem>>
      %dma_wait3A_1574 = tpu.memref_squeeze %dma_wait3A_1573 : memref<1x50xi32, #tpu.memory_space<vmem>> -> memref<50xi32, #tpu.memory_space<vmem>>
      %dma_wait3A_1575 = arith.constant 0 : i32
      %dma_wait3A_1576 = arith.constant 0 : i32
      %dma_wait3A_1577 = tpu.memref_slice %arg2[%dma_wait3A_1575, %dma_wait3A_1576] : memref<1000000x32xf32, #tpu.memory_space<hbm>> -> memref<1000000x32xf32, #tpu.memory_space<hbm>>
      tpu.wait_indirect_dma semaphore(%arg7 : memref<!tpu.dma_semaphore, #tpu.memory_space<semaphore_mem>>) src(%dma_wait3A_1577 : memref<1000000x32xf32, #tpu.memory_space<hbm>>) dst(%dma_wait3A_1571 : memref<50x32xf32, #tpu.memory_space<vmem>>)
      %dma_wait3A_1578 = arith.constant 1 : i32
      %dma_wait3A_1579 = arith.constant 18 : i32
      %dma_wait3A_1580 = arith.constant 0 : i32
      %dma_wait3A_1581 = arith.constant 0 : i32
      %dma_wait3A_1582 = tpu.memref_slice %arg6[%dma_wait3A_1578, %dma_wait3A_1579, %dma_wait3A_1580, %dma_wait3A_1581] : memref<2x32x50x32xf32, #tpu.memory_space<vmem>> -> memref<1x1x50x32xf32, #tpu.memory_space<vmem>>
      %dma_wait3A_1583 = tpu.memref_squeeze %dma_wait3A_1582 : memref<1x1x50x32xf32, #tpu.memory_space<vmem>> -> memref<50x32xf32, #tpu.memory_space<vmem>>
      %dma_wait3A_1584 = arith.constant 0 : i32
      %dma_wait3A_1585 = tpu.memref_slice %arg5[%add3A_1167, %dma_wait3A_1584] : memref<512x50xi32, #tpu.memory_space<vmem>> -> memref<1x50xi32, #tpu.memory_space<vmem>>
      %dma_wait3A_1586 = tpu.memref_squeeze %dma_wait3A_1585 : memref<1x50xi32, #tpu.memory_space<vmem>> -> memref<50xi32, #tpu.memory_space<vmem>>
      %dma_wait3A_1587 = arith.constant 0 : i32
      %dma_wait3A_1588 = arith.constant 0 : i32
      %dma_wait3A_1589 = tpu.memref_slice %arg2[%dma_wait3A_1587, %dma_wait3A_1588] : memref<1000000x32xf32, #tpu.memory_space<hbm>> -> memref<1000000x32xf32, #tpu.memory_space<hbm>>
      tpu.wait_indirect_dma semaphore(%arg7 : memref<!tpu.dma_semaphore, #tpu.memory_space<semaphore_mem>>) src(%dma_wait3A_1589 : memref<1000000x32xf32, #tpu.memory_space<hbm>>) dst(%dma_wait3A_1583 : memref<50x32xf32, #tpu.memory_space<vmem>>)
      %dma_wait3A_1590 = arith.constant 1 : i32
      %dma_wait3A_1591 = arith.constant 19 : i32
      %dma_wait3A_1592 = arith.constant 0 : i32
      %dma_wait3A_1593 = arith.constant 0 : i32
      %dma_wait3A_1594 = tpu.memref_slice %arg6[%dma_wait3A_1590, %dma_wait3A_1591, %dma_wait3A_1592, %dma_wait3A_1593] : memref<2x32x50x32xf32, #tpu.memory_space<vmem>> -> memref<1x1x50x32xf32, #tpu.memory_space<vmem>>
      %dma_wait3A_1595 = tpu.memref_squeeze %dma_wait3A_1594 : memref<1x1x50x32xf32, #tpu.memory_space<vmem>> -> memref<50x32xf32, #tpu.memory_space<vmem>>
      %dma_wait3A_1596 = arith.constant 0 : i32
      %dma_wait3A_1597 = tpu.memref_slice %arg5[%add3A_1181, %dma_wait3A_1596] : memref<512x50xi32, #tpu.memory_space<vmem>> -> memref<1x50xi32, #tpu.memory_space<vmem>>
      %dma_wait3A_1598 = tpu.memref_squeeze %dma_wait3A_1597 : memref<1x50xi32, #tpu.memory_space<vmem>> -> memref<50xi32, #tpu.memory_space<vmem>>
      %dma_wait3A_1599 = arith.constant 0 : i32
      %dma_wait3A_1600 = arith.constant 0 : i32
      %dma_wait3A_1601 = tpu.memref_slice %arg2[%dma_wait3A_1599, %dma_wait3A_1600] : memref<1000000x32xf32, #tpu.memory_space<hbm>> -> memref<1000000x32xf32, #tpu.memory_space<hbm>>
      tpu.wait_indirect_dma semaphore(%arg7 : memref<!tpu.dma_semaphore, #tpu.memory_space<semaphore_mem>>) src(%dma_wait3A_1601 : memref<1000000x32xf32, #tpu.memory_space<hbm>>) dst(%dma_wait3A_1595 : memref<50x32xf32, #tpu.memory_space<vmem>>)
      %dma_wait3A_1602 = arith.constant 1 : i32
      %dma_wait3A_1603 = arith.constant 20 : i32
      %dma_wait3A_1604 = arith.constant 0 : i32
      %dma_wait3A_1605 = arith.constant 0 : i32
      %dma_wait3A_1606 = tpu.memref_slice %arg6[%dma_wait3A_1602, %dma_wait3A_1603, %dma_wait3A_1604, %dma_wait3A_1605] : memref<2x32x50x32xf32, #tpu.memory_space<vmem>> -> memref<1x1x50x32xf32, #tpu.memory_space<vmem>>
      %dma_wait3A_1607 = tpu.memref_squeeze %dma_wait3A_1606 : memref<1x1x50x32xf32, #tpu.memory_space<vmem>> -> memref<50x32xf32, #tpu.memory_space<vmem>>
      %dma_wait3A_1608 = arith.constant 0 : i32
      %dma_wait3A_1609 = tpu.memref_slice %arg5[%add3A_1195, %dma_wait3A_1608] : memref<512x50xi32, #tpu.memory_space<vmem>> -> memref<1x50xi32, #tpu.memory_space<vmem>>
      %dma_wait3A_1610 = tpu.memref_squeeze %dma_wait3A_1609 : memref<1x50xi32, #tpu.memory_space<vmem>> -> memref<50xi32, #tpu.memory_space<vmem>>
      %dma_wait3A_1611 = arith.constant 0 : i32
      %dma_wait3A_1612 = arith.constant 0 : i32
      %dma_wait3A_1613 = tpu.memref_slice %arg2[%dma_wait3A_1611, %dma_wait3A_1612] : memref<1000000x32xf32, #tpu.memory_space<hbm>> -> memref<1000000x32xf32, #tpu.memory_space<hbm>>
      tpu.wait_indirect_dma semaphore(%arg7 : memref<!tpu.dma_semaphore, #tpu.memory_space<semaphore_mem>>) src(%dma_wait3A_1613 : memref<1000000x32xf32, #tpu.memory_space<hbm>>) dst(%dma_wait3A_1607 : memref<50x32xf32, #tpu.memory_space<vmem>>)
      %dma_wait3A_1614 = arith.constant 1 : i32
      %dma_wait3A_1615 = arith.constant 21 : i32
      %dma_wait3A_1616 = arith.constant 0 : i32
      %dma_wait3A_1617 = arith.constant 0 : i32
      %dma_wait3A_1618 = tpu.memref_slice %arg6[%dma_wait3A_1614, %dma_wait3A_1615, %dma_wait3A_1616, %dma_wait3A_1617] : memref<2x32x50x32xf32, #tpu.memory_space<vmem>> -> memref<1x1x50x32xf32, #tpu.memory_space<vmem>>
      %dma_wait3A_1619 = tpu.memref_squeeze %dma_wait3A_1618 : memref<1x1x50x32xf32, #tpu.memory_space<vmem>> -> memref<50x32xf32, #tpu.memory_space<vmem>>
      %dma_wait3A_1620 = arith.constant 0 : i32
      %dma_wait3A_1621 = tpu.memref_slice %arg5[%add3A_1209, %dma_wait3A_1620] : memref<512x50xi32, #tpu.memory_space<vmem>> -> memref<1x50xi32, #tpu.memory_space<vmem>>
      %dma_wait3A_1622 = tpu.memref_squeeze %dma_wait3A_1621 : memref<1x50xi32, #tpu.memory_space<vmem>> -> memref<50xi32, #tpu.memory_space<vmem>>
      %dma_wait3A_1623 = arith.constant 0 : i32
      %dma_wait3A_1624 = arith.constant 0 : i32
      %dma_wait3A_1625 = tpu.memref_slice %arg2[%dma_wait3A_1623, %dma_wait3A_1624] : memref<1000000x32xf32, #tpu.memory_space<hbm>> -> memref<1000000x32xf32, #tpu.memory_space<hbm>>
      tpu.wait_indirect_dma semaphore(%arg7 : memref<!tpu.dma_semaphore, #tpu.memory_space<semaphore_mem>>) src(%dma_wait3A_1625 : memref<1000000x32xf32, #tpu.memory_space<hbm>>) dst(%dma_wait3A_1619 : memref<50x32xf32, #tpu.memory_space<vmem>>)
      %dma_wait3A_1626 = arith.constant 1 : i32
      %dma_wait3A_1627 = arith.constant 22 : i32
      %dma_wait3A_1628 = arith.constant 0 : i32
      %dma_wait3A_1629 = arith.constant 0 : i32
      %dma_wait3A_1630 = tpu.memref_slice %arg6[%dma_wait3A_1626, %dma_wait3A_1627, %dma_wait3A_1628, %dma_wait3A_1629] : memref<2x32x50x32xf32, #tpu.memory_space<vmem>> -> memref<1x1x50x32xf32, #tpu.memory_space<vmem>>
      %dma_wait3A_1631 = tpu.memref_squeeze %dma_wait3A_1630 : memref<1x1x50x32xf32, #tpu.memory_space<vmem>> -> memref<50x32xf32, #tpu.memory_space<vmem>>
      %dma_wait3A_1632 = arith.constant 0 : i32
      %dma_wait3A_1633 = tpu.memref_slice %arg5[%add3A_1223, %dma_wait3A_1632] : memref<512x50xi32, #tpu.memory_space<vmem>> -> memref<1x50xi32, #tpu.memory_space<vmem>>
      %dma_wait3A_1634 = tpu.memref_squeeze %dma_wait3A_1633 : memref<1x50xi32, #tpu.memory_space<vmem>> -> memref<50xi32, #tpu.memory_space<vmem>>
      %dma_wait3A_1635 = arith.constant 0 : i32
      %dma_wait3A_1636 = arith.constant 0 : i32
      %dma_wait3A_1637 = tpu.memref_slice %arg2[%dma_wait3A_1635, %dma_wait3A_1636] : memref<1000000x32xf32, #tpu.memory_space<hbm>> -> memref<1000000x32xf32, #tpu.memory_space<hbm>>
      tpu.wait_indirect_dma semaphore(%arg7 : memref<!tpu.dma_semaphore, #tpu.memory_space<semaphore_mem>>) src(%dma_wait3A_1637 : memref<1000000x32xf32, #tpu.memory_space<hbm>>) dst(%dma_wait3A_1631 : memref<50x32xf32, #tpu.memory_space<vmem>>)
      %dma_wait3A_1638 = arith.constant 1 : i32
      %dma_wait3A_1639 = arith.constant 23 : i32
      %dma_wait3A_1640 = arith.constant 0 : i32
      %dma_wait3A_1641 = arith.constant 0 : i32
      %dma_wait3A_1642 = tpu.memref_slice %arg6[%dma_wait3A_1638, %dma_wait3A_1639, %dma_wait3A_1640, %dma_wait3A_1641] : memref<2x32x50x32xf32, #tpu.memory_space<vmem>> -> memref<1x1x50x32xf32, #tpu.memory_space<vmem>>
      %dma_wait3A_1643 = tpu.memref_squeeze %dma_wait3A_1642 : memref<1x1x50x32xf32, #tpu.memory_space<vmem>> -> memref<50x32xf32, #tpu.memory_space<vmem>>
      %dma_wait3A_1644 = arith.constant 0 : i32
      %dma_wait3A_1645 = tpu.memref_slice %arg5[%add3A_1237, %dma_wait3A_1644] : memref<512x50xi32, #tpu.memory_space<vmem>> -> memref<1x50xi32, #tpu.memory_space<vmem>>
      %dma_wait3A_1646 = tpu.memref_squeeze %dma_wait3A_1645 : memref<1x50xi32, #tpu.memory_space<vmem>> -> memref<50xi32, #tpu.memory_space<vmem>>
      %dma_wait3A_1647 = arith.constant 0 : i32
      %dma_wait3A_1648 = arith.constant 0 : i32
      %dma_wait3A_1649 = tpu.memref_slice %arg2[%dma_wait3A_1647, %dma_wait3A_1648] : memref<1000000x32xf32, #tpu.memory_space<hbm>> -> memref<1000000x32xf32, #tpu.memory_space<hbm>>
      tpu.wait_indirect_dma semaphore(%arg7 : memref<!tpu.dma_semaphore, #tpu.memory_space<semaphore_mem>>) src(%dma_wait3A_1649 : memref<1000000x32xf32, #tpu.memory_space<hbm>>) dst(%dma_wait3A_1643 : memref<50x32xf32, #tpu.memory_space<vmem>>)
      %dma_wait3A_1650 = arith.constant 1 : i32
      %dma_wait3A_1651 = arith.constant 24 : i32
      %dma_wait3A_1652 = arith.constant 0 : i32
      %dma_wait3A_1653 = arith.constant 0 : i32
      %dma_wait3A_1654 = tpu.memref_slice %arg6[%dma_wait3A_1650, %dma_wait3A_1651, %dma_wait3A_1652, %dma_wait3A_1653] : memref<2x32x50x32xf32, #tpu.memory_space<vmem>> -> memref<1x1x50x32xf32, #tpu.memory_space<vmem>>
      %dma_wait3A_1655 = tpu.memref_squeeze %dma_wait3A_1654 : memref<1x1x50x32xf32, #tpu.memory_space<vmem>> -> memref<50x32xf32, #tpu.memory_space<vmem>>
      %dma_wait3A_1656 = arith.constant 0 : i32
      %dma_wait3A_1657 = tpu.memref_slice %arg5[%add3A_1251, %dma_wait3A_1656] : memref<512x50xi32, #tpu.memory_space<vmem>> -> memref<1x50xi32, #tpu.memory_space<vmem>>
      %dma_wait3A_1658 = tpu.memref_squeeze %dma_wait3A_1657 : memref<1x50xi32, #tpu.memory_space<vmem>> -> memref<50xi32, #tpu.memory_space<vmem>>
      %dma_wait3A_1659 = arith.constant 0 : i32
      %dma_wait3A_1660 = arith.constant 0 : i32
      %dma_wait3A_1661 = tpu.memref_slice %arg2[%dma_wait3A_1659, %dma_wait3A_1660] : memref<1000000x32xf32, #tpu.memory_space<hbm>> -> memref<1000000x32xf32, #tpu.memory_space<hbm>>
      tpu.wait_indirect_dma semaphore(%arg7 : memref<!tpu.dma_semaphore, #tpu.memory_space<semaphore_mem>>) src(%dma_wait3A_1661 : memref<1000000x32xf32, #tpu.memory_space<hbm>>) dst(%dma_wait3A_1655 : memref<50x32xf32, #tpu.memory_space<vmem>>)
      %dma_wait3A_1662 = arith.constant 1 : i32
      %dma_wait3A_1663 = arith.constant 25 : i32
      %dma_wait3A_1664 = arith.constant 0 : i32
      %dma_wait3A_1665 = arith.constant 0 : i32
      %dma_wait3A_1666 = tpu.memref_slice %arg6[%dma_wait3A_1662, %dma_wait3A_1663, %dma_wait3A_1664, %dma_wait3A_1665] : memref<2x32x50x32xf32, #tpu.memory_space<vmem>> -> memref<1x1x50x32xf32, #tpu.memory_space<vmem>>
      %dma_wait3A_1667 = tpu.memref_squeeze %dma_wait3A_1666 : memref<1x1x50x32xf32, #tpu.memory_space<vmem>> -> memref<50x32xf32, #tpu.memory_space<vmem>>
      %dma_wait3A_1668 = arith.constant 0 : i32
      %dma_wait3A_1669 = tpu.memref_slice %arg5[%add3A_1265, %dma_wait3A_1668] : memref<512x50xi32, #tpu.memory_space<vmem>> -> memref<1x50xi32, #tpu.memory_space<vmem>>
      %dma_wait3A_1670 = tpu.memref_squeeze %dma_wait3A_1669 : memref<1x50xi32, #tpu.memory_space<vmem>> -> memref<50xi32, #tpu.memory_space<vmem>>
      %dma_wait3A_1671 = arith.constant 0 : i32
      %dma_wait3A_1672 = arith.constant 0 : i32
      %dma_wait3A_1673 = tpu.memref_slice %arg2[%dma_wait3A_1671, %dma_wait3A_1672] : memref<1000000x32xf32, #tpu.memory_space<hbm>> -> memref<1000000x32xf32, #tpu.memory_space<hbm>>
      tpu.wait_indirect_dma semaphore(%arg7 : memref<!tpu.dma_semaphore, #tpu.memory_space<semaphore_mem>>) src(%dma_wait3A_1673 : memref<1000000x32xf32, #tpu.memory_space<hbm>>) dst(%dma_wait3A_1667 : memref<50x32xf32, #tpu.memory_space<vmem>>)
      %dma_wait3A_1674 = arith.constant 1 : i32
      %dma_wait3A_1675 = arith.constant 26 : i32
      %dma_wait3A_1676 = arith.constant 0 : i32
      %dma_wait3A_1677 = arith.constant 0 : i32
      %dma_wait3A_1678 = tpu.memref_slice %arg6[%dma_wait3A_1674, %dma_wait3A_1675, %dma_wait3A_1676, %dma_wait3A_1677] : memref<2x32x50x32xf32, #tpu.memory_space<vmem>> -> memref<1x1x50x32xf32, #tpu.memory_space<vmem>>
      %dma_wait3A_1679 = tpu.memref_squeeze %dma_wait3A_1678 : memref<1x1x50x32xf32, #tpu.memory_space<vmem>> -> memref<50x32xf32, #tpu.memory_space<vmem>>
      %dma_wait3A_1680 = arith.constant 0 : i32
      %dma_wait3A_1681 = tpu.memref_slice %arg5[%add3A_1279, %dma_wait3A_1680] : memref<512x50xi32, #tpu.memory_space<vmem>> -> memref<1x50xi32, #tpu.memory_space<vmem>>
      %dma_wait3A_1682 = tpu.memref_squeeze %dma_wait3A_1681 : memref<1x50xi32, #tpu.memory_space<vmem>> -> memref<50xi32, #tpu.memory_space<vmem>>
      %dma_wait3A_1683 = arith.constant 0 : i32
      %dma_wait3A_1684 = arith.constant 0 : i32
      %dma_wait3A_1685 = tpu.memref_slice %arg2[%dma_wait3A_1683, %dma_wait3A_1684] : memref<1000000x32xf32, #tpu.memory_space<hbm>> -> memref<1000000x32xf32, #tpu.memory_space<hbm>>
      tpu.wait_indirect_dma semaphore(%arg7 : memref<!tpu.dma_semaphore, #tpu.memory_space<semaphore_mem>>) src(%dma_wait3A_1685 : memref<1000000x32xf32, #tpu.memory_space<hbm>>) dst(%dma_wait3A_1679 : memref<50x32xf32, #tpu.memory_space<vmem>>)
      %dma_wait3A_1686 = arith.constant 1 : i32
      %dma_wait3A_1687 = arith.constant 27 : i32
      %dma_wait3A_1688 = arith.constant 0 : i32
      %dma_wait3A_1689 = arith.constant 0 : i32
      %dma_wait3A_1690 = tpu.memref_slice %arg6[%dma_wait3A_1686, %dma_wait3A_1687, %dma_wait3A_1688, %dma_wait3A_1689] : memref<2x32x50x32xf32, #tpu.memory_space<vmem>> -> memref<1x1x50x32xf32, #tpu.memory_space<vmem>>
      %dma_wait3A_1691 = tpu.memref_squeeze %dma_wait3A_1690 : memref<1x1x50x32xf32, #tpu.memory_space<vmem>> -> memref<50x32xf32, #tpu.memory_space<vmem>>
      %dma_wait3A_1692 = arith.constant 0 : i32
      %dma_wait3A_1693 = tpu.memref_slice %arg5[%add3A_1293, %dma_wait3A_1692] : memref<512x50xi32, #tpu.memory_space<vmem>> -> memref<1x50xi32, #tpu.memory_space<vmem>>
      %dma_wait3A_1694 = tpu.memref_squeeze %dma_wait3A_1693 : memref<1x50xi32, #tpu.memory_space<vmem>> -> memref<50xi32, #tpu.memory_space<vmem>>
      %dma_wait3A_1695 = arith.constant 0 : i32
      %dma_wait3A_1696 = arith.constant 0 : i32
      %dma_wait3A_1697 = tpu.memref_slice %arg2[%dma_wait3A_1695, %dma_wait3A_1696] : memref<1000000x32xf32, #tpu.memory_space<hbm>> -> memref<1000000x32xf32, #tpu.memory_space<hbm>>
      tpu.wait_indirect_dma semaphore(%arg7 : memref<!tpu.dma_semaphore, #tpu.memory_space<semaphore_mem>>) src(%dma_wait3A_1697 : memref<1000000x32xf32, #tpu.memory_space<hbm>>) dst(%dma_wait3A_1691 : memref<50x32xf32, #tpu.memory_space<vmem>>)
      %dma_wait3A_1698 = arith.constant 1 : i32
      %dma_wait3A_1699 = arith.constant 28 : i32
      %dma_wait3A_1700 = arith.constant 0 : i32
      %dma_wait3A_1701 = arith.constant 0 : i32
      %dma_wait3A_1702 = tpu.memref_slice %arg6[%dma_wait3A_1698, %dma_wait3A_1699, %dma_wait3A_1700, %dma_wait3A_1701] : memref<2x32x50x32xf32, #tpu.memory_space<vmem>> -> memref<1x1x50x32xf32, #tpu.memory_space<vmem>>
      %dma_wait3A_1703 = tpu.memref_squeeze %dma_wait3A_1702 : memref<1x1x50x32xf32, #tpu.memory_space<vmem>> -> memref<50x32xf32, #tpu.memory_space<vmem>>
      %dma_wait3A_1704 = arith.constant 0 : i32
      %dma_wait3A_1705 = tpu.memref_slice %arg5[%add3A_1307, %dma_wait3A_1704] : memref<512x50xi32, #tpu.memory_space<vmem>> -> memref<1x50xi32, #tpu.memory_space<vmem>>
      %dma_wait3A_1706 = tpu.memref_squeeze %dma_wait3A_1705 : memref<1x50xi32, #tpu.memory_space<vmem>> -> memref<50xi32, #tpu.memory_space<vmem>>
      %dma_wait3A_1707 = arith.constant 0 : i32
      %dma_wait3A_1708 = arith.constant 0 : i32
      %dma_wait3A_1709 = tpu.memref_slice %arg2[%dma_wait3A_1707, %dma_wait3A_1708] : memref<1000000x32xf32, #tpu.memory_space<hbm>> -> memref<1000000x32xf32, #tpu.memory_space<hbm>>
      tpu.wait_indirect_dma semaphore(%arg7 : memref<!tpu.dma_semaphore, #tpu.memory_space<semaphore_mem>>) src(%dma_wait3A_1709 : memref<1000000x32xf32, #tpu.memory_space<hbm>>) dst(%dma_wait3A_1703 : memref<50x32xf32, #tpu.memory_space<vmem>>)
      %dma_wait3A_1710 = arith.constant 1 : i32
      %dma_wait3A_1711 = arith.constant 29 : i32
      %dma_wait3A_1712 = arith.constant 0 : i32
      %dma_wait3A_1713 = arith.constant 0 : i32
      %dma_wait3A_1714 = tpu.memref_slice %arg6[%dma_wait3A_1710, %dma_wait3A_1711, %dma_wait3A_1712, %dma_wait3A_1713] : memref<2x32x50x32xf32, #tpu.memory_space<vmem>> -> memref<1x1x50x32xf32, #tpu.memory_space<vmem>>
      %dma_wait3A_1715 = tpu.memref_squeeze %dma_wait3A_1714 : memref<1x1x50x32xf32, #tpu.memory_space<vmem>> -> memref<50x32xf32, #tpu.memory_space<vmem>>
      %dma_wait3A_1716 = arith.constant 0 : i32
      %dma_wait3A_1717 = tpu.memref_slice %arg5[%add3A_1321, %dma_wait3A_1716] : memref<512x50xi32, #tpu.memory_space<vmem>> -> memref<1x50xi32, #tpu.memory_space<vmem>>
      %dma_wait3A_1718 = tpu.memref_squeeze %dma_wait3A_1717 : memref<1x50xi32, #tpu.memory_space<vmem>> -> memref<50xi32, #tpu.memory_space<vmem>>
      %dma_wait3A_1719 = arith.constant 0 : i32
      %dma_wait3A_1720 = arith.constant 0 : i32
      %dma_wait3A_1721 = tpu.memref_slice %arg2[%dma_wait3A_1719, %dma_wait3A_1720] : memref<1000000x32xf32, #tpu.memory_space<hbm>> -> memref<1000000x32xf32, #tpu.memory_space<hbm>>
      tpu.wait_indirect_dma semaphore(%arg7 : memref<!tpu.dma_semaphore, #tpu.memory_space<semaphore_mem>>) src(%dma_wait3A_1721 : memref<1000000x32xf32, #tpu.memory_space<hbm>>) dst(%dma_wait3A_1715 : memref<50x32xf32, #tpu.memory_space<vmem>>)
      %dma_wait3A_1722 = arith.constant 1 : i32
      %dma_wait3A_1723 = arith.constant 30 : i32
      %dma_wait3A_1724 = arith.constant 0 : i32
      %dma_wait3A_1725 = arith.constant 0 : i32
      %dma_wait3A_1726 = tpu.memref_slice %arg6[%dma_wait3A_1722, %dma_wait3A_1723, %dma_wait3A_1724, %dma_wait3A_1725] : memref<2x32x50x32xf32, #tpu.memory_space<vmem>> -> memref<1x1x50x32xf32, #tpu.memory_space<vmem>>
      %dma_wait3A_1727 = tpu.memref_squeeze %dma_wait3A_1726 : memref<1x1x50x32xf32, #tpu.memory_space<vmem>> -> memref<50x32xf32, #tpu.memory_space<vmem>>
      %dma_wait3A_1728 = arith.constant 0 : i32
      %dma_wait3A_1729 = tpu.memref_slice %arg5[%add3A_1335, %dma_wait3A_1728] : memref<512x50xi32, #tpu.memory_space<vmem>> -> memref<1x50xi32, #tpu.memory_space<vmem>>
      %dma_wait3A_1730 = tpu.memref_squeeze %dma_wait3A_1729 : memref<1x50xi32, #tpu.memory_space<vmem>> -> memref<50xi32, #tpu.memory_space<vmem>>
      %dma_wait3A_1731 = arith.constant 0 : i32
      %dma_wait3A_1732 = arith.constant 0 : i32
      %dma_wait3A_1733 = tpu.memref_slice %arg2[%dma_wait3A_1731, %dma_wait3A_1732] : memref<1000000x32xf32, #tpu.memory_space<hbm>> -> memref<1000000x32xf32, #tpu.memory_space<hbm>>
      tpu.wait_indirect_dma semaphore(%arg7 : memref<!tpu.dma_semaphore, #tpu.memory_space<semaphore_mem>>) src(%dma_wait3A_1733 : memref<1000000x32xf32, #tpu.memory_space<hbm>>) dst(%dma_wait3A_1727 : memref<50x32xf32, #tpu.memory_space<vmem>>)
      %dma_wait3A_1734 = arith.constant 1 : i32
      %dma_wait3A_1735 = arith.constant 31 : i32
      %dma_wait3A_1736 = arith.constant 0 : i32
      %dma_wait3A_1737 = arith.constant 0 : i32
      %dma_wait3A_1738 = tpu.memref_slice %arg6[%dma_wait3A_1734, %dma_wait3A_1735, %dma_wait3A_1736, %dma_wait3A_1737] : memref<2x32x50x32xf32, #tpu.memory_space<vmem>> -> memref<1x1x50x32xf32, #tpu.memory_space<vmem>>
      %dma_wait3A_1739 = tpu.memref_squeeze %dma_wait3A_1738 : memref<1x1x50x32xf32, #tpu.memory_space<vmem>> -> memref<50x32xf32, #tpu.memory_space<vmem>>
      %dma_wait3A_1740 = arith.constant 0 : i32
      %dma_wait3A_1741 = tpu.memref_slice %arg5[%add3A_1349, %dma_wait3A_1740] : memref<512x50xi32, #tpu.memory_space<vmem>> -> memref<1x50xi32, #tpu.memory_space<vmem>>
      %dma_wait3A_1742 = tpu.memref_squeeze %dma_wait3A_1741 : memref<1x50xi32, #tpu.memory_space<vmem>> -> memref<50xi32, #tpu.memory_space<vmem>>
      %dma_wait3A_1743 = arith.constant 0 : i32
      %dma_wait3A_1744 = arith.constant 0 : i32
      %dma_wait3A_1745 = tpu.memref_slice %arg2[%dma_wait3A_1743, %dma_wait3A_1744] : memref<1000000x32xf32, #tpu.memory_space<hbm>> -> memref<1000000x32xf32, #tpu.memory_space<hbm>>
      tpu.wait_indirect_dma semaphore(%arg7 : memref<!tpu.dma_semaphore, #tpu.memory_space<semaphore_mem>>) src(%dma_wait3A_1745 : memref<1000000x32xf32, #tpu.memory_space<hbm>>) dst(%dma_wait3A_1739 : memref<50x32xf32, #tpu.memory_space<vmem>>)
      %add3A_1746 = arith.addi %mul3A_2, %mul3A_913 : i32
      %dma_start3A_1747 = arith.constant 1 : i32
      %dma_start3A_1748 = arith.constant 0 : i32
      %dma_start3A_1749 = arith.constant 0 : i32
      %dma_start3A_1750 = arith.constant 0 : i32
      %dma_start3A_1751 = tpu.memref_slice %arg6[%dma_start3A_1747, %dma_start3A_1748, %dma_start3A_1749, %dma_start3A_1750] : memref<2x32x50x32xf32, #tpu.memory_space<vmem>> -> memref<1x32x50x32xf32, #tpu.memory_space<vmem>>
      %dma_start3A_1752 = tpu.memref_squeeze %dma_start3A_1751 : memref<1x32x50x32xf32, #tpu.memory_space<vmem>> -> memref<32x50x32xf32, #tpu.memory_space<vmem>>
      %dma_start3A_1753 = arith.constant 0 : i32
      %dma_start3A_1754 = arith.constant 0 : i32
      %dma_start3A_1755 = tpu.memref_slice %arg4[%add3A_1746, %dma_start3A_1753, %dma_start3A_1754] : memref<16384x50x32xf32, #tpu.memory_space<hbm>> -> memref<32x50x32xf32, #tpu.memory_space<hbm>>
      %dma_start3A_1756 = arith.constant 0 : i32
      %dma_start3A_1757 = arith.constant 0 : i32
      %dma_start3A_1758 = tpu.memref_slice %arg4[%add3A_1746, %dma_start3A_1756, %dma_start3A_1757] : memref<16384x50x32xf32, #tpu.memory_space<hbm>> -> memref<32x50x32xf32, #tpu.memory_space<hbm>>
      %dma_start3A_1759 = arith.constant 0 : i32
      %dma_start3A_1760 = arith.constant 0 : i32
      %dma_start3A_1761 = arith.constant 0 : i32
      %dma_start3A_1762 = tpu.memref_slice %arg6[%dma_start3A_1747, %dma_start3A_1759, %dma_start3A_1760, %dma_start3A_1761] : memref<2x32x50x32xf32, #tpu.memory_space<vmem>> -> memref<1x32x50x32xf32, #tpu.memory_space<vmem>>
      %dma_start3A_1763 = tpu.memref_squeeze %dma_start3A_1762 : memref<1x32x50x32xf32, #tpu.memory_space<vmem>> -> memref<32x50x32xf32, #tpu.memory_space<vmem>>
      tpu.enqueue_dma source(%dma_start3A_1763 : memref<32x50x32xf32, #tpu.memory_space<vmem>>) target(%dma_start3A_1758 : memref<32x50x32xf32, #tpu.memory_space<hbm>>) target_semaphore(%arg9 : memref<!tpu.dma_semaphore, #tpu.memory_space<semaphore_mem>>)
    }
    %scan3A_7 = arith.constant 8 : i32
    %add3A_8 = arith.constant 448 : i32
    %add3A_9 = arith.addi %mul3A_2, %add3A_8 : i32
    %dma_wait3A = arith.constant 0 : i32
    %dma_wait3A_10 = arith.constant 0 : i32
    %dma_wait3A_11 = arith.constant 0 : i32
    %dma_wait3A_12 = arith.constant 0 : i32
    %dma_wait3A_13 = tpu.memref_slice %arg6[%dma_wait3A, %dma_wait3A_10, %dma_wait3A_11, %dma_wait3A_12] : memref<2x32x50x32xf32, #tpu.memory_space<vmem>> -> memref<1x32x50x32xf32, #tpu.memory_space<vmem>>
    %dma_wait3A_14 = tpu.memref_squeeze %dma_wait3A_13 : memref<1x32x50x32xf32, #tpu.memory_space<vmem>> -> memref<32x50x32xf32, #tpu.memory_space<vmem>>
    %dma_wait3A_15 = arith.constant 0 : i32
    %dma_wait3A_16 = arith.constant 0 : i32
    %dma_wait3A_17 = tpu.memref_slice %arg4[%add3A_9, %dma_wait3A_15, %dma_wait3A_16] : memref<16384x50x32xf32, #tpu.memory_space<hbm>> -> memref<32x50x32xf32, #tpu.memory_space<hbm>>
    %dma_wait3A_18 = arith.constant 0 : i32
    %dma_wait3A_19 = arith.constant 0 : i32
    %dma_wait3A_20 = tpu.memref_slice %arg4[%add3A_9, %dma_wait3A_18, %dma_wait3A_19] : memref<16384x50x32xf32, #tpu.memory_space<hbm>> -> memref<32x50x32xf32, #tpu.memory_space<hbm>>
    %dma_wait3A_21 = arith.constant 0 : i32
    %dma_wait3A_22 = arith.constant 0 : i32
    %dma_wait3A_23 = arith.constant 0 : i32
    %dma_wait3A_24 = tpu.memref_slice %arg6[%dma_wait3A, %dma_wait3A_21, %dma_wait3A_22, %dma_wait3A_23] : memref<2x32x50x32xf32, #tpu.memory_space<vmem>> -> memref<1x32x50x32xf32, #tpu.memory_space<vmem>>
    %dma_wait3A_25 = tpu.memref_squeeze %dma_wait3A_24 : memref<1x32x50x32xf32, #tpu.memory_space<vmem>> -> memref<32x50x32xf32, #tpu.memory_space<vmem>>
    tpu.wait_dma2 semaphore(%arg8 : memref<!tpu.dma_semaphore, #tpu.memory_space<semaphore_mem>>) src(%dma_wait3A_25 : memref<32x50x32xf32, #tpu.memory_space<vmem>>) dst(%dma_wait3A_20 : memref<32x50x32xf32, #tpu.memory_space<hbm>>)
    %add3A_26 = arith.constant 480 : i32
    %add3A_27 = arith.addi %mul3A_2, %add3A_26 : i32
    %dma_wait3A_28 = arith.constant 1 : i32
    %dma_wait3A_29 = arith.constant 0 : i32
    %dma_wait3A_30 = arith.constant 0 : i32
    %dma_wait3A_31 = arith.constant 0 : i32
    %dma_wait3A_32 = tpu.memref_slice %arg6[%dma_wait3A_28, %dma_wait3A_29, %dma_wait3A_30, %dma_wait3A_31] : memref<2x32x50x32xf32, #tpu.memory_space<vmem>> -> memref<1x32x50x32xf32, #tpu.memory_space<vmem>>
    %dma_wait3A_33 = tpu.memref_squeeze %dma_wait3A_32 : memref<1x32x50x32xf32, #tpu.memory_space<vmem>> -> memref<32x50x32xf32, #tpu.memory_space<vmem>>
    %dma_wait3A_34 = arith.constant 0 : i32
    %dma_wait3A_35 = arith.constant 0 : i32
    %dma_wait3A_36 = tpu.memref_slice %arg4[%add3A_27, %dma_wait3A_34, %dma_wait3A_35] : memref<16384x50x32xf32, #tpu.memory_space<hbm>> -> memref<32x50x32xf32, #tpu.memory_space<hbm>>
    %dma_wait3A_37 = arith.constant 0 : i32
    %dma_wait3A_38 = arith.constant 0 : i32
    %dma_wait3A_39 = tpu.memref_slice %arg4[%add3A_27, %dma_wait3A_37, %dma_wait3A_38] : memref<16384x50x32xf32, #tpu.memory_space<hbm>> -> memref<32x50x32xf32, #tpu.memory_space<hbm>>
    %dma_wait3A_40 = arith.constant 0 : i32
    %dma_wait3A_41 = arith.constant 0 : i32
    %dma_wait3A_42 = arith.constant 0 : i32
    %dma_wait3A_43 = tpu.memref_slice %arg6[%dma_wait3A_28, %dma_wait3A_40, %dma_wait3A_41, %dma_wait3A_42] : memref<2x32x50x32xf32, #tpu.memory_space<vmem>> -> memref<1x32x50x32xf32, #tpu.memory_space<vmem>>
    %dma_wait3A_44 = tpu.memref_squeeze %dma_wait3A_43 : memref<1x32x50x32xf32, #tpu.memory_space<vmem>> -> memref<32x50x32xf32, #tpu.memory_space<vmem>>
    tpu.wait_dma2 semaphore(%arg9 : memref<!tpu.dma_semaphore, #tpu.memory_space<semaphore_mem>>) src(%dma_wait3A_44 : memref<32x50x32xf32, #tpu.memory_space<vmem>>) dst(%dma_wait3A_39 : memref<32x50x32xf32, #tpu.memory_space<hbm>>)
    return
  }
}

</mosaic_0001>

<sc_bundles>
// kernel: kernel.3.cloned.1.call-start
scs
__scs_entry_jumppad:
0x0: {  	(pc) =	sbr.rel $0x88, $3  }
0x1: {  	(tag) =	ssettag $0x0;
	lr =	simm.s32 $0x1  }
0x2: {  	[smem:$0x3F9F] =	sst lr;
	_ =	strace $0xD0000000  }
0x3: {  	_ = 	snop  }
0x4: {  	_ = 	snop  }
0x5: {  	_ = 	snop  }
0x6: {  	_ = 	snop  }
0x7: {  	_ = 	snop  }
__scs_overlays_trampoline_lowered:
0x8: {  	[smem:$0x3FAE] =	sst s0  }
0x9: {  	[smem:$0x3FAF] =	sst s1  }
0xa: {  	[smem:$0x3FB0] =	sst s2  }
0xb: {  	[smem:$0x3FB1] =	sst s3  }
0xc: {  	[smem:$0x3FB2] =	sst s4  }
0xd: {  	[smem:$0x3FB3] =	sst s5  }
0xe: {  	[smem:$0x3FB4] =	sst s6  }
0xf: {  	[smem:$0x3FB5] =	sst s7  }
0x10: {  	[smem:$0x3FB6] =	sst s8  }
0x11: {  	[smem:$0x3FB7] =	sst s9;
	s0 =	simm.s32 @!p0 $0x0  }
0x12: {  	s1 =	sld [smem:$0x3F9D];
	s0 =	simm.s32 @p0 $0x1  }
0x13: {  	[smem:$0x3FB8] =	sst s0;
	s0 =	simm.s32 @!p1 $0x0  }
0x14: {  	s2 =	sld [smem:$0x3F9C];
	s0 =	simm.s32 @p1 $0x1  }
0x15: {  	[smem:$0x3FB9] =	sst s0;
	s0 =	simm.s32 @!p2 $0x0  }
0x16: {  	s3 =	sld [smem:$0x3FDB];
	s0 =	simm.s32 @p2 $0x1  }
0x17: {  	s4 =	simm.s32 $0x1BF5;
	[smem:$0x3FBB] =	sst s0  }
0x18: {  	s0 =	sld [smem:$0x3F9E];
	_ =	swait.ge [sflag:s4], $0x0  }
0x19: {  	s7 =	sld [smem:$0x3F9F]  }
0x1a: {  	s8 =	sadd.s32 $0xFFFFE003, lr  }
0x1b: {  	s9 =	sadd.s32 $0xFFFFFEF7, lr;
	s5 =	simm.s32 $0xFFFFFFFF;
	p2 =	slt.u32 s8, $0xFFFFF086  }
0x1c: {  	p1 =	slt.u32 s9, $0xF7A;
	s5 =	simm.s32 @!p2 $0x0  }
0x1d: {  	s5 =	simm.s32 @p1 $0x1;
	p0 =	seq.s32 s7, s2  }
0x1e: {  	s7 =	smul.u32 @!p0 $0xF7A, s2;
	p2 =	seq.s32 @!p0 s5, $0x0  }
0x1f: {  	s9 =	smul.u32 $0xF7A, s1;
	s8 =	simm.s32 @!p0 $0x1BF5;
	p2 =	por !p2, p0  }
0x20: {  	[sflag:s8] =	ssyncset.s32 @!p0 $0xFFFFF086;
	s6 =	sadd.s32 @!p0 s3, s7;
	s7 =	simm.s32 @!p0 $0x108  }
0x21: {  	s3 =	sadd.s32 s3, s9;
	s6 =	sadd.s32 @!p0 $0x88, s6;
	s7 =	simm.s32 @p2 $0x1082  }
0x22: {  	[simem:s7], [sflag:s8] =	dma.local @!p0 [hbm:s6], $0xF7A  }
0x23: {  	s9 =	sor.u32 $0xD0000000, s2;
	s6 =	simm.s32 $0x108;
	_ =	swait.ge @!p0 [sflag:s8], $0x0  }
0x24: {  	s3 =	sadd.s32 $0x88, s3;
	s6 =	simm.s32 @!p1 $0x1082;
	[sflag:s4] =	ssyncset.s32 $0xFFFFF086  }
0x25: {  	[simem:s6], [sflag:s4] =	dma.local [hbm:s3], $0xF7A  }
0x26: {  	[smem:$0x3F9F] =	sst s1;
	(tag) =	ssettag s2;
	_ =	strace s9  }
0x27: {  	s1 =	sld [smem:$0x3FAF]  }
0x28: {  	s2 =	sld [smem:$0x3FB0]  }
0x29: {  	s4 =	sld [smem:$0x3FB2]  }
0x2a: {  	p0 =	seq.s32 s5, $0x0;
	s5 =	sld [smem:$0x3FB3]  }
0x2b: {  	s6 =	sld [smem:$0x3FB4]  }
0x2c: {  	s7 =	sld [smem:$0x3FB5]  }
0x2d: {  	s3 =	simm.s32 $0x108;
	s8 =	sld [smem:$0x3FB6]  }
0x2e: {  	s3 =	simm.s32 @!p0 $0x1082;
	s9 =	sld [smem:$0x3FB7]  }
0x2f: {  	lr =	sadd.s32 s0, s3;
	s0 =	sld [smem:$0x3FAE]  }
0x30: {  	s3 =	sld [smem:$0x3FB1]  }
0x31: {  	[smem:$0x3FBA] =	sst s10  }
0x32: {  	s10 =	sld [smem:$0x3FB8];
	_ =	sdelay $0x3  }
0x33: {  	p0 =	seq.s32 s10, $0x1;
	s10 =	sld [smem:$0x3FBA];
	_ =	sdelay $0x3  }
0x34: {  	[smem:$0x3FBA] =	sst s10  }
0x35: {  	s10 =	sld [smem:$0x3FB9];
	_ =	sdelay $0x3  }
0x36: {  	p1 =	seq.s32 s10, $0x1;
	s10 =	sld [smem:$0x3FBA];
	_ =	sdelay $0x3  }
0x37: {  	[smem:$0x3FBA] =	sst s10  }
0x38: {  	s10 =	sld [smem:$0x3FBB]  }
0x39: {  	_ = 	snop;
	(pc) =	sbr.ind lr, $3  }
0x3a: {  	_ = 	snop  }
0x3b: {  	_ = 	snop  }
0x3c: {  	p2 =	seq.s32 s10, $0x1;
	s10 =	sld [smem:$0x3FBA]  }
0x3d: {  	_ =	shalt  }
0x3e: {  	_ =	shalt  }
0x3f: {  	_ =	shalt  }
0x40: {  	_ =	shalt  }
0x41: {  	_ =	shalt  }
0x42: {  	_ =	shalt  }
0x43: {  	_ =	shalt  }
0x44: {  	_ =	shalt  }
0x45: {  	_ =	shalt  }
0x46: {  	_ =	shalt  }
0x47: {  	_ =	shalt  }
0x48: {  	_ =	shalt  }
0x49: {  	_ =	shalt  }
0x4a: {  	_ =	shalt  }
0x4b: {  	_ =	shalt  }
0x4c: {  	_ =	shalt  }
0x4d: {  	_ =	shalt  }
0x4e: {  	_ =	shalt  }
0x4f: {  	_ =	shalt  }
0x50: {  	_ =	shalt  }
0x51: {  	_ =	shalt  }
0x52: {  	_ =	shalt  }
0x53: {  	_ =	shalt  }
0x54: {  	_ =	shalt  }
0x55: {  	_ =	shalt  }
0x56: {  	_ =	shalt  }
0x57: {  	_ =	shalt  }
0x58: {  	_ =	shalt  }
0x59: {  	_ =	shalt  }
0x5a: {  	_ =	shalt  }
0x5b: {  	_ =	shalt  }
0x5c: {  	_ =	shalt  }
0x5d: {  	_ =	shalt  }
0x5e: {  	_ =	shalt  }
0x5f: {  	_ =	shalt  }
0x60: {  	_ =	shalt  }
0x61: {  	_ =	shalt  }
0x62: {  	_ =	shalt  }
0x63: {  	_ =	shalt  }
0x64: {  	_ =	shalt  }
0x65: {  	_ =	shalt  }
0x66: {  	_ =	shalt  }
0x67: {  	_ =	shalt  }
0x68: {  	_ =	shalt  }
0x69: {  	_ =	shalt  }
0x6a: {  	_ =	shalt  }
0x6b: {  	_ =	shalt  }
0x6c: {  	_ =	shalt  }
0x6d: {  	_ =	shalt  }
0x6e: {  	_ =	shalt  }
0x6f: {  	_ =	shalt  }
0x70: {  	_ =	shalt  }
0x71: {  	_ =	shalt  }
0x72: {  	_ =	shalt  }
0x73: {  	_ =	shalt  }
0x74: {  	_ =	shalt  }
0x75: {  	_ =	shalt  }
0x76: {  	_ =	shalt  }
0x77: {  	_ =	shalt  }
0x78: {  	_ =	shalt  }
0x79: {  	_ =	shalt  }
0x7a: {  	_ =	shalt  }
0x7b: {  	_ =	shalt  }
0x7c: {  	_ =	shalt  }
0x7d: {  	_ =	shalt  }
0x7e: {  	_ =	shalt  }
0x7f: {  	_ =	shalt  }
0x80: {  	_ =	shalt  }
0x81: {  	_ =	shalt  }
0x82: {  	_ =	shalt  }
0x83: {  	_ =	shalt  }
0x84: {  	_ =	shalt  }
0x85: {  	_ =	shalt  }
0x86: {  	_ =	shalt  }
0x87: {  	_ =	shalt  }
.Lfunc_end0:
.L_simem_size_0:
called_computation.1_lowered:
.L_overlay_start_0:
0x88: {  	s2 =	sld [smem:$0x3FD9]  }
0x89: {  	s3 =	sld [smem:$0x3FFE];
	_ =	sdelay $0x1  }
0x8a: {  	s1 =	srdreg.scid  }
0x8b: {  	s0 =	sand.u32 $0x1, s1  }
0x8c: {  	s17 =	sshll.u32 s0, $0xA;
	s2 =	sadd.s32 s3, s2  }
0x8d: {  	s2 =	sadd.s32 s2, s17  }
0x8e: {  	[smem:$0x3FC6] =	sst s2  }
0x8f: {  	_ = 	snop  }
0x90: {  	s2 =	sld [smem:$0x3FD0];
	(tm) =	ssettm $0x1  }
0x91: {  	s18 =	sld [smem:$0x3FFB];
	_ =	sdelay $0x3  }
0x92: {  	_ =	strace s18  }
0x93: {  	s3 =	sld [smem:$0x3FFC];
	_ =	sdelay $0x3  }
0x94: {  	_ =	strace s3  }
0x95: {  	s3 =	sld [smem:$0x3FFD];
	_ =	sdelay $0x3  }
0x96: {  	_ =	strace s3  }
0x97: {  	_ =	strace $0x8FFFFFFF  }
0x98: {  	s19 =	sld [smem:$0x3FDB];
	_ =	sdelay $0x1  }
0x99: {  	s4 =	simm.s32 $_scs_section_size  }
0x9a: {  	s5 =	simm.s32 $_size__tile_overlayer_lowered;
	s6 =	simm.s32 $_tile_overlayer_lowered  }
0x9b: {  	s22 =	simm.s32 $0x1BFF;
	s21 =	sshll.u32 s6, $0x1;
	s3 =	sadd.s32 s4, s19  }
0x9c: {  	s7 =	simm.s32 $0x0;
	s20 =	sshll.u32 s5, $0x1;
	s5 =	sadd.s32 s21, s3  }
0x9d: {  	[timem:s7], [sflag:s22] =	dma.local [hbm:s5], s20  }
0x9e: {  	_ =	swait.ge [sflag:s22], s20  }
0x9f: {  	s4 =	ssub.s32 $0x0, s20;
	[sflag:s22] =	ssyncset.done $0x0  }
0xa0: {  	[sflag:s22] =	ssyncadd.s32 s4;
	_ =	sdelay $0x1  }
0xa1: {  	s23 =	simm.s32 $0x1B8B  }
0xa2: {  	_ =	swait.ge [sflag:s23], $0x1  }
0xa3: {  	[sflag:s23] =	ssyncset.done $0x0  }
0xa4: {  	s25 =	simm.s32 $0x1B8E;
	s24 =	sld [smem:$0x3FFE];
	[sflag:s23] =	ssyncadd.s32 $0xFFFFFFFF  }
0xa5: {  	s26 =	simm.s32 $execute0_lowered;
	[smem:$0x3FD2] =	sst s25  }
0xa6: {  	s5 =	sshll.u32 s26, $0x1;
	_ =	strace $0x80000046;
	[dreg:$0x1] =	wrdreg $0xFFFFFFFF  }
0xa7: {  	s28 =	simm.s32 $_size_execute0_lowered;
	s3 =	sadd.s32 s3, s5;
	[dreg:$0x0] =	wrdreg $0x0  }
0xa8: {  	s5 =	sshll.u32 s28, $0x1;
	[dreg:$0x2] =	wrdreg s3  }
0xa9: {  	[dreg:$0x3] =	wrdreg s5  }
0xaa: {  	[dreg:$0x4] =	wrdreg $0xC0  }
0xab: {  	_ =	task [dreg:s7], $0x5FFFF  }
0xac: {  	[dreg:$0x1] =	wrdreg $0xFFFFFFFF  }
0xad: {  	[dreg:$0x0] =	wrdreg $0x60  }
0xae: {  	[dreg:$0x2] =	wrdreg s24  }
0xaf: {  	[dreg:$0x3] =	wrdreg s2  }
0xb0: {  	[dreg:$0x4] =	wrdreg $0x9  }
0xb1: {  	_ =	task.clear_ibuf [dreg:s7], $0x5FFFF;
	_ =	strace $0x90000046  }
0xb2: {  	s29 =	simm.s32 $0x9;
	_ =	strace $0x80000048  }
0xb3: {  	_ =	swait.ge [sflag:s29], $0x1  }
0xb4: {  	[sflag:s29] =	ssyncadd.s32 $0xFFFFFFFF  }
0xb5: {  	_ =	strace $0x90000048  }
0xb6: {  	_ =	sfence  }
0xb7: {  	s30 =	sld [smem:$0x0];
	_ =	sdelay $0x2  }
0xb8: {  	s31 =	sshll.u32 s1, $0xD;
	s1 =	sshrl.u32 s1, $0x2  }
0xb9: {  	s3 =	sand.u32 $0x4000, s31;
	s1 =	sadd.s32 s1, s30  }
0xba: {  	s0 =	sor.u32 s3, s0;
	s1 =	sshll.u32 s1, $0x11  }
0xbb: {  	s0 =	sor.u32 s1, s0  }
0xbc: {  	s0 =	sadd.s32 $0x8F2B, s0  }
0xbd: {  	[sflag:s0] =	ssyncadd.remote.s32 $0x1  }
0xbe: {  	_ =	sfence.sel $0xFFFF  }
0xbf: {  	[dreg:$0x0] =	wrdreg $0xFFFFFFFF;
	(pc) =	sbr.abs _section_cstart, $3  }
0xc0: {  	[dreg:$0x1] =	wrdreg $0xFFFFFFFF  }
0xc1: {  	_ =	task.clear_ibuf [dreg:s7], $0x2FFFF;
	_ =	strace $0x9FFFFFFF  }
0xc2: {  	(tm) =	ssettm $0x7FFFFFFF  }
0xc3: {  	_ =	shalt  }
tec
execute0_lowered:
.L_overlay_start_1:
0x0: {  	(tag) =	ssettag $0x1  }
0x1: {  	s4 =	rddreg [dreg:$0x0]  }
0x2: {  	s6 =	rddreg [dreg:$0x1]  }
0x3: {  	s0 =	rddreg [dreg:$0x2];
	s1 =	simm.s32 $0x0  }
0x4: {  	s2 =	simm.s32 $0x7640;
	[smem:$0x7FF] =	sst s1  }
0x5: {  	s22 =	simm.s32 $0x7C80;
	_ =	strace $0x80000047;
	[dreg:$0x3] =	wrdreg s2  }
0x6: {  	s23 =	simm.s32 $0x82C0;
	[dreg:$0x4] =	wrdreg s22  }
0x7: {  	s24 =	simm.s32 $0x8900;
	[dreg:$0x5] =	wrdreg s23  }
0x8: {  	s25 =	simm.s32 $0x8F40;
	[dreg:$0x6] =	wrdreg s24  }
0x9: {  	s26 =	simm.s32 $0x9580;
	[dreg:$0x7] =	wrdreg s25  }
0xa: {  	s28 =	simm.s32 $0x9BC0;
	[dreg:$0x8] =	wrdreg s26  }
0xb: {  	s29 =	simm.s32 $0xA200;
	[dreg:$0x9] =	wrdreg s28  }
0xc: {  	s30 =	simm.s32 $0xA840;
	[dreg:$0xa] =	wrdreg s29  }
0xd: {  	s31 =	simm.s32 $0xAE80;
	[dreg:$0xb] =	wrdreg s30  }
0xe: {  	s3 =	simm.s32 $0xB4C0;
	[dreg:$0xc] =	wrdreg s31  }
0xf: {  	s5 =	simm.s32 $0xBB00;
	[dreg:$0xd] =	wrdreg s3  }
0x10: {  	s7 =	simm.s32 $0xC140;
	[dreg:$0xe] =	wrdreg s5  }
0x11: {  	s8 =	simm.s32 $0xC780;
	[dreg:$0xf] =	wrdreg s7  }
0x12: {  	s9 =	simm.s32 $0xCDC0;
	[dreg:$0x10] =	wrdreg s8  }
0x13: {  	s10 =	simm.s32 $0xD400;
	[dreg:$0x11] =	wrdreg s9  }
0x14: {  	s11 =	simm.s32 $0xDA40;
	[dreg:$0x12] =	wrdreg s10  }
0x15: {  	s12 =	simm.s32 $0xE080;
	[dreg:$0x13] =	wrdreg s11  }
0x16: {  	s13 =	simm.s32 $0xE6C0;
	[dreg:$0x14] =	wrdreg s12  }
0x17: {  	s14 =	simm.s32 $0xED00;
	[dreg:$0x15] =	wrdreg s13  }
0x18: {  	s15 =	simm.s32 $0xF340;
	[dreg:$0x16] =	wrdreg s14  }
0x19: {  	s16 =	simm.s32 $0xF980;
	[dreg:$0x17] =	wrdreg s15  }
0x1a: {  	s17 =	simm.s32 $0xFFC0;
	[dreg:$0x18] =	wrdreg s16  }
0x1b: {  	s18 =	simm.s32 $0x10600;
	[dreg:$0x19] =	wrdreg s17  }
0x1c: {  	s19 =	simm.s32 $0x10C40;
	[dreg:$0x1a] =	wrdreg s18  }
0x1d: {  	s20 =	simm.s32 $0x11280;
	[dreg:$0x1b] =	wrdreg s19  }
0x1e: {  	s21 =	simm.s32 $0x118C0;
	[dreg:$0x1c] =	wrdreg s20  }
0x1f: {  	[dreg:$0x1d] =	wrdreg s21;
	s22 =	simm.s32 $0x11F00  }
0x20: {  	s23 =	simm.s32 $0x12540;
	[dreg:$0x1e] =	wrdreg s22  }
0x21: {  	s24 =	simm.s32 $0x12B80;
	[dreg:$0x1f] =	wrdreg s23  }
0x22: {  	s25 =	simm.s32 $0x131C0;
	[smem:$0x7DD] =	sst s24  }
0x23: {  	s26 =	simm.s32 $0x13E40;
	[smem:$0x7DE] =	sst s25  }
0x24: {  	s28 =	simm.s32 $0x14480;
	[smem:$0x7DF] =	sst s26  }
0x25: {  	s29 =	simm.s32 $0x14AC0;
	[smem:$0x7E0] =	sst s28  }
0x26: {  	s30 =	simm.s32 $0x15100;
	[smem:$0x7E1] =	sst s29  }
0x27: {  	s31 =	simm.s32 $0x15740;
	[smem:$0x7E2] =	sst s30  }
0x28: {  	s3 =	simm.s32 $0x15D80;
	[smem:$0x7E3] =	sst s31  }
0x29: {  	s5 =	simm.s32 $0x163C0;
	[smem:$0x7E4] =	sst s3  }
0x2a: {  	s7 =	simm.s32 $0x16A00;
	[smem:$0x7E5] =	sst s5  }
0x2b: {  	s8 =	simm.s32 $0x17040;
	[smem:$0x7E6] =	sst s7  }
0x2c: {  	s9 =	simm.s32 $0x17680;
	[smem:$0x7E7] =	sst s8  }
0x2d: {  	s10 =	simm.s32 $0x18300;
	[smem:$0x7E8] =	sst s9  }
0x2e: {  	s11 =	simm.s32 $0x18940;
	[smem:$0x7EA] =	sst s10  }
0x2f: {  	s13 =	simm.s32 $0x18F80;
	[smem:$0x7EB] =	sst s11  }
0x30: {  	s14 =	simm.s32 $0x195C0;
	[smem:$0x7EC] =	sst s13  }
0x31: {  	s15 =	simm.s32 $0x19C00;
	[smem:$0x7ED] =	sst s14  }
0x32: {  	s16 =	simm.s32 $0x1A240;
	[smem:$0x7EE] =	sst s15  }
0x33: {  	s17 =	simm.s32 $0x1A880;
	[smem:$0x7EF] =	sst s16  }
0x34: {  	s18 =	simm.s32 $0x1AEC0;
	[smem:$0x7F0] =	sst s17  }
0x35: {  	s20 =	simm.s32 $0x1B500;
	[smem:$0x7F1] =	sst s18  }
0x36: {  	s21 =	simm.s32 $0x1BB40;
	[smem:$0x7F2] =	sst s20  }
0x37: {  	s5 =	simm.s32 $0x17CC0;
	[smem:$0x7F3] =	sst s21  }
0x38: {  	s22 =	simm.s32 $0x1C180;
	[smem:$0x7E9] =	sst s5  }
0x39: {  	s2 =	stileid.u32;
	s23 =	simm.s32 $0x1C7C0;
	[smem:$0x7F4] =	sst s22  }
0x3a: {  	s3 =	srdreg.scid;
	s24 =	simm.s32 $0x1CE00;
	[smem:$0x7F5] =	sst s23  }
0x3b: {  	s12 =	sshll.u32 s2, $0xA;
	s26 =	simm.s32 $0x1D440;
	[smem:$0x7F6] =	sst s24  }
0x3c: {  	s25 =	smul.u32 $0x32000, s2;
	s28 =	simm.s32 $0x1DA80;
	[smem:$0x7F7] =	sst s26  }
0x3d: {  	s29 =	simm.s32 $0x1E0C0;
	s30 =	simm.s32 $0x1E700;
	[smem:$0x7F8] =	sst s28  }
0x3e: {  	s31 =	simm.s32 $0x1ED40;
	s10 =	simm.s32 $0x1F380;
	[smem:$0x7F9] =	sst s29  }
0x3f: {  	s11 =	simm.s32 $0x13800;
	s13 =	simm.s32 $0x3;
	[smem:$0x7FA] =	sst s30  }
0x40: {  	s14 =	simm.s32 $0x0;
	s7 =	sand.u32 $0x1, s3;
	[smem:$0x7FB] =	sst s31  }
0x41: {  	s3 =	sadd.s32 $0xF42E00, s4;
	[smem:$0x7FC] =	sst s10;
	s10 =	simm.s32 $0x1  }
0x42: {  	s8 =	sshll.u32 s7, $0x9;
	s19 =	ssub.s32 $0x2, s7;
	s7 =	smul.u32 $0x19000, s7  }
0x43: {  	s6 =	sadd.s32 s25, s6;
	s5 =	sor.u32 s8, s12;
	s9 =	sshrl.u32 s19, $0x1  }
0x44: {  	s12 =	simm.s32 $0x1F9C0;
	s5 =	smul.u32 $0x7, s5;
	s8 =	ssub.s32 s19, s9  }
0x45: {  	s6 =	sadd.s32 s7, s6;
	s7 =	simm.s32 $0x4;
	s9 =	simm.s32 $0x7000  }
0x46: {  	[smem:$0x7FD] =	sst s12;
	s12 =	simm.s32 $0x2;
	s4 =	sadd.s32 s5, s4  }
0x47: {  	s5 =	smax.u32 s8, $0x1;
	s8 =	simm.s32 $0x32;
	s4 =	sadd.s32 $0xA00, s4  }
.LBB2_1:
0x48: {  	[tilespmem:s1], [sflag:$0x4] =	stream.linear.gather [hbm4b:s4+s1], $0x7000, $0x38;
	v63 =	vld [tilespmem:$0x0]  }
0x49: {  	_ =	swait.ge [sflag:s7], $0x7000  }
0x4a: {  	p0 =	por $0x1, $0x1;
	[sflag:s7] =	ssyncset.done $0x0  }
0x4b: {  	s15 =	simm.s32 @!p0 $0x2;
	[sflag:s7] =	ssyncadd.s32 $0xFFFF9000  }
0x4c: {  	_ =	swait.ge @!p0 [sflag:s15], $0xC800  }
0x4d: {  	[sflag:s15] =	ssyncset.done @!p0 $0x0  }
0x4e: {  	s17 =	simm.s32 $0x0;
	s16 =	rddreg [dreg:$0x3];
	[sflag:s15] =	ssyncadd.s32 @!p0 $0xFFFF3800  }
0x4f: {  	[tilespmem:s9], [sflag:$0x1] =	stream.indirect.gather [hbm4b:s3+s8], $0x20, s17, s8, $0xb8;
	v63 =	vld [tilespmem:$0x0]  }
0x50: {  	s18 =	simm.s32 $0x38;
	s20 =	rddreg [dreg:$0x5]  }
0x51: {  	[tilespmem:s16], [sflag:$0x1] =	stream.indirect.gather [hbm4b:s3+s8], $0x20, s18, s8, $0xb8;
	v63 =	vld [tilespmem:$0x0]  }
0x52: {  	s19 =	simm.s32 $0x70;
	s17 =	rddreg [dreg:$0x4]  }
0x53: {  	[tilespmem:s17], [sflag:$0x1] =	stream.indirect.gather [hbm4b:s3+s8], $0x20, s19, s8, $0xb8;
	v63 =	vld [tilespmem:$0x0]  }
0x54: {  	s21 =	simm.s32 $0xA8;
	s22 =	rddreg [dreg:$0x6]  }
0x55: {  	[tilespmem:s20], [sflag:$0x1] =	stream.indirect.gather [hbm4b:s3+s8], $0x20, s21, s8, $0xb8;
	v63 =	vld [tilespmem:$0x0]  }
0x56: {  	s23 =	simm.s32 $0xE0;
	s24 =	rddreg [dreg:$0x7]  }
0x57: {  	[tilespmem:s22], [sflag:$0x1] =	stream.indirect.gather [hbm4b:s3+s8], $0x20, s23, s8, $0xb8;
	v63 =	vld [tilespmem:$0x0]  }
0x58: {  	s25 =	simm.s32 $0x118;
	s26 =	rddreg [dreg:$0x8]  }
0x59: {  	[tilespmem:s24], [sflag:$0x1] =	stream.indirect.gather [hbm4b:s3+s8], $0x20, s25, s8, $0xb8;
	v63 =	vld [tilespmem:$0x0]  }
0x5a: {  	s28 =	simm.s32 $0x150;
	s29 =	rddreg [dreg:$0x9]  }
0x5b: {  	[tilespmem:s26], [sflag:$0x1] =	stream.indirect.gather [hbm4b:s3+s8], $0x20, s28, s8, $0xb8;
	v63 =	vld [tilespmem:$0x0]  }
0x5c: {  	s30 =	simm.s32 $0x188;
	s31 =	rddreg [dreg:$0xa]  }
0x5d: {  	[tilespmem:s29], [sflag:$0x1] =	stream.indirect.gather [hbm4b:s3+s8], $0x20, s30, s8, $0xb8;
	v63 =	vld [tilespmem:$0x0]  }
0x5e: {  	s16 =	simm.s32 $0x1C0;
	s18 =	rddreg [dreg:$0xb]  }
0x5f: {  	[tilespmem:s31], [sflag:$0x1] =	stream.indirect.gather [hbm4b:s3+s8], $0x20, s16, s8, $0xb8;
	v63 =	vld [tilespmem:$0x0]  }
0x60: {  	s19 =	simm.s32 $0x1F8;
	s20 =	rddreg [dreg:$0xc]  }
0x61: {  	[tilespmem:s18], [sflag:$0x1] =	stream.indirect.gather [hbm4b:s3+s8], $0x20, s19, s8, $0xb8;
	v63 =	vld [tilespmem:$0x0]  }
0x62: {  	s21 =	simm.s32 $0x230;
	s22 =	rddreg [dreg:$0xd]  }
0x63: {  	[tilespmem:s20], [sflag:$0x1] =	stream.indirect.gather [hbm4b:s3+s8], $0x20, s21, s8, $0xb8;
	v63 =	vld [tilespmem:$0x0]  }
0x64: {  	s23 =	simm.s32 $0x268;
	s24 =	rddreg [dreg:$0xe]  }
0x65: {  	[tilespmem:s22], [sflag:$0x1] =	stream.indirect.gather [hbm4b:s3+s8], $0x20, s23, s8, $0xb8;
	v63 =	vld [tilespmem:$0x0]  }
0x66: {  	s25 =	simm.s32 $0x2A0;
	s26 =	rddreg [dreg:$0xf]  }
0x67: {  	[tilespmem:s24], [sflag:$0x1] =	stream.indirect.gather [hbm4b:s3+s8], $0x20, s25, s8, $0xb8;
	v63 =	vld [tilespmem:$0x0]  }
0x68: {  	s28 =	simm.s32 $0x2D8;
	s29 =	rddreg [dreg:$0x10]  }
0x69: {  	[tilespmem:s26], [sflag:$0x1] =	stream.indirect.gather [hbm4b:s3+s8], $0x20, s28, s8, $0xb8;
	v63 =	vld [tilespmem:$0x0]  }
0x6a: {  	s30 =	simm.s32 $0x310;
	s31 =	rddreg [dreg:$0x11]  }
0x6b: {  	[tilespmem:s29], [sflag:$0x1] =	stream.indirect.gather [hbm4b:s3+s8], $0x20, s30, s8, $0xb8;
	v63 =	vld [tilespmem:$0x0]  }
0x6c: {  	s17 =	simm.s32 $0x348;
	s18 =	rddreg [dreg:$0x12]  }
0x6d: {  	[tilespmem:s31], [sflag:$0x1] =	stream.indirect.gather [hbm4b:s3+s8], $0x20, s17, s8, $0xb8;
	v63 =	vld [tilespmem:$0x0]  }
0x6e: {  	s19 =	simm.s32 $0x380;
	s20 =	rddreg [dreg:$0x13]  }
0x6f: {  	[tilespmem:s18], [sflag:$0x1] =	stream.indirect.gather [hbm4b:s3+s8], $0x20, s19, s8, $0xb8;
	v63 =	vld [tilespmem:$0x0]  }
0x70: {  	s21 =	simm.s32 $0x3B8;
	s22 =	rddreg [dreg:$0x14]  }
0x71: {  	[tilespmem:s20], [sflag:$0x1] =	stream.indirect.gather [hbm4b:s3+s8], $0x20, s21, s8, $0xb8;
	v63 =	vld [tilespmem:$0x0]  }
0x72: {  	s23 =	simm.s32 $0x3F0;
	s24 =	rddreg [dreg:$0x15]  }
0x73: {  	[tilespmem:s22], [sflag:$0x1] =	stream.indirect.gather [hbm4b:s3+s8], $0x20, s23, s8, $0xb8;
	v63 =	vld [tilespmem:$0x0]  }
0x74: {  	s25 =	simm.s32 $0x428;
	s26 =	rddreg [dreg:$0x16]  }
0x75: {  	[tilespmem:s24], [sflag:$0x1] =	stream.indirect.gather [hbm4b:s3+s8], $0x20, s25, s8, $0xb8;
	v63 =	vld [tilespmem:$0x0]  }
0x76: {  	s28 =	simm.s32 $0x460;
	s29 =	rddreg [dreg:$0x17]  }
0x77: {  	[tilespmem:s26], [sflag:$0x1] =	stream.indirect.gather [hbm4b:s3+s8], $0x20, s28, s8, $0xb8;
	v63 =	vld [tilespmem:$0x0]  }
0x78: {  	s30 =	simm.s32 $0x498;
	s31 =	rddreg [dreg:$0x18]  }
0x79: {  	[tilespmem:s29], [sflag:$0x1] =	stream.indirect.gather [hbm4b:s3+s8], $0x20, s30, s8, $0xb8;
	v63 =	vld [tilespmem:$0x0]  }
0x7a: {  	s16 =	simm.s32 $0x4D0;
	s18 =	rddreg [dreg:$0x19]  }
0x7b: {  	[tilespmem:s31], [sflag:$0x1] =	stream.indirect.gather [hbm4b:s3+s8], $0x20, s16, s8, $0xb8;
	v63 =	vld [tilespmem:$0x0]  }
0x7c: {  	s19 =	simm.s32 $0x508;
	s20 =	rddreg [dreg:$0x1a]  }
0x7d: {  	[tilespmem:s18], [sflag:$0x1] =	stream.indirect.gather [hbm4b:s3+s8], $0x20, s19, s8, $0xb8;
	v63 =	vld [tilespmem:$0x0]  }
0x7e: {  	s21 =	simm.s32 $0x540;
	s22 =	rddreg [dreg:$0x1b]  }
0x7f: {  	[tilespmem:s20], [sflag:$0x1] =	stream.indirect.gather [hbm4b:s3+s8], $0x20, s21, s8, $0xb8;
	v63 =	vld [tilespmem:$0x0]  }
0x80: {  	s23 =	simm.s32 $0x578;
	s24 =	rddreg [dreg:$0x1c]  }
0x81: {  	[tilespmem:s22], [sflag:$0x1] =	stream.indirect.gather [hbm4b:s3+s8], $0x20, s23, s8, $0xb8;
	v63 =	vld [tilespmem:$0x0]  }
0x82: {  	s25 =	simm.s32 $0x5B0;
	s26 =	rddreg [dreg:$0x1d]  }
0x83: {  	[tilespmem:s24], [sflag:$0x1] =	stream.indirect.gather [hbm4b:s3+s8], $0x20, s25, s8, $0xb8;
	v63 =	vld [tilespmem:$0x0]  }
0x84: {  	s28 =	simm.s32 $0x5E8;
	s29 =	rddreg [dreg:$0x1e]  }
0x85: {  	[tilespmem:s26], [sflag:$0x1] =	stream.indirect.gather [hbm4b:s3+s8], $0x20, s28, s8, $0xb8;
	v63 =	vld [tilespmem:$0x0]  }
0x86: {  	s30 =	simm.s32 $0x620;
	s31 =	rddreg [dreg:$0x1f]  }
0x87: {  	[tilespmem:s29], [sflag:$0x1] =	stream.indirect.gather [hbm4b:s3+s8], $0x20, s30, s8, $0xb8;
	v63 =	vld [tilespmem:$0x0]  }
0x88: {  	s18 =	simm.s32 $0x658;
	s19 =	sld [smem:$0x7DD]  }
0x89: {  	[tilespmem:s31], [sflag:$0x1] =	stream.indirect.gather [hbm4b:s3+s8], $0x20, s18, s8, $0xb8;
	v63 =	vld [tilespmem:$0x0]  }
0x8a: {  	s20 =	simm.s32 $0x690;
	s21 =	sld [smem:$0x7DE]  }
0x8b: {  	[tilespmem:s19], [sflag:$0x1] =	stream.indirect.gather [hbm4b:s3+s8], $0x20, s20, s8, $0xb8;
	v63 =	vld [tilespmem:$0x0]  }
0x8c: {  	s22 =	simm.s32 $0x6C8  }
0x8d: {  	[tilespmem:s21], [sflag:$0x1] =	stream.indirect.gather [hbm4b:s3+s8], $0x20, s22, s8, $0xb8;
	v63 =	vld [tilespmem:$0x0]  }
0x8e: {  	_ =	swait.ge [sflag:s10], $0x640  }
0x8f: {  	[sflag:s10] =	ssyncset.done $0x0  }
0x90: {  	[sflag:s10] =	ssyncadd.s32 $0xFFFFF9C0  }
0x91: {  	_ =	swait.ge [sflag:s10], $0x640  }
0x92: {  	[sflag:s10] =	ssyncset.done $0x0  }
0x93: {  	[sflag:s10] =	ssyncadd.s32 $0xFFFFF9C0  }
0x94: {  	_ =	swait.ge [sflag:s10], $0x640  }
0x95: {  	[sflag:s10] =	ssyncset.done $0x0  }
0x96: {  	[sflag:s10] =	ssyncadd.s32 $0xFFFFF9C0  }
0x97: {  	_ =	swait.ge [sflag:s10], $0x640  }
0x98: {  	[sflag:s10] =	ssyncset.done $0x0  }
0x99: {  	[sflag:s10] =	ssyncadd.s32 $0xFFFFF9C0  }
0x9a: {  	_ =	swait.ge [sflag:s10], $0x640  }
0x9b: {  	[sflag:s10] =	ssyncset.done $0x0  }
0x9c: {  	[sflag:s10] =	ssyncadd.s32 $0xFFFFF9C0  }
0x9d: {  	_ =	swait.ge [sflag:s10], $0x640  }
0x9e: {  	[sflag:s10] =	ssyncset.done $0x0  }
0x9f: {  	[sflag:s10] =	ssyncadd.s32 $0xFFFFF9C0  }
0xa0: {  	_ =	swait.ge [sflag:s10], $0x640  }
0xa1: {  	[sflag:s10] =	ssyncset.done $0x0  }
0xa2: {  	[sflag:s10] =	ssyncadd.s32 $0xFFFFF9C0  }
0xa3: {  	_ =	swait.ge [sflag:s10], $0x640  }
0xa4: {  	[sflag:s10] =	ssyncset.done $0x0  }
0xa5: {  	[sflag:s10] =	ssyncadd.s32 $0xFFFFF9C0  }
0xa6: {  	_ =	swait.ge [sflag:s10], $0x640  }
0xa7: {  	[sflag:s10] =	ssyncset.done $0x0  }
0xa8: {  	[sflag:s10] =	ssyncadd.s32 $0xFFFFF9C0  }
0xa9: {  	_ =	swait.ge [sflag:s10], $0x640  }
0xaa: {  	[sflag:s10] =	ssyncset.done $0x0  }
0xab: {  	[sflag:s10] =	ssyncadd.s32 $0xFFFFF9C0  }
0xac: {  	_ =	swait.ge [sflag:s10], $0x640  }
0xad: {  	[sflag:s10] =	ssyncset.done $0x0  }
0xae: {  	[sflag:s10] =	ssyncadd.s32 $0xFFFFF9C0  }
0xaf: {  	_ =	swait.ge [sflag:s10], $0x640  }
0xb0: {  	[sflag:s10] =	ssyncset.done $0x0  }
0xb1: {  	[sflag:s10] =	ssyncadd.s32 $0xFFFFF9C0  }
0xb2: {  	_ =	swait.ge [sflag:s10], $0x640  }
0xb3: {  	[sflag:s10] =	ssyncset.done $0x0  }
0xb4: {  	[sflag:s10] =	ssyncadd.s32 $0xFFFFF9C0  }
0xb5: {  	_ =	swait.ge [sflag:s10], $0x640  }
0xb6: {  	[sflag:s10] =	ssyncset.done $0x0  }
0xb7: {  	[sflag:s10] =	ssyncadd.s32 $0xFFFFF9C0  }
0xb8: {  	_ =	swait.ge [sflag:s10], $0x640  }
0xb9: {  	[sflag:s10] =	ssyncset.done $0x0  }
0xba: {  	[sflag:s10] =	ssyncadd.s32 $0xFFFFF9C0  }
0xbb: {  	_ =	swait.ge [sflag:s10], $0x640  }
0xbc: {  	[sflag:s10] =	ssyncset.done $0x0  }
0xbd: {  	[sflag:s10] =	ssyncadd.s32 $0xFFFFF9C0  }
0xbe: {  	_ =	swait.ge [sflag:s10], $0x640  }
0xbf: {  	[sflag:s10] =	ssyncset.done $0x0  }
0xc0: {  	[sflag:s10] =	ssyncadd.s32 $0xFFFFF9C0  }
0xc1: {  	_ =	swait.ge [sflag:s10], $0x640  }
0xc2: {  	[sflag:s10] =	ssyncset.done $0x0  }
0xc3: {  	[sflag:s10] =	ssyncadd.s32 $0xFFFFF9C0  }
0xc4: {  	_ =	swait.ge [sflag:s10], $0x640  }
0xc5: {  	[sflag:s10] =	ssyncset.done $0x0  }
0xc6: {  	[sflag:s10] =	ssyncadd.s32 $0xFFFFF9C0  }
0xc7: {  	_ =	swait.ge [sflag:s10], $0x640  }
0xc8: {  	[sflag:s10] =	ssyncset.done $0x0  }
0xc9: {  	[sflag:s10] =	ssyncadd.s32 $0xFFFFF9C0  }
0xca: {  	_ =	swait.ge [sflag:s10], $0x640  }
0xcb: {  	[sflag:s10] =	ssyncset.done $0x0  }
0xcc: {  	[sflag:s10] =	ssyncadd.s32 $0xFFFFF9C0  }
0xcd: {  	_ =	swait.ge [sflag:s10], $0x640  }
0xce: {  	[sflag:s10] =	ssyncset.done $0x0  }
0xcf: {  	[sflag:s10] =	ssyncadd.s32 $0xFFFFF9C0  }
0xd0: {  	_ =	swait.ge [sflag:s10], $0x640  }
0xd1: {  	[sflag:s10] =	ssyncset.done $0x0  }
0xd2: {  	[sflag:s10] =	ssyncadd.s32 $0xFFFFF9C0  }
0xd3: {  	_ =	swait.ge [sflag:s10], $0x640  }
0xd4: {  	[sflag:s10] =	ssyncset.done $0x0  }
0xd5: {  	[sflag:s10] =	ssyncadd.s32 $0xFFFFF9C0  }
0xd6: {  	_ =	swait.ge [sflag:s10], $0x640  }
0xd7: {  	[sflag:s10] =	ssyncset.done $0x0  }
0xd8: {  	[sflag:s10] =	ssyncadd.s32 $0xFFFFF9C0  }
0xd9: {  	_ =	swait.ge [sflag:s10], $0x640  }
0xda: {  	[sflag:s10] =	ssyncset.done $0x0  }
0xdb: {  	[sflag:s10] =	ssyncadd.s32 $0xFFFFF9C0  }
0xdc: {  	_ =	swait.ge [sflag:s10], $0x640  }
0xdd: {  	[sflag:s10] =	ssyncset.done $0x0  }
0xde: {  	[sflag:s10] =	ssyncadd.s32 $0xFFFFF9C0  }
0xdf: {  	_ =	swait.ge [sflag:s10], $0x640  }
0xe0: {  	[sflag:s10] =	ssyncset.done $0x0  }
0xe1: {  	[sflag:s10] =	ssyncadd.s32 $0xFFFFF9C0  }
0xe2: {  	_ =	swait.ge [sflag:s10], $0x640  }
0xe3: {  	[sflag:s10] =	ssyncset.done $0x0  }
0xe4: {  	[sflag:s10] =	ssyncadd.s32 $0xFFFFF9C0  }
0xe5: {  	_ =	swait.ge [sflag:s10], $0x640  }
0xe6: {  	[sflag:s10] =	ssyncset.done $0x0  }
0xe7: {  	[sflag:s10] =	ssyncadd.s32 $0xFFFFF9C0  }
0xe8: {  	_ =	swait.ge [sflag:s10], $0x640  }
0xe9: {  	[sflag:s10] =	ssyncset.done $0x0  }
0xea: {  	[sflag:s10] =	ssyncadd.s32 $0xFFFFF9C0  }
0xeb: {  	_ =	swait.ge [sflag:s10], $0x640  }
0xec: {  	[sflag:s10] =	ssyncset.done $0x0  }
0xed: {  	s15 =	simm.s32 @!p0 $0x3;
	[sflag:s10] =	ssyncadd.s32 $0xFFFFF9C0  }
0xee: {  	[hbm4b:s6+s1] =	stream.linear.scatter [tilespmem:s9], [sflag:$0x2], $0xC800, $0x38;
	v63 =	vld [tilespmem:$0x0]  }
0xef: {  	_ =	swait.ge @!p0 [sflag:s15], $0xC800  }
0xf0: {  	[sflag:s15] =	ssyncset.done @!p0 $0x0  }
0xf1: {  	s23 =	simm.s32 $0x700;
	s24 =	sld [smem:$0x7DF];
	[sflag:s15] =	ssyncadd.s32 @!p0 $0xFFFF3800  }
0xf2: {  	[tilespmem:s11], [sflag:$0x1] =	stream.indirect.gather [hbm4b:s3+s8], $0x20, s23, s8, $0xb8;
	v63 =	vld [tilespmem:$0x0]  }
0xf3: {  	s25 =	simm.s32 $0x738;
	s26 =	sld [smem:$0x7E0]  }
0xf4: {  	[tilespmem:s24], [sflag:$0x1] =	stream.indirect.gather [hbm4b:s3+s8], $0x20, s25, s8, $0xb8;
	v63 =	vld [tilespmem:$0x0]  }
0xf5: {  	s28 =	simm.s32 $0x770;
	s29 =	sld [smem:$0x7E1]  }
0xf6: {  	[tilespmem:s26], [sflag:$0x1] =	stream.indirect.gather [hbm4b:s3+s8], $0x20, s28, s8, $0xb8;
	v63 =	vld [tilespmem:$0x0]  }
0xf7: {  	s30 =	simm.s32 $0x7A8;
	s31 =	sld [smem:$0x7E2]  }
0xf8: {  	[tilespmem:s29], [sflag:$0x1] =	stream.indirect.gather [hbm4b:s3+s8], $0x20, s30, s8, $0xb8;
	v63 =	vld [tilespmem:$0x0]  }
0xf9: {  	s16 =	simm.s32 $0x7E0;
	s18 =	sld [smem:$0x7E3]  }
0xfa: {  	[tilespmem:s31], [sflag:$0x1] =	stream.indirect.gather [hbm4b:s3+s8], $0x20, s16, s8, $0xb8;
	v63 =	vld [tilespmem:$0x0]  }
0xfb: {  	s19 =	simm.s32 $0x818;
	s20 =	sld [smem:$0x7E4]  }
0xfc: {  	[tilespmem:s18], [sflag:$0x1] =	stream.indirect.gather [hbm4b:s3+s8], $0x20, s19, s8, $0xb8;
	v63 =	vld [tilespmem:$0x0]  }
0xfd: {  	s21 =	simm.s32 $0x850;
	s22 =	sld [smem:$0x7E5]  }
0xfe: {  	[tilespmem:s20], [sflag:$0x1] =	stream.indirect.gather [hbm4b:s3+s8], $0x20, s21, s8, $0xb8;
	v63 =	vld [tilespmem:$0x0]  }
0xff: {  	s23 =	simm.s32 $0x888;
	s24 =	sld [smem:$0x7E6]  }
0x100: {  	[tilespmem:s22], [sflag:$0x1] =	stream.indirect.gather [hbm4b:s3+s8], $0x20, s23, s8, $0xb8;
	v63 =	vld [tilespmem:$0x0]  }
0x101: {  	s25 =	simm.s32 $0x8C0;
	s26 =	sld [smem:$0x7E7]  }
0x102: {  	[tilespmem:s24], [sflag:$0x1] =	stream.indirect.gather [hbm4b:s3+s8], $0x20, s25, s8, $0xb8;
	v63 =	vld [tilespmem:$0x0]  }
0x103: {  	s28 =	simm.s32 $0x8F8;
	s29 =	sld [smem:$0x7E8]  }
0x104: {  	[tilespmem:s26], [sflag:$0x1] =	stream.indirect.gather [hbm4b:s3+s8], $0x20, s28, s8, $0xb8;
	v63 =	vld [tilespmem:$0x0]  }
0x105: {  	s30 =	simm.s32 $0x930;
	s31 =	sld [smem:$0x7E9]  }
0x106: {  	[tilespmem:s29], [sflag:$0x1] =	stream.indirect.gather [hbm4b:s3+s8], $0x20, s30, s8, $0xb8;
	v63 =	vld [tilespmem:$0x0]  }
0x107: {  	s17 =	simm.s32 $0x968;
	s18 =	sld [smem:$0x7EA]  }
0x108: {  	[tilespmem:s31], [sflag:$0x1] =	stream.indirect.gather [hbm4b:s3+s8], $0x20, s17, s8, $0xb8;
	v63 =	vld [tilespmem:$0x0]  }
0x109: {  	s19 =	simm.s32 $0x9A0;
	s20 =	sld [smem:$0x7EB]  }
0x10a: {  	[tilespmem:s18], [sflag:$0x1] =	stream.indirect.gather [hbm4b:s3+s8], $0x20, s19, s8, $0xb8;
	v63 =	vld [tilespmem:$0x0]  }
0x10b: {  	s21 =	simm.s32 $0x9D8;
	s22 =	sld [smem:$0x7EC]  }
0x10c: {  	[tilespmem:s20], [sflag:$0x1] =	stream.indirect.gather [hbm4b:s3+s8], $0x20, s21, s8, $0xb8;
	v63 =	vld [tilespmem:$0x0]  }
0x10d: {  	s23 =	simm.s32 $0xA10;
	s24 =	sld [smem:$0x7ED]  }
0x10e: {  	[tilespmem:s22], [sflag:$0x1] =	stream.indirect.gather [hbm4b:s3+s8], $0x20, s23, s8, $0xb8;
	v63 =	vld [tilespmem:$0x0]  }
0x10f: {  	s25 =	simm.s32 $0xA48;
	s26 =	sld [smem:$0x7EE]  }
0x110: {  	[tilespmem:s24], [sflag:$0x1] =	stream.indirect.gather [hbm4b:s3+s8], $0x20, s25, s8, $0xb8;
	v63 =	vld [tilespmem:$0x0]  }
0x111: {  	s28 =	simm.s32 $0xA80;
	s29 =	sld [smem:$0x7EF]  }
0x112: {  	[tilespmem:s26], [sflag:$0x1] =	stream.indirect.gather [hbm4b:s3+s8], $0x20, s28, s8, $0xb8;
	v63 =	vld [tilespmem:$0x0]  }
0x113: {  	s30 =	simm.s32 $0xAB8;
	s31 =	sld [smem:$0x7F0]  }
0x114: {  	[tilespmem:s29], [sflag:$0x1] =	stream.indirect.gather [hbm4b:s3+s8], $0x20, s30, s8, $0xb8;
	v63 =	vld [tilespmem:$0x0]  }
0x115: {  	s16 =	simm.s32 $0xAF0;
	s18 =	sld [smem:$0x7F1]  }
0x116: {  	[tilespmem:s31], [sflag:$0x1] =	stream.indirect.gather [hbm4b:s3+s8], $0x20, s16, s8, $0xb8;
	v63 =	vld [tilespmem:$0x0]  }
0x117: {  	s19 =	simm.s32 $0xB28;
	s20 =	sld [smem:$0x7F2]  }
0x118: {  	[tilespmem:s18], [sflag:$0x1] =	stream.indirect.gather [hbm4b:s3+s8], $0x20, s19, s8, $0xb8;
	v63 =	vld [tilespmem:$0x0]  }
0x119: {  	s21 =	simm.s32 $0xB60;
	s22 =	sld [smem:$0x7F3]  }
0x11a: {  	[tilespmem:s20], [sflag:$0x1] =	stream.indirect.gather [hbm4b:s3+s8], $0x20, s21, s8, $0xb8;
	v63 =	vld [tilespmem:$0x0]  }
0x11b: {  	s23 =	simm.s32 $0xB98;
	s24 =	sld [smem:$0x7F4]  }
0x11c: {  	[tilespmem:s22], [sflag:$0x1] =	stream.indirect.gather [hbm4b:s3+s8], $0x20, s23, s8, $0xb8;
	v63 =	vld [tilespmem:$0x0]  }
0x11d: {  	s25 =	simm.s32 $0xBD0;
	s26 =	sld [smem:$0x7F5]  }
0x11e: {  	[tilespmem:s24], [sflag:$0x1] =	stream.indirect.gather [hbm4b:s3+s8], $0x20, s25, s8, $0xb8;
	v63 =	vld [tilespmem:$0x0]  }
0x11f: {  	s28 =	simm.s32 $0xC08;
	s29 =	sld [smem:$0x7F6]  }
0x120: {  	[tilespmem:s26], [sflag:$0x1] =	stream.indirect.gather [hbm4b:s3+s8], $0x20, s28, s8, $0xb8;
	v63 =	vld [tilespmem:$0x0]  }
0x121: {  	s30 =	simm.s32 $0xC40;
	s31 =	sld [smem:$0x7F7]  }
0x122: {  	[tilespmem:s29], [sflag:$0x1] =	stream.indirect.gather [hbm4b:s3+s8], $0x20, s30, s8, $0xb8;
	v63 =	vld [tilespmem:$0x0]  }
0x123: {  	s18 =	simm.s32 $0xC78;
	s19 =	sld [smem:$0x7F8]  }
0x124: {  	[tilespmem:s31], [sflag:$0x1] =	stream.indirect.gather [hbm4b:s3+s8], $0x20, s18, s8, $0xb8;
	v63 =	vld [tilespmem:$0x0]  }
0x125: {  	s20 =	simm.s32 $0xCB0;
	s21 =	sld [smem:$0x7F9]  }
0x126: {  	[tilespmem:s19], [sflag:$0x1] =	stream.indirect.gather [hbm4b:s3+s8], $0x20, s20, s8, $0xb8;
	v63 =	vld [tilespmem:$0x0]  }
0x127: {  	s22 =	simm.s32 $0xCE8;
	s23 =	sld [smem:$0x7FA]  }
0x128: {  	[tilespmem:s21], [sflag:$0x1] =	stream.indirect.gather [hbm4b:s3+s8], $0x20, s22, s8, $0xb8;
	v63 =	vld [tilespmem:$0x0]  }
0x129: {  	s24 =	simm.s32 $0xD20;
	s25 =	sld [smem:$0x7FB]  }
0x12a: {  	[tilespmem:s23], [sflag:$0x1] =	stream.indirect.gather [hbm4b:s3+s8], $0x20, s24, s8, $0xb8;
	v63 =	vld [tilespmem:$0x0]  }
0x12b: {  	s26 =	simm.s32 $0xD58;
	s28 =	sld [smem:$0x7FC]  }
0x12c: {  	[tilespmem:s25], [sflag:$0x1] =	stream.indirect.gather [hbm4b:s3+s8], $0x20, s26, s8, $0xb8;
	v63 =	vld [tilespmem:$0x0]  }
0x12d: {  	s29 =	simm.s32 $0xD90;
	s30 =	sld [smem:$0x7FD]  }
0x12e: {  	[tilespmem:s28], [sflag:$0x1] =	stream.indirect.gather [hbm4b:s3+s8], $0x20, s29, s8, $0xb8;
	v63 =	vld [tilespmem:$0x0]  }
0x12f: {  	s31 =	simm.s32 $0xDC8  }
0x130: {  	[tilespmem:s30], [sflag:$0x1] =	stream.indirect.gather [hbm4b:s3+s8], $0x20, s31, s8, $0xb8;
	v63 =	vld [tilespmem:$0x0]  }
0x131: {  	_ =	swait.ge [sflag:s10], $0x640  }
0x132: {  	[sflag:s10] =	ssyncset.done $0x0  }
0x133: {  	[sflag:s10] =	ssyncadd.s32 $0xFFFFF9C0  }
0x134: {  	_ =	swait.ge [sflag:s10], $0x640  }
0x135: {  	[sflag:s10] =	ssyncset.done $0x0  }
0x136: {  	[sflag:s10] =	ssyncadd.s32 $0xFFFFF9C0  }
0x137: {  	_ =	swait.ge [sflag:s10], $0x640  }
0x138: {  	[sflag:s10] =	ssyncset.done $0x0  }
0x139: {  	[sflag:s10] =	ssyncadd.s32 $0xFFFFF9C0  }
0x13a: {  	_ =	swait.ge [sflag:s10], $0x640  }
0x13b: {  	[sflag:s10] =	ssyncset.done $0x0  }
0x13c: {  	[sflag:s10] =	ssyncadd.s32 $0xFFFFF9C0  }
0x13d: {  	_ =	swait.ge [sflag:s10], $0x640  }
0x13e: {  	[sflag:s10] =	ssyncset.done $0x0  }
0x13f: {  	[sflag:s10] =	ssyncadd.s32 $0xFFFFF9C0  }
0x140: {  	_ =	swait.ge [sflag:s10], $0x640  }
0x141: {  	[sflag:s10] =	ssyncset.done $0x0  }
0x142: {  	[sflag:s10] =	ssyncadd.s32 $0xFFFFF9C0  }
0x143: {  	_ =	swait.ge [sflag:s10], $0x640  }
0x144: {  	[sflag:s10] =	ssyncset.done $0x0  }
0x145: {  	[sflag:s10] =	ssyncadd.s32 $0xFFFFF9C0  }
0x146: {  	_ =	swait.ge [sflag:s10], $0x640  }
0x147: {  	[sflag:s10] =	ssyncset.done $0x0  }
0x148: {  	[sflag:s10] =	ssyncadd.s32 $0xFFFFF9C0  }
0x149: {  	_ =	swait.ge [sflag:s10], $0x640  }
0x14a: {  	[sflag:s10] =	ssyncset.done $0x0  }
0x14b: {  	[sflag:s10] =	ssyncadd.s32 $0xFFFFF9C0  }
0x14c: {  	_ =	swait.ge [sflag:s10], $0x640  }
0x14d: {  	[sflag:s10] =	ssyncset.done $0x0  }
0x14e: {  	[sflag:s10] =	ssyncadd.s32 $0xFFFFF9C0  }
0x14f: {  	_ =	swait.ge [sflag:s10], $0x640  }
0x150: {  	[sflag:s10] =	ssyncset.done $0x0  }
0x151: {  	[sflag:s10] =	ssyncadd.s32 $0xFFFFF9C0  }
0x152: {  	_ =	swait.ge [sflag:s10], $0x640  }
0x153: {  	[sflag:s10] =	ssyncset.done $0x0  }
0x154: {  	[sflag:s10] =	ssyncadd.s32 $0xFFFFF9C0  }
0x155: {  	_ =	swait.ge [sflag:s10], $0x640  }
0x156: {  	[sflag:s10] =	ssyncset.done $0x0  }
0x157: {  	[sflag:s10] =	ssyncadd.s32 $0xFFFFF9C0  }
0x158: {  	_ =	swait.ge [sflag:s10], $0x640  }
0x159: {  	[sflag:s10] =	ssyncset.done $0x0  }
0x15a: {  	[sflag:s10] =	ssyncadd.s32 $0xFFFFF9C0  }
0x15b: {  	_ =	swait.ge [sflag:s10], $0x640  }
0x15c: {  	[sflag:s10] =	ssyncset.done $0x0  }
0x15d: {  	[sflag:s10] =	ssyncadd.s32 $0xFFFFF9C0  }
0x15e: {  	_ =	swait.ge [sflag:s10], $0x640  }
0x15f: {  	[sflag:s10] =	ssyncset.done $0x0  }
0x160: {  	[sflag:s10] =	ssyncadd.s32 $0xFFFFF9C0  }
0x161: {  	_ =	swait.ge [sflag:s10], $0x640  }
0x162: {  	[sflag:s10] =	ssyncset.done $0x0  }
0x163: {  	[sflag:s10] =	ssyncadd.s32 $0xFFFFF9C0  }
0x164: {  	_ =	swait.ge [sflag:s10], $0x640  }
0x165: {  	[sflag:s10] =	ssyncset.done $0x0  }
0x166: {  	[sflag:s10] =	ssyncadd.s32 $0xFFFFF9C0  }
0x167: {  	_ =	swait.ge [sflag:s10], $0x640  }
0x168: {  	[sflag:s10] =	ssyncset.done $0x0  }
0x169: {  	[sflag:s10] =	ssyncadd.s32 $0xFFFFF9C0  }
0x16a: {  	_ =	swait.ge [sflag:s10], $0x640  }
0x16b: {  	[sflag:s10] =	ssyncset.done $0x0  }
0x16c: {  	[sflag:s10] =	ssyncadd.s32 $0xFFFFF9C0  }
0x16d: {  	_ =	swait.ge [sflag:s10], $0x640  }
0x16e: {  	[sflag:s10] =	ssyncset.done $0x0  }
0x16f: {  	[sflag:s10] =	ssyncadd.s32 $0xFFFFF9C0  }
0x170: {  	_ =	swait.ge [sflag:s10], $0x640  }
0x171: {  	[sflag:s10] =	ssyncset.done $0x0  }
0x172: {  	[sflag:s10] =	ssyncadd.s32 $0xFFFFF9C0  }
0x173: {  	_ =	swait.ge [sflag:s10], $0x640  }
0x174: {  	[sflag:s10] =	ssyncset.done $0x0  }
0x175: {  	[sflag:s10] =	ssyncadd.s32 $0xFFFFF9C0  }
0x176: {  	_ =	swait.ge [sflag:s10], $0x640  }
0x177: {  	[sflag:s10] =	ssyncset.done $0x0  }
0x178: {  	[sflag:s10] =	ssyncadd.s32 $0xFFFFF9C0  }
0x179: {  	_ =	swait.ge [sflag:s10], $0x640  }
0x17a: {  	[sflag:s10] =	ssyncset.done $0x0  }
0x17b: {  	[sflag:s10] =	ssyncadd.s32 $0xFFFFF9C0  }
0x17c: {  	_ =	swait.ge [sflag:s10], $0x640  }
0x17d: {  	[sflag:s10] =	ssyncset.done $0x0  }
0x17e: {  	[sflag:s10] =	ssyncadd.s32 $0xFFFFF9C0  }
0x17f: {  	_ =	swait.ge [sflag:s10], $0x640  }
0x180: {  	[sflag:s10] =	ssyncset.done $0x0  }
0x181: {  	[sflag:s10] =	ssyncadd.s32 $0xFFFFF9C0  }
0x182: {  	_ =	swait.ge [sflag:s10], $0x640  }
0x183: {  	[sflag:s10] =	ssyncset.done $0x0  }
0x184: {  	[sflag:s10] =	ssyncadd.s32 $0xFFFFF9C0  }
0x185: {  	_ =	swait.ge [sflag:s10], $0x640  }
0x186: {  	[sflag:s10] =	ssyncset.done $0x0  }
0x187: {  	[sflag:s10] =	ssyncadd.s32 $0xFFFFF9C0  }
0x188: {  	_ =	swait.ge [sflag:s10], $0x640  }
0x189: {  	[sflag:s10] =	ssyncset.done $0x0  }
0x18a: {  	[sflag:s10] =	ssyncadd.s32 $0xFFFFF9C0  }
0x18b: {  	_ =	swait.ge [sflag:s10], $0x640  }
0x18c: {  	[sflag:s10] =	ssyncset.done $0x0  }
0x18d: {  	p1 =	por $0x0, $0x0;
	[sflag:s10] =	ssyncadd.s32 $0xFFFFF9C0  }
0x18e: {  	s15 =	sadd.s32 $0x3200, s6;
	s17 =	simm.s32 $0x7000;
	_ =	swait.ge [sflag:s10], $0x640  }
0x18f: {  	s16 =	simm.s32 $0x3800;
	s19 =	sadd.s32 $0x1900, s6;
	[sflag:s10] =	ssyncset.done $0x0  }
.LBB2_2:
0x190: {  	s20 =	simm.s32 @!p1 $0x2;
	[sflag:s10] =	ssyncadd.s32 $0xFFFFF9C0  }
0x191: {  	[hbm4b:s19+s1] =	stream.linear.scatter [tilespmem:s11], [sflag:$0x3], $0xC800, $0x38;
	v63 =	vld [tilespmem:$0x0]  }
0x192: {  	_ =	swait.ge @!p1 [sflag:s20], $0xC800  }
0x193: {  	[sflag:s20] =	ssyncset.done @!p1 $0x0  }
0x194: {  	s19 =	sshra.s32 s16, $0x2;
	s31 =	rddreg [dreg:$0x3];
	[sflag:s20] =	ssyncadd.s32 @!p1 $0xFFFF3800  }
0x195: {  	[tilespmem:s9], [sflag:$0x1] =	stream.indirect.gather [hbm4b:s3+s8], $0x20, s19, s8, $0xb8;
	v63 =	vld [tilespmem:$0x0]  }
0x196: {  	s22 =	sadd.s32 $0x38, s19;
	s23 =	rddreg [dreg:$0x4]  }
0x197: {  	[tilespmem:s31], [sflag:$0x1] =	stream.indirect.gather [hbm4b:s3+s8], $0x20, s22, s8, $0xb8;
	v63 =	vld [tilespmem:$0x0]  }
0x198: {  	s24 =	rddreg [dreg:$0x5];
	s22 =	sadd.s32 $0x70, s19  }
0x199: {  	[tilespmem:s23], [sflag:$0x1] =	stream.indirect.gather [hbm4b:s3+s8], $0x20, s22, s8, $0xb8;
	v63 =	vld [tilespmem:$0x0]  }
0x19a: {  	s25 =	sadd.s32 $0xA8, s19;
	s26 =	rddreg [dreg:$0x6]  }
0x19b: {  	[tilespmem:s24], [sflag:$0x1] =	stream.indirect.gather [hbm4b:s3+s8], $0x20, s25, s8, $0xb8;
	v63 =	vld [tilespmem:$0x0]  }
0x19c: {  	s28 =	sadd.s32 $0xE0, s19;
	s29 =	rddreg [dreg:$0x7]  }
0x19d: {  	[tilespmem:s26], [sflag:$0x1] =	stream.indirect.gather [hbm4b:s3+s8], $0x20, s28, s8, $0xb8;
	v63 =	vld [tilespmem:$0x0]  }
0x19e: {  	s30 =	sadd.s32 $0x118, s19;
	s31 =	rddreg [dreg:$0x8]  }
0x19f: {  	[tilespmem:s29], [sflag:$0x1] =	stream.indirect.gather [hbm4b:s3+s8], $0x20, s30, s8, $0xb8;
	v63 =	vld [tilespmem:$0x0]  }
0x1a0: {  	s23 =	sadd.s32 $0x150, s19;
	s24 =	rddreg [dreg:$0x9]  }
0x1a1: {  	[tilespmem:s31], [sflag:$0x1] =	stream.indirect.gather [hbm4b:s3+s8], $0x20, s23, s8, $0xb8;
	v63 =	vld [tilespmem:$0x0]  }
0x1a2: {  	s25 =	sadd.s32 $0x188, s19;
	s26 =	rddreg [dreg:$0xa]  }
0x1a3: {  	[tilespmem:s24], [sflag:$0x1] =	stream.indirect.gather [hbm4b:s3+s8], $0x20, s25, s8, $0xb8;
	v63 =	vld [tilespmem:$0x0]  }
0x1a4: {  	s28 =	sadd.s32 $0x1C0, s19;
	s29 =	rddreg [dreg:$0xb]  }
0x1a5: {  	[tilespmem:s26], [sflag:$0x1] =	stream.indirect.gather [hbm4b:s3+s8], $0x20, s28, s8, $0xb8;
	v63 =	vld [tilespmem:$0x0]  }
0x1a6: {  	s30 =	sadd.s32 $0x1F8, s19;
	s31 =	rddreg [dreg:$0xc]  }
0x1a7: {  	[tilespmem:s29], [sflag:$0x1] =	stream.indirect.gather [hbm4b:s3+s8], $0x20, s30, s8, $0xb8;
	v63 =	vld [tilespmem:$0x0]  }
0x1a8: {  	s23 =	sadd.s32 $0x230, s19;
	s24 =	rddreg [dreg:$0xd]  }
0x1a9: {  	[tilespmem:s31], [sflag:$0x1] =	stream.indirect.gather [hbm4b:s3+s8], $0x20, s23, s8, $0xb8;
	v63 =	vld [tilespmem:$0x0]  }
0x1aa: {  	s25 =	sadd.s32 $0x268, s19;
	s26 =	rddreg [dreg:$0xe]  }
0x1ab: {  	[tilespmem:s24], [sflag:$0x1] =	stream.indirect.gather [hbm4b:s3+s8], $0x20, s25, s8, $0xb8;
	v63 =	vld [tilespmem:$0x0]  }
0x1ac: {  	s28 =	sadd.s32 $0x2A0, s19;
	s29 =	rddreg [dreg:$0xf]  }
0x1ad: {  	[tilespmem:s26], [sflag:$0x1] =	stream.indirect.gather [hbm4b:s3+s8], $0x20, s28, s8, $0xb8;
	v63 =	vld [tilespmem:$0x0]  }
0x1ae: {  	s30 =	sadd.s32 $0x2D8, s19;
	s31 =	rddreg [dreg:$0x10]  }
0x1af: {  	[tilespmem:s29], [sflag:$0x1] =	stream.indirect.gather [hbm4b:s3+s8], $0x20, s30, s8, $0xb8;
	v63 =	vld [tilespmem:$0x0]  }
0x1b0: {  	s23 =	sadd.s32 $0x310, s19;
	s24 =	rddreg [dreg:$0x11]  }
0x1b1: {  	[tilespmem:s31], [sflag:$0x1] =	stream.indirect.gather [hbm4b:s3+s8], $0x20, s23, s8, $0xb8;
	v63 =	vld [tilespmem:$0x0]  }
0x1b2: {  	s25 =	sadd.s32 $0x348, s19;
	s26 =	rddreg [dreg:$0x12]  }
0x1b3: {  	[tilespmem:s24], [sflag:$0x1] =	stream.indirect.gather [hbm4b:s3+s8], $0x20, s25, s8, $0xb8;
	v63 =	vld [tilespmem:$0x0]  }
0x1b4: {  	s28 =	sadd.s32 $0x380, s19;
	s29 =	rddreg [dreg:$0x13]  }
0x1b5: {  	[tilespmem:s26], [sflag:$0x1] =	stream.indirect.gather [hbm4b:s3+s8], $0x20, s28, s8, $0xb8;
	v63 =	vld [tilespmem:$0x0]  }
0x1b6: {  	s30 =	sadd.s32 $0x3B8, s19;
	s31 =	rddreg [dreg:$0x14]  }
0x1b7: {  	[tilespmem:s29], [sflag:$0x1] =	stream.indirect.gather [hbm4b:s3+s8], $0x20, s30, s8, $0xb8;
	v63 =	vld [tilespmem:$0x0]  }
0x1b8: {  	s23 =	sadd.s32 $0x3F0, s19;
	s24 =	rddreg [dreg:$0x15]  }
0x1b9: {  	[tilespmem:s31], [sflag:$0x1] =	stream.indirect.gather [hbm4b:s3+s8], $0x20, s23, s8, $0xb8;
	v63 =	vld [tilespmem:$0x0]  }
0x1ba: {  	s25 =	sadd.s32 $0x428, s19;
	s26 =	rddreg [dreg:$0x16]  }
0x1bb: {  	[tilespmem:s24], [sflag:$0x1] =	stream.indirect.gather [hbm4b:s3+s8], $0x20, s25, s8, $0xb8;
	v63 =	vld [tilespmem:$0x0]  }
0x1bc: {  	s28 =	sadd.s32 $0x460, s19;
	s29 =	rddreg [dreg:$0x17]  }
0x1bd: {  	[tilespmem:s26], [sflag:$0x1] =	stream.indirect.gather [hbm4b:s3+s8], $0x20, s28, s8, $0xb8;
	v63 =	vld [tilespmem:$0x0]  }
0x1be: {  	s30 =	sadd.s32 $0x498, s19;
	s31 =	rddreg [dreg:$0x18]  }
0x1bf: {  	[tilespmem:s29], [sflag:$0x1] =	stream.indirect.gather [hbm4b:s3+s8], $0x20, s30, s8, $0xb8;
	v63 =	vld [tilespmem:$0x0]  }
0x1c0: {  	s23 =	sadd.s32 $0x4D0, s19;
	s24 =	rddreg [dreg:$0x19]  }
0x1c1: {  	[tilespmem:s31], [sflag:$0x1] =	stream.indirect.gather [hbm4b:s3+s8], $0x20, s23, s8, $0xb8;
	v63 =	vld [tilespmem:$0x0]  }
0x1c2: {  	s25 =	sadd.s32 $0x508, s19;
	s26 =	rddreg [dreg:$0x1a]  }
0x1c3: {  	[tilespmem:s24], [sflag:$0x1] =	stream.indirect.gather [hbm4b:s3+s8], $0x20, s25, s8, $0xb8;
	v63 =	vld [tilespmem:$0x0]  }
0x1c4: {  	s28 =	sadd.s32 $0x540, s19;
	s29 =	rddreg [dreg:$0x1b]  }
0x1c5: {  	[tilespmem:s26], [sflag:$0x1] =	stream.indirect.gather [hbm4b:s3+s8], $0x20, s28, s8, $0xb8;
	v63 =	vld [tilespmem:$0x0]  }
0x1c6: {  	s30 =	sadd.s32 $0x578, s19;
	s31 =	rddreg [dreg:$0x1c]  }
0x1c7: {  	[tilespmem:s29], [sflag:$0x1] =	stream.indirect.gather [hbm4b:s3+s8], $0x20, s30, s8, $0xb8;
	v63 =	vld [tilespmem:$0x0]  }
0x1c8: {  	s23 =	sadd.s32 $0x5B0, s19;
	s24 =	rddreg [dreg:$0x1d]  }
0x1c9: {  	[tilespmem:s31], [sflag:$0x1] =	stream.indirect.gather [hbm4b:s3+s8], $0x20, s23, s8, $0xb8;
	v63 =	vld [tilespmem:$0x0]  }
0x1ca: {  	s25 =	sadd.s32 $0x5E8, s19;
	s26 =	rddreg [dreg:$0x1e]  }
0x1cb: {  	[tilespmem:s24], [sflag:$0x1] =	stream.indirect.gather [hbm4b:s3+s8], $0x20, s25, s8, $0xb8;
	v63 =	vld [tilespmem:$0x0]  }
0x1cc: {  	s28 =	sadd.s32 $0x620, s19;
	s29 =	rddreg [dreg:$0x1f]  }
0x1cd: {  	[tilespmem:s26], [sflag:$0x1] =	stream.indirect.gather [hbm4b:s3+s8], $0x20, s28, s8, $0xb8;
	v63 =	vld [tilespmem:$0x0]  }
0x1ce: {  	s21 =	smov.u32 s17;
	s30 =	sadd.s32 $0x658, s19;
	s31 =	sld [smem:$0x7DD]  }
0x1cf: {  	[tilespmem:s29], [sflag:$0x1] =	stream.indirect.gather [hbm4b:s3+s8], $0x20, s30, s8, $0xb8;
	v63 =	vld [tilespmem:$0x0]  }
0x1d0: {  	s16 =	smov.u32 s21;
	s21 =	sadd.s32 $0x690, s19;
	s23 =	sld [smem:$0x7DE]  }
0x1d1: {  	[tilespmem:s31], [sflag:$0x1] =	stream.indirect.gather [hbm4b:s3+s8], $0x20, s21, s8, $0xb8;
	v63 =	vld [tilespmem:$0x0]  }
0x1d2: {  	s24 =	sadd.s32 $0x6C8, s19  }
0x1d3: {  	[tilespmem:s23], [sflag:$0x1] =	stream.indirect.gather [hbm4b:s3+s8], $0x20, s24, s8, $0xb8;
	v63 =	vld [tilespmem:$0x0]  }
0x1d4: {  	_ =	swait.ge [sflag:s10], $0x640  }
0x1d5: {  	[sflag:s10] =	ssyncset.done $0x0  }
0x1d6: {  	[sflag:s10] =	ssyncadd.s32 $0xFFFFF9C0  }
0x1d7: {  	_ =	swait.ge [sflag:s10], $0x640  }
0x1d8: {  	[sflag:s10] =	ssyncset.done $0x0  }
0x1d9: {  	[sflag:s10] =	ssyncadd.s32 $0xFFFFF9C0  }
0x1da: {  	_ =	swait.ge [sflag:s10], $0x640  }
0x1db: {  	[sflag:s10] =	ssyncset.done $0x0  }
0x1dc: {  	[sflag:s10] =	ssyncadd.s32 $0xFFFFF9C0  }
0x1dd: {  	_ =	swait.ge [sflag:s10], $0x640  }
0x1de: {  	[sflag:s10] =	ssyncset.done $0x0  }
0x1df: {  	[sflag:s10] =	ssyncadd.s32 $0xFFFFF9C0  }
0x1e0: {  	_ =	swait.ge [sflag:s10], $0x640  }
0x1e1: {  	[sflag:s10] =	ssyncset.done $0x0  }
0x1e2: {  	[sflag:s10] =	ssyncadd.s32 $0xFFFFF9C0  }
0x1e3: {  	_ =	swait.ge [sflag:s10], $0x640  }
0x1e4: {  	[sflag:s10] =	ssyncset.done $0x0  }
0x1e5: {  	[sflag:s10] =	ssyncadd.s32 $0xFFFFF9C0  }
0x1e6: {  	_ =	swait.ge [sflag:s10], $0x640  }
0x1e7: {  	[sflag:s10] =	ssyncset.done $0x0  }
0x1e8: {  	[sflag:s10] =	ssyncadd.s32 $0xFFFFF9C0  }
0x1e9: {  	_ =	swait.ge [sflag:s10], $0x640  }
0x1ea: {  	[sflag:s10] =	ssyncset.done $0x0  }
0x1eb: {  	[sflag:s10] =	ssyncadd.s32 $0xFFFFF9C0  }
0x1ec: {  	_ =	swait.ge [sflag:s10], $0x640  }
0x1ed: {  	[sflag:s10] =	ssyncset.done $0x0  }
0x1ee: {  	[sflag:s10] =	ssyncadd.s32 $0xFFFFF9C0  }
0x1ef: {  	_ =	swait.ge [sflag:s10], $0x640  }
0x1f0: {  	[sflag:s10] =	ssyncset.done $0x0  }
0x1f1: {  	[sflag:s10] =	ssyncadd.s32 $0xFFFFF9C0  }
0x1f2: {  	_ =	swait.ge [sflag:s10], $0x640  }
0x1f3: {  	[sflag:s10] =	ssyncset.done $0x0  }
0x1f4: {  	[sflag:s10] =	ssyncadd.s32 $0xFFFFF9C0  }
0x1f5: {  	_ =	swait.ge [sflag:s10], $0x640  }
0x1f6: {  	[sflag:s10] =	ssyncset.done $0x0  }
0x1f7: {  	[sflag:s10] =	ssyncadd.s32 $0xFFFFF9C0  }
0x1f8: {  	_ =	swait.ge [sflag:s10], $0x640  }
0x1f9: {  	[sflag:s10] =	ssyncset.done $0x0  }
0x1fa: {  	[sflag:s10] =	ssyncadd.s32 $0xFFFFF9C0  }
0x1fb: {  	_ =	swait.ge [sflag:s10], $0x640  }
0x1fc: {  	[sflag:s10] =	ssyncset.done $0x0  }
0x1fd: {  	[sflag:s10] =	ssyncadd.s32 $0xFFFFF9C0  }
0x1fe: {  	_ =	swait.ge [sflag:s10], $0x640  }
0x1ff: {  	[sflag:s10] =	ssyncset.done $0x0  }
0x200: {  	[sflag:s10] =	ssyncadd.s32 $0xFFFFF9C0  }
0x201: {  	_ =	swait.ge [sflag:s10], $0x640  }
0x202: {  	[sflag:s10] =	ssyncset.done $0x0  }
0x203: {  	[sflag:s10] =	ssyncadd.s32 $0xFFFFF9C0  }
0x204: {  	_ =	swait.ge [sflag:s10], $0x640  }
0x205: {  	[sflag:s10] =	ssyncset.done $0x0  }
0x206: {  	[sflag:s10] =	ssyncadd.s32 $0xFFFFF9C0  }
0x207: {  	_ =	swait.ge [sflag:s10], $0x640  }
0x208: {  	[sflag:s10] =	ssyncset.done $0x0  }
0x209: {  	[sflag:s10] =	ssyncadd.s32 $0xFFFFF9C0  }
0x20a: {  	_ =	swait.ge [sflag:s10], $0x640  }
0x20b: {  	[sflag:s10] =	ssyncset.done $0x0  }
0x20c: {  	[sflag:s10] =	ssyncadd.s32 $0xFFFFF9C0  }
0x20d: {  	_ =	swait.ge [sflag:s10], $0x640  }
0x20e: {  	[sflag:s10] =	ssyncset.done $0x0  }
0x20f: {  	[sflag:s10] =	ssyncadd.s32 $0xFFFFF9C0  }
0x210: {  	_ =	swait.ge [sflag:s10], $0x640  }
0x211: {  	[sflag:s10] =	ssyncset.done $0x0  }
0x212: {  	[sflag:s10] =	ssyncadd.s32 $0xFFFFF9C0  }
0x213: {  	_ =	swait.ge [sflag:s10], $0x640  }
0x214: {  	[sflag:s10] =	ssyncset.done $0x0  }
0x215: {  	[sflag:s10] =	ssyncadd.s32 $0xFFFFF9C0  }
0x216: {  	_ =	swait.ge [sflag:s10], $0x640  }
0x217: {  	[sflag:s10] =	ssyncset.done $0x0  }
0x218: {  	[sflag:s10] =	ssyncadd.s32 $0xFFFFF9C0  }
0x219: {  	_ =	swait.ge [sflag:s10], $0x640  }
0x21a: {  	[sflag:s10] =	ssyncset.done $0x0  }
0x21b: {  	[sflag:s10] =	ssyncadd.s32 $0xFFFFF9C0  }
0x21c: {  	_ =	swait.ge [sflag:s10], $0x640  }
0x21d: {  	[sflag:s10] =	ssyncset.done $0x0  }
0x21e: {  	[sflag:s10] =	ssyncadd.s32 $0xFFFFF9C0  }
0x21f: {  	_ =	swait.ge [sflag:s10], $0x640  }
0x220: {  	[sflag:s10] =	ssyncset.done $0x0  }
0x221: {  	[sflag:s10] =	ssyncadd.s32 $0xFFFFF9C0  }
0x222: {  	_ =	swait.ge [sflag:s10], $0x640  }
0x223: {  	[sflag:s10] =	ssyncset.done $0x0  }
0x224: {  	[sflag:s10] =	ssyncadd.s32 $0xFFFFF9C0  }
0x225: {  	_ =	swait.ge [sflag:s10], $0x640  }
0x226: {  	[sflag:s10] =	ssyncset.done $0x0  }
0x227: {  	[sflag:s10] =	ssyncadd.s32 $0xFFFFF9C0  }
0x228: {  	_ =	swait.ge [sflag:s10], $0x640  }
0x229: {  	[sflag:s10] =	ssyncset.done $0x0  }
0x22a: {  	[sflag:s10] =	ssyncadd.s32 $0xFFFFF9C0  }
0x22b: {  	_ =	swait.ge [sflag:s10], $0x640  }
0x22c: {  	[sflag:s10] =	ssyncset.done $0x0  }
0x22d: {  	[sflag:s10] =	ssyncadd.s32 $0xFFFFF9C0  }
0x22e: {  	_ =	swait.ge [sflag:s10], $0x640  }
0x22f: {  	[sflag:s10] =	ssyncset.done $0x0  }
0x230: {  	[sflag:s10] =	ssyncadd.s32 $0xFFFFF9C0  }
0x231: {  	_ =	swait.ge [sflag:s10], $0x640  }
0x232: {  	[sflag:s10] =	ssyncset.done $0x0  }
0x233: {  	s20 =	simm.s32 @!p1 $0x3;
	[sflag:s10] =	ssyncadd.s32 $0xFFFFF9C0  }
0x234: {  	[hbm4b:s15+s1] =	stream.linear.scatter [tilespmem:s9], [sflag:$0x2], $0xC800, $0x38;
	v63 =	vld [tilespmem:$0x0]  }
0x235: {  	_ =	swait.ge @!p1 [sflag:s20], $0xC800  }
0x236: {  	[sflag:s20] =	ssyncset.done @!p1 $0x0  }
0x237: {  	s25 =	sadd.s32 $0x700, s19;
	s26 =	sld [smem:$0x7DF];
	[sflag:s20] =	ssyncadd.s32 @!p1 $0xFFFF3800  }
0x238: {  	[tilespmem:s11], [sflag:$0x1] =	stream.indirect.gather [hbm4b:s3+s8], $0x20, s25, s8, $0xb8;
	v63 =	vld [tilespmem:$0x0]  }
0x239: {  	s28 =	sadd.s32 $0x738, s19;
	s29 =	sld [smem:$0x7E0]  }
0x23a: {  	[tilespmem:s26], [sflag:$0x1] =	stream.indirect.gather [hbm4b:s3+s8], $0x20, s28, s8, $0xb8;
	v63 =	vld [tilespmem:$0x0]  }
0x23b: {  	s30 =	sadd.s32 $0x770, s19;
	s31 =	sld [smem:$0x7E1]  }
0x23c: {  	[tilespmem:s29], [sflag:$0x1] =	stream.indirect.gather [hbm4b:s3+s8], $0x20, s30, s8, $0xb8;
	v63 =	vld [tilespmem:$0x0]  }
0x23d: {  	s23 =	sadd.s32 $0x7A8, s19;
	s24 =	sld [smem:$0x7E2]  }
0x23e: {  	[tilespmem:s31], [sflag:$0x1] =	stream.indirect.gather [hbm4b:s3+s8], $0x20, s23, s8, $0xb8;
	v63 =	vld [tilespmem:$0x0]  }
0x23f: {  	s25 =	sadd.s32 $0x7E0, s19;
	s26 =	sld [smem:$0x7E3]  }
0x240: {  	[tilespmem:s24], [sflag:$0x1] =	stream.indirect.gather [hbm4b:s3+s8], $0x20, s25, s8, $0xb8;
	v63 =	vld [tilespmem:$0x0]  }
0x241: {  	s28 =	sadd.s32 $0x818, s19;
	s29 =	sld [smem:$0x7E4]  }
0x242: {  	[tilespmem:s26], [sflag:$0x1] =	stream.indirect.gather [hbm4b:s3+s8], $0x20, s28, s8, $0xb8;
	v63 =	vld [tilespmem:$0x0]  }
0x243: {  	s30 =	sadd.s32 $0x850, s19;
	s31 =	sld [smem:$0x7E5]  }
0x244: {  	[tilespmem:s29], [sflag:$0x1] =	stream.indirect.gather [hbm4b:s3+s8], $0x20, s30, s8, $0xb8;
	v63 =	vld [tilespmem:$0x0]  }
0x245: {  	s23 =	sadd.s32 $0x888, s19;
	s24 =	sld [smem:$0x7E6]  }
0x246: {  	[tilespmem:s31], [sflag:$0x1] =	stream.indirect.gather [hbm4b:s3+s8], $0x20, s23, s8, $0xb8;
	v63 =	vld [tilespmem:$0x0]  }
0x247: {  	s25 =	sadd.s32 $0x8C0, s19;
	s26 =	sld [smem:$0x7E7]  }
0x248: {  	[tilespmem:s24], [sflag:$0x1] =	stream.indirect.gather [hbm4b:s3+s8], $0x20, s25, s8, $0xb8;
	v63 =	vld [tilespmem:$0x0]  }
0x249: {  	s28 =	sadd.s32 $0x8F8, s19;
	s29 =	sld [smem:$0x7E8]  }
0x24a: {  	[tilespmem:s26], [sflag:$0x1] =	stream.indirect.gather [hbm4b:s3+s8], $0x20, s28, s8, $0xb8;
	v63 =	vld [tilespmem:$0x0]  }
0x24b: {  	s30 =	sadd.s32 $0x930, s19;
	s31 =	sld [smem:$0x7E9]  }
0x24c: {  	[tilespmem:s29], [sflag:$0x1] =	stream.indirect.gather [hbm4b:s3+s8], $0x20, s30, s8, $0xb8;
	v63 =	vld [tilespmem:$0x0]  }
0x24d: {  	s23 =	sadd.s32 $0x968, s19;
	s24 =	sld [smem:$0x7EA]  }
0x24e: {  	[tilespmem:s31], [sflag:$0x1] =	stream.indirect.gather [hbm4b:s3+s8], $0x20, s23, s8, $0xb8;
	v63 =	vld [tilespmem:$0x0]  }
0x24f: {  	s25 =	sadd.s32 $0x9A0, s19;
	s26 =	sld [smem:$0x7EB]  }
0x250: {  	[tilespmem:s24], [sflag:$0x1] =	stream.indirect.gather [hbm4b:s3+s8], $0x20, s25, s8, $0xb8;
	v63 =	vld [tilespmem:$0x0]  }
0x251: {  	s28 =	sadd.s32 $0x9D8, s19;
	s29 =	sld [smem:$0x7EC]  }
0x252: {  	[tilespmem:s26], [sflag:$0x1] =	stream.indirect.gather [hbm4b:s3+s8], $0x20, s28, s8, $0xb8;
	v63 =	vld [tilespmem:$0x0]  }
0x253: {  	s30 =	sadd.s32 $0xA10, s19;
	s31 =	sld [smem:$0x7ED]  }
0x254: {  	[tilespmem:s29], [sflag:$0x1] =	stream.indirect.gather [hbm4b:s3+s8], $0x20, s30, s8, $0xb8;
	v63 =	vld [tilespmem:$0x0]  }
0x255: {  	s23 =	sadd.s32 $0xA48, s19;
	s24 =	sld [smem:$0x7EE]  }
0x256: {  	[tilespmem:s31], [sflag:$0x1] =	stream.indirect.gather [hbm4b:s3+s8], $0x20, s23, s8, $0xb8;
	v63 =	vld [tilespmem:$0x0]  }
0x257: {  	s25 =	sadd.s32 $0xA80, s19;
	s26 =	sld [smem:$0x7EF]  }
0x258: {  	[tilespmem:s24], [sflag:$0x1] =	stream.indirect.gather [hbm4b:s3+s8], $0x20, s25, s8, $0xb8;
	v63 =	vld [tilespmem:$0x0]  }
0x259: {  	s28 =	sadd.s32 $0xAB8, s19;
	s29 =	sld [smem:$0x7F0]  }
0x25a: {  	[tilespmem:s26], [sflag:$0x1] =	stream.indirect.gather [hbm4b:s3+s8], $0x20, s28, s8, $0xb8;
	v63 =	vld [tilespmem:$0x0]  }
0x25b: {  	s30 =	sadd.s32 $0xAF0, s19;
	s31 =	sld [smem:$0x7F1]  }
0x25c: {  	[tilespmem:s29], [sflag:$0x1] =	stream.indirect.gather [hbm4b:s3+s8], $0x20, s30, s8, $0xb8;
	v63 =	vld [tilespmem:$0x0]  }
0x25d: {  	s23 =	sadd.s32 $0xB28, s19;
	s24 =	sld [smem:$0x7F2]  }
0x25e: {  	[tilespmem:s31], [sflag:$0x1] =	stream.indirect.gather [hbm4b:s3+s8], $0x20, s23, s8, $0xb8;
	v63 =	vld [tilespmem:$0x0]  }
0x25f: {  	s25 =	sadd.s32 $0xB60, s19;
	s26 =	sld [smem:$0x7F3]  }
0x260: {  	[tilespmem:s24], [sflag:$0x1] =	stream.indirect.gather [hbm4b:s3+s8], $0x20, s25, s8, $0xb8;
	v63 =	vld [tilespmem:$0x0]  }
0x261: {  	s28 =	sadd.s32 $0xB98, s19;
	s29 =	sld [smem:$0x7F4]  }
0x262: {  	[tilespmem:s26], [sflag:$0x1] =	stream.indirect.gather [hbm4b:s3+s8], $0x20, s28, s8, $0xb8;
	v63 =	vld [tilespmem:$0x0]  }
0x263: {  	s30 =	sadd.s32 $0xBD0, s19;
	s31 =	sld [smem:$0x7F5]  }
0x264: {  	[tilespmem:s29], [sflag:$0x1] =	stream.indirect.gather [hbm4b:s3+s8], $0x20, s30, s8, $0xb8;
	v63 =	vld [tilespmem:$0x0]  }
0x265: {  	s23 =	sadd.s32 $0xC08, s19;
	s24 =	sld [smem:$0x7F6]  }
0x266: {  	[tilespmem:s31], [sflag:$0x1] =	stream.indirect.gather [hbm4b:s3+s8], $0x20, s23, s8, $0xb8;
	v63 =	vld [tilespmem:$0x0]  }
0x267: {  	s25 =	sadd.s32 $0xC40, s19;
	s26 =	sld [smem:$0x7F7]  }
0x268: {  	[tilespmem:s24], [sflag:$0x1] =	stream.indirect.gather [hbm4b:s3+s8], $0x20, s25, s8, $0xb8;
	v63 =	vld [tilespmem:$0x0]  }
0x269: {  	s28 =	sadd.s32 $0xC78, s19;
	s29 =	sld [smem:$0x7F8]  }
0x26a: {  	[tilespmem:s26], [sflag:$0x1] =	stream.indirect.gather [hbm4b:s3+s8], $0x20, s28, s8, $0xb8;
	v63 =	vld [tilespmem:$0x0]  }
0x26b: {  	s30 =	sadd.s32 $0xCB0, s19;
	s31 =	sld [smem:$0x7F9]  }
0x26c: {  	[tilespmem:s29], [sflag:$0x1] =	stream.indirect.gather [hbm4b:s3+s8], $0x20, s30, s8, $0xb8;
	v63 =	vld [tilespmem:$0x0]  }
0x26d: {  	s23 =	sadd.s32 $0xCE8, s19;
	s24 =	sld [smem:$0x7FA]  }
0x26e: {  	[tilespmem:s31], [sflag:$0x1] =	stream.indirect.gather [hbm4b:s3+s8], $0x20, s23, s8, $0xb8;
	v63 =	vld [tilespmem:$0x0]  }
0x26f: {  	s25 =	sadd.s32 $0xD20, s19;
	s26 =	sld [smem:$0x7FB]  }
0x270: {  	[tilespmem:s24], [sflag:$0x1] =	stream.indirect.gather [hbm4b:s3+s8], $0x20, s25, s8, $0xb8;
	v63 =	vld [tilespmem:$0x0]  }
0x271: {  	s28 =	sadd.s32 $0xD58, s19;
	s29 =	sld [smem:$0x7FC]  }
0x272: {  	[tilespmem:s26], [sflag:$0x1] =	stream.indirect.gather [hbm4b:s3+s8], $0x20, s28, s8, $0xb8;
	v63 =	vld [tilespmem:$0x0]  }
0x273: {  	s30 =	sadd.s32 $0xD90, s19;
	s31 =	sld [smem:$0x7FD]  }
0x274: {  	[tilespmem:s29], [sflag:$0x1] =	stream.indirect.gather [hbm4b:s3+s8], $0x20, s30, s8, $0xb8;
	v63 =	vld [tilespmem:$0x0]  }
0x275: {  	s19 =	sadd.s32 $0xDC8, s19  }
0x276: {  	[tilespmem:s31], [sflag:$0x1] =	stream.indirect.gather [hbm4b:s3+s8], $0x20, s19, s8, $0xb8;
	v63 =	vld [tilespmem:$0x0]  }
0x277: {  	_ =	swait.ge [sflag:s10], $0x640  }
0x278: {  	[sflag:s10] =	ssyncset.done $0x0  }
0x279: {  	[sflag:s10] =	ssyncadd.s32 $0xFFFFF9C0  }
0x27a: {  	_ =	swait.ge [sflag:s10], $0x640  }
0x27b: {  	[sflag:s10] =	ssyncset.done $0x0  }
0x27c: {  	[sflag:s10] =	ssyncadd.s32 $0xFFFFF9C0  }
0x27d: {  	_ =	swait.ge [sflag:s10], $0x640  }
0x27e: {  	[sflag:s10] =	ssyncset.done $0x0  }
0x27f: {  	[sflag:s10] =	ssyncadd.s32 $0xFFFFF9C0  }
0x280: {  	_ =	swait.ge [sflag:s10], $0x640  }
0x281: {  	[sflag:s10] =	ssyncset.done $0x0  }
0x282: {  	[sflag:s10] =	ssyncadd.s32 $0xFFFFF9C0  }
0x283: {  	_ =	swait.ge [sflag:s10], $0x640  }
0x284: {  	[sflag:s10] =	ssyncset.done $0x0  }
0x285: {  	[sflag:s10] =	ssyncadd.s32 $0xFFFFF9C0  }
0x286: {  	_ =	swait.ge [sflag:s10], $0x640  }
0x287: {  	[sflag:s10] =	ssyncset.done $0x0  }
0x288: {  	[sflag:s10] =	ssyncadd.s32 $0xFFFFF9C0  }
0x289: {  	_ =	swait.ge [sflag:s10], $0x640  }
0x28a: {  	[sflag:s10] =	ssyncset.done $0x0  }
0x28b: {  	[sflag:s10] =	ssyncadd.s32 $0xFFFFF9C0  }
0x28c: {  	_ =	swait.ge [sflag:s10], $0x640  }
0x28d: {  	[sflag:s10] =	ssyncset.done $0x0  }
0x28e: {  	[sflag:s10] =	ssyncadd.s32 $0xFFFFF9C0  }
0x28f: {  	_ =	swait.ge [sflag:s10], $0x640  }
0x290: {  	[sflag:s10] =	ssyncset.done $0x0  }
0x291: {  	[sflag:s10] =	ssyncadd.s32 $0xFFFFF9C0  }
0x292: {  	_ =	swait.ge [sflag:s10], $0x640  }
0x293: {  	[sflag:s10] =	ssyncset.done $0x0  }
0x294: {  	[sflag:s10] =	ssyncadd.s32 $0xFFFFF9C0  }
0x295: {  	_ =	swait.ge [sflag:s10], $0x640  }
0x296: {  	[sflag:s10] =	ssyncset.done $0x0  }
0x297: {  	[sflag:s10] =	ssyncadd.s32 $0xFFFFF9C0  }
0x298: {  	_ =	swait.ge [sflag:s10], $0x640  }
0x299: {  	[sflag:s10] =	ssyncset.done $0x0  }
0x29a: {  	[sflag:s10] =	ssyncadd.s32 $0xFFFFF9C0  }
0x29b: {  	_ =	swait.ge [sflag:s10], $0x640  }
0x29c: {  	[sflag:s10] =	ssyncset.done $0x0  }
0x29d: {  	[sflag:s10] =	ssyncadd.s32 $0xFFFFF9C0  }
0x29e: {  	_ =	swait.ge [sflag:s10], $0x640  }
0x29f: {  	[sflag:s10] =	ssyncset.done $0x0  }
0x2a0: {  	[sflag:s10] =	ssyncadd.s32 $0xFFFFF9C0  }
0x2a1: {  	_ =	swait.ge [sflag:s10], $0x640  }
0x2a2: {  	[sflag:s10] =	ssyncset.done $0x0  }
0x2a3: {  	[sflag:s10] =	ssyncadd.s32 $0xFFFFF9C0  }
0x2a4: {  	_ =	swait.ge [sflag:s10], $0x640  }
0x2a5: {  	[sflag:s10] =	ssyncset.done $0x0  }
0x2a6: {  	[sflag:s10] =	ssyncadd.s32 $0xFFFFF9C0  }
0x2a7: {  	_ =	swait.ge [sflag:s10], $0x640  }
0x2a8: {  	[sflag:s10] =	ssyncset.done $0x0  }
0x2a9: {  	[sflag:s10] =	ssyncadd.s32 $0xFFFFF9C0  }
0x2aa: {  	_ =	swait.ge [sflag:s10], $0x640  }
0x2ab: {  	[sflag:s10] =	ssyncset.done $0x0  }
0x2ac: {  	[sflag:s10] =	ssyncadd.s32 $0xFFFFF9C0  }
0x2ad: {  	_ =	swait.ge [sflag:s10], $0x640  }
0x2ae: {  	[sflag:s10] =	ssyncset.done $0x0  }
0x2af: {  	[sflag:s10] =	ssyncadd.s32 $0xFFFFF9C0  }
0x2b0: {  	_ =	swait.ge [sflag:s10], $0x640  }
0x2b1: {  	[sflag:s10] =	ssyncset.done $0x0  }
0x2b2: {  	[sflag:s10] =	ssyncadd.s32 $0xFFFFF9C0  }
0x2b3: {  	_ =	swait.ge [sflag:s10], $0x640  }
0x2b4: {  	[sflag:s10] =	ssyncset.done $0x0  }
0x2b5: {  	[sflag:s10] =	ssyncadd.s32 $0xFFFFF9C0  }
0x2b6: {  	_ =	swait.ge [sflag:s10], $0x640  }
0x2b7: {  	[sflag:s10] =	ssyncset.done $0x0  }
0x2b8: {  	[sflag:s10] =	ssyncadd.s32 $0xFFFFF9C0  }
0x2b9: {  	_ =	swait.ge [sflag:s10], $0x640  }
0x2ba: {  	[sflag:s10] =	ssyncset.done $0x0  }
0x2bb: {  	[sflag:s10] =	ssyncadd.s32 $0xFFFFF9C0  }
0x2bc: {  	_ =	swait.ge [sflag:s10], $0x640  }
0x2bd: {  	[sflag:s10] =	ssyncset.done $0x0  }
0x2be: {  	[sflag:s10] =	ssyncadd.s32 $0xFFFFF9C0  }
0x2bf: {  	_ =	swait.ge [sflag:s10], $0x640  }
0x2c0: {  	[sflag:s10] =	ssyncset.done $0x0  }
0x2c1: {  	[sflag:s10] =	ssyncadd.s32 $0xFFFFF9C0  }
0x2c2: {  	_ =	swait.ge [sflag:s10], $0x640  }
0x2c3: {  	[sflag:s10] =	ssyncset.done $0x0  }
0x2c4: {  	[sflag:s10] =	ssyncadd.s32 $0xFFFFF9C0  }
0x2c5: {  	_ =	swait.ge [sflag:s10], $0x640  }
0x2c6: {  	[sflag:s10] =	ssyncset.done $0x0  }
0x2c7: {  	[sflag:s10] =	ssyncadd.s32 $0xFFFFF9C0  }
0x2c8: {  	_ =	swait.ge [sflag:s10], $0x640  }
0x2c9: {  	[sflag:s10] =	ssyncset.done $0x0  }
0x2ca: {  	[sflag:s10] =	ssyncadd.s32 $0xFFFFF9C0  }
0x2cb: {  	_ =	swait.ge [sflag:s10], $0x640  }
0x2cc: {  	[sflag:s10] =	ssyncset.done $0x0  }
0x2cd: {  	[sflag:s10] =	ssyncadd.s32 $0xFFFFF9C0  }
0x2ce: {  	_ =	swait.ge [sflag:s10], $0x640  }
0x2cf: {  	s17 =	sadd.s32 $0x3800, s17;
	[sflag:s10] =	ssyncset.done $0x0  }
0x2d0: {  	p0 =	sne.s32 s17, $0x1C000;
	[sflag:s10] =	ssyncadd.s32 $0xFFFFF9C0  }
.Ltmp0:
0x2d1: {  	_ =	swait.ge [sflag:s10], $0x640;
	(pc) =	sbr.rel @p0 .LBB2_2-.Ltmp0, $4  }
0x2d2: {  	[sflag:s10] =	ssyncset.done $0x0  }
0x2d3: {  	[sflag:s10] =	ssyncadd.s32 $0xFFFFF9C0  }
0x2d4: {  	s18 =	smov.u32 s15;
	s15 =	sadd.s32 $0x3200, s15;
	_ =	swait.ge [sflag:s10], $0x640  }
0x2d5: {  	p1 =	seq.s32 s16, $0x0;
	s19 =	sadd.s32 $0x1900, s18;
	[sflag:s10] =	ssyncset.done $0x0  }
0x2d6: {  	s17 =	simm.s32 @!p1 $0x2;
	[sflag:s10] =	ssyncadd.s32 $0xFFFFF9C0  }
0x2d7: {  	[hbm4b:s19+s1] =	stream.linear.scatter [tilespmem:s11], [sflag:$0x3], $0xC800, $0x38;
	v63 =	vld [tilespmem:$0x0]  }
0x2d8: {  	_ =	swait.ge @!p1 [sflag:s17], $0xC800  }
0x2d9: {  	[sflag:s17] =	ssyncset.done @!p1 $0x0  }
0x2da: {  	s16 =	sshra.s32 s16, $0x2;
	s25 =	rddreg [dreg:$0x3];
	[sflag:s17] =	ssyncadd.s32 @!p1 $0xFFFF3800  }
0x2db: {  	[tilespmem:s9], [sflag:$0x1] =	stream.indirect.gather [hbm4b:s3+s8], $0x20, s16, s8, $0xb8;
	v63 =	vld [tilespmem:$0x0]  }
0x2dc: {  	s18 =	sadd.s32 $0x38, s16;
	s26 =	rddreg [dreg:$0x4]  }
0x2dd: {  	[tilespmem:s25], [sflag:$0x1] =	stream.indirect.gather [hbm4b:s3+s8], $0x20, s18, s8, $0xb8;
	v63 =	vld [tilespmem:$0x0]  }
0x2de: {  	s28 =	sadd.s32 $0x70, s16;
	s29 =	rddreg [dreg:$0x5]  }
0x2df: {  	[tilespmem:s26], [sflag:$0x1] =	stream.indirect.gather [hbm4b:s3+s8], $0x20, s28, s8, $0xb8;
	v63 =	vld [tilespmem:$0x0]  }
0x2e0: {  	s30 =	sadd.s32 $0xA8, s16;
	s31 =	rddreg [dreg:$0x6]  }
0x2e1: {  	[tilespmem:s29], [sflag:$0x1] =	stream.indirect.gather [hbm4b:s3+s8], $0x20, s30, s8, $0xb8;
	v63 =	vld [tilespmem:$0x0]  }
0x2e2: {  	s20 =	rddreg [dreg:$0x7];
	s18 =	sadd.s32 $0xE0, s16  }
0x2e3: {  	[tilespmem:s31], [sflag:$0x1] =	stream.indirect.gather [hbm4b:s3+s8], $0x20, s18, s8, $0xb8;
	v63 =	vld [tilespmem:$0x0]  }
0x2e4: {  	s21 =	sadd.s32 $0x118, s16;
	s22 =	rddreg [dreg:$0x8]  }
0x2e5: {  	[tilespmem:s20], [sflag:$0x1] =	stream.indirect.gather [hbm4b:s3+s8], $0x20, s21, s8, $0xb8;
	v63 =	vld [tilespmem:$0x0]  }
0x2e6: {  	s23 =	sadd.s32 $0x150, s16;
	s24 =	rddreg [dreg:$0x9]  }
0x2e7: {  	[tilespmem:s22], [sflag:$0x1] =	stream.indirect.gather [hbm4b:s3+s8], $0x20, s23, s8, $0xb8;
	v63 =	vld [tilespmem:$0x0]  }
0x2e8: {  	s25 =	sadd.s32 $0x188, s16;
	s26 =	rddreg [dreg:$0xa]  }
0x2e9: {  	[tilespmem:s24], [sflag:$0x1] =	stream.indirect.gather [hbm4b:s3+s8], $0x20, s25, s8, $0xb8;
	v63 =	vld [tilespmem:$0x0]  }
0x2ea: {  	s28 =	sadd.s32 $0x1C0, s16;
	s29 =	rddreg [dreg:$0xb]  }
0x2eb: {  	[tilespmem:s26], [sflag:$0x1] =	stream.indirect.gather [hbm4b:s3+s8], $0x20, s28, s8, $0xb8;
	v63 =	vld [tilespmem:$0x0]  }
0x2ec: {  	s30 =	sadd.s32 $0x1F8, s16;
	s31 =	rddreg [dreg:$0xc]  }
0x2ed: {  	[tilespmem:s29], [sflag:$0x1] =	stream.indirect.gather [hbm4b:s3+s8], $0x20, s30, s8, $0xb8;
	v63 =	vld [tilespmem:$0x0]  }
0x2ee: {  	s18 =	sadd.s32 $0x230, s16;
	s20 =	rddreg [dreg:$0xd]  }
0x2ef: {  	[tilespmem:s31], [sflag:$0x1] =	stream.indirect.gather [hbm4b:s3+s8], $0x20, s18, s8, $0xb8;
	v63 =	vld [tilespmem:$0x0]  }
0x2f0: {  	s21 =	sadd.s32 $0x268, s16;
	s22 =	rddreg [dreg:$0xe]  }
0x2f1: {  	[tilespmem:s20], [sflag:$0x1] =	stream.indirect.gather [hbm4b:s3+s8], $0x20, s21, s8, $0xb8;
	v63 =	vld [tilespmem:$0x0]  }
0x2f2: {  	s23 =	sadd.s32 $0x2A0, s16;
	s24 =	rddreg [dreg:$0xf]  }
0x2f3: {  	[tilespmem:s22], [sflag:$0x1] =	stream.indirect.gather [hbm4b:s3+s8], $0x20, s23, s8, $0xb8;
	v63 =	vld [tilespmem:$0x0]  }
0x2f4: {  	s25 =	sadd.s32 $0x2D8, s16;
	s26 =	rddreg [dreg:$0x10]  }
0x2f5: {  	[tilespmem:s24], [sflag:$0x1] =	stream.indirect.gather [hbm4b:s3+s8], $0x20, s25, s8, $0xb8;
	v63 =	vld [tilespmem:$0x0]  }
0x2f6: {  	s28 =	sadd.s32 $0x310, s16;
	s29 =	rddreg [dreg:$0x11]  }
0x2f7: {  	[tilespmem:s26], [sflag:$0x1] =	stream.indirect.gather [hbm4b:s3+s8], $0x20, s28, s8, $0xb8;
	v63 =	vld [tilespmem:$0x0]  }
0x2f8: {  	s30 =	sadd.s32 $0x348, s16;
	s31 =	rddreg [dreg:$0x12]  }
0x2f9: {  	[tilespmem:s29], [sflag:$0x1] =	stream.indirect.gather [hbm4b:s3+s8], $0x20, s30, s8, $0xb8;
	v63 =	vld [tilespmem:$0x0]  }
0x2fa: {  	s18 =	sadd.s32 $0x380, s16;
	s20 =	rddreg [dreg:$0x13]  }
0x2fb: {  	[tilespmem:s31], [sflag:$0x1] =	stream.indirect.gather [hbm4b:s3+s8], $0x20, s18, s8, $0xb8;
	v63 =	vld [tilespmem:$0x0]  }
0x2fc: {  	s21 =	sadd.s32 $0x3B8, s16;
	s22 =	rddreg [dreg:$0x14]  }
0x2fd: {  	[tilespmem:s20], [sflag:$0x1] =	stream.indirect.gather [hbm4b:s3+s8], $0x20, s21, s8, $0xb8;
	v63 =	vld [tilespmem:$0x0]  }
0x2fe: {  	s23 =	sadd.s32 $0x3F0, s16;
	s24 =	rddreg [dreg:$0x15]  }
0x2ff: {  	[tilespmem:s22], [sflag:$0x1] =	stream.indirect.gather [hbm4b:s3+s8], $0x20, s23, s8, $0xb8;
	v63 =	vld [tilespmem:$0x0]  }
0x300: {  	s25 =	sadd.s32 $0x428, s16;
	s26 =	rddreg [dreg:$0x16]  }
0x301: {  	[tilespmem:s24], [sflag:$0x1] =	stream.indirect.gather [hbm4b:s3+s8], $0x20, s25, s8, $0xb8;
	v63 =	vld [tilespmem:$0x0]  }
0x302: {  	s28 =	sadd.s32 $0x460, s16;
	s29 =	rddreg [dreg:$0x17]  }
0x303: {  	[tilespmem:s26], [sflag:$0x1] =	stream.indirect.gather [hbm4b:s3+s8], $0x20, s28, s8, $0xb8;
	v63 =	vld [tilespmem:$0x0]  }
0x304: {  	s30 =	sadd.s32 $0x498, s16;
	s31 =	rddreg [dreg:$0x18]  }
0x305: {  	[tilespmem:s29], [sflag:$0x1] =	stream.indirect.gather [hbm4b:s3+s8], $0x20, s30, s8, $0xb8;
	v63 =	vld [tilespmem:$0x0]  }
0x306: {  	s18 =	sadd.s32 $0x4D0, s16;
	s20 =	rddreg [dreg:$0x19]  }
0x307: {  	[tilespmem:s31], [sflag:$0x1] =	stream.indirect.gather [hbm4b:s3+s8], $0x20, s18, s8, $0xb8;
	v63 =	vld [tilespmem:$0x0]  }
0x308: {  	s21 =	sadd.s32 $0x508, s16;
	s22 =	rddreg [dreg:$0x1a]  }
0x309: {  	[tilespmem:s20], [sflag:$0x1] =	stream.indirect.gather [hbm4b:s3+s8], $0x20, s21, s8, $0xb8;
	v63 =	vld [tilespmem:$0x0]  }
0x30a: {  	s23 =	sadd.s32 $0x540, s16;
	s24 =	rddreg [dreg:$0x1b]  }
0x30b: {  	[tilespmem:s22], [sflag:$0x1] =	stream.indirect.gather [hbm4b:s3+s8], $0x20, s23, s8, $0xb8;
	v63 =	vld [tilespmem:$0x0]  }
0x30c: {  	s25 =	sadd.s32 $0x578, s16;
	s26 =	rddreg [dreg:$0x1c]  }
0x30d: {  	[tilespmem:s24], [sflag:$0x1] =	stream.indirect.gather [hbm4b:s3+s8], $0x20, s25, s8, $0xb8;
	v63 =	vld [tilespmem:$0x0]  }
0x30e: {  	s28 =	sadd.s32 $0x5B0, s16;
	s29 =	rddreg [dreg:$0x1d]  }
0x30f: {  	[tilespmem:s26], [sflag:$0x1] =	stream.indirect.gather [hbm4b:s3+s8], $0x20, s28, s8, $0xb8;
	v63 =	vld [tilespmem:$0x0]  }
0x310: {  	s30 =	sadd.s32 $0x5E8, s16;
	s31 =	rddreg [dreg:$0x1e]  }
0x311: {  	[tilespmem:s29], [sflag:$0x1] =	stream.indirect.gather [hbm4b:s3+s8], $0x20, s30, s8, $0xb8;
	v63 =	vld [tilespmem:$0x0]  }
0x312: {  	s20 =	sadd.s32 $0x620, s16;
	s21 =	rddreg [dreg:$0x1f]  }
0x313: {  	[tilespmem:s31], [sflag:$0x1] =	stream.indirect.gather [hbm4b:s3+s8], $0x20, s20, s8, $0xb8;
	v63 =	vld [tilespmem:$0x0]  }
0x314: {  	s22 =	sadd.s32 $0x658, s16;
	s23 =	sld [smem:$0x7DD]  }
0x315: {  	[tilespmem:s21], [sflag:$0x1] =	stream.indirect.gather [hbm4b:s3+s8], $0x20, s22, s8, $0xb8;
	v63 =	vld [tilespmem:$0x0]  }
0x316: {  	s24 =	sadd.s32 $0x690, s16;
	s25 =	sld [smem:$0x7DE]  }
0x317: {  	[tilespmem:s23], [sflag:$0x1] =	stream.indirect.gather [hbm4b:s3+s8], $0x20, s24, s8, $0xb8;
	v63 =	vld [tilespmem:$0x0]  }
0x318: {  	s26 =	sadd.s32 $0x6C8, s16  }
0x319: {  	[tilespmem:s25], [sflag:$0x1] =	stream.indirect.gather [hbm4b:s3+s8], $0x20, s26, s8, $0xb8;
	v63 =	vld [tilespmem:$0x0]  }
0x31a: {  	_ =	swait.ge [sflag:s10], $0x640  }
0x31b: {  	[sflag:s10] =	ssyncset.done $0x0  }
0x31c: {  	[sflag:s10] =	ssyncadd.s32 $0xFFFFF9C0  }
0x31d: {  	_ =	swait.ge [sflag:s10], $0x640  }
0x31e: {  	[sflag:s10] =	ssyncset.done $0x0  }
0x31f: {  	[sflag:s10] =	ssyncadd.s32 $0xFFFFF9C0  }
0x320: {  	_ =	swait.ge [sflag:s10], $0x640  }
0x321: {  	[sflag:s10] =	ssyncset.done $0x0  }
0x322: {  	[sflag:s10] =	ssyncadd.s32 $0xFFFFF9C0  }
0x323: {  	_ =	swait.ge [sflag:s10], $0x640  }
0x324: {  	[sflag:s10] =	ssyncset.done $0x0  }
0x325: {  	[sflag:s10] =	ssyncadd.s32 $0xFFFFF9C0  }
0x326: {  	_ =	swait.ge [sflag:s10], $0x640  }
0x327: {  	[sflag:s10] =	ssyncset.done $0x0  }
0x328: {  	[sflag:s10] =	ssyncadd.s32 $0xFFFFF9C0  }
0x329: {  	_ =	swait.ge [sflag:s10], $0x640  }
0x32a: {  	[sflag:s10] =	ssyncset.done $0x0  }
0x32b: {  	[sflag:s10] =	ssyncadd.s32 $0xFFFFF9C0  }
0x32c: {  	_ =	swait.ge [sflag:s10], $0x640  }
0x32d: {  	[sflag:s10] =	ssyncset.done $0x0  }
0x32e: {  	[sflag:s10] =	ssyncadd.s32 $0xFFFFF9C0  }
0x32f: {  	_ =	swait.ge [sflag:s10], $0x640  }
0x330: {  	[sflag:s10] =	ssyncset.done $0x0  }
0x331: {  	[sflag:s10] =	ssyncadd.s32 $0xFFFFF9C0  }
0x332: {  	_ =	swait.ge [sflag:s10], $0x640  }
0x333: {  	[sflag:s10] =	ssyncset.done $0x0  }
0x334: {  	[sflag:s10] =	ssyncadd.s32 $0xFFFFF9C0  }
0x335: {  	_ =	swait.ge [sflag:s10], $0x640  }
0x336: {  	[sflag:s10] =	ssyncset.done $0x0  }
0x337: {  	[sflag:s10] =	ssyncadd.s32 $0xFFFFF9C0  }
0x338: {  	_ =	swait.ge [sflag:s10], $0x640  }
0x339: {  	[sflag:s10] =	ssyncset.done $0x0  }
0x33a: {  	[sflag:s10] =	ssyncadd.s32 $0xFFFFF9C0  }
0x33b: {  	_ =	swait.ge [sflag:s10], $0x640  }
0x33c: {  	[sflag:s10] =	ssyncset.done $0x0  }
0x33d: {  	[sflag:s10] =	ssyncadd.s32 $0xFFFFF9C0  }
0x33e: {  	_ =	swait.ge [sflag:s10], $0x640  }
0x33f: {  	[sflag:s10] =	ssyncset.done $0x0  }
0x340: {  	[sflag:s10] =	ssyncadd.s32 $0xFFFFF9C0  }
0x341: {  	_ =	swait.ge [sflag:s10], $0x640  }
0x342: {  	[sflag:s10] =	ssyncset.done $0x0  }
0x343: {  	[sflag:s10] =	ssyncadd.s32 $0xFFFFF9C0  }
0x344: {  	_ =	swait.ge [sflag:s10], $0x640  }
0x345: {  	[sflag:s10] =	ssyncset.done $0x0  }
0x346: {  	[sflag:s10] =	ssyncadd.s32 $0xFFFFF9C0  }
0x347: {  	_ =	swait.ge [sflag:s10], $0x640  }
0x348: {  	[sflag:s10] =	ssyncset.done $0x0  }
0x349: {  	[sflag:s10] =	ssyncadd.s32 $0xFFFFF9C0  }
0x34a: {  	_ =	swait.ge [sflag:s10], $0x640  }
0x34b: {  	[sflag:s10] =	ssyncset.done $0x0  }
0x34c: {  	[sflag:s10] =	ssyncadd.s32 $0xFFFFF9C0  }
0x34d: {  	_ =	swait.ge [sflag:s10], $0x640  }
0x34e: {  	[sflag:s10] =	ssyncset.done $0x0  }
0x34f: {  	[sflag:s10] =	ssyncadd.s32 $0xFFFFF9C0  }
0x350: {  	_ =	swait.ge [sflag:s10], $0x640  }
0x351: {  	[sflag:s10] =	ssyncset.done $0x0  }
0x352: {  	[sflag:s10] =	ssyncadd.s32 $0xFFFFF9C0  }
0x353: {  	_ =	swait.ge [sflag:s10], $0x640  }
0x354: {  	[sflag:s10] =	ssyncset.done $0x0  }
0x355: {  	[sflag:s10] =	ssyncadd.s32 $0xFFFFF9C0  }
0x356: {  	_ =	swait.ge [sflag:s10], $0x640  }
0x357: {  	[sflag:s10] =	ssyncset.done $0x0  }
0x358: {  	[sflag:s10] =	ssyncadd.s32 $0xFFFFF9C0  }
0x359: {  	_ =	swait.ge [sflag:s10], $0x640  }
0x35a: {  	[sflag:s10] =	ssyncset.done $0x0  }
0x35b: {  	[sflag:s10] =	ssyncadd.s32 $0xFFFFF9C0  }
0x35c: {  	_ =	swait.ge [sflag:s10], $0x640  }
0x35d: {  	[sflag:s10] =	ssyncset.done $0x0  }
0x35e: {  	[sflag:s10] =	ssyncadd.s32 $0xFFFFF9C0  }
0x35f: {  	_ =	swait.ge [sflag:s10], $0x640  }
0x360: {  	[sflag:s10] =	ssyncset.done $0x0  }
0x361: {  	[sflag:s10] =	ssyncadd.s32 $0xFFFFF9C0  }
0x362: {  	_ =	swait.ge [sflag:s10], $0x640  }
0x363: {  	[sflag:s10] =	ssyncset.done $0x0  }
0x364: {  	[sflag:s10] =	ssyncadd.s32 $0xFFFFF9C0  }
0x365: {  	_ =	swait.ge [sflag:s10], $0x640  }
0x366: {  	[sflag:s10] =	ssyncset.done $0x0  }
0x367: {  	[sflag:s10] =	ssyncadd.s32 $0xFFFFF9C0  }
0x368: {  	_ =	swait.ge [sflag:s10], $0x640  }
0x369: {  	[sflag:s10] =	ssyncset.done $0x0  }
0x36a: {  	[sflag:s10] =	ssyncadd.s32 $0xFFFFF9C0  }
0x36b: {  	_ =	swait.ge [sflag:s10], $0x640  }
0x36c: {  	[sflag:s10] =	ssyncset.done $0x0  }
0x36d: {  	[sflag:s10] =	ssyncadd.s32 $0xFFFFF9C0  }
0x36e: {  	_ =	swait.ge [sflag:s10], $0x640  }
0x36f: {  	[sflag:s10] =	ssyncset.done $0x0  }
0x370: {  	[sflag:s10] =	ssyncadd.s32 $0xFFFFF9C0  }
0x371: {  	_ =	swait.ge [sflag:s10], $0x640  }
0x372: {  	[sflag:s10] =	ssyncset.done $0x0  }
0x373: {  	[sflag:s10] =	ssyncadd.s32 $0xFFFFF9C0  }
0x374: {  	_ =	swait.ge [sflag:s10], $0x640  }
0x375: {  	[sflag:s10] =	ssyncset.done $0x0  }
0x376: {  	[sflag:s10] =	ssyncadd.s32 $0xFFFFF9C0  }
0x377: {  	_ =	swait.ge [sflag:s10], $0x640  }
0x378: {  	[sflag:s10] =	ssyncset.done $0x0  }
0x379: {  	s17 =	simm.s32 @!p1 $0x3;
	[sflag:s10] =	ssyncadd.s32 $0xFFFFF9C0  }
0x37a: {  	[hbm4b:s15+s1] =	stream.linear.scatter [tilespmem:s9], [sflag:$0x2], $0xC800, $0x38;
	v63 =	vld [tilespmem:$0x0]  }
0x37b: {  	_ =	swait.ge @!p1 [sflag:s17], $0xC800  }
0x37c: {  	[sflag:s17] =	ssyncset.done @!p1 $0x0  }
0x37d: {  	s28 =	sadd.s32 $0x700, s16;
	s29 =	sld [smem:$0x7DF];
	[sflag:s17] =	ssyncadd.s32 @!p1 $0xFFFF3800  }
0x37e: {  	[tilespmem:s11], [sflag:$0x1] =	stream.indirect.gather [hbm4b:s3+s8], $0x20, s28, s8, $0xb8;
	v63 =	vld [tilespmem:$0x0]  }
0x37f: {  	s30 =	sadd.s32 $0x738, s16;
	s31 =	sld [smem:$0x7E0]  }
0x380: {  	[tilespmem:s29], [sflag:$0x1] =	stream.indirect.gather [hbm4b:s3+s8], $0x20, s30, s8, $0xb8;
	v63 =	vld [tilespmem:$0x0]  }
0x381: {  	s18 =	sadd.s32 $0x770, s16;
	s20 =	sld [smem:$0x7E1]  }
0x382: {  	[tilespmem:s31], [sflag:$0x1] =	stream.indirect.gather [hbm4b:s3+s8], $0x20, s18, s8, $0xb8;
	v63 =	vld [tilespmem:$0x0]  }
0x383: {  	s21 =	sadd.s32 $0x7A8, s16;
	s22 =	sld [smem:$0x7E2]  }
0x384: {  	[tilespmem:s20], [sflag:$0x1] =	stream.indirect.gather [hbm4b:s3+s8], $0x20, s21, s8, $0xb8;
	v63 =	vld [tilespmem:$0x0]  }
0x385: {  	s23 =	sadd.s32 $0x7E0, s16;
	s24 =	sld [smem:$0x7E3]  }
0x386: {  	[tilespmem:s22], [sflag:$0x1] =	stream.indirect.gather [hbm4b:s3+s8], $0x20, s23, s8, $0xb8;
	v63 =	vld [tilespmem:$0x0]  }
0x387: {  	s25 =	sadd.s32 $0x818, s16;
	s26 =	sld [smem:$0x7E4]  }
0x388: {  	[tilespmem:s24], [sflag:$0x1] =	stream.indirect.gather [hbm4b:s3+s8], $0x20, s25, s8, $0xb8;
	v63 =	vld [tilespmem:$0x0]  }
0x389: {  	s28 =	sadd.s32 $0x850, s16;
	s29 =	sld [smem:$0x7E5]  }
0x38a: {  	[tilespmem:s26], [sflag:$0x1] =	stream.indirect.gather [hbm4b:s3+s8], $0x20, s28, s8, $0xb8;
	v63 =	vld [tilespmem:$0x0]  }
0x38b: {  	s30 =	sadd.s32 $0x888, s16;
	s31 =	sld [smem:$0x7E6]  }
0x38c: {  	[tilespmem:s29], [sflag:$0x1] =	stream.indirect.gather [hbm4b:s3+s8], $0x20, s30, s8, $0xb8;
	v63 =	vld [tilespmem:$0x0]  }
0x38d: {  	s18 =	sadd.s32 $0x8C0, s16;
	s20 =	sld [smem:$0x7E7]  }
0x38e: {  	[tilespmem:s31], [sflag:$0x1] =	stream.indirect.gather [hbm4b:s3+s8], $0x20, s18, s8, $0xb8;
	v63 =	vld [tilespmem:$0x0]  }
0x38f: {  	s21 =	sadd.s32 $0x8F8, s16;
	s22 =	sld [smem:$0x7E8]  }
0x390: {  	[tilespmem:s20], [sflag:$0x1] =	stream.indirect.gather [hbm4b:s3+s8], $0x20, s21, s8, $0xb8;
	v63 =	vld [tilespmem:$0x0]  }
0x391: {  	s23 =	sadd.s32 $0x930, s16;
	s24 =	sld [smem:$0x7E9]  }
0x392: {  	[tilespmem:s22], [sflag:$0x1] =	stream.indirect.gather [hbm4b:s3+s8], $0x20, s23, s8, $0xb8;
	v63 =	vld [tilespmem:$0x0]  }
0x393: {  	s25 =	sadd.s32 $0x968, s16;
	s26 =	sld [smem:$0x7EA]  }
0x394: {  	[tilespmem:s24], [sflag:$0x1] =	stream.indirect.gather [hbm4b:s3+s8], $0x20, s25, s8, $0xb8;
	v63 =	vld [tilespmem:$0x0]  }
0x395: {  	s28 =	sadd.s32 $0x9A0, s16;
	s29 =	sld [smem:$0x7EB]  }
0x396: {  	[tilespmem:s26], [sflag:$0x1] =	stream.indirect.gather [hbm4b:s3+s8], $0x20, s28, s8, $0xb8;
	v63 =	vld [tilespmem:$0x0]  }
0x397: {  	s30 =	sadd.s32 $0x9D8, s16;
	s31 =	sld [smem:$0x7EC]  }
0x398: {  	[tilespmem:s29], [sflag:$0x1] =	stream.indirect.gather [hbm4b:s3+s8], $0x20, s30, s8, $0xb8;
	v63 =	vld [tilespmem:$0x0]  }
0x399: {  	s18 =	sadd.s32 $0xA10, s16;
	s20 =	sld [smem:$0x7ED]  }
0x39a: {  	[tilespmem:s31], [sflag:$0x1] =	stream.indirect.gather [hbm4b:s3+s8], $0x20, s18, s8, $0xb8;
	v63 =	vld [tilespmem:$0x0]  }
0x39b: {  	s21 =	sadd.s32 $0xA48, s16;
	s22 =	sld [smem:$0x7EE]  }
0x39c: {  	[tilespmem:s20], [sflag:$0x1] =	stream.indirect.gather [hbm4b:s3+s8], $0x20, s21, s8, $0xb8;
	v63 =	vld [tilespmem:$0x0]  }
0x39d: {  	s23 =	sadd.s32 $0xA80, s16;
	s24 =	sld [smem:$0x7EF]  }
0x39e: {  	[tilespmem:s22], [sflag:$0x1] =	stream.indirect.gather [hbm4b:s3+s8], $0x20, s23, s8, $0xb8;
	v63 =	vld [tilespmem:$0x0]  }
0x39f: {  	s25 =	sadd.s32 $0xAB8, s16;
	s26 =	sld [smem:$0x7F0]  }
0x3a0: {  	[tilespmem:s24], [sflag:$0x1] =	stream.indirect.gather [hbm4b:s3+s8], $0x20, s25, s8, $0xb8;
	v63 =	vld [tilespmem:$0x0]  }
0x3a1: {  	s28 =	sadd.s32 $0xAF0, s16;
	s29 =	sld [smem:$0x7F1]  }
0x3a2: {  	[tilespmem:s26], [sflag:$0x1] =	stream.indirect.gather [hbm4b:s3+s8], $0x20, s28, s8, $0xb8;
	v63 =	vld [tilespmem:$0x0]  }
0x3a3: {  	s30 =	sadd.s32 $0xB28, s16;
	s31 =	sld [smem:$0x7F2]  }
0x3a4: {  	[tilespmem:s29], [sflag:$0x1] =	stream.indirect.gather [hbm4b:s3+s8], $0x20, s30, s8, $0xb8;
	v63 =	vld [tilespmem:$0x0]  }
0x3a5: {  	s18 =	sadd.s32 $0xB60, s16;
	s20 =	sld [smem:$0x7F3]  }
0x3a6: {  	[tilespmem:s31], [sflag:$0x1] =	stream.indirect.gather [hbm4b:s3+s8], $0x20, s18, s8, $0xb8;
	v63 =	vld [tilespmem:$0x0]  }
0x3a7: {  	s21 =	sadd.s32 $0xB98, s16;
	s22 =	sld [smem:$0x7F4]  }
0x3a8: {  	[tilespmem:s20], [sflag:$0x1] =	stream.indirect.gather [hbm4b:s3+s8], $0x20, s21, s8, $0xb8;
	v63 =	vld [tilespmem:$0x0]  }
0x3a9: {  	s23 =	sadd.s32 $0xBD0, s16;
	s24 =	sld [smem:$0x7F5]  }
0x3aa: {  	[tilespmem:s22], [sflag:$0x1] =	stream.indirect.gather [hbm4b:s3+s8], $0x20, s23, s8, $0xb8;
	v63 =	vld [tilespmem:$0x0]  }
0x3ab: {  	s25 =	sadd.s32 $0xC08, s16;
	s26 =	sld [smem:$0x7F6]  }
0x3ac: {  	[tilespmem:s24], [sflag:$0x1] =	stream.indirect.gather [hbm4b:s3+s8], $0x20, s25, s8, $0xb8;
	v63 =	vld [tilespmem:$0x0]  }
0x3ad: {  	s28 =	sadd.s32 $0xC40, s16;
	s29 =	sld [smem:$0x7F7]  }
0x3ae: {  	[tilespmem:s26], [sflag:$0x1] =	stream.indirect.gather [hbm4b:s3+s8], $0x20, s28, s8, $0xb8;
	v63 =	vld [tilespmem:$0x0]  }
0x3af: {  	s30 =	sadd.s32 $0xC78, s16;
	s31 =	sld [smem:$0x7F8]  }
0x3b0: {  	[tilespmem:s29], [sflag:$0x1] =	stream.indirect.gather [hbm4b:s3+s8], $0x20, s30, s8, $0xb8;
	v63 =	vld [tilespmem:$0x0]  }
0x3b1: {  	s20 =	sadd.s32 $0xCB0, s16;
	s21 =	sld [smem:$0x7F9]  }
0x3b2: {  	[tilespmem:s31], [sflag:$0x1] =	stream.indirect.gather [hbm4b:s3+s8], $0x20, s20, s8, $0xb8;
	v63 =	vld [tilespmem:$0x0]  }
0x3b3: {  	s22 =	sadd.s32 $0xCE8, s16;
	s23 =	sld [smem:$0x7FA]  }
0x3b4: {  	[tilespmem:s21], [sflag:$0x1] =	stream.indirect.gather [hbm4b:s3+s8], $0x20, s22, s8, $0xb8;
	v63 =	vld [tilespmem:$0x0]  }
0x3b5: {  	s24 =	sadd.s32 $0xD20, s16;
	s25 =	sld [smem:$0x7FB]  }
0x3b6: {  	[tilespmem:s23], [sflag:$0x1] =	stream.indirect.gather [hbm4b:s3+s8], $0x20, s24, s8, $0xb8;
	v63 =	vld [tilespmem:$0x0]  }
0x3b7: {  	s26 =	sadd.s32 $0xD58, s16;
	s28 =	sld [smem:$0x7FC]  }
0x3b8: {  	[tilespmem:s25], [sflag:$0x1] =	stream.indirect.gather [hbm4b:s3+s8], $0x20, s26, s8, $0xb8;
	v63 =	vld [tilespmem:$0x0]  }
0x3b9: {  	s29 =	sadd.s32 $0xD90, s16;
	s30 =	sld [smem:$0x7FD]  }
0x3ba: {  	[tilespmem:s28], [sflag:$0x1] =	stream.indirect.gather [hbm4b:s3+s8], $0x20, s29, s8, $0xb8;
	v63 =	vld [tilespmem:$0x0]  }
0x3bb: {  	s16 =	sadd.s32 $0xDC8, s16  }
0x3bc: {  	[tilespmem:s30], [sflag:$0x1] =	stream.indirect.gather [hbm4b:s3+s8], $0x20, s16, s8, $0xb8;
	v63 =	vld [tilespmem:$0x0]  }
0x3bd: {  	_ =	swait.ge [sflag:s10], $0x640  }
0x3be: {  	[sflag:s10] =	ssyncset.done $0x0  }
0x3bf: {  	[sflag:s10] =	ssyncadd.s32 $0xFFFFF9C0  }
0x3c0: {  	_ =	swait.ge [sflag:s10], $0x640  }
0x3c1: {  	[sflag:s10] =	ssyncset.done $0x0  }
0x3c2: {  	[sflag:s10] =	ssyncadd.s32 $0xFFFFF9C0  }
0x3c3: {  	_ =	swait.ge [sflag:s10], $0x640  }
0x3c4: {  	[sflag:s10] =	ssyncset.done $0x0  }
0x3c5: {  	[sflag:s10] =	ssyncadd.s32 $0xFFFFF9C0  }
0x3c6: {  	_ =	swait.ge [sflag:s10], $0x640  }
0x3c7: {  	[sflag:s10] =	ssyncset.done $0x0  }
0x3c8: {  	[sflag:s10] =	ssyncadd.s32 $0xFFFFF9C0  }
0x3c9: {  	_ =	swait.ge [sflag:s10], $0x640  }
0x3ca: {  	[sflag:s10] =	ssyncset.done $0x0  }
0x3cb: {  	[sflag:s10] =	ssyncadd.s32 $0xFFFFF9C0  }
0x3cc: {  	_ =	swait.ge [sflag:s10], $0x640  }
0x3cd: {  	[sflag:s10] =	ssyncset.done $0x0  }
0x3ce: {  	[sflag:s10] =	ssyncadd.s32 $0xFFFFF9C0  }
0x3cf: {  	_ =	swait.ge [sflag:s10], $0x640  }
0x3d0: {  	[sflag:s10] =	ssyncset.done $0x0  }
0x3d1: {  	[sflag:s10] =	ssyncadd.s32 $0xFFFFF9C0  }
0x3d2: {  	_ =	swait.ge [sflag:s10], $0x640  }
0x3d3: {  	[sflag:s10] =	ssyncset.done $0x0  }
0x3d4: {  	[sflag:s10] =	ssyncadd.s32 $0xFFFFF9C0  }
0x3d5: {  	_ =	swait.ge [sflag:s10], $0x640  }
0x3d6: {  	[sflag:s10] =	ssyncset.done $0x0  }
0x3d7: {  	[sflag:s10] =	ssyncadd.s32 $0xFFFFF9C0  }
0x3d8: {  	_ =	swait.ge [sflag:s10], $0x640  }
0x3d9: {  	[sflag:s10] =	ssyncset.done $0x0  }
0x3da: {  	[sflag:s10] =	ssyncadd.s32 $0xFFFFF9C0  }
0x3db: {  	_ =	swait.ge [sflag:s10], $0x640  }
0x3dc: {  	[sflag:s10] =	ssyncset.done $0x0  }
0x3dd: {  	[sflag:s10] =	ssyncadd.s32 $0xFFFFF9C0  }
0x3de: {  	_ =	swait.ge [sflag:s10], $0x640  }
0x3df: {  	[sflag:s10] =	ssyncset.done $0x0  }
0x3e0: {  	[sflag:s10] =	ssyncadd.s32 $0xFFFFF9C0  }
0x3e1: {  	_ =	swait.ge [sflag:s10], $0x640  }
0x3e2: {  	[sflag:s10] =	ssyncset.done $0x0  }
0x3e3: {  	[sflag:s10] =	ssyncadd.s32 $0xFFFFF9C0  }
0x3e4: {  	_ =	swait.ge [sflag:s10], $0x640  }
0x3e5: {  	[sflag:s10] =	ssyncset.done $0x0  }
0x3e6: {  	[sflag:s10] =	ssyncadd.s32 $0xFFFFF9C0  }
0x3e7: {  	_ =	swait.ge [sflag:s10], $0x640  }
0x3e8: {  	[sflag:s10] =	ssyncset.done $0x0  }
0x3e9: {  	[sflag:s10] =	ssyncadd.s32 $0xFFFFF9C0  }
0x3ea: {  	_ =	swait.ge [sflag:s10], $0x640  }
0x3eb: {  	[sflag:s10] =	ssyncset.done $0x0  }
0x3ec: {  	[sflag:s10] =	ssyncadd.s32 $0xFFFFF9C0  }
0x3ed: {  	_ =	swait.ge [sflag:s10], $0x640  }
0x3ee: {  	[sflag:s10] =	ssyncset.done $0x0  }
0x3ef: {  	[sflag:s10] =	ssyncadd.s32 $0xFFFFF9C0  }
0x3f0: {  	_ =	swait.ge [sflag:s10], $0x640  }
0x3f1: {  	[sflag:s10] =	ssyncset.done $0x0  }
0x3f2: {  	[sflag:s10] =	ssyncadd.s32 $0xFFFFF9C0  }
0x3f3: {  	_ =	swait.ge [sflag:s10], $0x640  }
0x3f4: {  	[sflag:s10] =	ssyncset.done $0x0  }
0x3f5: {  	[sflag:s10] =	ssyncadd.s32 $0xFFFFF9C0  }
0x3f6: {  	_ =	swait.ge [sflag:s10], $0x640  }
0x3f7: {  	[sflag:s10] =	ssyncset.done $0x0  }
0x3f8: {  	[sflag:s10] =	ssyncadd.s32 $0xFFFFF9C0  }
0x3f9: {  	_ =	swait.ge [sflag:s10], $0x640  }
0x3fa: {  	[sflag:s10] =	ssyncset.done $0x0  }
0x3fb: {  	[sflag:s10] =	ssyncadd.s32 $0xFFFFF9C0  }
0x3fc: {  	_ =	swait.ge [sflag:s10], $0x640  }
0x3fd: {  	[sflag:s10] =	ssyncset.done $0x0  }
0x3fe: {  	[sflag:s10] =	ssyncadd.s32 $0xFFFFF9C0  }
0x3ff: {  	_ =	swait.ge [sflag:s10], $0x640  }
0x400: {  	[sflag:s10] =	ssyncset.done $0x0  }
0x401: {  	[sflag:s10] =	ssyncadd.s32 $0xFFFFF9C0  }
0x402: {  	_ =	swait.ge [sflag:s10], $0x640  }
0x403: {  	[sflag:s10] =	ssyncset.done $0x0  }
0x404: {  	[sflag:s10] =	ssyncadd.s32 $0xFFFFF9C0  }
0x405: {  	_ =	swait.ge [sflag:s10], $0x640  }
0x406: {  	[sflag:s10] =	ssyncset.done $0x0  }
0x407: {  	[sflag:s10] =	ssyncadd.s32 $0xFFFFF9C0  }
0x408: {  	_ =	swait.ge [sflag:s10], $0x640  }
0x409: {  	[sflag:s10] =	ssyncset.done $0x0  }
0x40a: {  	[sflag:s10] =	ssyncadd.s32 $0xFFFFF9C0  }
0x40b: {  	_ =	swait.ge [sflag:s10], $0x640  }
0x40c: {  	[sflag:s10] =	ssyncset.done $0x0  }
0x40d: {  	[sflag:s10] =	ssyncadd.s32 $0xFFFFF9C0  }
0x40e: {  	_ =	swait.ge [sflag:s10], $0x640  }
0x40f: {  	[sflag:s10] =	ssyncset.done $0x0  }
0x410: {  	[sflag:s10] =	ssyncadd.s32 $0xFFFFF9C0  }
0x411: {  	_ =	swait.ge [sflag:s10], $0x640  }
0x412: {  	[sflag:s10] =	ssyncset.done $0x0  }
0x413: {  	[sflag:s10] =	ssyncadd.s32 $0xFFFFF9C0  }
0x414: {  	_ =	swait.ge [sflag:s10], $0x640  }
0x415: {  	[sflag:s10] =	ssyncset.done $0x0  }
0x416: {  	[sflag:s10] =	ssyncadd.s32 $0xFFFFF9C0  }
0x417: {  	_ =	swait.ge [sflag:s10], $0x640  }
0x418: {  	[sflag:s10] =	ssyncset.done $0x0  }
0x419: {  	[sflag:s10] =	ssyncadd.s32 $0xFFFFF9C0  }
0x41a: {  	_ =	swait.ge [sflag:s10], $0x640  }
0x41b: {  	[sflag:s10] =	ssyncset.done $0x0  }
0x41c: {  	s14 =	sadd.s32 $0x1, s14;
	s31 =	sadd.s32 $0x1900, s15;
	[sflag:s10] =	ssyncadd.s32 $0xFFFFF9C0  }
0x41d: {  	[hbm4b:s31+s1] =	stream.linear.scatter [tilespmem:s11], [sflag:$0x3], $0xC800, $0x38;
	v63 =	vld [tilespmem:$0x0]  }
0x41e: {  	p0 =	sne.s32 s14, s5;
	_ =	swait.ge [sflag:s12], $0xC800  }
.Ltmp1:
0x41f: {  	[sflag:s12] =	ssyncset.done $0x0;
	(pc) =	sbr.rel @p0 .LBB2_1-.Ltmp1, $4  }
0x420: {  	[sflag:s12] =	ssyncadd.s32 $0xFFFF3800  }
0x421: {  	_ =	swait.ge [sflag:s13], $0xC800  }
0x422: {  	[sflag:s13] =	ssyncset.done $0x0  }
0x423: {  	[sflag:s13] =	ssyncadd.s32 $0xFFFF3800  }
0x424: {  	_ =	sfence.sel $0x180000  }
0x425: {  	[bflag:$0x0] =	sbarrier.arrive $0xFFFF  }
0x426: {  	p0 =	sne.s32 s2, $0x0;
	_ =	strace $0x90000047  }
0x427: {  	s0 =	sadd.s32 @!p0 $0x100000, s0;
	[bflag:$0x2] =	sbarrier.arrive $0xFFFF  }
0x428: {  	[sflag:s0] =	ssyncadd.tile.s32 @!p0 $0x1;
	_ =	shalt  }
.Lfunc_end2:
_tile_overlayer_lowered:
.L_overlay_start_2:
0x429: {  	(tag) =	ssettag $0x2  }
0x42a: {  	s0 =	rddreg [dreg:$0x0];
	s2 =	stileid.u32  }
0x42b: {  	s1 =	rddreg [dreg:$0x1];
	p0 =	sne.s32 s2, $0x0  }
0x42c: {  	s3 =	rddreg [dreg:$0x2];
	[bflag:$0x3] =	sbarrier.arrive $0xFFFF;
	s2 =	simm.s32 @!p0 $0x1C04  }
0x42d: {  	[timem:s3], [sflag:s2] =	dma.local @!p0 [hbm:s0], s1  }
0x42e: {  	s0 =	simm.s32 @!p0 $0x4  }
0x42f: {  	_ =	swait.ge @!p0 [sflag:s0], s1  }
0x430: {  	s1 =	ssub.s32 @!p0 $0x0, s1;
	[sflag:s0] =	ssyncset.done @!p0 $0x0  }
0x431: {  	[sflag:s0] =	ssyncadd.s32 @!p0 s1  }
0x432: {  	[bflag:$0x3] =	sbarrier.arrive $0xFFFF  }
0x433: {  	_ =	shalt  }

// kernel: sparse-core-data-format-call.cloned.1.call-start
scs
called_computation_lowered:
.L_overlay_start_0:
0x0: {  	s2 =	sld [smem:$0x3FD9]  }
0x1: {  	s3 =	sld [smem:$0x3FFE];
	_ =	sdelay $0x1  }
0x2: {  	s1 =	srdreg.scid  }
0x3: {  	s0 =	sand.u32 $0x1, s1  }
0x4: {  	s18 =	sshll.u32 s0, $0xA;
	s2 =	sadd.s32 s3, s2  }
0x5: {  	s2 =	sadd.s32 s2, s18  }
0x6: {  	[smem:$0x3FC6] =	sst s2  }
0x7: {  	_ = 	snop  }
0x8: {  	s2 =	sld [smem:$0x3FD0];
	(tm) =	ssettm $0x1  }
0x9: {  	s19 =	sld [smem:$0x3FFB];
	_ =	sdelay $0x3  }
0xa: {  	_ =	strace s19  }
0xb: {  	s3 =	sld [smem:$0x3FFC];
	_ =	sdelay $0x3  }
0xc: {  	_ =	strace s3  }
0xd: {  	s3 =	sld [smem:$0x3FFD];
	_ =	sdelay $0x3  }
0xe: {  	_ =	strace s3  }
0xf: {  	_ =	strace $0x8FFFFFFF  }
0x10: {  	s20 =	sld [smem:$0x3FDB];
	_ =	sdelay $0x1  }
0x11: {  	s4 =	simm.s32 $_scs_section_size  }
0x12: {  	s5 =	simm.s32 $_size__tile_overlayer_lowered;
	s6 =	simm.s32 $_tile_overlayer_lowered  }
0x13: {  	s23 =	simm.s32 $0x1BFF;
	s22 =	sshll.u32 s6, $0x1;
	s3 =	sadd.s32 s4, s20  }
0x14: {  	s7 =	simm.s32 $0x0;
	s21 =	sshll.u32 s5, $0x1;
	s5 =	sadd.s32 s22, s3  }
0x15: {  	[timem:s7], [sflag:s23] =	dma.local [hbm:s5], s21  }
0x16: {  	_ =	swait.ge [sflag:s23], s21  }
0x17: {  	s4 =	ssub.s32 $0x0, s21;
	[sflag:s23] =	ssyncset.done $0x0  }
0x18: {  	[sflag:s23] =	ssyncadd.s32 s4;
	_ =	sdelay $0x1  }
0x19: {  	s24 =	simm.s32 $0x1B8B  }
0x1a: {  	_ =	swait.ge [sflag:s24], $0x1  }
0x1b: {  	[sflag:s24] =	ssyncset.done $0x0  }
0x1c: {  	s26 =	simm.s32 $0x1B8E;
	s25 =	sld [smem:$0x3FFE];
	[sflag:s24] =	ssyncadd.s32 $0xFFFFFFFF  }
0x1d: {  	s27 =	simm.s32 $execute0_lowered;
	[smem:$0x3FD2] =	sst s26  }
0x1e: {  	s5 =	sshll.u32 s27, $0x1;
	_ =	strace $0x80000049;
	[dreg:$0x1] =	wrdreg $0xFFFFFFFF  }
0x1f: {  	s28 =	simm.s32 $_size_execute0_lowered;
	s3 =	sadd.s32 s3, s5;
	[dreg:$0x0] =	wrdreg $0x0  }
0x20: {  	s5 =	sshll.u32 s28, $0x1;
	[dreg:$0x2] =	wrdreg s3  }
0x21: {  	[dreg:$0x3] =	wrdreg s5  }
0x22: {  	[dreg:$0x4] =	wrdreg $0xC0  }
0x23: {  	_ =	task [dreg:s7], $0x5FFFF  }
0x24: {  	[dreg:$0x1] =	wrdreg $0xFFFFFFFF  }
0x25: {  	[dreg:$0x0] =	wrdreg $0x60  }
0x26: {  	[dreg:$0x2] =	wrdreg s25  }
0x27: {  	[dreg:$0x3] =	wrdreg s2  }
0x28: {  	[dreg:$0x4] =	wrdreg $0x9  }
0x29: {  	_ =	task.clear_ibuf [dreg:s7], $0x5FFFF;
	_ =	strace $0x90000049  }
0x2a: {  	s29 =	simm.s32 $0x9;
	_ =	strace $0x8000004B  }
0x2b: {  	_ =	swait.ge [sflag:s29], $0x1  }
0x2c: {  	[sflag:s29] =	ssyncadd.s32 $0xFFFFFFFF  }
0x2d: {  	_ =	strace $0x9000004B  }
0x2e: {  	_ =	sfence  }
0x2f: {  	s30 =	sld [smem:$0x0];
	_ =	sdelay $0x2  }
0x30: {  	s31 =	sshll.u32 s1, $0xD;
	s1 =	sshrl.u32 s1, $0x2  }
0x31: {  	s3 =	sand.u32 $0x4000, s31;
	s1 =	sadd.s32 s1, s30  }
0x32: {  	s0 =	sor.u32 s3, s0;
	s1 =	sshll.u32 s1, $0x11  }
0x33: {  	s0 =	sor.u32 s1, s0  }
0x34: {  	s0 =	sadd.s32 $0x8F2B, s0  }
0x35: {  	[sflag:s0] =	ssyncadd.remote.s32 $0x1  }
0x36: {  	_ =	sfence.sel $0xFFFF  }
0x37: {  	[dreg:$0x0] =	wrdreg $0xFFFFFFFF;
	(pc) =	sbr.abs _section_cstart, $3  }
0x38: {  	[dreg:$0x1] =	wrdreg $0xFFFFFFFF  }
0x39: {  	_ =	task.clear_ibuf [dreg:s7], $0x2FFFF;
	_ =	strace $0x9FFFFFFF  }
0x3a: {  	(tm) =	ssettm $0x7FFFFFFF  }
0x3b: {  	_ =	shalt  }
tec
execute0_lowered:
.L_overlay_start_1:
0x0: {  	(tag) =	ssettag $0x1  }
0x1: {  	s0 =	srdreg.scid  }
0x2: {  	s1 =	sshll.u32 s0, $0x4  }
0x3: {  	s0 =	stileid.u32;
	s1 =	sand.u32 $0x10, s1  }
0x4: {  	s1 =	sor.u32 s0, s1  }
0x5: {  	s6 =	rddreg [dreg:$0x0];
	s4 =	simm.s32 $0x1;
	s2 =	sshll.u32 s1, $0x7  }
0x6: {  	s7 =	simm.s32 $0x2;
	s12 =	simm.s32 $0x0;
	s1 =	ssub.s32 $0x4000, s2  }
0x7: {  	s8 =	simm.s32 $0x20000;
	s13 =	simm.s32 $0x0;
	s3 =	sand.u32 $0xF80, s1  }
0x8: {  	s9 =	simm.s32 $0x0;
	s5 =	sshrl.u32 s1, $0xC;
	p0 =	sne.s32 s3, $0x0  }
.Ltmp0:
0x9: {  	s1 =	rddreg [dreg:$0x2];
	s4 =	simm.s32 @!p0 $0x0;
	(pc) =	sbr.rel .LBB1_1-.Ltmp0, $4  }
0xa: {  	s11 =	simm.s32 $0x0;
	s3 =	rddreg [dreg:$0x1];
	s5 =	sadd.s32 s4, s5  }
0xb: {  	_ =	strace $0x8000004A;
	s4 =	simm.s32 $0x1;
	s5 =	smul.u32 $0x32, s5  }
0xc: {  	s6 =	sadd.s32 $0xA00, s6;
	s10 =	smov.u32 s2;
	[sflag:s4] =	ssyncpa.u1 $0x0  }
0xd: {  	p0 =	por $0x0, $0x0;
	[sflag:s7] =	ssyncpa.u1 $0x0;
	s7 =	sor.u32 $0x1, s5  }
.LBB1_4:
0xe: {  	s16 =	sshll.u32 s13, $0x3;
	s17 =	sand.u32 $0x78, s13  }
0xf: {  	s30 =	sand.u32 $0xF800, s13;
	s12 =	sshll.u32 s12, $0x10;
	s16 =	sand.u32 $0x3C00, s16  }
0x10: {  	s31 =	sand.u32 $0x7, s13;
	s16 =	sor.u32 s17, s16;
	s17 =	sadd.s32 s3, s30  }
0x11: {  	s13 =	sshll.u32 s31, $0x12;
	s16 =	sshrl.u32 s16, $0x3;
	s12 =	sadd.s32 s12, s17  }
0x12: {  	[tilespmem:s15+$0x0 ss:$0x81] =	vst.msk $0xffff, v0;
	s13 =	sor.u32 $0x400, s13;
	s12 =	sadd.s32 s16, s12  }
0x13: {  	[hbm4b:s12+s13] =	stream.strided.scatter [tilespmem:s14], [sflag:$0x2], $0x1000, s8, s13, $0x20;
	[tilespmem:$0x4040] =	vst v63  }
.LBB1_5:
0x14: {  	s14 =	sadd.s32 $0x1, s9  }
0x15: {  	s12 =	sadd.s32 $0x1000, s10;
	s16 =	smov.u32 s10;
	p2 =	sgt.s32 s14, $0x31  }
0x16: {  	s16 =	smov.u32 @p2 s12  }
0x17: {  	s14 =	simm.s32 @p2 $0x0;
	p2 =	sgt.s32 s16, $0x3FFF  }
0x18: {  	s16 =	smov.u32 @p2 s2;
	p2 =	sne.s32 s11, s7  }
.Ltmp1:
0x19: {  	p1 =	slt.u32 s11, $0x2;
	(pc) =	sbr.rel @!p2 .LBB1_6-.Ltmp1, $4  }
0x1a: {  	s15 =	simm.s32 @!p1 $0x2  }
0x1b: {  	s13 =	smov.u32 s10;
	p0 =	por !p0, !p0;
	_ =	swait.ge @!p1 [sflag:s15], $0x1000  }
0x1c: {  	s12 =	smov.u32 s9;
	[sflag:s15] =	ssyncset.done @!p1 $0x0;
	s9 =	smov.u32 s14  }
0x1d: {  	s11 =	sadd.s32 $0x1, s11;
	[sflag:s15] =	ssyncadd.s32 @!p1 $0xFFFFF000;
	s10 =	smov.u32 s16  }
.LBB1_1:
0x1e: {  	p1 =	sge.u32 s11, s5  }
0x1f: {  	s14 =	sand.u32 @!p1 $0x1FFFFFF, s9  }
0x20: {  	s15 =	smulhi.u32 @!p1 $0x4924925, s14;
	_ =	sdelay $0x1  }
0x21: {  	s15 =	smul.u32 @!p1 $0x38, s15  }
0x22: {  	s16 =	sxor.u32 @!p1 $0xFFFFFFFF, s11;
	s17 =	smul.u32 @!p1 $0x380, s10  }
0x23: {  	s31 =	sadd.s32 $0xFFFFFFFF, s11;
	s16 =	sshll.u32 @!p1 s16, $0xC;
	s14 =	ssub.s32 @!p1 s14, s15  }
0x24: {  	s15 =	sand.u32 @!p1 $0x1000, s16;
	s16 =	sadd.s32 @!p1 s6, s17;
	s14 =	sshll.u32 @!p1 s14, $0x4  }
0x25: {  	s17 =	simm.s32 @!p1 $0x1C00;
	s14 =	sadd.s32 @!p1 s14, s16;
	s16 =	simm.s32 @!p1 $0x20  }
0x26: {  	[tilespmem:s15], [sflag:$0x1] =	stream.strided.gather @!p1 [hbm4b:s14+s16], $0x1000, s17, s16, $0x38;
	[tilespmem:$0x4040] =	vst v63  }
0x27: {  	p1 =	sge.u32 s31, s5  }
.Ltmp2:
0x28: {  	_ = 	snop;
	(pc) =	sbr.rel @p1 .LBB1_5-.Ltmp2, $1  }
0x29: {  	_ =	sdelay $0x3  }
0x2a: {  	s14 =	simm.s32 $0x1  }
0x2b: {  	_ =	swait.ge [sflag:s4], $0x1000;
	s14 =	simm.s32 @!p0 $0x0  }
0x2c: {  	[sflag:s4] =	ssyncset.done $0x0;
	s15 =	sshll.u32 s14, $0xC  }
0x2d: {  	[sflag:s4] =	ssyncadd.s32 $0xFFFFF000;
	s18 =	sor.u32 $0x10, s15  }
0x2e: {  	s14 =	smul.u32 $0x4080, s14;
	v1 =	vld [tilespmem:s18+$0x0]  }
0x2f: {  	s30 =	sand.u32 $0x1, s11;
	v0 =	vld [tilespmem:s18+$0xFFFFFFF0]  }
0x30: {  	s15 =	smul.u32 $0x4080, s30;
	s14 =	sshrl.u32 s14, $0x2  }
0x31: {  	s16 =	sor.u32 $0x2000, s14  }
0x32: {  	s31 =	sshrl.u32 s15, $0x2;
	s15 =	sadd.s32 $0x0, s16  }
0x33: {  	s17 =	simm.s32 $0x4;
	s18 =	sadd.s32 $0x20, s18;
	s14 =	sor.u32 $0x2000, s31;
	[tilespmem:s15+$0x810 ss:$0x81] =	vst.msk $0xffff, v1  }
.LBB1_3:
0x34: {  	v1 =	vld [tilespmem:s18+$0x0];
	p1 =	sne.s32 s17, $0x1FC;
	[tilespmem:s15+$0x0 ss:$0x81] =	vst.msk $0xffff, v0;
	s15 =	smov.u32 s17;
	s17 =	sadd.s32 $0x4, s17  }
.Ltmp3:
0x35: {  	v0 =	vld [tilespmem:s18+$0xFFFFFFF0];
	(pc) =	sbr.rel @p1 .LBB1_3-.Ltmp3, $4  }
0x36: {  	_ = 	snop  }
0x37: {  	s15 =	sshra.s32 s15, $0x2  }
0x38: {  	s15 =	sadd.s32 s15, s16  }
0x39: {  	s18 =	sadd.s32 $0x20, s18;
	[tilespmem:s15+$0x810 ss:$0x81] =	vst.msk $0xffff, v1  }
.Ltmp4:
0x3a: {  	_ = 	snop;
	(pc) =	sbr.rel .LBB1_4-.Ltmp4, $1  }
0x3b: {  	_ =	sdelay $0x3  }
.LBB1_6:
0x3c: {  	_ =	sfence.sel $0x180000  }
0x3d: {  	s2 =	simm.s32 $0x1;
	[bflag:$0x0] =	sbarrier.arrive $0xFFFF  }
0x3e: {  	s31 =	simm.s32 $0x2;
	[sflag:s2] =	ssyncpa.u1 $0x1  }
0x3f: {  	[sflag:s31] =	ssyncpa.u1 $0x1  }
0x40: {  	p0 =	sne.s32 s0, $0x0;
	_ =	strace $0x9000004A  }
0x41: {  	s0 =	sadd.s32 @!p0 $0x100000, s1;
	[bflag:$0x2] =	sbarrier.arrive $0xFFFF  }
0x42: {  	[sflag:s0] =	ssyncadd.tile.s32 @!p0 $0x1;
	_ =	shalt  }
.Lfunc_end1:
_tile_overlayer_lowered:
.L_overlay_start_2:
0x43: {  	(tag) =	ssettag $0x2  }
0x44: {  	s0 =	rddreg [dreg:$0x0];
	s2 =	stileid.u32  }
0x45: {  	s1 =	rddreg [dreg:$0x1];
	p0 =	sne.s32 s2, $0x0  }
0x46: {  	s3 =	rddreg [dreg:$0x2];
	[bflag:$0x3] =	sbarrier.arrive $0xFFFF;
	s2 =	simm.s32 @!p0 $0x1C01  }
0x47: {  	[timem:s3], [sflag:s2] =	dma.local @!p0 [hbm:s0], s1  }
0x48: {  	s0 =	simm.s32 @!p0 $0x1  }
0x49: {  	_ =	swait.ge @!p0 [sflag:s0], s1  }
0x4a: {  	s1 =	ssub.s32 @!p0 $0x0, s1;
	[sflag:s0] =	ssyncset.done @!p0 $0x0  }
0x4b: {  	[sflag:s0] =	ssyncadd.s32 @!p0 s1  }
0x4c: {  	[bflag:$0x3] =	sbarrier.arrive $0xFFFF  }
0x4d: {  	_ =	shalt  }

</sc_bundles>
